<compile_context>
chip_gen: v7x
topology: tpu7x:2x2x1
jax: 0.10.2.dev20260603
libtpu: 0.0.44.dev20260713+nightly
codegen_flags: <defaults>
</compile_context>

<pallas_src>
import functools

import jax
import jax.numpy as jnp
from jax import lax
from jax.experimental import pallas as pl
from jax.experimental.pallas import tpu as pltpu
from jax.experimental.pallas import tpu_sc as plsc

N_NODES = 10000
N_EDGES = 320000
N_FEATS = 9
VOCAB = 100
HID = 128
NG = 64

NC, NS = 2, 16
NW = NC * NS
CH = 128
NPAD = 10112
ROWS_PER_TILE = NPAD // NS
K_EDGE = 80
K_PAIR = 24
DUMMY_NODE = N_NODES
TBL_ROWS = 1024
DUMMY_TBL = 900


@functools.cache
def _mesh():
    return plsc.VectorSubcoreMesh(
        core_axis_name="c", subcore_axis_name="s", num_cores=NC, num_subcores=NS)


def _zero_vmem(ref, nrows, ncols, val=0.0):
    v = jnp.full((16,), val, jnp.float32)

    @pl.loop(0, nrows)
    def _(r):
        for c in range(ncols // 16):
            ref[r, pl.ds(c * 16, 16)] = v


def _fill_rows(zbuf, dst, base, nrows):
    zr = zbuf.shape[0]
    full, rem = divmod(nrows, zr)
    for k in range(full):
        pltpu.sync_copy(zbuf, dst.at[pl.ds(base + k * zr, zr)])
    if rem:
        pltpu.sync_copy(zbuf.at[pl.ds(0, rem)], dst.at[pl.ds(base + full * zr, rem)])


def _stream_gather_scatter(data_hbm, acc, idx_slab, nchunks,
                           ring, gb0, gb1, semi0, semi1, semg0, semg1):
    pltpu.async_copy(idx_slab.at[0], ring.at[0], semi0)
    pltpu.async_copy(idx_slab.at[1], ring.at[1], semi1)
    pltpu.make_async_copy(idx_slab.at[0], ring.at[0], semi0).wait()
    pltpu.async_copy(data_hbm.at[ring.at[0, 0]], gb0, semg0)

    @pl.loop(0, nchunks, step=2)
    def _(j):
        for b in (0, 1):
            jj = j + b
            gb, semg = (gb0, semg0) if b == 0 else (gb1, semg1)
            ogb, osemg = (gb1, semg1) if b == 0 else (gb0, semg0)
            semi_s = semi0 if b == 0 else semi1
            semi_o = semi1 if b == 0 else semi0

            @pl.when(jj + 1 < nchunks)
            def _():
                pltpu.make_async_copy(
                    idx_slab.at[jj + 1], ring.at[1 - b], semi_o).wait()
                pltpu.async_copy(data_hbm.at[ring.at[1 - b, 0]], ogb, osemg)

            pltpu.make_async_copy(data_hbm.at[ring.at[b, 0]], gb, semg).wait()
            pltpu.sync_copy(gb, acc.at[ring.at[b, 1]], add=True)

            @pl.when(jj + 2 < nchunks)
            def _():
                pltpu.async_copy(idx_slab.at[jj + 2], ring.at[b], semi_s)


def _deg_body(edge_hbm, d_out, ring, onz, dacc, semj0, semj1):
    ci = lax.axis_index("c")
    si = lax.axis_index("s")
    wid = ci * NS + si
    base = si * ROWS_PER_TILE
    _zero_vmem(onz.at[0], CH, HID, val=1.0)
    _zero_vmem(onz.at[1], CH, HID)
    _fill_rows(onz.at[1], dacc, base, ROWS_PER_TILE)
    plsc.subcore_barrier()
    idx_slab = edge_hbm.at[wid]
    pltpu.async_copy(idx_slab.at[0], ring.at[0], semj0)
    pltpu.async_copy(idx_slab.at[1], ring.at[1], semj1)

    @pl.loop(0, K_EDGE, step=2)
    def _(j):
        for b in (0, 1):
            jj = j + b
            sem = semj0 if b == 0 else semj1
            pltpu.make_async_copy(idx_slab.at[jj], ring.at[b], sem).wait()
            pltpu.sync_copy(onz.at[0], dacc.at[ring.at[b, 1]], add=True)

            @pl.when(jj + 2 < K_EDGE)
            def _():
                pltpu.async_copy(idx_slab.at[jj + 2], ring.at[b], sem)

    plsc.subcore_barrier()
    pltpu.sync_copy(dacc.at[pl.ds(base, ROWS_PER_TILE)],
                    d_out.at[ci, pl.ds(base, ROWS_PER_TILE)])


@functools.cache
def _deg_kernel():
    return pl.kernel(
        _deg_body,
        out_type=jax.ShapeDtypeStruct((NC, NPAD, HID), jnp.float32),
        mesh=_mesh(),
        scratch_types=[
            pltpu.VMEM((2, 2, CH), jnp.int32),
            pltpu.VMEM((2, CH, HID), jnp.float32),
            pltpu.VMEM_SHARED((NPAD, HID), jnp.float32),
            pltpu.SemaphoreType.DMA,
            pltpu.SemaphoreType.DMA,
        ],
    )


_SEMS4 = [pltpu.SemaphoreType.DMA] * 4


def _embed_body(tbl_hbm, pair_hbm, e_out, ring, gb0, gb1, acc, *sems):
    ci = lax.axis_index("c")
    si = lax.axis_index("s")
    wid = ci * NS + si
    base = si * ROWS_PER_TILE
    _zero_vmem(gb0, CH, HID)
    _fill_rows(gb0, acc, base, ROWS_PER_TILE)
    plsc.subcore_barrier()
    _stream_gather_scatter(tbl_hbm, acc, pair_hbm.at[wid], K_PAIR,
                           ring, gb0, gb1, *sems)
    plsc.subcore_barrier()
    pltpu.sync_copy(acc.at[pl.ds(base, ROWS_PER_TILE)],
                    e_out.at[ci, pl.ds(base, ROWS_PER_TILE)])


@functools.cache
def _embed_kernel():
    return pl.kernel(
        _embed_body,
        out_type=jax.ShapeDtypeStruct((NC, NPAD, HID), jnp.float32),
        mesh=_mesh(),
        scratch_types=[
            pltpu.VMEM((2, 2, CH), jnp.int32),
            pltpu.VMEM((CH, HID), jnp.float32),
            pltpu.VMEM((CH, HID), jnp.float32),
            pltpu.VMEM_SHARED((NPAD, HID), jnp.float32),
        ] + _SEMS4,
    )


def _agg_body(g_hbm, edge_hbm, p_out, ring, gb0, gb1, acc, *sems):
    ci = lax.axis_index("c")
    si = lax.axis_index("s")
    wid = ci * NS + si
    base = si * ROWS_PER_TILE
    _zero_vmem(gb0, CH, HID)
    _fill_rows(gb0, acc, base, ROWS_PER_TILE)
    plsc.subcore_barrier()
    _stream_gather_scatter(g_hbm, acc, edge_hbm.at[wid], K_EDGE,
                           ring, gb0, gb1, *sems)
    plsc.subcore_barrier()
    pltpu.sync_copy(acc.at[pl.ds(base, ROWS_PER_TILE)],
                    p_out.at[ci, pl.ds(base, ROWS_PER_TILE)])


@functools.cache
def _agg_kernel():
    return pl.kernel(
        _agg_body,
        out_type=jax.ShapeDtypeStruct((NC, NPAD, HID), jnp.float32),
        mesh=_mesh(),
        scratch_types=[
            pltpu.VMEM((2, 2, CH), jnp.int32),
            pltpu.VMEM((CH, HID), jnp.float32),
            pltpu.VMEM((CH, HID), jnp.float32),
            pltpu.VMEM_SHARED((NPAD, HID), jnp.float32),
        ] + _SEMS4,
    )


_MM = dict(precision=lax.Precision.HIGHEST, preferred_element_type=jnp.float32)
_DN = (((1,), (0,)), ((), ()))
NBLK = 4
RBLK = NPAD // NBLK

_SPEC2 = pl.BlockSpec((2, RBLK, HID), lambda i: (0, i, 0))
_SPECD = pl.BlockSpec((2, RBLK, HID), lambda i: (0, i, 0))
_SPECR = pl.BlockSpec((RBLK, HID), lambda i: (i, 0))
_SPECW = pl.BlockSpec((HID, HID), lambda i: (0, 0))
_SPECB = pl.BlockSpec((1, HID), lambda i: (0, 0))


def _dinv_of(d_ref):
    deg = d_ref[0][:, 0:1] + d_ref[1][:, 0:1] + 1.0
    return lax.rsqrt(deg)


def _tc_first_body(e_ref, d_ref, w_ref, o_ref):
    h = e_ref[0] + e_ref[1]
    hw = lax.dot_general(h, w_ref[...], _DN, **_MM)
    o_ref[...] = _dinv_of(d_ref) * hw


def _tc_first(E, D, W0):
    return pl.pallas_call(
        _tc_first_body,
        grid=(NBLK,),
        in_specs=[_SPEC2, _SPECD, _SPECW],
        out_specs=_SPECR,
        out_shape=jax.ShapeDtypeStruct((NPAD, HID), jnp.float32),
    )(E, D, W0)


def _tc_step_body(p_ref, g_ref, d_ref, b_ref, w_ref, o_ref):
    dinv = _dinv_of(d_ref)
    h = jnp.maximum(dinv * (p_ref[0] + p_ref[1] + g_ref[...]) + b_ref[...], 0.0)
    o_ref[...] = dinv * lax.dot_general(h, w_ref[...], _DN, **_MM)


def _tc_step(P, g, D, b2d, Wn):
    return pl.pallas_call(
        _tc_step_body,
        grid=(NBLK,),
        in_specs=[_SPEC2, _SPECR, _SPECD, _SPECB, _SPECW],
        out_specs=_SPECR,
        out_shape=jax.ShapeDtypeStruct((NPAD, HID), jnp.float32),
    )(P, g, D, b2d, Wn)


def _tc_pool_body(p_ref, g_ref, d_ref, b_ref, bat_ref, wo_ref, bo_ref,
                  s_ref, c_ref, o_ref):
    i = pl.program_id(0)

    @pl.when(i == 0)
    def _():
        s_ref[...] = jnp.zeros_like(s_ref)
        c_ref[...] = jnp.zeros_like(c_ref)

    dinv = _dinv_of(d_ref)
    h = jnp.maximum(dinv * (p_ref[0] + p_ref[1] + g_ref[...]) + b_ref[...], 0.0)
    seg = lax.broadcasted_iota(jnp.int32, (RBLK, NG), 1)
    sel_t = (bat_ref[...] == seg).astype(jnp.float32)
    dn0 = (((0,), (0,)), ((), ()))
    s_ref[...] += lax.dot_general(sel_t, h, dn0, **_MM)
    c_ref[...] += lax.dot_general(sel_t, jnp.ones((RBLK, 1), jnp.float32),
                                  dn0, **_MM)

    @pl.when(i == NBLK - 1)
    def _():
        rep = s_ref[...] / jnp.maximum(c_ref[...], 1.0)
        o_ref[...] = lax.dot_general(rep, wo_ref[...], _DN, **_MM) + bo_ref[...]


def _tc_pool(P, g, D, b2d, bat2d, Wo, bo2d):
    _, _, out = pl.pallas_call(
        _tc_pool_body,
        grid=(NBLK,),
        in_specs=[_SPEC2, _SPECR, _SPECD, _SPECB,
                  pl.BlockSpec((RBLK, 1), lambda i: (i, 0)),
                  _SPECW, _SPECB],
        out_specs=[pl.BlockSpec((NG, HID), lambda i: (0, 0)),
                   pl.BlockSpec((NG, 1), lambda i: (0, 0)),
                   pl.BlockSpec((NG, HID), lambda i: (0, 0))],
        out_shape=[jax.ShapeDtypeStruct((NG, HID), jnp.float32),
                   jax.ShapeDtypeStruct((NG, 1), jnp.float32),
                   jax.ShapeDtypeStruct((NG, HID), jnp.float32)],
    )(P, g, D, b2d, bat2d, Wo, bo2d)
    return out


def _pack_chunks(src_idx, dst_idx, total, nchunks, fill_src_lo, fill_src_n):
    pad = NW * nchunks * CH - total
    cyc = jnp.arange(pad, dtype=jnp.int32)
    s = jnp.concatenate([src_idx, fill_src_lo + cyc % fill_src_n])
    d = jnp.concatenate([dst_idx, DUMMY_NODE + cyc % (NPAD - N_NODES)])
    return jnp.stack([s.reshape(NW, nchunks, CH),
                      d.reshape(NW, nchunks, CH)], axis=2)


def kernel(x, edge_index, batch, embs, W, b, W_out, b_out):
    x = x.astype(jnp.int32)
    src = edge_index[0].astype(jnp.int32)
    dst = edge_index[1].astype(jnp.int32)

    fidx = (x + (jnp.arange(N_FEATS, dtype=jnp.int32) * VOCAB)[None, :]).reshape(-1)
    node = jnp.repeat(jnp.arange(N_NODES, dtype=jnp.int32), N_FEATS)
    pairs = _pack_chunks(fidx, node, N_NODES * N_FEATS, K_PAIR,
                         DUMMY_TBL, TBL_ROWS - DUMMY_TBL)
    edges = _pack_chunks(src, dst, N_EDGES, K_EDGE,
                         DUMMY_NODE, NPAD - N_NODES)

    tbl = jnp.pad(embs.reshape(N_FEATS * VOCAB, HID),
                  ((0, TBL_ROWS - N_FEATS * VOCAB), (0, 0)))

    Dd = _deg_kernel()(edges)
    E = _embed_kernel()(tbl, pairs)
    g = _tc_first(E, Dd, W[0])
    batp = jnp.concatenate(
        [batch.astype(jnp.int32), jnp.full((NPAD - N_NODES,), NG, jnp.int32)]
    ).reshape(NPAD, 1)
    for l in range(3):
        P = _agg_kernel()(g, edges)
        if l < 2:
            g = _tc_step(P, g, Dd, b[l].reshape(1, HID), W[l + 1])
        else:
            out = _tc_pool(P, g, Dd, b[2].reshape(1, HID), batp,
                           W_out, b_out.reshape(1, HID))
    return out

# --- scband reference (transcript-rebuilt; emitter-appended) ---
"""Pipeline reference for scband-gcnbaseline-13469017440610 (READ-ONLY COPY).

The authoritative reference and input builder live on the scoring server;
editing this copy changes nothing except your own understanding.
"""

import jax, jax.numpy as jnp
import numpy as np

N_NODES = 10000
N_EDGES = 320000
N_FEATS = 9
VOCAB = 100
HIDDEN = 128
OUT_DIM = 128
NUM_LAYERS = 3
NUM_GRAPHS = 64


def setup_inputs(seed: int = 0) -> dict:
    key = jax.random.key(seed)
    ks = jax.random.split(key, 10)
    x = jax.random.randint(ks[0], (N_NODES, N_FEATS), 0, VOCAB, dtype=jnp.int64 if jax.config.jax_enable_x64 else jnp.int32).astype(jnp.int32)
    edge_index = jax.random.randint(ks[1], (2, N_EDGES), 0, N_NODES).astype(jnp.int32)
    batch = jnp.sort(jax.random.randint(ks[2], (N_NODES,), 0, NUM_GRAPHS)).astype(jnp.int32)
    # parameters
    # embedding tables: xavier_uniform on [VOCAB, HIDDEN]
    limit = float(np.sqrt(6.0 / (VOCAB + HIDDEN)))
    embs = jax.random.uniform(ks[3], (N_FEATS, VOCAB, HIDDEN), minval=-limit, maxval=limit, dtype=jnp.float32)
    wlim = float(np.sqrt(6.0 / (HIDDEN + HIDDEN)))
    W = jax.random.uniform(ks[4], (NUM_LAYERS, HIDDEN, HIDDEN), minval=-wlim, maxval=wlim, dtype=jnp.float32)
    b = jnp.zeros((NUM_LAYERS, HIDDEN), dtype=jnp.float32)
    rlim = float(np.sqrt(6.0 / (HIDDEN + OUT_DIM)))
    W_out = jax.random.uniform(ks[5], (HIDDEN, OUT_DIM), minval=-rlim, maxval=rlim, dtype=jnp.float32)
    b_out = jnp.zeros((OUT_DIM,), dtype=jnp.float32)
    return {"x": x, "edge_index": edge_index, "batch": batch,
            "embs": embs, "W": W, "b": b, "W_out": W_out, "b_out": b_out}


def _gcn_conv(h, src, dst, W_l, b_l, n_nodes):
    # GCNConv with self-loops and symmetric normalization (PyG semantics)
    h = h @ W_l
    loop = jnp.arange(n_nodes, dtype=src.dtype)
    src_sl = jnp.concatenate([src, loop])
    dst_sl = jnp.concatenate([dst, loop])
    deg = jnp.zeros((n_nodes,), dtype=h.dtype).at[dst_sl].add(1.0)
    dinv = jax.lax.rsqrt(deg)
    norm = dinv[src_sl] * dinv[dst_sl]
    msg = h[src_sl] * norm[:, None]
    out = jnp.zeros_like(h).at[dst_sl].add(msg)
    return out + b_l


def reference(x, edge_index, batch, embs, W, b, W_out, b_out):
    # CategoricalEncoder: sum of per-column embedding lookups
    h = jnp.zeros((x.shape[0], HIDDEN), dtype=jnp.float32)
    for i in range(N_FEATS):
        h = h + jnp.take(embs[i], x[:, i], axis=0)
    # dropout is identity in eval mode
    src = edge_index[0]
    dst = edge_index[1]
    for l in range(NUM_LAYERS):
        h = _gcn_conv(h, src, dst, W[l], b[l], x.shape[0])
        h = jax.nn.relu(h)
    # global_mean_pool over graphs
    sums = jax.ops.segment_sum(h, batch, num_segments=NUM_GRAPHS)
    counts = jax.ops.segment_sum(jnp.ones((x.shape[0],), dtype=h.dtype), batch, num_segments=NUM_GRAPHS)
    graph_repr = sums / jnp.clip(counts, 1.0)[:, None]
    return graph_repr @ W_out + b_out

if __name__ == "__main__":
    import jax
    _d = setup_inputs()
    print(jax.jit(kernel)(*tuple(_d.values())))

</pallas_src>

<mosaic_0001>
#map = affine_map<(d0, d1) -> (0, 0)>
#map1 = affine_map<(d0, d1) -> (0, 0, 0, 0)>
#map2 = affine_map<(d0, d1) -> (0, 0, 0)>
module attributes {stable_mosaic.version = 14 : i64} {
  func.func @_agg_body(%arg0: i32, %arg1: i32, %arg2: memref<10112x128xf32, #tpu.memory_space<hbm>>, %arg3: memref<32x80x2x128xi32, #tpu.memory_space<hbm>>, %arg4: memref<2x10112x128xf32, #tpu.memory_space<hbm>>, %arg5: memref<2x2x128xi32, #tpu.memory_space<vmem>>, %arg6: memref<128x128xf32, #tpu.memory_space<vmem>>, %arg7: memref<128x128xf32, #tpu.memory_space<vmem>>, %arg8: memref<10112x128xf32, #tpu.memory_space<vmem_shared>>, %arg9: memref<!tpu.dma_semaphore, #tpu.memory_space<semaphore_mem>>, %arg10: memref<!tpu.dma_semaphore, #tpu.memory_space<semaphore_mem>>, %arg11: memref<!tpu.dma_semaphore, #tpu.memory_space<semaphore_mem>>, %arg12: memref<!tpu.dma_semaphore, #tpu.memory_space<semaphore_mem>>) attributes {dimension_semantics = [#tpu.dimension_semantics<core_parallel>, #tpu.dimension_semantics<subcore_parallel>], iteration_bounds = array<i64: 2, 16>, scalar_prefetch = 0 : i64, scratch_operands = 8 : i64, tpu.core_type = #tpu.core_type<sc_vector_subcore>, window_params = [{transform_indices = #map}, {transform_indices = #map1}, {transform_indices = #map2}]} {
    %mul3A = arith.constant 16 : i32
    %mul3A_0 = arith.muli %arg0, %mul3A : i32
    %add3A = arith.addi %mul3A_0, %arg1 : i32
    %mul3A_1 = arith.constant 632 : i32
    %mul3A_2 = arith.muli %arg1, %mul3A_1 : i32
    %broadcast_in_dim3A = arith.constant 0.000000e+00 : f32
    %broadcast_in_dim3A_3 = vector.broadcast %broadcast_in_dim3A : f32 to vector<16xf32>
    %scan3A = arith.constant 0 : i32
    %scan3A_4 = arith.constant 128 : i32
    %scan3A_5 = arith.addi %scan3A, %scan3A_4 : i32
    %scan3A_6 = arith.constant 1 : i32
    scf.for %scan3A_114 = %scan3A to %scan3A_5 step %scan3A_6  : i32 {
      %mul3A_115 = arith.constant 1 : i32
      %mul3A_116 = arith.muli %scan3A_114, %mul3A_115 : i32
      %add3A_117 = arith.constant 0 : i32
      %add3A_118 = arith.addi %add3A_117, %mul3A_116 : i32
      %swap3A = arith.index_cast %add3A_118 : i32 to index
      %swap3A_119 = arith.constant 0 : index
      %swap3A_120 = tpu.vector_load %arg6[%swap3A, %swap3A_119] {strides = array<i32>} : memref<128x128xf32, #tpu.memory_space<vmem>>, vector<1x16xf32>,
      %swap3A_121 = vector.shape_cast %swap3A_120 : vector<1x16xf32> to vector<16xf32>
      %swap3A_122 = vector.shape_cast %broadcast_in_dim3A_3 : vector<16xf32> to vector<1x16xf32>
      tpu.vector_store %arg6[%swap3A, %swap3A_119], %swap3A_122 {strides = array<i32>} : memref<128x128xf32, #tpu.memory_space<vmem>>, vector<1x16xf32>,
      %swap3A_123 = arith.index_cast %add3A_118 : i32 to index
      %swap3A_124 = arith.constant 16 : index
      %swap3A_125 = tpu.vector_load %arg6[%swap3A_123, %swap3A_124] {strides = array<i32>} : memref<128x128xf32, #tpu.memory_space<vmem>>, vector<1x16xf32>,
      %swap3A_126 = vector.shape_cast %swap3A_125 : vector<1x16xf32> to vector<16xf32>
      %swap3A_127 = vector.shape_cast %broadcast_in_dim3A_3 : vector<16xf32> to vector<1x16xf32>
      tpu.vector_store %arg6[%swap3A_123, %swap3A_124], %swap3A_127 {strides = array<i32>} : memref<128x128xf32, #tpu.memory_space<vmem>>, vector<1x16xf32>,
      %swap3A_128 = arith.index_cast %add3A_118 : i32 to index
      %swap3A_129 = arith.constant 32 : index
      %swap3A_130 = tpu.vector_load %arg6[%swap3A_128, %swap3A_129] {strides = array<i32>} : memref<128x128xf32, #tpu.memory_space<vmem>>, vector<1x16xf32>,
      %swap3A_131 = vector.shape_cast %swap3A_130 : vector<1x16xf32> to vector<16xf32>
      %swap3A_132 = vector.shape_cast %broadcast_in_dim3A_3 : vector<16xf32> to vector<1x16xf32>
      tpu.vector_store %arg6[%swap3A_128, %swap3A_129], %swap3A_132 {strides = array<i32>} : memref<128x128xf32, #tpu.memory_space<vmem>>, vector<1x16xf32>,
      %swap3A_133 = arith.index_cast %add3A_118 : i32 to index
      %swap3A_134 = arith.constant 48 : index
      %swap3A_135 = tpu.vector_load %arg6[%swap3A_133, %swap3A_134] {strides = array<i32>} : memref<128x128xf32, #tpu.memory_space<vmem>>, vector<1x16xf32>,
      %swap3A_136 = vector.shape_cast %swap3A_135 : vector<1x16xf32> to vector<16xf32>
      %swap3A_137 = vector.shape_cast %broadcast_in_dim3A_3 : vector<16xf32> to vector<1x16xf32>
      tpu.vector_store %arg6[%swap3A_133, %swap3A_134], %swap3A_137 {strides = array<i32>} : memref<128x128xf32, #tpu.memory_space<vmem>>, vector<1x16xf32>,
      %swap3A_138 = arith.index_cast %add3A_118 : i32 to index
      %swap3A_139 = arith.constant 64 : index
      %swap3A_140 = tpu.vector_load %arg6[%swap3A_138, %swap3A_139] {strides = array<i32>} : memref<128x128xf32, #tpu.memory_space<vmem>>, vector<1x16xf32>,
      %swap3A_141 = vector.shape_cast %swap3A_140 : vector<1x16xf32> to vector<16xf32>
      %swap3A_142 = vector.shape_cast %broadcast_in_dim3A_3 : vector<16xf32> to vector<1x16xf32>
      tpu.vector_store %arg6[%swap3A_138, %swap3A_139], %swap3A_142 {strides = array<i32>} : memref<128x128xf32, #tpu.memory_space<vmem>>, vector<1x16xf32>,
      %swap3A_143 = arith.index_cast %add3A_118 : i32 to index
      %swap3A_144 = arith.constant 80 : index
      %swap3A_145 = tpu.vector_load %arg6[%swap3A_143, %swap3A_144] {strides = array<i32>} : memref<128x128xf32, #tpu.memory_space<vmem>>, vector<1x16xf32>,
      %swap3A_146 = vector.shape_cast %swap3A_145 : vector<1x16xf32> to vector<16xf32>
      %swap3A_147 = vector.shape_cast %broadcast_in_dim3A_3 : vector<16xf32> to vector<1x16xf32>
      tpu.vector_store %arg6[%swap3A_143, %swap3A_144], %swap3A_147 {strides = array<i32>} : memref<128x128xf32, #tpu.memory_space<vmem>>, vector<1x16xf32>,
      %swap3A_148 = arith.index_cast %add3A_118 : i32 to index
      %swap3A_149 = arith.constant 96 : index
      %swap3A_150 = tpu.vector_load %arg6[%swap3A_148, %swap3A_149] {strides = array<i32>} : memref<128x128xf32, #tpu.memory_space<vmem>>, vector<1x16xf32>,
      %swap3A_151 = vector.shape_cast %swap3A_150 : vector<1x16xf32> to vector<16xf32>
      %swap3A_152 = vector.shape_cast %broadcast_in_dim3A_3 : vector<16xf32> to vector<1x16xf32>
      tpu.vector_store %arg6[%swap3A_148, %swap3A_149], %swap3A_152 {strides = array<i32>} : memref<128x128xf32, #tpu.memory_space<vmem>>, vector<1x16xf32>,
      %swap3A_153 = arith.index_cast %add3A_118 : i32 to index
      %swap3A_154 = arith.constant 112 : index
      %swap3A_155 = tpu.vector_load %arg6[%swap3A_153, %swap3A_154] {strides = array<i32>} : memref<128x128xf32, #tpu.memory_space<vmem>>, vector<1x16xf32>,
      %swap3A_156 = vector.shape_cast %swap3A_155 : vector<1x16xf32> to vector<16xf32>
      %swap3A_157 = vector.shape_cast %broadcast_in_dim3A_3 : vector<16xf32> to vector<1x16xf32>
      tpu.vector_store %arg6[%swap3A_153, %swap3A_154], %swap3A_157 {strides = array<i32>} : memref<128x128xf32, #tpu.memory_space<vmem>>, vector<1x16xf32>,
    }
    %scan3A_7 = arith.constant 128 : i32
    %add3A_8 = arith.constant 0 : i32
    %add3A_9 = arith.addi %mul3A_2, %add3A_8 : i32
    "tpu.region"() ({
      %run_scoped3A = tpu.sem_alloc : memref<!tpu.dma_semaphore, #tpu.memory_space<semaphore_mem>>
      %dma_start3A_114 = arith.constant 0 : i32
      %dma_start3A_115 = tpu.memref_slice %arg8[%add3A_9, %dma_start3A_114] : memref<10112x128xf32, #tpu.memory_space<vmem_shared>> -> memref<128x128xf32, #tpu.memory_space<vmem_shared>>
      %dma_start3A_116 = arith.constant 0 : i32
      %dma_start3A_117 = tpu.memref_slice %arg8[%add3A_9, %dma_start3A_116] : memref<10112x128xf32, #tpu.memory_space<vmem_shared>> -> memref<128x128xf32, #tpu.memory_space<vmem_shared>>
      tpu.enqueue_dma source(%arg6 : memref<128x128xf32, #tpu.memory_space<vmem>>) target(%dma_start3A_117 : memref<128x128xf32, #tpu.memory_space<vmem_shared>>) target_semaphore(%run_scoped3A : memref<!tpu.dma_semaphore, #tpu.memory_space<semaphore_mem>>)
      %dma_wait3A_118 = arith.constant 0 : i32
      %dma_wait3A_119 = tpu.memref_slice %arg8[%add3A_9, %dma_wait3A_118] : memref<10112x128xf32, #tpu.memory_space<vmem_shared>> -> memref<128x128xf32, #tpu.memory_space<vmem_shared>>
      %dma_wait3A_120 = arith.constant 0 : i32
      %dma_wait3A_121 = tpu.memref_slice %arg8[%add3A_9, %dma_wait3A_120] : memref<10112x128xf32, #tpu.memory_space<vmem_shared>> -> memref<128x128xf32, #tpu.memory_space<vmem_shared>>
      tpu.wait_dma2 semaphore(%run_scoped3A : memref<!tpu.dma_semaphore, #tpu.memory_space<semaphore_mem>>) src(%arg6 : memref<128x128xf32, #tpu.memory_space<vmem>>) dst(%dma_wait3A_121 : memref<128x128xf32, #tpu.memory_space<vmem_shared>>)
      tpu.yield
    }) : () -> ()
    %add3A_10 = arith.constant 128 : i32
    %add3A_11 = arith.addi %mul3A_2, %add3A_10 : i32
    "tpu.region"() ({
      %run_scoped3A = tpu.sem_alloc : memref<!tpu.dma_semaphore, #tpu.memory_space<semaphore_mem>>
      %dma_start3A_114 = arith.constant 0 : i32
      %dma_start3A_115 = tpu.memref_slice %arg8[%add3A_11, %dma_start3A_114] : memref<10112x128xf32, #tpu.memory_space<vmem_shared>> -> memref<128x128xf32, #tpu.memory_space<vmem_shared>>
      %dma_start3A_116 = arith.constant 0 : i32
      %dma_start3A_117 = tpu.memref_slice %arg8[%add3A_11, %dma_start3A_116] : memref<10112x128xf32, #tpu.memory_space<vmem_shared>> -> memref<128x128xf32, #tpu.memory_space<vmem_shared>>
      tpu.enqueue_dma source(%arg6 : memref<128x128xf32, #tpu.memory_space<vmem>>) target(%dma_start3A_117 : memref<128x128xf32, #tpu.memory_space<vmem_shared>>) target_semaphore(%run_scoped3A : memref<!tpu.dma_semaphore, #tpu.memory_space<semaphore_mem>>)
      %dma_wait3A_118 = arith.constant 0 : i32
      %dma_wait3A_119 = tpu.memref_slice %arg8[%add3A_11, %dma_wait3A_118] : memref<10112x128xf32, #tpu.memory_space<vmem_shared>> -> memref<128x128xf32, #tpu.memory_space<vmem_shared>>
      %dma_wait3A_120 = arith.constant 0 : i32
      %dma_wait3A_121 = tpu.memref_slice %arg8[%add3A_11, %dma_wait3A_120] : memref<10112x128xf32, #tpu.memory_space<vmem_shared>> -> memref<128x128xf32, #tpu.memory_space<vmem_shared>>
      tpu.wait_dma2 semaphore(%run_scoped3A : memref<!tpu.dma_semaphore, #tpu.memory_space<semaphore_mem>>) src(%arg6 : memref<128x128xf32, #tpu.memory_space<vmem>>) dst(%dma_wait3A_121 : memref<128x128xf32, #tpu.memory_space<vmem_shared>>)
      tpu.yield
    }) : () -> ()
    %add3A_12 = arith.constant 256 : i32
    %add3A_13 = arith.addi %mul3A_2, %add3A_12 : i32
    "tpu.region"() ({
      %run_scoped3A = tpu.sem_alloc : memref<!tpu.dma_semaphore, #tpu.memory_space<semaphore_mem>>
      %dma_start3A_114 = arith.constant 0 : i32
      %dma_start3A_115 = tpu.memref_slice %arg8[%add3A_13, %dma_start3A_114] : memref<10112x128xf32, #tpu.memory_space<vmem_shared>> -> memref<128x128xf32, #tpu.memory_space<vmem_shared>>
      %dma_start3A_116 = arith.constant 0 : i32
      %dma_start3A_117 = tpu.memref_slice %arg8[%add3A_13, %dma_start3A_116] : memref<10112x128xf32, #tpu.memory_space<vmem_shared>> -> memref<128x128xf32, #tpu.memory_space<vmem_shared>>
      tpu.enqueue_dma source(%arg6 : memref<128x128xf32, #tpu.memory_space<vmem>>) target(%dma_start3A_117 : memref<128x128xf32, #tpu.memory_space<vmem_shared>>) target_semaphore(%run_scoped3A : memref<!tpu.dma_semaphore, #tpu.memory_space<semaphore_mem>>)
      %dma_wait3A_118 = arith.constant 0 : i32
      %dma_wait3A_119 = tpu.memref_slice %arg8[%add3A_13, %dma_wait3A_118] : memref<10112x128xf32, #tpu.memory_space<vmem_shared>> -> memref<128x128xf32, #tpu.memory_space<vmem_shared>>
      %dma_wait3A_120 = arith.constant 0 : i32
      %dma_wait3A_121 = tpu.memref_slice %arg8[%add3A_13, %dma_wait3A_120] : memref<10112x128xf32, #tpu.memory_space<vmem_shared>> -> memref<128x128xf32, #tpu.memory_space<vmem_shared>>
      tpu.wait_dma2 semaphore(%run_scoped3A : memref<!tpu.dma_semaphore, #tpu.memory_space<semaphore_mem>>) src(%arg6 : memref<128x128xf32, #tpu.memory_space<vmem>>) dst(%dma_wait3A_121 : memref<128x128xf32, #tpu.memory_space<vmem_shared>>)
      tpu.yield
    }) : () -> ()
    %add3A_14 = arith.constant 384 : i32
    %add3A_15 = arith.addi %mul3A_2, %add3A_14 : i32
    "tpu.region"() ({
      %run_scoped3A = tpu.sem_alloc : memref<!tpu.dma_semaphore, #tpu.memory_space<semaphore_mem>>
      %dma_start3A_114 = arith.constant 0 : i32
      %dma_start3A_115 = tpu.memref_slice %arg8[%add3A_15, %dma_start3A_114] : memref<10112x128xf32, #tpu.memory_space<vmem_shared>> -> memref<128x128xf32, #tpu.memory_space<vmem_shared>>
      %dma_start3A_116 = arith.constant 0 : i32
      %dma_start3A_117 = tpu.memref_slice %arg8[%add3A_15, %dma_start3A_116] : memref<10112x128xf32, #tpu.memory_space<vmem_shared>> -> memref<128x128xf32, #tpu.memory_space<vmem_shared>>
      tpu.enqueue_dma source(%arg6 : memref<128x128xf32, #tpu.memory_space<vmem>>) target(%dma_start3A_117 : memref<128x128xf32, #tpu.memory_space<vmem_shared>>) target_semaphore(%run_scoped3A : memref<!tpu.dma_semaphore, #tpu.memory_space<semaphore_mem>>)
      %dma_wait3A_118 = arith.constant 0 : i32
      %dma_wait3A_119 = tpu.memref_slice %arg8[%add3A_15, %dma_wait3A_118] : memref<10112x128xf32, #tpu.memory_space<vmem_shared>> -> memref<128x128xf32, #tpu.memory_space<vmem_shared>>
      %dma_wait3A_120 = arith.constant 0 : i32
      %dma_wait3A_121 = tpu.memref_slice %arg8[%add3A_15, %dma_wait3A_120] : memref<10112x128xf32, #tpu.memory_space<vmem_shared>> -> memref<128x128xf32, #tpu.memory_space<vmem_shared>>
      tpu.wait_dma2 semaphore(%run_scoped3A : memref<!tpu.dma_semaphore, #tpu.memory_space<semaphore_mem>>) src(%arg6 : memref<128x128xf32, #tpu.memory_space<vmem>>) dst(%dma_wait3A_121 : memref<128x128xf32, #tpu.memory_space<vmem_shared>>)
      tpu.yield
    }) : () -> ()
    %add3A_16 = arith.constant 512 : i32
    %add3A_17 = arith.addi %mul3A_2, %add3A_16 : i32
    "tpu.region"() ({
      %run_scoped3A = tpu.sem_alloc : memref<!tpu.dma_semaphore, #tpu.memory_space<semaphore_mem>>
      %dma_start3A_114 = arith.constant 0 : i32
      %dma_start3A_115 = arith.constant 0 : i32
      %dma_start3A_116 = tpu.memref_slice %arg6[%dma_start3A_114, %dma_start3A_115] : memref<128x128xf32, #tpu.memory_space<vmem>> -> memref<120x128xf32, #tpu.memory_space<vmem>>
      %dma_start3A_117 = arith.constant 0 : i32
      %dma_start3A_118 = tpu.memref_slice %arg8[%add3A_17, %dma_start3A_117] : memref<10112x128xf32, #tpu.memory_space<vmem_shared>> -> memref<120x128xf32, #tpu.memory_space<vmem_shared>>
      %dma_start3A_119 = arith.constant 0 : i32
      %dma_start3A_120 = tpu.memref_slice %arg8[%add3A_17, %dma_start3A_119] : memref<10112x128xf32, #tpu.memory_space<vmem_shared>> -> memref<120x128xf32, #tpu.memory_space<vmem_shared>>
      %dma_start3A_121 = arith.constant 0 : i32
      %dma_start3A_122 = arith.constant 0 : i32
      %dma_start3A_123 = tpu.memref_slice %arg6[%dma_start3A_121, %dma_start3A_122] : memref<128x128xf32, #tpu.memory_space<vmem>> -> memref<120x128xf32, #tpu.memory_space<vmem>>
      tpu.enqueue_dma source(%dma_start3A_123 : memref<120x128xf32, #tpu.memory_space<vmem>>) target(%dma_start3A_120 : memref<120x128xf32, #tpu.memory_space<vmem_shared>>) target_semaphore(%run_scoped3A : memref<!tpu.dma_semaphore, #tpu.memory_space<semaphore_mem>>)
      %dma_wait3A_124 = arith.constant 0 : i32
      %dma_wait3A_125 = arith.constant 0 : i32
      %dma_wait3A_126 = tpu.memref_slice %arg6[%dma_wait3A_124, %dma_wait3A_125] : memref<128x128xf32, #tpu.memory_space<vmem>> -> memref<120x128xf32, #tpu.memory_space<vmem>>
      %dma_wait3A_127 = arith.constant 0 : i32
      %dma_wait3A_128 = tpu.memref_slice %arg8[%add3A_17, %dma_wait3A_127] : memref<10112x128xf32, #tpu.memory_space<vmem_shared>> -> memref<120x128xf32, #tpu.memory_space<vmem_shared>>
      %dma_wait3A_129 = arith.constant 0 : i32
      %dma_wait3A_130 = tpu.memref_slice %arg8[%add3A_17, %dma_wait3A_129] : memref<10112x128xf32, #tpu.memory_space<vmem_shared>> -> memref<120x128xf32, #tpu.memory_space<vmem_shared>>
      %dma_wait3A_131 = arith.constant 0 : i32
      %dma_wait3A_132 = arith.constant 0 : i32
      %dma_wait3A_133 = tpu.memref_slice %arg6[%dma_wait3A_131, %dma_wait3A_132] : memref<128x128xf32, #tpu.memory_space<vmem>> -> memref<120x128xf32, #tpu.memory_space<vmem>>
      tpu.wait_dma2 semaphore(%run_scoped3A : memref<!tpu.dma_semaphore, #tpu.memory_space<semaphore_mem>>) src(%dma_wait3A_133 : memref<120x128xf32, #tpu.memory_space<vmem>>) dst(%dma_wait3A_130 : memref<120x128xf32, #tpu.memory_space<vmem_shared>>)
      tpu.yield
    }) : () -> ()
    %barrier3A = arith.constant 0 : index
    tpu.barrier barrier_id(%barrier3A)
    %dma_start3A = arith.constant 0 : i32
    %dma_start3A_18 = arith.constant 0 : i32
    %dma_start3A_19 = arith.constant 0 : i32
    %dma_start3A_20 = arith.constant 0 : i32
    %dma_start3A_21 = tpu.memref_slice %arg5[%dma_start3A_18, %dma_start3A_19, %dma_start3A_20] : memref<2x2x128xi32, #tpu.memory_space<vmem>> -> memref<1x2x128xi32, #tpu.memory_space<vmem>>
    %dma_start3A_22 = tpu.memref_squeeze %dma_start3A_21 : memref<1x2x128xi32, #tpu.memory_space<vmem>> -> memref<2x128xi32, #tpu.memory_space<vmem>>
    %dma_start3A_23 = arith.constant 0 : i32
    %dma_start3A_24 = arith.constant 0 : i32
    %dma_start3A_25 = arith.constant 0 : i32
    %dma_start3A_26 = tpu.memref_slice %arg3[%add3A, %dma_start3A_23, %dma_start3A_24, %dma_start3A_25] : memref<32x80x2x128xi32, #tpu.memory_space<hbm>> -> memref<1x80x2x128xi32, #tpu.memory_space<hbm>>
    %dma_start3A_27 = tpu.memref_squeeze %dma_start3A_26 : memref<1x80x2x128xi32, #tpu.memory_space<hbm>> -> memref<80x2x128xi32, #tpu.memory_space<hbm>>
    %dma_start3A_28 = arith.constant 0 : i32
    %dma_start3A_29 = arith.constant 0 : i32
    %dma_start3A_30 = tpu.memref_slice %dma_start3A_27[%dma_start3A, %dma_start3A_28, %dma_start3A_29] : memref<80x2x128xi32, #tpu.memory_space<hbm>> -> memref<1x2x128xi32, #tpu.memory_space<hbm>>
    %dma_start3A_31 = tpu.memref_squeeze %dma_start3A_30 : memref<1x2x128xi32, #tpu.memory_space<hbm>> -> memref<2x128xi32, #tpu.memory_space<hbm>>
    %dma_start3A_32 = arith.constant 0 : i32
    %dma_start3A_33 = arith.constant 0 : i32
    %dma_start3A_34 = tpu.memref_slice %arg5[%dma_start3A_18, %dma_start3A_32, %dma_start3A_33] : memref<2x2x128xi32, #tpu.memory_space<vmem>> -> memref<1x2x128xi32, #tpu.memory_space<vmem>>
    %dma_start3A_35 = tpu.memref_squeeze %dma_start3A_34 : memref<1x2x128xi32, #tpu.memory_space<vmem>> -> memref<2x128xi32, #tpu.memory_space<vmem>>
    %dma_start3A_36 = arith.constant 0 : i32
    %dma_start3A_37 = arith.constant 0 : i32
    %dma_start3A_38 = arith.constant 0 : i32
    %dma_start3A_39 = tpu.memref_slice %arg3[%add3A, %dma_start3A_36, %dma_start3A_37, %dma_start3A_38] : memref<32x80x2x128xi32, #tpu.memory_space<hbm>> -> memref<1x80x2x128xi32, #tpu.memory_space<hbm>>
    %dma_start3A_40 = tpu.memref_squeeze %dma_start3A_39 : memref<1x80x2x128xi32, #tpu.memory_space<hbm>> -> memref<80x2x128xi32, #tpu.memory_space<hbm>>
    %dma_start3A_41 = arith.constant 0 : i32
    %dma_start3A_42 = arith.constant 0 : i32
    %dma_start3A_43 = tpu.memref_slice %dma_start3A_40[%dma_start3A, %dma_start3A_41, %dma_start3A_42] : memref<80x2x128xi32, #tpu.memory_space<hbm>> -> memref<1x2x128xi32, #tpu.memory_space<hbm>>
    %dma_start3A_44 = tpu.memref_squeeze %dma_start3A_43 : memref<1x2x128xi32, #tpu.memory_space<hbm>> -> memref<2x128xi32, #tpu.memory_space<hbm>>
    tpu.enqueue_dma source(%dma_start3A_44 : memref<2x128xi32, #tpu.memory_space<hbm>>) target(%dma_start3A_35 : memref<2x128xi32, #tpu.memory_space<vmem>>) target_semaphore(%arg9 : memref<!tpu.dma_semaphore, #tpu.memory_space<semaphore_mem>>)
    %dma_start3A_45 = arith.constant 1 : i32
    %dma_start3A_46 = arith.constant 1 : i32
    %dma_start3A_47 = arith.constant 0 : i32
    %dma_start3A_48 = arith.constant 0 : i32
    %dma_start3A_49 = tpu.memref_slice %arg5[%dma_start3A_46, %dma_start3A_47, %dma_start3A_48] : memref<2x2x128xi32, #tpu.memory_space<vmem>> -> memref<1x2x128xi32, #tpu.memory_space<vmem>>
    %dma_start3A_50 = tpu.memref_squeeze %dma_start3A_49 : memref<1x2x128xi32, #tpu.memory_space<vmem>> -> memref<2x128xi32, #tpu.memory_space<vmem>>
    %dma_start3A_51 = arith.constant 0 : i32
    %dma_start3A_52 = arith.constant 0 : i32
    %dma_start3A_53 = arith.constant 0 : i32
    %dma_start3A_54 = tpu.memref_slice %arg3[%add3A, %dma_start3A_51, %dma_start3A_52, %dma_start3A_53] : memref<32x80x2x128xi32, #tpu.memory_space<hbm>> -> memref<1x80x2x128xi32, #tpu.memory_space<hbm>>
    %dma_start3A_55 = tpu.memref_squeeze %dma_start3A_54 : memref<1x80x2x128xi32, #tpu.memory_space<hbm>> -> memref<80x2x128xi32, #tpu.memory_space<hbm>>
    %dma_start3A_56 = arith.constant 0 : i32
    %dma_start3A_57 = arith.constant 0 : i32
    %dma_start3A_58 = tpu.memref_slice %dma_start3A_55[%dma_start3A_45, %dma_start3A_56, %dma_start3A_57] : memref<80x2x128xi32, #tpu.memory_space<hbm>> -> memref<1x2x128xi32, #tpu.memory_space<hbm>>
    %dma_start3A_59 = tpu.memref_squeeze %dma_start3A_58 : memref<1x2x128xi32, #tpu.memory_space<hbm>> -> memref<2x128xi32, #tpu.memory_space<hbm>>
    %dma_start3A_60 = arith.constant 0 : i32
    %dma_start3A_61 = arith.constant 0 : i32
    %dma_start3A_62 = tpu.memref_slice %arg5[%dma_start3A_46, %dma_start3A_60, %dma_start3A_61] : memref<2x2x128xi32, #tpu.memory_space<vmem>> -> memref<1x2x128xi32, #tpu.memory_space<vmem>>
    %dma_start3A_63 = tpu.memref_squeeze %dma_start3A_62 : memref<1x2x128xi32, #tpu.memory_space<vmem>> -> memref<2x128xi32, #tpu.memory_space<vmem>>
    %dma_start3A_64 = arith.constant 0 : i32
    %dma_start3A_65 = arith.constant 0 : i32
    %dma_start3A_66 = arith.constant 0 : i32
    %dma_start3A_67 = tpu.memref_slice %arg3[%add3A, %dma_start3A_64, %dma_start3A_65, %dma_start3A_66] : memref<32x80x2x128xi32, #tpu.memory_space<hbm>> -> memref<1x80x2x128xi32, #tpu.memory_space<hbm>>
    %dma_start3A_68 = tpu.memref_squeeze %dma_start3A_67 : memref<1x80x2x128xi32, #tpu.memory_space<hbm>> -> memref<80x2x128xi32, #tpu.memory_space<hbm>>
    %dma_start3A_69 = arith.constant 0 : i32
    %dma_start3A_70 = arith.constant 0 : i32
    %dma_start3A_71 = tpu.memref_slice %dma_start3A_68[%dma_start3A_45, %dma_start3A_69, %dma_start3A_70] : memref<80x2x128xi32, #tpu.memory_space<hbm>> -> memref<1x2x128xi32, #tpu.memory_space<hbm>>
    %dma_start3A_72 = tpu.memref_squeeze %dma_start3A_71 : memref<1x2x128xi32, #tpu.memory_space<hbm>> -> memref<2x128xi32, #tpu.memory_space<hbm>>
    tpu.enqueue_dma source(%dma_start3A_72 : memref<2x128xi32, #tpu.memory_space<hbm>>) target(%dma_start3A_63 : memref<2x128xi32, #tpu.memory_space<vmem>>) target_semaphore(%arg10 : memref<!tpu.dma_semaphore, #tpu.memory_space<semaphore_mem>>)
    %dma_wait3A = arith.constant 0 : i32
    %dma_wait3A_73 = arith.constant 0 : i32
    %dma_wait3A_74 = arith.constant 0 : i32
    %dma_wait3A_75 = arith.constant 0 : i32
    %dma_wait3A_76 = tpu.memref_slice %arg5[%dma_wait3A_73, %dma_wait3A_74, %dma_wait3A_75] : memref<2x2x128xi32, #tpu.memory_space<vmem>> -> memref<1x2x128xi32, #tpu.memory_space<vmem>>
    %dma_wait3A_77 = tpu.memref_squeeze %dma_wait3A_76 : memref<1x2x128xi32, #tpu.memory_space<vmem>> -> memref<2x128xi32, #tpu.memory_space<vmem>>
    %dma_wait3A_78 = arith.constant 0 : i32
    %dma_wait3A_79 = arith.constant 0 : i32
    %dma_wait3A_80 = arith.constant 0 : i32
    %dma_wait3A_81 = tpu.memref_slice %arg3[%add3A, %dma_wait3A_78, %dma_wait3A_79, %dma_wait3A_80] : memref<32x80x2x128xi32, #tpu.memory_space<hbm>> -> memref<1x80x2x128xi32, #tpu.memory_space<hbm>>
    %dma_wait3A_82 = tpu.memref_squeeze %dma_wait3A_81 : memref<1x80x2x128xi32, #tpu.memory_space<hbm>> -> memref<80x2x128xi32, #tpu.memory_space<hbm>>
    %dma_wait3A_83 = arith.constant 0 : i32
    %dma_wait3A_84 = arith.constant 0 : i32
    %dma_wait3A_85 = tpu.memref_slice %dma_wait3A_82[%dma_wait3A, %dma_wait3A_83, %dma_wait3A_84] : memref<80x2x128xi32, #tpu.memory_space<hbm>> -> memref<1x2x128xi32, #tpu.memory_space<hbm>>
    %dma_wait3A_86 = tpu.memref_squeeze %dma_wait3A_85 : memref<1x2x128xi32, #tpu.memory_space<hbm>> -> memref<2x128xi32, #tpu.memory_space<hbm>>
    %dma_wait3A_87 = arith.constant 0 : i32
    %dma_wait3A_88 = arith.constant 0 : i32
    %dma_wait3A_89 = tpu.memref_slice %arg5[%dma_wait3A_73, %dma_wait3A_87, %dma_wait3A_88] : memref<2x2x128xi32, #tpu.memory_space<vmem>> -> memref<1x2x128xi32, #tpu.memory_space<vmem>>
    %dma_wait3A_90 = tpu.memref_squeeze %dma_wait3A_89 : memref<1x2x128xi32, #tpu.memory_space<vmem>> -> memref<2x128xi32, #tpu.memory_space<vmem>>
    %dma_wait3A_91 = arith.constant 0 : i32
    %dma_wait3A_92 = arith.constant 0 : i32
    %dma_wait3A_93 = arith.constant 0 : i32
    %dma_wait3A_94 = tpu.memref_slice %arg3[%add3A, %dma_wait3A_91, %dma_wait3A_92, %dma_wait3A_93] : memref<32x80x2x128xi32, #tpu.memory_space<hbm>> -> memref<1x80x2x128xi32, #tpu.memory_space<hbm>>
    %dma_wait3A_95 = tpu.memref_squeeze %dma_wait3A_94 : memref<1x80x2x128xi32, #tpu.memory_space<hbm>> -> memref<80x2x128xi32, #tpu.memory_space<hbm>>
    %dma_wait3A_96 = arith.constant 0 : i32
    %dma_wait3A_97 = arith.constant 0 : i32
    %dma_wait3A_98 = tpu.memref_slice %dma_wait3A_95[%dma_wait3A, %dma_wait3A_96, %dma_wait3A_97] : memref<80x2x128xi32, #tpu.memory_space<hbm>> -> memref<1x2x128xi32, #tpu.memory_space<hbm>>
    %dma_wait3A_99 = tpu.memref_squeeze %dma_wait3A_98 : memref<1x2x128xi32, #tpu.memory_space<hbm>> -> memref<2x128xi32, #tpu.memory_space<hbm>>
    tpu.wait_dma2 semaphore(%arg9 : memref<!tpu.dma_semaphore, #tpu.memory_space<semaphore_mem>>) src(%dma_wait3A_99 : memref<2x128xi32, #tpu.memory_space<hbm>>) dst(%dma_wait3A_90 : memref<2x128xi32, #tpu.memory_space<vmem>>)
    %dma_start3A_100 = arith.constant 0 : i32
    %dma_start3A_101 = arith.constant 0 : i32
    %dma_start3A_102 = arith.constant 0 : i32
    %dma_start3A_103 = tpu.memref_slice %arg5[%dma_start3A_100, %dma_start3A_101, %dma_start3A_102] : memref<2x2x128xi32, #tpu.memory_space<vmem>> -> memref<1x1x128xi32, #tpu.memory_space<vmem>>
    %dma_start3A_104 = tpu.memref_squeeze %dma_start3A_103 : memref<1x1x128xi32, #tpu.memory_space<vmem>> -> memref<128xi32, #tpu.memory_space<vmem>>
    %dma_start3A_105 = arith.constant 0 : i32
    %dma_start3A_106 = arith.constant 0 : i32
    %dma_start3A_107 = tpu.memref_slice %arg2[%dma_start3A_105, %dma_start3A_106] : memref<10112x128xf32, #tpu.memory_space<hbm>> -> memref<10112x128xf32, #tpu.memory_space<hbm>>
    tpu.enqueue_indirect_dma source(%dma_start3A_107 : memref<10112x128xf32, #tpu.memory_space<hbm>>) target(%arg6 : memref<128x128xf32, #tpu.memory_space<vmem>>) offsets(%dma_start3A_104 : memref<128xi32, #tpu.memory_space<vmem>>) semaphore(%arg11 : memref<!tpu.dma_semaphore, #tpu.memory_space<semaphore_mem>>)
    %scan3A_108 = arith.constant 0 : i32
    %scan3A_109 = arith.constant 40 : i32
    %scan3A_110 = arith.addi %scan3A_108, %scan3A_109 : i32
    %scan3A_111 = arith.constant 1 : i32
    scf.for %scan3A_114 = %scan3A_108 to %scan3A_110 step %scan3A_111  : i32 {
      %mul3A_115 = arith.constant 2 : i32
      %mul3A_116 = arith.muli %scan3A_114, %mul3A_115 : i32
      %add3A_117 = arith.constant 0 : i32
      %add3A_118 = arith.addi %add3A_117, %mul3A_116 : i32
      %add3A_119 = arith.constant 0 : i32
      %add3A_120 = arith.addi %add3A_118, %add3A_119 : i32
      %add3A_121 = arith.constant 1 : i32
      %add3A_122 = arith.addi %add3A_120, %add3A_121 : i32
      %lt3A = arith.constant 80 : i32
      %lt3A_123 = arith.cmpi slt, %add3A_122, %lt3A : i32
      %convert_element_type3A = arith.extui %lt3A_123 : i1 to i32
      %cond3A = arith.constant 0 : i32
      %cond3A_124 = arith.cmpi ne, %convert_element_type3A, %cond3A : i32
      scf.if %cond3A_124 {
        %add3A_167 = arith.constant 1 : i32
        %add3A_168 = arith.addi %add3A_120, %add3A_167 : i32
        %dma_wait3A_169 = arith.constant 1 : i32
        %dma_wait3A_170 = arith.constant 0 : i32
        %dma_wait3A_171 = arith.constant 0 : i32
        %dma_wait3A_172 = tpu.memref_slice %arg5[%dma_wait3A_169, %dma_wait3A_170, %dma_wait3A_171] : memref<2x2x128xi32, #tpu.memory_space<vmem>> -> memref<1x2x128xi32, #tpu.memory_space<vmem>>
        %dma_wait3A_173 = tpu.memref_squeeze %dma_wait3A_172 : memref<1x2x128xi32, #tpu.memory_space<vmem>> -> memref<2x128xi32, #tpu.memory_space<vmem>>
        %dma_wait3A_174 = arith.constant 0 : i32
        %dma_wait3A_175 = arith.constant 0 : i32
        %dma_wait3A_176 = arith.constant 0 : i32
        %dma_wait3A_177 = tpu.memref_slice %arg3[%add3A, %dma_wait3A_174, %dma_wait3A_175, %dma_wait3A_176] : memref<32x80x2x128xi32, #tpu.memory_space<hbm>> -> memref<1x80x2x128xi32, #tpu.memory_space<hbm>>
        %dma_wait3A_178 = tpu.memref_squeeze %dma_wait3A_177 : memref<1x80x2x128xi32, #tpu.memory_space<hbm>> -> memref<80x2x128xi32, #tpu.memory_space<hbm>>
        %dma_wait3A_179 = arith.constant 0 : i32
        %dma_wait3A_180 = arith.constant 0 : i32
        %dma_wait3A_181 = tpu.memref_slice %dma_wait3A_178[%add3A_168, %dma_wait3A_179, %dma_wait3A_180] : memref<80x2x128xi32, #tpu.memory_space<hbm>> -> memref<1x2x128xi32, #tpu.memory_space<hbm>>
        %dma_wait3A_182 = tpu.memref_squeeze %dma_wait3A_181 : memref<1x2x128xi32, #tpu.memory_space<hbm>> -> memref<2x128xi32, #tpu.memory_space<hbm>>
        %dma_wait3A_183 = arith.constant 0 : i32
        %dma_wait3A_184 = arith.constant 0 : i32
        %dma_wait3A_185 = tpu.memref_slice %arg5[%dma_wait3A_169, %dma_wait3A_183, %dma_wait3A_184] : memref<2x2x128xi32, #tpu.memory_space<vmem>> -> memref<1x2x128xi32, #tpu.memory_space<vmem>>
        %dma_wait3A_186 = tpu.memref_squeeze %dma_wait3A_185 : memref<1x2x128xi32, #tpu.memory_space<vmem>> -> memref<2x128xi32, #tpu.memory_space<vmem>>
        %dma_wait3A_187 = arith.constant 0 : i32
        %dma_wait3A_188 = arith.constant 0 : i32
        %dma_wait3A_189 = arith.constant 0 : i32
        %dma_wait3A_190 = tpu.memref_slice %arg3[%add3A, %dma_wait3A_187, %dma_wait3A_188, %dma_wait3A_189] : memref<32x80x2x128xi32, #tpu.memory_space<hbm>> -> memref<1x80x2x128xi32, #tpu.memory_space<hbm>>
        %dma_wait3A_191 = tpu.memref_squeeze %dma_wait3A_190 : memref<1x80x2x128xi32, #tpu.memory_space<hbm>> -> memref<80x2x128xi32, #tpu.memory_space<hbm>>
        %dma_wait3A_192 = arith.constant 0 : i32
        %dma_wait3A_193 = arith.constant 0 : i32
        %dma_wait3A_194 = tpu.memref_slice %dma_wait3A_191[%add3A_168, %dma_wait3A_192, %dma_wait3A_193] : memref<80x2x128xi32, #tpu.memory_space<hbm>> -> memref<1x2x128xi32, #tpu.memory_space<hbm>>
        %dma_wait3A_195 = tpu.memref_squeeze %dma_wait3A_194 : memref<1x2x128xi32, #tpu.memory_space<hbm>> -> memref<2x128xi32, #tpu.memory_space<hbm>>
        tpu.wait_dma2 semaphore(%arg10 : memref<!tpu.dma_semaphore, #tpu.memory_space<semaphore_mem>>) src(%dma_wait3A_195 : memref<2x128xi32, #tpu.memory_space<hbm>>) dst(%dma_wait3A_186 : memref<2x128xi32, #tpu.memory_space<vmem>>)
        %dma_start3A_196 = arith.constant 1 : i32
        %dma_start3A_197 = arith.constant 0 : i32
        %dma_start3A_198 = arith.constant 0 : i32
        %dma_start3A_199 = tpu.memref_slice %arg5[%dma_start3A_196, %dma_start3A_197, %dma_start3A_198] : memref<2x2x128xi32, #tpu.memory_space<vmem>> -> memref<1x1x128xi32, #tpu.memory_space<vmem>>
        %dma_start3A_200 = tpu.memref_squeeze %dma_start3A_199 : memref<1x1x128xi32, #tpu.memory_space<vmem>> -> memref<128xi32, #tpu.memory_space<vmem>>
        %dma_start3A_201 = arith.constant 0 : i32
        %dma_start3A_202 = arith.constant 0 : i32
        %dma_start3A_203 = tpu.memref_slice %arg2[%dma_start3A_201, %dma_start3A_202] : memref<10112x128xf32, #tpu.memory_space<hbm>> -> memref<10112x128xf32, #tpu.memory_space<hbm>>
        tpu.enqueue_indirect_dma source(%dma_start3A_203 : memref<10112x128xf32, #tpu.memory_space<hbm>>) target(%arg7 : memref<128x128xf32, #tpu.memory_space<vmem>>) offsets(%dma_start3A_200 : memref<128xi32, #tpu.memory_space<vmem>>) semaphore(%arg12 : memref<!tpu.dma_semaphore, #tpu.memory_space<semaphore_mem>>)
      } else {
      }
      %dma_wait3A_125 = arith.constant 0 : i32
      %dma_wait3A_126 = arith.constant 0 : i32
      %dma_wait3A_127 = arith.constant 0 : i32
      %dma_wait3A_128 = tpu.memref_slice %arg5[%dma_wait3A_125, %dma_wait3A_126, %dma_wait3A_127] : memref<2x2x128xi32, #tpu.memory_space<vmem>> -> memref<1x1x128xi32, #tpu.memory_space<vmem>>
      %dma_wait3A_129 = tpu.memref_squeeze %dma_wait3A_128 : memref<1x1x128xi32, #tpu.memory_space<vmem>> -> memref<128xi32, #tpu.memory_space<vmem>>
      %dma_wait3A_130 = arith.constant 0 : i32
      %dma_wait3A_131 = arith.constant 0 : i32
      %dma_wait3A_132 = tpu.memref_slice %arg2[%dma_wait3A_130, %dma_wait3A_131] : memref<10112x128xf32, #tpu.memory_space<hbm>> -> memref<10112x128xf32, #tpu.memory_space<hbm>>
      tpu.wait_indirect_dma semaphore(%arg11 : memref<!tpu.dma_semaphore, #tpu.memory_space<semaphore_mem>>) src(%dma_wait3A_132 : memref<10112x128xf32, #tpu.memory_space<hbm>>) dst(%arg6 : memref<128x128xf32, #tpu.memory_space<vmem>>)
      %run_scoped3A = arith.constant 0 : i32
      %run_scoped3A_133 = arith.constant 1 : i32
      "tpu.region"() ({
        %run_scoped3A_167 = tpu.sem_alloc : memref<!tpu.dma_semaphore, #tpu.memory_space<semaphore_mem>>
        %dma_start3A_168 = arith.constant 0 : i32
        %dma_start3A_169 = tpu.memref_slice %arg5[%run_scoped3A, %run_scoped3A_133, %dma_start3A_168] : memref<2x2x128xi32, #tpu.memory_space<vmem>> -> memref<1x1x128xi32, #tpu.memory_space<vmem>>
        %dma_start3A_170 = tpu.memref_squeeze %dma_start3A_169 : memref<1x1x128xi32, #tpu.memory_space<vmem>> -> memref<128xi32, #tpu.memory_space<vmem>>
        %dma_start3A_171 = arith.constant 0 : i32
        %dma_start3A_172 = arith.constant 0 : i32
        %dma_start3A_173 = tpu.memref_slice %arg8[%dma_start3A_171, %dma_start3A_172] : memref<10112x128xf32, #tpu.memory_space<vmem_shared>> -> memref<10112x128xf32, #tpu.memory_space<vmem_shared>>
        tpu.enqueue_indirect_dma source(%arg6 : memref<128x128xf32, #tpu.memory_space<vmem>>) target(%dma_start3A_173 : memref<10112x128xf32, #tpu.memory_space<vmem_shared>>) offsets(%dma_start3A_170 : memref<128xi32, #tpu.memory_space<vmem>>) semaphore(%run_scoped3A_167 : memref<!tpu.dma_semaphore, #tpu.memory_space<semaphore_mem>>) {add = true}
        %dma_wait3A_174 = arith.constant 0 : i32
        %dma_wait3A_175 = tpu.memref_slice %arg5[%run_scoped3A, %run_scoped3A_133, %dma_wait3A_174] : memref<2x2x128xi32, #tpu.memory_space<vmem>> -> memref<1x1x128xi32, #tpu.memory_space<vmem>>
        %dma_wait3A_176 = tpu.memref_squeeze %dma_wait3A_175 : memref<1x1x128xi32, #tpu.memory_space<vmem>> -> memref<128xi32, #tpu.memory_space<vmem>>
        %dma_wait3A_177 = arith.constant 0 : i32
        %dma_wait3A_178 = arith.constant 0 : i32
        %dma_wait3A_179 = tpu.memref_slice %arg8[%dma_wait3A_177, %dma_wait3A_178] : memref<10112x128xf32, #tpu.memory_space<vmem_shared>> -> memref<10112x128xf32, #tpu.memory_space<vmem_shared>>
        tpu.wait_indirect_dma semaphore(%run_scoped3A_167 : memref<!tpu.dma_semaphore, #tpu.memory_space<semaphore_mem>>) src(%arg6 : memref<128x128xf32, #tpu.memory_space<vmem>>) dst(%dma_wait3A_179 : memref<10112x128xf32, #tpu.memory_space<vmem_shared>>)
        tpu.yield
      }) : () -> ()
      %add3A_134 = arith.constant 2 : i32
      %add3A_135 = arith.addi %add3A_120, %add3A_134 : i32
      %lt3A_136 = arith.constant 80 : i32
      %lt3A_137 = arith.cmpi slt, %add3A_135, %lt3A_136 : i32
      %convert_element_type3A_138 = arith.extui %lt3A_137 : i1 to i32
      %cond3A_139 = arith.constant 0 : i32
      %cond3A_140 = arith.cmpi ne, %convert_element_type3A_138, %cond3A_139 : i32
      scf.if %cond3A_140 {
        %add3A_167 = arith.constant 2 : i32
        %add3A_168 = arith.addi %add3A_120, %add3A_167 : i32
        %dma_start3A_169 = arith.constant 0 : i32
        %dma_start3A_170 = arith.constant 0 : i32
        %dma_start3A_171 = arith.constant 0 : i32
        %dma_start3A_172 = tpu.memref_slice %arg5[%dma_start3A_169, %dma_start3A_170, %dma_start3A_171] : memref<2x2x128xi32, #tpu.memory_space<vmem>> -> memref<1x2x128xi32, #tpu.memory_space<vmem>>
        %dma_start3A_173 = tpu.memref_squeeze %dma_start3A_172 : memref<1x2x128xi32, #tpu.memory_space<vmem>> -> memref<2x128xi32, #tpu.memory_space<vmem>>
        %dma_start3A_174 = arith.constant 0 : i32
        %dma_start3A_175 = arith.constant 0 : i32
        %dma_start3A_176 = arith.constant 0 : i32
        %dma_start3A_177 = tpu.memref_slice %arg3[%add3A, %dma_start3A_174, %dma_start3A_175, %dma_start3A_176] : memref<32x80x2x128xi32, #tpu.memory_space<hbm>> -> memref<1x80x2x128xi32, #tpu.memory_space<hbm>>
        %dma_start3A_178 = tpu.memref_squeeze %dma_start3A_177 : memref<1x80x2x128xi32, #tpu.memory_space<hbm>> -> memref<80x2x128xi32, #tpu.memory_space<hbm>>
        %dma_start3A_179 = arith.constant 0 : i32
        %dma_start3A_180 = arith.constant 0 : i32
        %dma_start3A_181 = tpu.memref_slice %dma_start3A_178[%add3A_168, %dma_start3A_179, %dma_start3A_180] : memref<80x2x128xi32, #tpu.memory_space<hbm>> -> memref<1x2x128xi32, #tpu.memory_space<hbm>>
        %dma_start3A_182 = tpu.memref_squeeze %dma_start3A_181 : memref<1x2x128xi32, #tpu.memory_space<hbm>> -> memref<2x128xi32, #tpu.memory_space<hbm>>
        %dma_start3A_183 = arith.constant 0 : i32
        %dma_start3A_184 = arith.constant 0 : i32
        %dma_start3A_185 = tpu.memref_slice %arg5[%dma_start3A_169, %dma_start3A_183, %dma_start3A_184] : memref<2x2x128xi32, #tpu.memory_space<vmem>> -> memref<1x2x128xi32, #tpu.memory_space<vmem>>
        %dma_start3A_186 = tpu.memref_squeeze %dma_start3A_185 : memref<1x2x128xi32, #tpu.memory_space<vmem>> -> memref<2x128xi32, #tpu.memory_space<vmem>>
        %dma_start3A_187 = arith.constant 0 : i32
        %dma_start3A_188 = arith.constant 0 : i32
        %dma_start3A_189 = arith.constant 0 : i32
        %dma_start3A_190 = tpu.memref_slice %arg3[%add3A, %dma_start3A_187, %dma_start3A_188, %dma_start3A_189] : memref<32x80x2x128xi32, #tpu.memory_space<hbm>> -> memref<1x80x2x128xi32, #tpu.memory_space<hbm>>
        %dma_start3A_191 = tpu.memref_squeeze %dma_start3A_190 : memref<1x80x2x128xi32, #tpu.memory_space<hbm>> -> memref<80x2x128xi32, #tpu.memory_space<hbm>>
        %dma_start3A_192 = arith.constant 0 : i32
        %dma_start3A_193 = arith.constant 0 : i32
        %dma_start3A_194 = tpu.memref_slice %dma_start3A_191[%add3A_168, %dma_start3A_192, %dma_start3A_193] : memref<80x2x128xi32, #tpu.memory_space<hbm>> -> memref<1x2x128xi32, #tpu.memory_space<hbm>>
        %dma_start3A_195 = tpu.memref_squeeze %dma_start3A_194 : memref<1x2x128xi32, #tpu.memory_space<hbm>> -> memref<2x128xi32, #tpu.memory_space<hbm>>
        tpu.enqueue_dma source(%dma_start3A_195 : memref<2x128xi32, #tpu.memory_space<hbm>>) target(%dma_start3A_186 : memref<2x128xi32, #tpu.memory_space<vmem>>) target_semaphore(%arg9 : memref<!tpu.dma_semaphore, #tpu.memory_space<semaphore_mem>>)
      } else {
      }
      %add3A_141 = arith.constant 1 : i32
      %add3A_142 = arith.addi %add3A_118, %add3A_141 : i32
      %add3A_143 = arith.constant 1 : i32
      %add3A_144 = arith.addi %add3A_142, %add3A_143 : i32
      %lt3A_145 = arith.constant 80 : i32
      %lt3A_146 = arith.cmpi slt, %add3A_144, %lt3A_145 : i32
      %convert_element_type3A_147 = arith.extui %lt3A_146 : i1 to i32
      %cond3A_148 = arith.constant 0 : i32
      %cond3A_149 = arith.cmpi ne, %convert_element_type3A_147, %cond3A_148 : i32
      scf.if %cond3A_149 {
        %add3A_167 = arith.constant 1 : i32
        %add3A_168 = arith.addi %add3A_142, %add3A_167 : i32
        %dma_wait3A_169 = arith.constant 0 : i32
        %dma_wait3A_170 = arith.constant 0 : i32
        %dma_wait3A_171 = arith.constant 0 : i32
        %dma_wait3A_172 = tpu.memref_slice %arg5[%dma_wait3A_169, %dma_wait3A_170, %dma_wait3A_171] : memref<2x2x128xi32, #tpu.memory_space<vmem>> -> memref<1x2x128xi32, #tpu.memory_space<vmem>>
        %dma_wait3A_173 = tpu.memref_squeeze %dma_wait3A_172 : memref<1x2x128xi32, #tpu.memory_space<vmem>> -> memref<2x128xi32, #tpu.memory_space<vmem>>
        %dma_wait3A_174 = arith.constant 0 : i32
        %dma_wait3A_175 = arith.constant 0 : i32
        %dma_wait3A_176 = arith.constant 0 : i32
        %dma_wait3A_177 = tpu.memref_slice %arg3[%add3A, %dma_wait3A_174, %dma_wait3A_175, %dma_wait3A_176] : memref<32x80x2x128xi32, #tpu.memory_space<hbm>> -> memref<1x80x2x128xi32, #tpu.memory_space<hbm>>
        %dma_wait3A_178 = tpu.memref_squeeze %dma_wait3A_177 : memref<1x80x2x128xi32, #tpu.memory_space<hbm>> -> memref<80x2x128xi32, #tpu.memory_space<hbm>>
        %dma_wait3A_179 = arith.constant 0 : i32
        %dma_wait3A_180 = arith.constant 0 : i32
        %dma_wait3A_181 = tpu.memref_slice %dma_wait3A_178[%add3A_168, %dma_wait3A_179, %dma_wait3A_180] : memref<80x2x128xi32, #tpu.memory_space<hbm>> -> memref<1x2x128xi32, #tpu.memory_space<hbm>>
        %dma_wait3A_182 = tpu.memref_squeeze %dma_wait3A_181 : memref<1x2x128xi32, #tpu.memory_space<hbm>> -> memref<2x128xi32, #tpu.memory_space<hbm>>
        %dma_wait3A_183 = arith.constant 0 : i32
        %dma_wait3A_184 = arith.constant 0 : i32
        %dma_wait3A_185 = tpu.memref_slice %arg5[%dma_wait3A_169, %dma_wait3A_183, %dma_wait3A_184] : memref<2x2x128xi32, #tpu.memory_space<vmem>> -> memref<1x2x128xi32, #tpu.memory_space<vmem>>
        %dma_wait3A_186 = tpu.memref_squeeze %dma_wait3A_185 : memref<1x2x128xi32, #tpu.memory_space<vmem>> -> memref<2x128xi32, #tpu.memory_space<vmem>>
        %dma_wait3A_187 = arith.constant 0 : i32
        %dma_wait3A_188 = arith.constant 0 : i32
        %dma_wait3A_189 = arith.constant 0 : i32
        %dma_wait3A_190 = tpu.memref_slice %arg3[%add3A, %dma_wait3A_187, %dma_wait3A_188, %dma_wait3A_189] : memref<32x80x2x128xi32, #tpu.memory_space<hbm>> -> memref<1x80x2x128xi32, #tpu.memory_space<hbm>>
        %dma_wait3A_191 = tpu.memref_squeeze %dma_wait3A_190 : memref<1x80x2x128xi32, #tpu.memory_space<hbm>> -> memref<80x2x128xi32, #tpu.memory_space<hbm>>
        %dma_wait3A_192 = arith.constant 0 : i32
        %dma_wait3A_193 = arith.constant 0 : i32
        %dma_wait3A_194 = tpu.memref_slice %dma_wait3A_191[%add3A_168, %dma_wait3A_192, %dma_wait3A_193] : memref<80x2x128xi32, #tpu.memory_space<hbm>> -> memref<1x2x128xi32, #tpu.memory_space<hbm>>
        %dma_wait3A_195 = tpu.memref_squeeze %dma_wait3A_194 : memref<1x2x128xi32, #tpu.memory_space<hbm>> -> memref<2x128xi32, #tpu.memory_space<hbm>>
        tpu.wait_dma2 semaphore(%arg9 : memref<!tpu.dma_semaphore, #tpu.memory_space<semaphore_mem>>) src(%dma_wait3A_195 : memref<2x128xi32, #tpu.memory_space<hbm>>) dst(%dma_wait3A_186 : memref<2x128xi32, #tpu.memory_space<vmem>>)
        %dma_start3A_196 = arith.constant 0 : i32
        %dma_start3A_197 = arith.constant 0 : i32
        %dma_start3A_198 = arith.constant 0 : i32
        %dma_start3A_199 = tpu.memref_slice %arg5[%dma_start3A_196, %dma_start3A_197, %dma_start3A_198] : memref<2x2x128xi32, #tpu.memory_space<vmem>> -> memref<1x1x128xi32, #tpu.memory_space<vmem>>
        %dma_start3A_200 = tpu.memref_squeeze %dma_start3A_199 : memref<1x1x128xi32, #tpu.memory_space<vmem>> -> memref<128xi32, #tpu.memory_space<vmem>>
        %dma_start3A_201 = arith.constant 0 : i32
        %dma_start3A_202 = arith.constant 0 : i32
        %dma_start3A_203 = tpu.memref_slice %arg2[%dma_start3A_201, %dma_start3A_202] : memref<10112x128xf32, #tpu.memory_space<hbm>> -> memref<10112x128xf32, #tpu.memory_space<hbm>>
        tpu.enqueue_indirect_dma source(%dma_start3A_203 : memref<10112x128xf32, #tpu.memory_space<hbm>>) target(%arg6 : memref<128x128xf32, #tpu.memory_space<vmem>>) offsets(%dma_start3A_200 : memref<128xi32, #tpu.memory_space<vmem>>) semaphore(%arg11 : memref<!tpu.dma_semaphore, #tpu.memory_space<semaphore_mem>>)
      } else {
      }
      %dma_wait3A_150 = arith.constant 1 : i32
      %dma_wait3A_151 = arith.constant 0 : i32
      %dma_wait3A_152 = arith.constant 0 : i32
      %dma_wait3A_153 = tpu.memref_slice %arg5[%dma_wait3A_150, %dma_wait3A_151, %dma_wait3A_152] : memref<2x2x128xi32, #tpu.memory_space<vmem>> -> memref<1x1x128xi32, #tpu.memory_space<vmem>>
      %dma_wait3A_154 = tpu.memref_squeeze %dma_wait3A_153 : memref<1x1x128xi32, #tpu.memory_space<vmem>> -> memref<128xi32, #tpu.memory_space<vmem>>
      %dma_wait3A_155 = arith.constant 0 : i32
      %dma_wait3A_156 = arith.constant 0 : i32
      %dma_wait3A_157 = tpu.memref_slice %arg2[%dma_wait3A_155, %dma_wait3A_156] : memref<10112x128xf32, #tpu.memory_space<hbm>> -> memref<10112x128xf32, #tpu.memory_space<hbm>>
      tpu.wait_indirect_dma semaphore(%arg12 : memref<!tpu.dma_semaphore, #tpu.memory_space<semaphore_mem>>) src(%dma_wait3A_157 : memref<10112x128xf32, #tpu.memory_space<hbm>>) dst(%arg7 : memref<128x128xf32, #tpu.memory_space<vmem>>)
      %run_scoped3A_158 = arith.constant 1 : i32
      %run_scoped3A_159 = arith.constant 1 : i32
      "tpu.region"() ({
        %run_scoped3A_167 = tpu.sem_alloc : memref<!tpu.dma_semaphore, #tpu.memory_space<semaphore_mem>>
        %dma_start3A_168 = arith.constant 0 : i32
        %dma_start3A_169 = tpu.memref_slice %arg5[%run_scoped3A_158, %run_scoped3A_159, %dma_start3A_168] : memref<2x2x128xi32, #tpu.memory_space<vmem>> -> memref<1x1x128xi32, #tpu.memory_space<vmem>>
        %dma_start3A_170 = tpu.memref_squeeze %dma_start3A_169 : memref<1x1x128xi32, #tpu.memory_space<vmem>> -> memref<128xi32, #tpu.memory_space<vmem>>
        %dma_start3A_171 = arith.constant 0 : i32
        %dma_start3A_172 = arith.constant 0 : i32
        %dma_start3A_173 = tpu.memref_slice %arg8[%dma_start3A_171, %dma_start3A_172] : memref<10112x128xf32, #tpu.memory_space<vmem_shared>> -> memref<10112x128xf32, #tpu.memory_space<vmem_shared>>
        tpu.enqueue_indirect_dma source(%arg7 : memref<128x128xf32, #tpu.memory_space<vmem>>) target(%dma_start3A_173 : memref<10112x128xf32, #tpu.memory_space<vmem_shared>>) offsets(%dma_start3A_170 : memref<128xi32, #tpu.memory_space<vmem>>) semaphore(%run_scoped3A_167 : memref<!tpu.dma_semaphore, #tpu.memory_space<semaphore_mem>>) {add = true}
        %dma_wait3A_174 = arith.constant 0 : i32
        %dma_wait3A_175 = tpu.memref_slice %arg5[%run_scoped3A_158, %run_scoped3A_159, %dma_wait3A_174] : memref<2x2x128xi32, #tpu.memory_space<vmem>> -> memref<1x1x128xi32, #tpu.memory_space<vmem>>
        %dma_wait3A_176 = tpu.memref_squeeze %dma_wait3A_175 : memref<1x1x128xi32, #tpu.memory_space<vmem>> -> memref<128xi32, #tpu.memory_space<vmem>>
        %dma_wait3A_177 = arith.constant 0 : i32
        %dma_wait3A_178 = arith.constant 0 : i32
        %dma_wait3A_179 = tpu.memref_slice %arg8[%dma_wait3A_177, %dma_wait3A_178] : memref<10112x128xf32, #tpu.memory_space<vmem_shared>> -> memref<10112x128xf32, #tpu.memory_space<vmem_shared>>
        tpu.wait_indirect_dma semaphore(%run_scoped3A_167 : memref<!tpu.dma_semaphore, #tpu.memory_space<semaphore_mem>>) src(%arg7 : memref<128x128xf32, #tpu.memory_space<vmem>>) dst(%dma_wait3A_179 : memref<10112x128xf32, #tpu.memory_space<vmem_shared>>)
        tpu.yield
      }) : () -> ()
      %add3A_160 = arith.constant 2 : i32
      %add3A_161 = arith.addi %add3A_142, %add3A_160 : i32
      %lt3A_162 = arith.constant 80 : i32
      %lt3A_163 = arith.cmpi slt, %add3A_161, %lt3A_162 : i32
      %convert_element_type3A_164 = arith.extui %lt3A_163 : i1 to i32
      %cond3A_165 = arith.constant 0 : i32
      %cond3A_166 = arith.cmpi ne, %convert_element_type3A_164, %cond3A_165 : i32
      scf.if %cond3A_166 {
        %add3A_167 = arith.constant 2 : i32
        %add3A_168 = arith.addi %add3A_142, %add3A_167 : i32
        %dma_start3A_169 = arith.constant 1 : i32
        %dma_start3A_170 = arith.constant 0 : i32
        %dma_start3A_171 = arith.constant 0 : i32
        %dma_start3A_172 = tpu.memref_slice %arg5[%dma_start3A_169, %dma_start3A_170, %dma_start3A_171] : memref<2x2x128xi32, #tpu.memory_space<vmem>> -> memref<1x2x128xi32, #tpu.memory_space<vmem>>
        %dma_start3A_173 = tpu.memref_squeeze %dma_start3A_172 : memref<1x2x128xi32, #tpu.memory_space<vmem>> -> memref<2x128xi32, #tpu.memory_space<vmem>>
        %dma_start3A_174 = arith.constant 0 : i32
        %dma_start3A_175 = arith.constant 0 : i32
        %dma_start3A_176 = arith.constant 0 : i32
        %dma_start3A_177 = tpu.memref_slice %arg3[%add3A, %dma_start3A_174, %dma_start3A_175, %dma_start3A_176] : memref<32x80x2x128xi32, #tpu.memory_space<hbm>> -> memref<1x80x2x128xi32, #tpu.memory_space<hbm>>
        %dma_start3A_178 = tpu.memref_squeeze %dma_start3A_177 : memref<1x80x2x128xi32, #tpu.memory_space<hbm>> -> memref<80x2x128xi32, #tpu.memory_space<hbm>>
        %dma_start3A_179 = arith.constant 0 : i32
        %dma_start3A_180 = arith.constant 0 : i32
        %dma_start3A_181 = tpu.memref_slice %dma_start3A_178[%add3A_168, %dma_start3A_179, %dma_start3A_180] : memref<80x2x128xi32, #tpu.memory_space<hbm>> -> memref<1x2x128xi32, #tpu.memory_space<hbm>>
        %dma_start3A_182 = tpu.memref_squeeze %dma_start3A_181 : memref<1x2x128xi32, #tpu.memory_space<hbm>> -> memref<2x128xi32, #tpu.memory_space<hbm>>
        %dma_start3A_183 = arith.constant 0 : i32
        %dma_start3A_184 = arith.constant 0 : i32
        %dma_start3A_185 = tpu.memref_slice %arg5[%dma_start3A_169, %dma_start3A_183, %dma_start3A_184] : memref<2x2x128xi32, #tpu.memory_space<vmem>> -> memref<1x2x128xi32, #tpu.memory_space<vmem>>
        %dma_start3A_186 = tpu.memref_squeeze %dma_start3A_185 : memref<1x2x128xi32, #tpu.memory_space<vmem>> -> memref<2x128xi32, #tpu.memory_space<vmem>>
        %dma_start3A_187 = arith.constant 0 : i32
        %dma_start3A_188 = arith.constant 0 : i32
        %dma_start3A_189 = arith.constant 0 : i32
        %dma_start3A_190 = tpu.memref_slice %arg3[%add3A, %dma_start3A_187, %dma_start3A_188, %dma_start3A_189] : memref<32x80x2x128xi32, #tpu.memory_space<hbm>> -> memref<1x80x2x128xi32, #tpu.memory_space<hbm>>
        %dma_start3A_191 = tpu.memref_squeeze %dma_start3A_190 : memref<1x80x2x128xi32, #tpu.memory_space<hbm>> -> memref<80x2x128xi32, #tpu.memory_space<hbm>>
        %dma_start3A_192 = arith.constant 0 : i32
        %dma_start3A_193 = arith.constant 0 : i32
        %dma_start3A_194 = tpu.memref_slice %dma_start3A_191[%add3A_168, %dma_start3A_192, %dma_start3A_193] : memref<80x2x128xi32, #tpu.memory_space<hbm>> -> memref<1x2x128xi32, #tpu.memory_space<hbm>>
        %dma_start3A_195 = tpu.memref_squeeze %dma_start3A_194 : memref<1x2x128xi32, #tpu.memory_space<hbm>> -> memref<2x128xi32, #tpu.memory_space<hbm>>
        tpu.enqueue_dma source(%dma_start3A_195 : memref<2x128xi32, #tpu.memory_space<hbm>>) target(%dma_start3A_186 : memref<2x128xi32, #tpu.memory_space<vmem>>) target_semaphore(%arg10 : memref<!tpu.dma_semaphore, #tpu.memory_space<semaphore_mem>>)
      } else {
      }
    }
    %scan3A_112 = arith.constant 40 : i32
    %barrier3A_113 = arith.constant 0 : index
    tpu.barrier barrier_id(%barrier3A_113)
    "tpu.region"() ({
      %run_scoped3A = tpu.sem_alloc : memref<!tpu.dma_semaphore, #tpu.memory_space<semaphore_mem>>
      %dma_start3A_114 = arith.constant 0 : i32
      %dma_start3A_115 = tpu.memref_slice %arg4[%arg0, %mul3A_2, %dma_start3A_114] : memref<2x10112x128xf32, #tpu.memory_space<hbm>> -> memref<1x632x128xf32, #tpu.memory_space<hbm>>
      %dma_start3A_116 = tpu.memref_squeeze %dma_start3A_115 : memref<1x632x128xf32, #tpu.memory_space<hbm>> -> memref<632x128xf32, #tpu.memory_space<hbm>>
      %dma_start3A_117 = arith.constant 0 : i32
      %dma_start3A_118 = tpu.memref_slice %arg8[%mul3A_2, %dma_start3A_117] : memref<10112x128xf32, #tpu.memory_space<vmem_shared>> -> memref<632x128xf32, #tpu.memory_space<vmem_shared>>
      tpu.enqueue_dma source(%dma_start3A_118 : memref<632x128xf32, #tpu.memory_space<vmem_shared>>) target(%dma_start3A_116 : memref<632x128xf32, #tpu.memory_space<hbm>>) target_semaphore(%run_scoped3A : memref<!tpu.dma_semaphore, #tpu.memory_space<semaphore_mem>>)
      %dma_wait3A_119 = arith.constant 0 : i32
      %dma_wait3A_120 = tpu.memref_slice %arg4[%arg0, %mul3A_2, %dma_wait3A_119] : memref<2x10112x128xf32, #tpu.memory_space<hbm>> -> memref<1x632x128xf32, #tpu.memory_space<hbm>>
      %dma_wait3A_121 = tpu.memref_squeeze %dma_wait3A_120 : memref<1x632x128xf32, #tpu.memory_space<hbm>> -> memref<632x128xf32, #tpu.memory_space<hbm>>
      %dma_wait3A_122 = arith.constant 0 : i32
      %dma_wait3A_123 = tpu.memref_slice %arg8[%mul3A_2, %dma_wait3A_122] : memref<10112x128xf32, #tpu.memory_space<vmem_shared>> -> memref<632x128xf32, #tpu.memory_space<vmem_shared>>
      tpu.wait_dma2 semaphore(%run_scoped3A : memref<!tpu.dma_semaphore, #tpu.memory_space<semaphore_mem>>) src(%dma_wait3A_123 : memref<632x128xf32, #tpu.memory_space<vmem_shared>>) dst(%dma_wait3A_121 : memref<632x128xf32, #tpu.memory_space<hbm>>)
      tpu.yield
    }) : () -> ()
    return
  }
}

#map = affine_map<(d0, d1) -> (0, 0, 0, 0)>
#map1 = affine_map<(d0, d1) -> (0, 0, 0)>
module attributes {stable_mosaic.version = 14 : i64} {
  func.func @_deg_body(%arg0: i32, %arg1: i32, %arg2: memref<32x80x2x128xi32, #tpu.memory_space<hbm>>, %arg3: memref<2x10112x128xf32, #tpu.memory_space<hbm>>, %arg4: memref<2x2x128xi32, #tpu.memory_space<vmem>>, %arg5: memref<2x128x128xf32, #tpu.memory_space<vmem>>, %arg6: memref<10112x128xf32, #tpu.memory_space<vmem_shared>>, %arg7: memref<!tpu.dma_semaphore, #tpu.memory_space<semaphore_mem>>, %arg8: memref<!tpu.dma_semaphore, #tpu.memory_space<semaphore_mem>>) attributes {dimension_semantics = [#tpu.dimension_semantics<core_parallel>, #tpu.dimension_semantics<subcore_parallel>], iteration_bounds = array<i64: 2, 16>, scalar_prefetch = 0 : i64, scratch_operands = 5 : i64, tpu.core_type = #tpu.core_type<sc_vector_subcore>, window_params = [{transform_indices = #map}, {transform_indices = #map1}]} {
    %mul3A = arith.constant 16 : i32
    %mul3A_0 = arith.muli %arg0, %mul3A : i32
    %add3A = arith.addi %mul3A_0, %arg1 : i32
    %mul3A_1 = arith.constant 632 : i32
    %mul3A_2 = arith.muli %arg1, %mul3A_1 : i32
    %broadcast_in_dim3A = arith.constant 1.000000e+00 : f32
    %broadcast_in_dim3A_3 = vector.broadcast %broadcast_in_dim3A : f32 to vector<16xf32>
    %scan3A = arith.constant 0 : i32
    %scan3A_4 = arith.constant 0 : i32
    %scan3A_5 = arith.constant 128 : i32
    %scan3A_6 = arith.addi %scan3A_4, %scan3A_5 : i32
    %scan3A_7 = arith.constant 1 : i32
    scf.for %scan3A_92 = %scan3A_4 to %scan3A_6 step %scan3A_7  : i32 {
      %mul3A_93 = arith.constant 1 : i32
      %mul3A_94 = arith.muli %scan3A_92, %mul3A_93 : i32
      %add3A_95 = arith.constant 0 : i32
      %add3A_96 = arith.addi %add3A_95, %mul3A_94 : i32
      %swap3A = arith.constant 0 : i32
      %swap3A_97 = arith.constant 0 : i32
      %swap3A_98 = tpu.memref_slice %arg5[%scan3A, %swap3A, %swap3A_97] : memref<2x128x128xf32, #tpu.memory_space<vmem>> -> memref<1x128x128xf32, #tpu.memory_space<vmem>>
      %swap3A_99 = tpu.memref_squeeze %swap3A_98 : memref<1x128x128xf32, #tpu.memory_space<vmem>> -> memref<128x128xf32, #tpu.memory_space<vmem>>
      %swap3A_100 = arith.index_cast %add3A_96 : i32 to index
      %swap3A_101 = arith.constant 0 : index
      %swap3A_102 = tpu.vector_load %swap3A_99[%swap3A_100, %swap3A_101] {strides = array<i32>} : memref<128x128xf32, #tpu.memory_space<vmem>>, vector<1x16xf32>,
      %swap3A_103 = vector.shape_cast %swap3A_102 : vector<1x16xf32> to vector<16xf32>
      %swap3A_104 = vector.shape_cast %broadcast_in_dim3A_3 : vector<16xf32> to vector<1x16xf32>
      tpu.vector_store %swap3A_99[%swap3A_100, %swap3A_101], %swap3A_104 {strides = array<i32>} : memref<128x128xf32, #tpu.memory_space<vmem>>, vector<1x16xf32>,
      %swap3A_105 = arith.constant 0 : i32
      %swap3A_106 = arith.constant 0 : i32
      %swap3A_107 = tpu.memref_slice %arg5[%scan3A, %swap3A_105, %swap3A_106] : memref<2x128x128xf32, #tpu.memory_space<vmem>> -> memref<1x128x128xf32, #tpu.memory_space<vmem>>
      %swap3A_108 = tpu.memref_squeeze %swap3A_107 : memref<1x128x128xf32, #tpu.memory_space<vmem>> -> memref<128x128xf32, #tpu.memory_space<vmem>>
      %swap3A_109 = arith.index_cast %add3A_96 : i32 to index
      %swap3A_110 = arith.constant 16 : index
      %swap3A_111 = tpu.vector_load %swap3A_108[%swap3A_109, %swap3A_110] {strides = array<i32>} : memref<128x128xf32, #tpu.memory_space<vmem>>, vector<1x16xf32>,
      %swap3A_112 = vector.shape_cast %swap3A_111 : vector<1x16xf32> to vector<16xf32>
      %swap3A_113 = vector.shape_cast %broadcast_in_dim3A_3 : vector<16xf32> to vector<1x16xf32>
      tpu.vector_store %swap3A_108[%swap3A_109, %swap3A_110], %swap3A_113 {strides = array<i32>} : memref<128x128xf32, #tpu.memory_space<vmem>>, vector<1x16xf32>,
      %swap3A_114 = arith.constant 0 : i32
      %swap3A_115 = arith.constant 0 : i32
      %swap3A_116 = tpu.memref_slice %arg5[%scan3A, %swap3A_114, %swap3A_115] : memref<2x128x128xf32, #tpu.memory_space<vmem>> -> memref<1x128x128xf32, #tpu.memory_space<vmem>>
      %swap3A_117 = tpu.memref_squeeze %swap3A_116 : memref<1x128x128xf32, #tpu.memory_space<vmem>> -> memref<128x128xf32, #tpu.memory_space<vmem>>
      %swap3A_118 = arith.index_cast %add3A_96 : i32 to index
      %swap3A_119 = arith.constant 32 : index
      %swap3A_120 = tpu.vector_load %swap3A_117[%swap3A_118, %swap3A_119] {strides = array<i32>} : memref<128x128xf32, #tpu.memory_space<vmem>>, vector<1x16xf32>,
      %swap3A_121 = vector.shape_cast %swap3A_120 : vector<1x16xf32> to vector<16xf32>
      %swap3A_122 = vector.shape_cast %broadcast_in_dim3A_3 : vector<16xf32> to vector<1x16xf32>
      tpu.vector_store %swap3A_117[%swap3A_118, %swap3A_119], %swap3A_122 {strides = array<i32>} : memref<128x128xf32, #tpu.memory_space<vmem>>, vector<1x16xf32>,
      %swap3A_123 = arith.constant 0 : i32
      %swap3A_124 = arith.constant 0 : i32
      %swap3A_125 = tpu.memref_slice %arg5[%scan3A, %swap3A_123, %swap3A_124] : memref<2x128x128xf32, #tpu.memory_space<vmem>> -> memref<1x128x128xf32, #tpu.memory_space<vmem>>
      %swap3A_126 = tpu.memref_squeeze %swap3A_125 : memref<1x128x128xf32, #tpu.memory_space<vmem>> -> memref<128x128xf32, #tpu.memory_space<vmem>>
      %swap3A_127 = arith.index_cast %add3A_96 : i32 to index
      %swap3A_128 = arith.constant 48 : index
      %swap3A_129 = tpu.vector_load %swap3A_126[%swap3A_127, %swap3A_128] {strides = array<i32>} : memref<128x128xf32, #tpu.memory_space<vmem>>, vector<1x16xf32>,
      %swap3A_130 = vector.shape_cast %swap3A_129 : vector<1x16xf32> to vector<16xf32>
      %swap3A_131 = vector.shape_cast %broadcast_in_dim3A_3 : vector<16xf32> to vector<1x16xf32>
      tpu.vector_store %swap3A_126[%swap3A_127, %swap3A_128], %swap3A_131 {strides = array<i32>} : memref<128x128xf32, #tpu.memory_space<vmem>>, vector<1x16xf32>,
      %swap3A_132 = arith.constant 0 : i32
      %swap3A_133 = arith.constant 0 : i32
      %swap3A_134 = tpu.memref_slice %arg5[%scan3A, %swap3A_132, %swap3A_133] : memref<2x128x128xf32, #tpu.memory_space<vmem>> -> memref<1x128x128xf32, #tpu.memory_space<vmem>>
      %swap3A_135 = tpu.memref_squeeze %swap3A_134 : memref<1x128x128xf32, #tpu.memory_space<vmem>> -> memref<128x128xf32, #tpu.memory_space<vmem>>
      %swap3A_136 = arith.index_cast %add3A_96 : i32 to index
      %swap3A_137 = arith.constant 64 : index
      %swap3A_138 = tpu.vector_load %swap3A_135[%swap3A_136, %swap3A_137] {strides = array<i32>} : memref<128x128xf32, #tpu.memory_space<vmem>>, vector<1x16xf32>,
      %swap3A_139 = vector.shape_cast %swap3A_138 : vector<1x16xf32> to vector<16xf32>
      %swap3A_140 = vector.shape_cast %broadcast_in_dim3A_3 : vector<16xf32> to vector<1x16xf32>
      tpu.vector_store %swap3A_135[%swap3A_136, %swap3A_137], %swap3A_140 {strides = array<i32>} : memref<128x128xf32, #tpu.memory_space<vmem>>, vector<1x16xf32>,
      %swap3A_141 = arith.constant 0 : i32
      %swap3A_142 = arith.constant 0 : i32
      %swap3A_143 = tpu.memref_slice %arg5[%scan3A, %swap3A_141, %swap3A_142] : memref<2x128x128xf32, #tpu.memory_space<vmem>> -> memref<1x128x128xf32, #tpu.memory_space<vmem>>
      %swap3A_144 = tpu.memref_squeeze %swap3A_143 : memref<1x128x128xf32, #tpu.memory_space<vmem>> -> memref<128x128xf32, #tpu.memory_space<vmem>>
      %swap3A_145 = arith.index_cast %add3A_96 : i32 to index
      %swap3A_146 = arith.constant 80 : index
      %swap3A_147 = tpu.vector_load %swap3A_144[%swap3A_145, %swap3A_146] {strides = array<i32>} : memref<128x128xf32, #tpu.memory_space<vmem>>, vector<1x16xf32>,
      %swap3A_148 = vector.shape_cast %swap3A_147 : vector<1x16xf32> to vector<16xf32>
      %swap3A_149 = vector.shape_cast %broadcast_in_dim3A_3 : vector<16xf32> to vector<1x16xf32>
      tpu.vector_store %swap3A_144[%swap3A_145, %swap3A_146], %swap3A_149 {strides = array<i32>} : memref<128x128xf32, #tpu.memory_space<vmem>>, vector<1x16xf32>,
      %swap3A_150 = arith.constant 0 : i32
      %swap3A_151 = arith.constant 0 : i32
      %swap3A_152 = tpu.memref_slice %arg5[%scan3A, %swap3A_150, %swap3A_151] : memref<2x128x128xf32, #tpu.memory_space<vmem>> -> memref<1x128x128xf32, #tpu.memory_space<vmem>>
      %swap3A_153 = tpu.memref_squeeze %swap3A_152 : memref<1x128x128xf32, #tpu.memory_space<vmem>> -> memref<128x128xf32, #tpu.memory_space<vmem>>
      %swap3A_154 = arith.index_cast %add3A_96 : i32 to index
      %swap3A_155 = arith.constant 96 : index
      %swap3A_156 = tpu.vector_load %swap3A_153[%swap3A_154, %swap3A_155] {strides = array<i32>} : memref<128x128xf32, #tpu.memory_space<vmem>>, vector<1x16xf32>,
      %swap3A_157 = vector.shape_cast %swap3A_156 : vector<1x16xf32> to vector<16xf32>
      %swap3A_158 = vector.shape_cast %broadcast_in_dim3A_3 : vector<16xf32> to vector<1x16xf32>
      tpu.vector_store %swap3A_153[%swap3A_154, %swap3A_155], %swap3A_158 {strides = array<i32>} : memref<128x128xf32, #tpu.memory_space<vmem>>, vector<1x16xf32>,
      %swap3A_159 = arith.constant 0 : i32
      %swap3A_160 = arith.constant 0 : i32
      %swap3A_161 = tpu.memref_slice %arg5[%scan3A, %swap3A_159, %swap3A_160] : memref<2x128x128xf32, #tpu.memory_space<vmem>> -> memref<1x128x128xf32, #tpu.memory_space<vmem>>
      %swap3A_162 = tpu.memref_squeeze %swap3A_161 : memref<1x128x128xf32, #tpu.memory_space<vmem>> -> memref<128x128xf32, #tpu.memory_space<vmem>>
      %swap3A_163 = arith.index_cast %add3A_96 : i32 to index
      %swap3A_164 = arith.constant 112 : index
      %swap3A_165 = tpu.vector_load %swap3A_162[%swap3A_163, %swap3A_164] {strides = array<i32>} : memref<128x128xf32, #tpu.memory_space<vmem>>, vector<1x16xf32>,
      %swap3A_166 = vector.shape_cast %swap3A_165 : vector<1x16xf32> to vector<16xf32>
      %swap3A_167 = vector.shape_cast %broadcast_in_dim3A_3 : vector<16xf32> to vector<1x16xf32>
      tpu.vector_store %swap3A_162[%swap3A_163, %swap3A_164], %swap3A_167 {strides = array<i32>} : memref<128x128xf32, #tpu.memory_space<vmem>>, vector<1x16xf32>,
    }
    %scan3A_8 = arith.constant 128 : i32
    %broadcast_in_dim3A_9 = arith.constant 0.000000e+00 : f32
    %broadcast_in_dim3A_10 = vector.broadcast %broadcast_in_dim3A_9 : f32 to vector<16xf32>
    %scan3A_11 = arith.constant 1 : i32
    %scan3A_12 = arith.constant 0 : i32
    %scan3A_13 = arith.constant 128 : i32
    %scan3A_14 = arith.addi %scan3A_12, %scan3A_13 : i32
    %scan3A_15 = arith.constant 1 : i32
    scf.for %scan3A_92 = %scan3A_12 to %scan3A_14 step %scan3A_15  : i32 {
      %mul3A_93 = arith.constant 1 : i32
      %mul3A_94 = arith.muli %scan3A_92, %mul3A_93 : i32
      %add3A_95 = arith.constant 0 : i32
      %add3A_96 = arith.addi %add3A_95, %mul3A_94 : i32
      %swap3A = arith.constant 0 : i32
      %swap3A_97 = arith.constant 0 : i32
      %swap3A_98 = tpu.memref_slice %arg5[%scan3A_11, %swap3A, %swap3A_97] : memref<2x128x128xf32, #tpu.memory_space<vmem>> -> memref<1x128x128xf32, #tpu.memory_space<vmem>>
      %swap3A_99 = tpu.memref_squeeze %swap3A_98 : memref<1x128x128xf32, #tpu.memory_space<vmem>> -> memref<128x128xf32, #tpu.memory_space<vmem>>
      %swap3A_100 = arith.index_cast %add3A_96 : i32 to index
      %swap3A_101 = arith.constant 0 : index
      %swap3A_102 = tpu.vector_load %swap3A_99[%swap3A_100, %swap3A_101] {strides = array<i32>} : memref<128x128xf32, #tpu.memory_space<vmem>>, vector<1x16xf32>,
      %swap3A_103 = vector.shape_cast %swap3A_102 : vector<1x16xf32> to vector<16xf32>
      %swap3A_104 = vector.shape_cast %broadcast_in_dim3A_10 : vector<16xf32> to vector<1x16xf32>
      tpu.vector_store %swap3A_99[%swap3A_100, %swap3A_101], %swap3A_104 {strides = array<i32>} : memref<128x128xf32, #tpu.memory_space<vmem>>, vector<1x16xf32>,
      %swap3A_105 = arith.constant 0 : i32
      %swap3A_106 = arith.constant 0 : i32
      %swap3A_107 = tpu.memref_slice %arg5[%scan3A_11, %swap3A_105, %swap3A_106] : memref<2x128x128xf32, #tpu.memory_space<vmem>> -> memref<1x128x128xf32, #tpu.memory_space<vmem>>
      %swap3A_108 = tpu.memref_squeeze %swap3A_107 : memref<1x128x128xf32, #tpu.memory_space<vmem>> -> memref<128x128xf32, #tpu.memory_space<vmem>>
      %swap3A_109 = arith.index_cast %add3A_96 : i32 to index
      %swap3A_110 = arith.constant 16 : index
      %swap3A_111 = tpu.vector_load %swap3A_108[%swap3A_109, %swap3A_110] {strides = array<i32>} : memref<128x128xf32, #tpu.memory_space<vmem>>, vector<1x16xf32>,
      %swap3A_112 = vector.shape_cast %swap3A_111 : vector<1x16xf32> to vector<16xf32>
      %swap3A_113 = vector.shape_cast %broadcast_in_dim3A_10 : vector<16xf32> to vector<1x16xf32>
      tpu.vector_store %swap3A_108[%swap3A_109, %swap3A_110], %swap3A_113 {strides = array<i32>} : memref<128x128xf32, #tpu.memory_space<vmem>>, vector<1x16xf32>,
      %swap3A_114 = arith.constant 0 : i32
      %swap3A_115 = arith.constant 0 : i32
      %swap3A_116 = tpu.memref_slice %arg5[%scan3A_11, %swap3A_114, %swap3A_115] : memref<2x128x128xf32, #tpu.memory_space<vmem>> -> memref<1x128x128xf32, #tpu.memory_space<vmem>>
      %swap3A_117 = tpu.memref_squeeze %swap3A_116 : memref<1x128x128xf32, #tpu.memory_space<vmem>> -> memref<128x128xf32, #tpu.memory_space<vmem>>
      %swap3A_118 = arith.index_cast %add3A_96 : i32 to index
      %swap3A_119 = arith.constant 32 : index
      %swap3A_120 = tpu.vector_load %swap3A_117[%swap3A_118, %swap3A_119] {strides = array<i32>} : memref<128x128xf32, #tpu.memory_space<vmem>>, vector<1x16xf32>,
      %swap3A_121 = vector.shape_cast %swap3A_120 : vector<1x16xf32> to vector<16xf32>
      %swap3A_122 = vector.shape_cast %broadcast_in_dim3A_10 : vector<16xf32> to vector<1x16xf32>
      tpu.vector_store %swap3A_117[%swap3A_118, %swap3A_119], %swap3A_122 {strides = array<i32>} : memref<128x128xf32, #tpu.memory_space<vmem>>, vector<1x16xf32>,
      %swap3A_123 = arith.constant 0 : i32
      %swap3A_124 = arith.constant 0 : i32
      %swap3A_125 = tpu.memref_slice %arg5[%scan3A_11, %swap3A_123, %swap3A_124] : memref<2x128x128xf32, #tpu.memory_space<vmem>> -> memref<1x128x128xf32, #tpu.memory_space<vmem>>
      %swap3A_126 = tpu.memref_squeeze %swap3A_125 : memref<1x128x128xf32, #tpu.memory_space<vmem>> -> memref<128x128xf32, #tpu.memory_space<vmem>>
      %swap3A_127 = arith.index_cast %add3A_96 : i32 to index
      %swap3A_128 = arith.constant 48 : index
      %swap3A_129 = tpu.vector_load %swap3A_126[%swap3A_127, %swap3A_128] {strides = array<i32>} : memref<128x128xf32, #tpu.memory_space<vmem>>, vector<1x16xf32>,
      %swap3A_130 = vector.shape_cast %swap3A_129 : vector<1x16xf32> to vector<16xf32>
      %swap3A_131 = vector.shape_cast %broadcast_in_dim3A_10 : vector<16xf32> to vector<1x16xf32>
      tpu.vector_store %swap3A_126[%swap3A_127, %swap3A_128], %swap3A_131 {strides = array<i32>} : memref<128x128xf32, #tpu.memory_space<vmem>>, vector<1x16xf32>,
      %swap3A_132 = arith.constant 0 : i32
      %swap3A_133 = arith.constant 0 : i32
      %swap3A_134 = tpu.memref_slice %arg5[%scan3A_11, %swap3A_132, %swap3A_133] : memref<2x128x128xf32, #tpu.memory_space<vmem>> -> memref<1x128x128xf32, #tpu.memory_space<vmem>>
      %swap3A_135 = tpu.memref_squeeze %swap3A_134 : memref<1x128x128xf32, #tpu.memory_space<vmem>> -> memref<128x128xf32, #tpu.memory_space<vmem>>
      %swap3A_136 = arith.index_cast %add3A_96 : i32 to index
      %swap3A_137 = arith.constant 64 : index
      %swap3A_138 = tpu.vector_load %swap3A_135[%swap3A_136, %swap3A_137] {strides = array<i32>} : memref<128x128xf32, #tpu.memory_space<vmem>>, vector<1x16xf32>,
      %swap3A_139 = vector.shape_cast %swap3A_138 : vector<1x16xf32> to vector<16xf32>
      %swap3A_140 = vector.shape_cast %broadcast_in_dim3A_10 : vector<16xf32> to vector<1x16xf32>
      tpu.vector_store %swap3A_135[%swap3A_136, %swap3A_137], %swap3A_140 {strides = array<i32>} : memref<128x128xf32, #tpu.memory_space<vmem>>, vector<1x16xf32>,
      %swap3A_141 = arith.constant 0 : i32
      %swap3A_142 = arith.constant 0 : i32
      %swap3A_143 = tpu.memref_slice %arg5[%scan3A_11, %swap3A_141, %swap3A_142] : memref<2x128x128xf32, #tpu.memory_space<vmem>> -> memref<1x128x128xf32, #tpu.memory_space<vmem>>
      %swap3A_144 = tpu.memref_squeeze %swap3A_143 : memref<1x128x128xf32, #tpu.memory_space<vmem>> -> memref<128x128xf32, #tpu.memory_space<vmem>>
      %swap3A_145 = arith.index_cast %add3A_96 : i32 to index
      %swap3A_146 = arith.constant 80 : index
      %swap3A_147 = tpu.vector_load %swap3A_144[%swap3A_145, %swap3A_146] {strides = array<i32>} : memref<128x128xf32, #tpu.memory_space<vmem>>, vector<1x16xf32>,
      %swap3A_148 = vector.shape_cast %swap3A_147 : vector<1x16xf32> to vector<16xf32>
      %swap3A_149 = vector.shape_cast %broadcast_in_dim3A_10 : vector<16xf32> to vector<1x16xf32>
      tpu.vector_store %swap3A_144[%swap3A_145, %swap3A_146], %swap3A_149 {strides = array<i32>} : memref<128x128xf32, #tpu.memory_space<vmem>>, vector<1x16xf32>,
      %swap3A_150 = arith.constant 0 : i32
      %swap3A_151 = arith.constant 0 : i32
      %swap3A_152 = tpu.memref_slice %arg5[%scan3A_11, %swap3A_150, %swap3A_151] : memref<2x128x128xf32, #tpu.memory_space<vmem>> -> memref<1x128x128xf32, #tpu.memory_space<vmem>>
      %swap3A_153 = tpu.memref_squeeze %swap3A_152 : memref<1x128x128xf32, #tpu.memory_space<vmem>> -> memref<128x128xf32, #tpu.memory_space<vmem>>
      %swap3A_154 = arith.index_cast %add3A_96 : i32 to index
      %swap3A_155 = arith.constant 96 : index
      %swap3A_156 = tpu.vector_load %swap3A_153[%swap3A_154, %swap3A_155] {strides = array<i32>} : memref<128x128xf32, #tpu.memory_space<vmem>>, vector<1x16xf32>,
      %swap3A_157 = vector.shape_cast %swap3A_156 : vector<1x16xf32> to vector<16xf32>
      %swap3A_158 = vector.shape_cast %broadcast_in_dim3A_10 : vector<16xf32> to vector<1x16xf32>
      tpu.vector_store %swap3A_153[%swap3A_154, %swap3A_155], %swap3A_158 {strides = array<i32>} : memref<128x128xf32, #tpu.memory_space<vmem>>, vector<1x16xf32>,
      %swap3A_159 = arith.constant 0 : i32
      %swap3A_160 = arith.constant 0 : i32
      %swap3A_161 = tpu.memref_slice %arg5[%scan3A_11, %swap3A_159, %swap3A_160] : memref<2x128x128xf32, #tpu.memory_space<vmem>> -> memref<1x128x128xf32, #tpu.memory_space<vmem>>
      %swap3A_162 = tpu.memref_squeeze %swap3A_161 : memref<1x128x128xf32, #tpu.memory_space<vmem>> -> memref<128x128xf32, #tpu.memory_space<vmem>>
      %swap3A_163 = arith.index_cast %add3A_96 : i32 to index
      %swap3A_164 = arith.constant 112 : index
      %swap3A_165 = tpu.vector_load %swap3A_162[%swap3A_163, %swap3A_164] {strides = array<i32>} : memref<128x128xf32, #tpu.memory_space<vmem>>, vector<1x16xf32>,
      %swap3A_166 = vector.shape_cast %swap3A_165 : vector<1x16xf32> to vector<16xf32>
      %swap3A_167 = vector.shape_cast %broadcast_in_dim3A_10 : vector<16xf32> to vector<1x16xf32>
      tpu.vector_store %swap3A_162[%swap3A_163, %swap3A_164], %swap3A_167 {strides = array<i32>} : memref<128x128xf32, #tpu.memory_space<vmem>>, vector<1x16xf32>,
    }
    %scan3A_16 = arith.constant 128 : i32
    %add3A_17 = arith.constant 0 : i32
    %add3A_18 = arith.addi %mul3A_2, %add3A_17 : i32
    %run_scoped3A = arith.constant 1 : i32
    "tpu.region"() ({
      %run_scoped3A_92 = tpu.sem_alloc : memref<!tpu.dma_semaphore, #tpu.memory_space<semaphore_mem>>
      %dma_start3A_93 = arith.constant 0 : i32
      %dma_start3A_94 = arith.constant 0 : i32
      %dma_start3A_95 = tpu.memref_slice %arg5[%run_scoped3A, %dma_start3A_93, %dma_start3A_94] : memref<2x128x128xf32, #tpu.memory_space<vmem>> -> memref<1x128x128xf32, #tpu.memory_space<vmem>>
      %dma_start3A_96 = tpu.memref_squeeze %dma_start3A_95 : memref<1x128x128xf32, #tpu.memory_space<vmem>> -> memref<128x128xf32, #tpu.memory_space<vmem>>
      %dma_start3A_97 = arith.constant 0 : i32
      %dma_start3A_98 = tpu.memref_slice %arg6[%add3A_18, %dma_start3A_97] : memref<10112x128xf32, #tpu.memory_space<vmem_shared>> -> memref<128x128xf32, #tpu.memory_space<vmem_shared>>
      %dma_start3A_99 = arith.constant 0 : i32
      %dma_start3A_100 = tpu.memref_slice %arg6[%add3A_18, %dma_start3A_99] : memref<10112x128xf32, #tpu.memory_space<vmem_shared>> -> memref<128x128xf32, #tpu.memory_space<vmem_shared>>
      %dma_start3A_101 = arith.constant 0 : i32
      %dma_start3A_102 = arith.constant 0 : i32
      %dma_start3A_103 = tpu.memref_slice %arg5[%run_scoped3A, %dma_start3A_101, %dma_start3A_102] : memref<2x128x128xf32, #tpu.memory_space<vmem>> -> memref<1x128x128xf32, #tpu.memory_space<vmem>>
      %dma_start3A_104 = tpu.memref_squeeze %dma_start3A_103 : memref<1x128x128xf32, #tpu.memory_space<vmem>> -> memref<128x128xf32, #tpu.memory_space<vmem>>
      tpu.enqueue_dma source(%dma_start3A_104 : memref<128x128xf32, #tpu.memory_space<vmem>>) target(%dma_start3A_100 : memref<128x128xf32, #tpu.memory_space<vmem_shared>>) target_semaphore(%run_scoped3A_92 : memref<!tpu.dma_semaphore, #tpu.memory_space<semaphore_mem>>)
      %dma_wait3A = arith.constant 0 : i32
      %dma_wait3A_105 = arith.constant 0 : i32
      %dma_wait3A_106 = tpu.memref_slice %arg5[%run_scoped3A, %dma_wait3A, %dma_wait3A_105] : memref<2x128x128xf32, #tpu.memory_space<vmem>> -> memref<1x128x128xf32, #tpu.memory_space<vmem>>
      %dma_wait3A_107 = tpu.memref_squeeze %dma_wait3A_106 : memref<1x128x128xf32, #tpu.memory_space<vmem>> -> memref<128x128xf32, #tpu.memory_space<vmem>>
      %dma_wait3A_108 = arith.constant 0 : i32
      %dma_wait3A_109 = tpu.memref_slice %arg6[%add3A_18, %dma_wait3A_108] : memref<10112x128xf32, #tpu.memory_space<vmem_shared>> -> memref<128x128xf32, #tpu.memory_space<vmem_shared>>
      %dma_wait3A_110 = arith.constant 0 : i32
      %dma_wait3A_111 = tpu.memref_slice %arg6[%add3A_18, %dma_wait3A_110] : memref<10112x128xf32, #tpu.memory_space<vmem_shared>> -> memref<128x128xf32, #tpu.memory_space<vmem_shared>>
      %dma_wait3A_112 = arith.constant 0 : i32
      %dma_wait3A_113 = arith.constant 0 : i32
      %dma_wait3A_114 = tpu.memref_slice %arg5[%run_scoped3A, %dma_wait3A_112, %dma_wait3A_113] : memref<2x128x128xf32, #tpu.memory_space<vmem>> -> memref<1x128x128xf32, #tpu.memory_space<vmem>>
      %dma_wait3A_115 = tpu.memref_squeeze %dma_wait3A_114 : memref<1x128x128xf32, #tpu.memory_space<vmem>> -> memref<128x128xf32, #tpu.memory_space<vmem>>
      tpu.wait_dma2 semaphore(%run_scoped3A_92 : memref<!tpu.dma_semaphore, #tpu.memory_space<semaphore_mem>>) src(%dma_wait3A_115 : memref<128x128xf32, #tpu.memory_space<vmem>>) dst(%dma_wait3A_111 : memref<128x128xf32, #tpu.memory_space<vmem_shared>>)
      tpu.yield
    }) : () -> ()
    %add3A_19 = arith.constant 128 : i32
    %add3A_20 = arith.addi %mul3A_2, %add3A_19 : i32
    %run_scoped3A_21 = arith.constant 1 : i32
    "tpu.region"() ({
      %run_scoped3A_92 = tpu.sem_alloc : memref<!tpu.dma_semaphore, #tpu.memory_space<semaphore_mem>>
      %dma_start3A_93 = arith.constant 0 : i32
      %dma_start3A_94 = arith.constant 0 : i32
      %dma_start3A_95 = tpu.memref_slice %arg5[%run_scoped3A_21, %dma_start3A_93, %dma_start3A_94] : memref<2x128x128xf32, #tpu.memory_space<vmem>> -> memref<1x128x128xf32, #tpu.memory_space<vmem>>
      %dma_start3A_96 = tpu.memref_squeeze %dma_start3A_95 : memref<1x128x128xf32, #tpu.memory_space<vmem>> -> memref<128x128xf32, #tpu.memory_space<vmem>>
      %dma_start3A_97 = arith.constant 0 : i32
      %dma_start3A_98 = tpu.memref_slice %arg6[%add3A_20, %dma_start3A_97] : memref<10112x128xf32, #tpu.memory_space<vmem_shared>> -> memref<128x128xf32, #tpu.memory_space<vmem_shared>>
      %dma_start3A_99 = arith.constant 0 : i32
      %dma_start3A_100 = tpu.memref_slice %arg6[%add3A_20, %dma_start3A_99] : memref<10112x128xf32, #tpu.memory_space<vmem_shared>> -> memref<128x128xf32, #tpu.memory_space<vmem_shared>>
      %dma_start3A_101 = arith.constant 0 : i32
      %dma_start3A_102 = arith.constant 0 : i32
      %dma_start3A_103 = tpu.memref_slice %arg5[%run_scoped3A_21, %dma_start3A_101, %dma_start3A_102] : memref<2x128x128xf32, #tpu.memory_space<vmem>> -> memref<1x128x128xf32, #tpu.memory_space<vmem>>
      %dma_start3A_104 = tpu.memref_squeeze %dma_start3A_103 : memref<1x128x128xf32, #tpu.memory_space<vmem>> -> memref<128x128xf32, #tpu.memory_space<vmem>>
      tpu.enqueue_dma source(%dma_start3A_104 : memref<128x128xf32, #tpu.memory_space<vmem>>) target(%dma_start3A_100 : memref<128x128xf32, #tpu.memory_space<vmem_shared>>) target_semaphore(%run_scoped3A_92 : memref<!tpu.dma_semaphore, #tpu.memory_space<semaphore_mem>>)
      %dma_wait3A = arith.constant 0 : i32
      %dma_wait3A_105 = arith.constant 0 : i32
      %dma_wait3A_106 = tpu.memref_slice %arg5[%run_scoped3A_21, %dma_wait3A, %dma_wait3A_105] : memref<2x128x128xf32, #tpu.memory_space<vmem>> -> memref<1x128x128xf32, #tpu.memory_space<vmem>>
      %dma_wait3A_107 = tpu.memref_squeeze %dma_wait3A_106 : memref<1x128x128xf32, #tpu.memory_space<vmem>> -> memref<128x128xf32, #tpu.memory_space<vmem>>
      %dma_wait3A_108 = arith.constant 0 : i32
      %dma_wait3A_109 = tpu.memref_slice %arg6[%add3A_20, %dma_wait3A_108] : memref<10112x128xf32, #tpu.memory_space<vmem_shared>> -> memref<128x128xf32, #tpu.memory_space<vmem_shared>>
      %dma_wait3A_110 = arith.constant 0 : i32
      %dma_wait3A_111 = tpu.memref_slice %arg6[%add3A_20, %dma_wait3A_110] : memref<10112x128xf32, #tpu.memory_space<vmem_shared>> -> memref<128x128xf32, #tpu.memory_space<vmem_shared>>
      %dma_wait3A_112 = arith.constant 0 : i32
      %dma_wait3A_113 = arith.constant 0 : i32
      %dma_wait3A_114 = tpu.memref_slice %arg5[%run_scoped3A_21, %dma_wait3A_112, %dma_wait3A_113] : memref<2x128x128xf32, #tpu.memory_space<vmem>> -> memref<1x128x128xf32, #tpu.memory_space<vmem>>
      %dma_wait3A_115 = tpu.memref_squeeze %dma_wait3A_114 : memref<1x128x128xf32, #tpu.memory_space<vmem>> -> memref<128x128xf32, #tpu.memory_space<vmem>>
      tpu.wait_dma2 semaphore(%run_scoped3A_92 : memref<!tpu.dma_semaphore, #tpu.memory_space<semaphore_mem>>) src(%dma_wait3A_115 : memref<128x128xf32, #tpu.memory_space<vmem>>) dst(%dma_wait3A_111 : memref<128x128xf32, #tpu.memory_space<vmem_shared>>)
      tpu.yield
    }) : () -> ()
    %add3A_22 = arith.constant 256 : i32
    %add3A_23 = arith.addi %mul3A_2, %add3A_22 : i32
    %run_scoped3A_24 = arith.constant 1 : i32
    "tpu.region"() ({
      %run_scoped3A_92 = tpu.sem_alloc : memref<!tpu.dma_semaphore, #tpu.memory_space<semaphore_mem>>
      %dma_start3A_93 = arith.constant 0 : i32
      %dma_start3A_94 = arith.constant 0 : i32
      %dma_start3A_95 = tpu.memref_slice %arg5[%run_scoped3A_24, %dma_start3A_93, %dma_start3A_94] : memref<2x128x128xf32, #tpu.memory_space<vmem>> -> memref<1x128x128xf32, #tpu.memory_space<vmem>>
      %dma_start3A_96 = tpu.memref_squeeze %dma_start3A_95 : memref<1x128x128xf32, #tpu.memory_space<vmem>> -> memref<128x128xf32, #tpu.memory_space<vmem>>
      %dma_start3A_97 = arith.constant 0 : i32
      %dma_start3A_98 = tpu.memref_slice %arg6[%add3A_23, %dma_start3A_97] : memref<10112x128xf32, #tpu.memory_space<vmem_shared>> -> memref<128x128xf32, #tpu.memory_space<vmem_shared>>
      %dma_start3A_99 = arith.constant 0 : i32
      %dma_start3A_100 = tpu.memref_slice %arg6[%add3A_23, %dma_start3A_99] : memref<10112x128xf32, #tpu.memory_space<vmem_shared>> -> memref<128x128xf32, #tpu.memory_space<vmem_shared>>
      %dma_start3A_101 = arith.constant 0 : i32
      %dma_start3A_102 = arith.constant 0 : i32
      %dma_start3A_103 = tpu.memref_slice %arg5[%run_scoped3A_24, %dma_start3A_101, %dma_start3A_102] : memref<2x128x128xf32, #tpu.memory_space<vmem>> -> memref<1x128x128xf32, #tpu.memory_space<vmem>>
      %dma_start3A_104 = tpu.memref_squeeze %dma_start3A_103 : memref<1x128x128xf32, #tpu.memory_space<vmem>> -> memref<128x128xf32, #tpu.memory_space<vmem>>
      tpu.enqueue_dma source(%dma_start3A_104 : memref<128x128xf32, #tpu.memory_space<vmem>>) target(%dma_start3A_100 : memref<128x128xf32, #tpu.memory_space<vmem_shared>>) target_semaphore(%run_scoped3A_92 : memref<!tpu.dma_semaphore, #tpu.memory_space<semaphore_mem>>)
      %dma_wait3A = arith.constant 0 : i32
      %dma_wait3A_105 = arith.constant 0 : i32
      %dma_wait3A_106 = tpu.memref_slice %arg5[%run_scoped3A_24, %dma_wait3A, %dma_wait3A_105] : memref<2x128x128xf32, #tpu.memory_space<vmem>> -> memref<1x128x128xf32, #tpu.memory_space<vmem>>
      %dma_wait3A_107 = tpu.memref_squeeze %dma_wait3A_106 : memref<1x128x128xf32, #tpu.memory_space<vmem>> -> memref<128x128xf32, #tpu.memory_space<vmem>>
      %dma_wait3A_108 = arith.constant 0 : i32
      %dma_wait3A_109 = tpu.memref_slice %arg6[%add3A_23, %dma_wait3A_108] : memref<10112x128xf32, #tpu.memory_space<vmem_shared>> -> memref<128x128xf32, #tpu.memory_space<vmem_shared>>
      %dma_wait3A_110 = arith.constant 0 : i32
      %dma_wait3A_111 = tpu.memref_slice %arg6[%add3A_23, %dma_wait3A_110] : memref<10112x128xf32, #tpu.memory_space<vmem_shared>> -> memref<128x128xf32, #tpu.memory_space<vmem_shared>>
      %dma_wait3A_112 = arith.constant 0 : i32
      %dma_wait3A_113 = arith.constant 0 : i32
      %dma_wait3A_114 = tpu.memref_slice %arg5[%run_scoped3A_24, %dma_wait3A_112, %dma_wait3A_113] : memref<2x128x128xf32, #tpu.memory_space<vmem>> -> memref<1x128x128xf32, #tpu.memory_space<vmem>>
      %dma_wait3A_115 = tpu.memref_squeeze %dma_wait3A_114 : memref<1x128x128xf32, #tpu.memory_space<vmem>> -> memref<128x128xf32, #tpu.memory_space<vmem>>
      tpu.wait_dma2 semaphore(%run_scoped3A_92 : memref<!tpu.dma_semaphore, #tpu.memory_space<semaphore_mem>>) src(%dma_wait3A_115 : memref<128x128xf32, #tpu.memory_space<vmem>>) dst(%dma_wait3A_111 : memref<128x128xf32, #tpu.memory_space<vmem_shared>>)
      tpu.yield
    }) : () -> ()
    %add3A_25 = arith.constant 384 : i32
    %add3A_26 = arith.addi %mul3A_2, %add3A_25 : i32
    %run_scoped3A_27 = arith.constant 1 : i32
    "tpu.region"() ({
      %run_scoped3A_92 = tpu.sem_alloc : memref<!tpu.dma_semaphore, #tpu.memory_space<semaphore_mem>>
      %dma_start3A_93 = arith.constant 0 : i32
      %dma_start3A_94 = arith.constant 0 : i32
      %dma_start3A_95 = tpu.memref_slice %arg5[%run_scoped3A_27, %dma_start3A_93, %dma_start3A_94] : memref<2x128x128xf32, #tpu.memory_space<vmem>> -> memref<1x128x128xf32, #tpu.memory_space<vmem>>
      %dma_start3A_96 = tpu.memref_squeeze %dma_start3A_95 : memref<1x128x128xf32, #tpu.memory_space<vmem>> -> memref<128x128xf32, #tpu.memory_space<vmem>>
      %dma_start3A_97 = arith.constant 0 : i32
      %dma_start3A_98 = tpu.memref_slice %arg6[%add3A_26, %dma_start3A_97] : memref<10112x128xf32, #tpu.memory_space<vmem_shared>> -> memref<128x128xf32, #tpu.memory_space<vmem_shared>>
      %dma_start3A_99 = arith.constant 0 : i32
      %dma_start3A_100 = tpu.memref_slice %arg6[%add3A_26, %dma_start3A_99] : memref<10112x128xf32, #tpu.memory_space<vmem_shared>> -> memref<128x128xf32, #tpu.memory_space<vmem_shared>>
      %dma_start3A_101 = arith.constant 0 : i32
      %dma_start3A_102 = arith.constant 0 : i32
      %dma_start3A_103 = tpu.memref_slice %arg5[%run_scoped3A_27, %dma_start3A_101, %dma_start3A_102] : memref<2x128x128xf32, #tpu.memory_space<vmem>> -> memref<1x128x128xf32, #tpu.memory_space<vmem>>
      %dma_start3A_104 = tpu.memref_squeeze %dma_start3A_103 : memref<1x128x128xf32, #tpu.memory_space<vmem>> -> memref<128x128xf32, #tpu.memory_space<vmem>>
      tpu.enqueue_dma source(%dma_start3A_104 : memref<128x128xf32, #tpu.memory_space<vmem>>) target(%dma_start3A_100 : memref<128x128xf32, #tpu.memory_space<vmem_shared>>) target_semaphore(%run_scoped3A_92 : memref<!tpu.dma_semaphore, #tpu.memory_space<semaphore_mem>>)
      %dma_wait3A = arith.constant 0 : i32
      %dma_wait3A_105 = arith.constant 0 : i32
      %dma_wait3A_106 = tpu.memref_slice %arg5[%run_scoped3A_27, %dma_wait3A, %dma_wait3A_105] : memref<2x128x128xf32, #tpu.memory_space<vmem>> -> memref<1x128x128xf32, #tpu.memory_space<vmem>>
      %dma_wait3A_107 = tpu.memref_squeeze %dma_wait3A_106 : memref<1x128x128xf32, #tpu.memory_space<vmem>> -> memref<128x128xf32, #tpu.memory_space<vmem>>
      %dma_wait3A_108 = arith.constant 0 : i32
      %dma_wait3A_109 = tpu.memref_slice %arg6[%add3A_26, %dma_wait3A_108] : memref<10112x128xf32, #tpu.memory_space<vmem_shared>> -> memref<128x128xf32, #tpu.memory_space<vmem_shared>>
      %dma_wait3A_110 = arith.constant 0 : i32
      %dma_wait3A_111 = tpu.memref_slice %arg6[%add3A_26, %dma_wait3A_110] : memref<10112x128xf32, #tpu.memory_space<vmem_shared>> -> memref<128x128xf32, #tpu.memory_space<vmem_shared>>
      %dma_wait3A_112 = arith.constant 0 : i32
      %dma_wait3A_113 = arith.constant 0 : i32
      %dma_wait3A_114 = tpu.memref_slice %arg5[%run_scoped3A_27, %dma_wait3A_112, %dma_wait3A_113] : memref<2x128x128xf32, #tpu.memory_space<vmem>> -> memref<1x128x128xf32, #tpu.memory_space<vmem>>
      %dma_wait3A_115 = tpu.memref_squeeze %dma_wait3A_114 : memref<1x128x128xf32, #tpu.memory_space<vmem>> -> memref<128x128xf32, #tpu.memory_space<vmem>>
      tpu.wait_dma2 semaphore(%run_scoped3A_92 : memref<!tpu.dma_semaphore, #tpu.memory_space<semaphore_mem>>) src(%dma_wait3A_115 : memref<128x128xf32, #tpu.memory_space<vmem>>) dst(%dma_wait3A_111 : memref<128x128xf32, #tpu.memory_space<vmem_shared>>)
      tpu.yield
    }) : () -> ()
    %add3A_28 = arith.constant 512 : i32
    %add3A_29 = arith.addi %mul3A_2, %add3A_28 : i32
    %run_scoped3A_30 = arith.constant 1 : i32
    "tpu.region"() ({
      %run_scoped3A_92 = tpu.sem_alloc : memref<!tpu.dma_semaphore, #tpu.memory_space<semaphore_mem>>
      %dma_start3A_93 = arith.constant 0 : i32
      %dma_start3A_94 = arith.constant 0 : i32
      %dma_start3A_95 = tpu.memref_slice %arg5[%run_scoped3A_30, %dma_start3A_93, %dma_start3A_94] : memref<2x128x128xf32, #tpu.memory_space<vmem>> -> memref<1x128x128xf32, #tpu.memory_space<vmem>>
      %dma_start3A_96 = tpu.memref_squeeze %dma_start3A_95 : memref<1x128x128xf32, #tpu.memory_space<vmem>> -> memref<128x128xf32, #tpu.memory_space<vmem>>
      %dma_start3A_97 = arith.constant 0 : i32
      %dma_start3A_98 = arith.constant 0 : i32
      %dma_start3A_99 = tpu.memref_slice %dma_start3A_96[%dma_start3A_97, %dma_start3A_98] : memref<128x128xf32, #tpu.memory_space<vmem>> -> memref<120x128xf32, #tpu.memory_space<vmem>>
      %dma_start3A_100 = arith.constant 0 : i32
      %dma_start3A_101 = tpu.memref_slice %arg6[%add3A_29, %dma_start3A_100] : memref<10112x128xf32, #tpu.memory_space<vmem_shared>> -> memref<120x128xf32, #tpu.memory_space<vmem_shared>>
      %dma_start3A_102 = arith.constant 0 : i32
      %dma_start3A_103 = tpu.memref_slice %arg6[%add3A_29, %dma_start3A_102] : memref<10112x128xf32, #tpu.memory_space<vmem_shared>> -> memref<120x128xf32, #tpu.memory_space<vmem_shared>>
      %dma_start3A_104 = arith.constant 0 : i32
      %dma_start3A_105 = arith.constant 0 : i32
      %dma_start3A_106 = tpu.memref_slice %arg5[%run_scoped3A_30, %dma_start3A_104, %dma_start3A_105] : memref<2x128x128xf32, #tpu.memory_space<vmem>> -> memref<1x128x128xf32, #tpu.memory_space<vmem>>
      %dma_start3A_107 = tpu.memref_squeeze %dma_start3A_106 : memref<1x128x128xf32, #tpu.memory_space<vmem>> -> memref<128x128xf32, #tpu.memory_space<vmem>>
      %dma_start3A_108 = arith.constant 0 : i32
      %dma_start3A_109 = arith.constant 0 : i32
      %dma_start3A_110 = tpu.memref_slice %dma_start3A_107[%dma_start3A_108, %dma_start3A_109] : memref<128x128xf32, #tpu.memory_space<vmem>> -> memref<120x128xf32, #tpu.memory_space<vmem>>
      tpu.enqueue_dma source(%dma_start3A_110 : memref<120x128xf32, #tpu.memory_space<vmem>>) target(%dma_start3A_103 : memref<120x128xf32, #tpu.memory_space<vmem_shared>>) target_semaphore(%run_scoped3A_92 : memref<!tpu.dma_semaphore, #tpu.memory_space<semaphore_mem>>)
      %dma_wait3A = arith.constant 0 : i32
      %dma_wait3A_111 = arith.constant 0 : i32
      %dma_wait3A_112 = tpu.memref_slice %arg5[%run_scoped3A_30, %dma_wait3A, %dma_wait3A_111] : memref<2x128x128xf32, #tpu.memory_space<vmem>> -> memref<1x128x128xf32, #tpu.memory_space<vmem>>
      %dma_wait3A_113 = tpu.memref_squeeze %dma_wait3A_112 : memref<1x128x128xf32, #tpu.memory_space<vmem>> -> memref<128x128xf32, #tpu.memory_space<vmem>>
      %dma_wait3A_114 = arith.constant 0 : i32
      %dma_wait3A_115 = arith.constant 0 : i32
      %dma_wait3A_116 = tpu.memref_slice %dma_wait3A_113[%dma_wait3A_114, %dma_wait3A_115] : memref<128x128xf32, #tpu.memory_space<vmem>> -> memref<120x128xf32, #tpu.memory_space<vmem>>
      %dma_wait3A_117 = arith.constant 0 : i32
      %dma_wait3A_118 = tpu.memref_slice %arg6[%add3A_29, %dma_wait3A_117] : memref<10112x128xf32, #tpu.memory_space<vmem_shared>> -> memref<120x128xf32, #tpu.memory_space<vmem_shared>>
      %dma_wait3A_119 = arith.constant 0 : i32
      %dma_wait3A_120 = tpu.memref_slice %arg6[%add3A_29, %dma_wait3A_119] : memref<10112x128xf32, #tpu.memory_space<vmem_shared>> -> memref<120x128xf32, #tpu.memory_space<vmem_shared>>
      %dma_wait3A_121 = arith.constant 0 : i32
      %dma_wait3A_122 = arith.constant 0 : i32
      %dma_wait3A_123 = tpu.memref_slice %arg5[%run_scoped3A_30, %dma_wait3A_121, %dma_wait3A_122] : memref<2x128x128xf32, #tpu.memory_space<vmem>> -> memref<1x128x128xf32, #tpu.memory_space<vmem>>
      %dma_wait3A_124 = tpu.memref_squeeze %dma_wait3A_123 : memref<1x128x128xf32, #tpu.memory_space<vmem>> -> memref<128x128xf32, #tpu.memory_space<vmem>>
      %dma_wait3A_125 = arith.constant 0 : i32
      %dma_wait3A_126 = arith.constant 0 : i32
      %dma_wait3A_127 = tpu.memref_slice %dma_wait3A_124[%dma_wait3A_125, %dma_wait3A_126] : memref<128x128xf32, #tpu.memory_space<vmem>> -> memref<120x128xf32, #tpu.memory_space<vmem>>
      tpu.wait_dma2 semaphore(%run_scoped3A_92 : memref<!tpu.dma_semaphore, #tpu.memory_space<semaphore_mem>>) src(%dma_wait3A_127 : memref<120x128xf32, #tpu.memory_space<vmem>>) dst(%dma_wait3A_120 : memref<120x128xf32, #tpu.memory_space<vmem_shared>>)
      tpu.yield
    }) : () -> ()
    %barrier3A = arith.constant 0 : index
    tpu.barrier barrier_id(%barrier3A)
    %dma_start3A = arith.constant 0 : i32
    %dma_start3A_31 = arith.constant 0 : i32
    %dma_start3A_32 = arith.constant 0 : i32
    %dma_start3A_33 = arith.constant 0 : i32
    %dma_start3A_34 = tpu.memref_slice %arg4[%dma_start3A_31, %dma_start3A_32, %dma_start3A_33] : memref<2x2x128xi32, #tpu.memory_space<vmem>> -> memref<1x2x128xi32, #tpu.memory_space<vmem>>
    %dma_start3A_35 = tpu.memref_squeeze %dma_start3A_34 : memref<1x2x128xi32, #tpu.memory_space<vmem>> -> memref<2x128xi32, #tpu.memory_space<vmem>>
    %dma_start3A_36 = arith.constant 0 : i32
    %dma_start3A_37 = arith.constant 0 : i32
    %dma_start3A_38 = arith.constant 0 : i32
    %dma_start3A_39 = tpu.memref_slice %arg2[%add3A, %dma_start3A_36, %dma_start3A_37, %dma_start3A_38] : memref<32x80x2x128xi32, #tpu.memory_space<hbm>> -> memref<1x80x2x128xi32, #tpu.memory_space<hbm>>
    %dma_start3A_40 = tpu.memref_squeeze %dma_start3A_39 : memref<1x80x2x128xi32, #tpu.memory_space<hbm>> -> memref<80x2x128xi32, #tpu.memory_space<hbm>>
    %dma_start3A_41 = arith.constant 0 : i32
    %dma_start3A_42 = arith.constant 0 : i32
    %dma_start3A_43 = tpu.memref_slice %dma_start3A_40[%dma_start3A, %dma_start3A_41, %dma_start3A_42] : memref<80x2x128xi32, #tpu.memory_space<hbm>> -> memref<1x2x128xi32, #tpu.memory_space<hbm>>
    %dma_start3A_44 = tpu.memref_squeeze %dma_start3A_43 : memref<1x2x128xi32, #tpu.memory_space<hbm>> -> memref<2x128xi32, #tpu.memory_space<hbm>>
    %dma_start3A_45 = arith.constant 0 : i32
    %dma_start3A_46 = arith.constant 0 : i32
    %dma_start3A_47 = tpu.memref_slice %arg4[%dma_start3A_31, %dma_start3A_45, %dma_start3A_46] : memref<2x2x128xi32, #tpu.memory_space<vmem>> -> memref<1x2x128xi32, #tpu.memory_space<vmem>>
    %dma_start3A_48 = tpu.memref_squeeze %dma_start3A_47 : memref<1x2x128xi32, #tpu.memory_space<vmem>> -> memref<2x128xi32, #tpu.memory_space<vmem>>
    %dma_start3A_49 = arith.constant 0 : i32
    %dma_start3A_50 = arith.constant 0 : i32
    %dma_start3A_51 = arith.constant 0 : i32
    %dma_start3A_52 = tpu.memref_slice %arg2[%add3A, %dma_start3A_49, %dma_start3A_50, %dma_start3A_51] : memref<32x80x2x128xi32, #tpu.memory_space<hbm>> -> memref<1x80x2x128xi32, #tpu.memory_space<hbm>>
    %dma_start3A_53 = tpu.memref_squeeze %dma_start3A_52 : memref<1x80x2x128xi32, #tpu.memory_space<hbm>> -> memref<80x2x128xi32, #tpu.memory_space<hbm>>
    %dma_start3A_54 = arith.constant 0 : i32
    %dma_start3A_55 = arith.constant 0 : i32
    %dma_start3A_56 = tpu.memref_slice %dma_start3A_53[%dma_start3A, %dma_start3A_54, %dma_start3A_55] : memref<80x2x128xi32, #tpu.memory_space<hbm>> -> memref<1x2x128xi32, #tpu.memory_space<hbm>>
    %dma_start3A_57 = tpu.memref_squeeze %dma_start3A_56 : memref<1x2x128xi32, #tpu.memory_space<hbm>> -> memref<2x128xi32, #tpu.memory_space<hbm>>
    tpu.enqueue_dma source(%dma_start3A_57 : memref<2x128xi32, #tpu.memory_space<hbm>>) target(%dma_start3A_48 : memref<2x128xi32, #tpu.memory_space<vmem>>) target_semaphore(%arg7 : memref<!tpu.dma_semaphore, #tpu.memory_space<semaphore_mem>>)
    %dma_start3A_58 = arith.constant 1 : i32
    %dma_start3A_59 = arith.constant 1 : i32
    %dma_start3A_60 = arith.constant 0 : i32
    %dma_start3A_61 = arith.constant 0 : i32
    %dma_start3A_62 = tpu.memref_slice %arg4[%dma_start3A_59, %dma_start3A_60, %dma_start3A_61] : memref<2x2x128xi32, #tpu.memory_space<vmem>> -> memref<1x2x128xi32, #tpu.memory_space<vmem>>
    %dma_start3A_63 = tpu.memref_squeeze %dma_start3A_62 : memref<1x2x128xi32, #tpu.memory_space<vmem>> -> memref<2x128xi32, #tpu.memory_space<vmem>>
    %dma_start3A_64 = arith.constant 0 : i32
    %dma_start3A_65 = arith.constant 0 : i32
    %dma_start3A_66 = arith.constant 0 : i32
    %dma_start3A_67 = tpu.memref_slice %arg2[%add3A, %dma_start3A_64, %dma_start3A_65, %dma_start3A_66] : memref<32x80x2x128xi32, #tpu.memory_space<hbm>> -> memref<1x80x2x128xi32, #tpu.memory_space<hbm>>
    %dma_start3A_68 = tpu.memref_squeeze %dma_start3A_67 : memref<1x80x2x128xi32, #tpu.memory_space<hbm>> -> memref<80x2x128xi32, #tpu.memory_space<hbm>>
    %dma_start3A_69 = arith.constant 0 : i32
    %dma_start3A_70 = arith.constant 0 : i32
    %dma_start3A_71 = tpu.memref_slice %dma_start3A_68[%dma_start3A_58, %dma_start3A_69, %dma_start3A_70] : memref<80x2x128xi32, #tpu.memory_space<hbm>> -> memref<1x2x128xi32, #tpu.memory_space<hbm>>
    %dma_start3A_72 = tpu.memref_squeeze %dma_start3A_71 : memref<1x2x128xi32, #tpu.memory_space<hbm>> -> memref<2x128xi32, #tpu.memory_space<hbm>>
    %dma_start3A_73 = arith.constant 0 : i32
    %dma_start3A_74 = arith.constant 0 : i32
    %dma_start3A_75 = tpu.memref_slice %arg4[%dma_start3A_59, %dma_start3A_73, %dma_start3A_74] : memref<2x2x128xi32, #tpu.memory_space<vmem>> -> memref<1x2x128xi32, #tpu.memory_space<vmem>>
    %dma_start3A_76 = tpu.memref_squeeze %dma_start3A_75 : memref<1x2x128xi32, #tpu.memory_space<vmem>> -> memref<2x128xi32, #tpu.memory_space<vmem>>
    %dma_start3A_77 = arith.constant 0 : i32
    %dma_start3A_78 = arith.constant 0 : i32
    %dma_start3A_79 = arith.constant 0 : i32
    %dma_start3A_80 = tpu.memref_slice %arg2[%add3A, %dma_start3A_77, %dma_start3A_78, %dma_start3A_79] : memref<32x80x2x128xi32, #tpu.memory_space<hbm>> -> memref<1x80x2x128xi32, #tpu.memory_space<hbm>>
    %dma_start3A_81 = tpu.memref_squeeze %dma_start3A_80 : memref<1x80x2x128xi32, #tpu.memory_space<hbm>> -> memref<80x2x128xi32, #tpu.memory_space<hbm>>
    %dma_start3A_82 = arith.constant 0 : i32
    %dma_start3A_83 = arith.constant 0 : i32
    %dma_start3A_84 = tpu.memref_slice %dma_start3A_81[%dma_start3A_58, %dma_start3A_82, %dma_start3A_83] : memref<80x2x128xi32, #tpu.memory_space<hbm>> -> memref<1x2x128xi32, #tpu.memory_space<hbm>>
    %dma_start3A_85 = tpu.memref_squeeze %dma_start3A_84 : memref<1x2x128xi32, #tpu.memory_space<hbm>> -> memref<2x128xi32, #tpu.memory_space<hbm>>
    tpu.enqueue_dma source(%dma_start3A_85 : memref<2x128xi32, #tpu.memory_space<hbm>>) target(%dma_start3A_76 : memref<2x128xi32, #tpu.memory_space<vmem>>) target_semaphore(%arg8 : memref<!tpu.dma_semaphore, #tpu.memory_space<semaphore_mem>>)
    %scan3A_86 = arith.constant 0 : i32
    %scan3A_87 = arith.constant 40 : i32
    %scan3A_88 = arith.addi %scan3A_86, %scan3A_87 : i32
    %scan3A_89 = arith.constant 1 : i32
    scf.for %scan3A_92 = %scan3A_86 to %scan3A_88 step %scan3A_89  : i32 {
      %mul3A_93 = arith.constant 2 : i32
      %mul3A_94 = arith.muli %scan3A_92, %mul3A_93 : i32
      %add3A_95 = arith.constant 0 : i32
      %add3A_96 = arith.addi %add3A_95, %mul3A_94 : i32
      %add3A_97 = arith.constant 0 : i32
      %add3A_98 = arith.addi %add3A_96, %add3A_97 : i32
      %dma_wait3A = arith.constant 0 : i32
      %dma_wait3A_99 = arith.constant 0 : i32
      %dma_wait3A_100 = arith.constant 0 : i32
      %dma_wait3A_101 = tpu.memref_slice %arg4[%dma_wait3A, %dma_wait3A_99, %dma_wait3A_100] : memref<2x2x128xi32, #tpu.memory_space<vmem>> -> memref<1x2x128xi32, #tpu.memory_space<vmem>>
      %dma_wait3A_102 = tpu.memref_squeeze %dma_wait3A_101 : memref<1x2x128xi32, #tpu.memory_space<vmem>> -> memref<2x128xi32, #tpu.memory_space<vmem>>
      %dma_wait3A_103 = arith.constant 0 : i32
      %dma_wait3A_104 = arith.constant 0 : i32
      %dma_wait3A_105 = arith.constant 0 : i32
      %dma_wait3A_106 = tpu.memref_slice %arg2[%add3A, %dma_wait3A_103, %dma_wait3A_104, %dma_wait3A_105] : memref<32x80x2x128xi32, #tpu.memory_space<hbm>> -> memref<1x80x2x128xi32, #tpu.memory_space<hbm>>
      %dma_wait3A_107 = tpu.memref_squeeze %dma_wait3A_106 : memref<1x80x2x128xi32, #tpu.memory_space<hbm>> -> memref<80x2x128xi32, #tpu.memory_space<hbm>>
      %dma_wait3A_108 = arith.constant 0 : i32
      %dma_wait3A_109 = arith.constant 0 : i32
      %dma_wait3A_110 = tpu.memref_slice %dma_wait3A_107[%add3A_98, %dma_wait3A_108, %dma_wait3A_109] : memref<80x2x128xi32, #tpu.memory_space<hbm>> -> memref<1x2x128xi32, #tpu.memory_space<hbm>>
      %dma_wait3A_111 = tpu.memref_squeeze %dma_wait3A_110 : memref<1x2x128xi32, #tpu.memory_space<hbm>> -> memref<2x128xi32, #tpu.memory_space<hbm>>
      %dma_wait3A_112 = arith.constant 0 : i32
      %dma_wait3A_113 = arith.constant 0 : i32
      %dma_wait3A_114 = tpu.memref_slice %arg4[%dma_wait3A, %dma_wait3A_112, %dma_wait3A_113] : memref<2x2x128xi32, #tpu.memory_space<vmem>> -> memref<1x2x128xi32, #tpu.memory_space<vmem>>
      %dma_wait3A_115 = tpu.memref_squeeze %dma_wait3A_114 : memref<1x2x128xi32, #tpu.memory_space<vmem>> -> memref<2x128xi32, #tpu.memory_space<vmem>>
      %dma_wait3A_116 = arith.constant 0 : i32
      %dma_wait3A_117 = arith.constant 0 : i32
      %dma_wait3A_118 = arith.constant 0 : i32
      %dma_wait3A_119 = tpu.memref_slice %arg2[%add3A, %dma_wait3A_116, %dma_wait3A_117, %dma_wait3A_118] : memref<32x80x2x128xi32, #tpu.memory_space<hbm>> -> memref<1x80x2x128xi32, #tpu.memory_space<hbm>>
      %dma_wait3A_120 = tpu.memref_squeeze %dma_wait3A_119 : memref<1x80x2x128xi32, #tpu.memory_space<hbm>> -> memref<80x2x128xi32, #tpu.memory_space<hbm>>
      %dma_wait3A_121 = arith.constant 0 : i32
      %dma_wait3A_122 = arith.constant 0 : i32
      %dma_wait3A_123 = tpu.memref_slice %dma_wait3A_120[%add3A_98, %dma_wait3A_121, %dma_wait3A_122] : memref<80x2x128xi32, #tpu.memory_space<hbm>> -> memref<1x2x128xi32, #tpu.memory_space<hbm>>
      %dma_wait3A_124 = tpu.memref_squeeze %dma_wait3A_123 : memref<1x2x128xi32, #tpu.memory_space<hbm>> -> memref<2x128xi32, #tpu.memory_space<hbm>>
      tpu.wait_dma2 semaphore(%arg7 : memref<!tpu.dma_semaphore, #tpu.memory_space<semaphore_mem>>) src(%dma_wait3A_124 : memref<2x128xi32, #tpu.memory_space<hbm>>) dst(%dma_wait3A_115 : memref<2x128xi32, #tpu.memory_space<vmem>>)
      %run_scoped3A_125 = arith.constant 0 : i32
      %run_scoped3A_126 = arith.constant 0 : i32
      %run_scoped3A_127 = arith.constant 1 : i32
      "tpu.region"() ({
        %run_scoped3A_171 = tpu.sem_alloc : memref<!tpu.dma_semaphore, #tpu.memory_space<semaphore_mem>>
        %dma_start3A_172 = arith.constant 0 : i32
        %dma_start3A_173 = arith.constant 0 : i32
        %dma_start3A_174 = tpu.memref_slice %arg5[%run_scoped3A_125, %dma_start3A_172, %dma_start3A_173] : memref<2x128x128xf32, #tpu.memory_space<vmem>> -> memref<1x128x128xf32, #tpu.memory_space<vmem>>
        %dma_start3A_175 = tpu.memref_squeeze %dma_start3A_174 : memref<1x128x128xf32, #tpu.memory_space<vmem>> -> memref<128x128xf32, #tpu.memory_space<vmem>>
        %dma_start3A_176 = arith.constant 0 : i32
        %dma_start3A_177 = tpu.memref_slice %arg4[%run_scoped3A_126, %run_scoped3A_127, %dma_start3A_176] : memref<2x2x128xi32, #tpu.memory_space<vmem>> -> memref<1x1x128xi32, #tpu.memory_space<vmem>>
        %dma_start3A_178 = tpu.memref_squeeze %dma_start3A_177 : memref<1x1x128xi32, #tpu.memory_space<vmem>> -> memref<128xi32, #tpu.memory_space<vmem>>
        %dma_start3A_179 = arith.constant 0 : i32
        %dma_start3A_180 = arith.constant 0 : i32
        %dma_start3A_181 = tpu.memref_slice %arg6[%dma_start3A_179, %dma_start3A_180] : memref<10112x128xf32, #tpu.memory_space<vmem_shared>> -> memref<10112x128xf32, #tpu.memory_space<vmem_shared>>
        tpu.enqueue_indirect_dma source(%dma_start3A_175 : memref<128x128xf32, #tpu.memory_space<vmem>>) target(%dma_start3A_181 : memref<10112x128xf32, #tpu.memory_space<vmem_shared>>) offsets(%dma_start3A_178 : memref<128xi32, #tpu.memory_space<vmem>>) semaphore(%run_scoped3A_171 : memref<!tpu.dma_semaphore, #tpu.memory_space<semaphore_mem>>) {add = true}
        %dma_wait3A_182 = arith.constant 0 : i32
        %dma_wait3A_183 = arith.constant 0 : i32
        %dma_wait3A_184 = tpu.memref_slice %arg5[%run_scoped3A_125, %dma_wait3A_182, %dma_wait3A_183] : memref<2x128x128xf32, #tpu.memory_space<vmem>> -> memref<1x128x128xf32, #tpu.memory_space<vmem>>
        %dma_wait3A_185 = tpu.memref_squeeze %dma_wait3A_184 : memref<1x128x128xf32, #tpu.memory_space<vmem>> -> memref<128x128xf32, #tpu.memory_space<vmem>>
        %dma_wait3A_186 = arith.constant 0 : i32
        %dma_wait3A_187 = tpu.memref_slice %arg4[%run_scoped3A_126, %run_scoped3A_127, %dma_wait3A_186] : memref<2x2x128xi32, #tpu.memory_space<vmem>> -> memref<1x1x128xi32, #tpu.memory_space<vmem>>
        %dma_wait3A_188 = tpu.memref_squeeze %dma_wait3A_187 : memref<1x1x128xi32, #tpu.memory_space<vmem>> -> memref<128xi32, #tpu.memory_space<vmem>>
        %dma_wait3A_189 = arith.constant 0 : i32
        %dma_wait3A_190 = arith.constant 0 : i32
        %dma_wait3A_191 = tpu.memref_slice %arg6[%dma_wait3A_189, %dma_wait3A_190] : memref<10112x128xf32, #tpu.memory_space<vmem_shared>> -> memref<10112x128xf32, #tpu.memory_space<vmem_shared>>
        tpu.wait_indirect_dma semaphore(%run_scoped3A_171 : memref<!tpu.dma_semaphore, #tpu.memory_space<semaphore_mem>>) src(%dma_wait3A_185 : memref<128x128xf32, #tpu.memory_space<vmem>>) dst(%dma_wait3A_191 : memref<10112x128xf32, #tpu.memory_space<vmem_shared>>)
        tpu.yield
      }) : () -> ()
      %add3A_128 = arith.constant 2 : i32
      %add3A_129 = arith.addi %add3A_98, %add3A_128 : i32
      %lt3A = arith.constant 80 : i32
      %lt3A_130 = arith.cmpi slt, %add3A_129, %lt3A : i32
      %convert_element_type3A = arith.extui %lt3A_130 : i1 to i32
      %cond3A = arith.constant 0 : i32
      %cond3A_131 = arith.cmpi ne, %convert_element_type3A, %cond3A : i32
      scf.if %cond3A_131 {
        %add3A_171 = arith.constant 2 : i32
        %add3A_172 = arith.addi %add3A_98, %add3A_171 : i32
        %dma_start3A_173 = arith.constant 0 : i32
        %dma_start3A_174 = arith.constant 0 : i32
        %dma_start3A_175 = arith.constant 0 : i32
        %dma_start3A_176 = tpu.memref_slice %arg4[%dma_start3A_173, %dma_start3A_174, %dma_start3A_175] : memref<2x2x128xi32, #tpu.memory_space<vmem>> -> memref<1x2x128xi32, #tpu.memory_space<vmem>>
        %dma_start3A_177 = tpu.memref_squeeze %dma_start3A_176 : memref<1x2x128xi32, #tpu.memory_space<vmem>> -> memref<2x128xi32, #tpu.memory_space<vmem>>
        %dma_start3A_178 = arith.constant 0 : i32
        %dma_start3A_179 = arith.constant 0 : i32
        %dma_start3A_180 = arith.constant 0 : i32
        %dma_start3A_181 = tpu.memref_slice %arg2[%add3A, %dma_start3A_178, %dma_start3A_179, %dma_start3A_180] : memref<32x80x2x128xi32, #tpu.memory_space<hbm>> -> memref<1x80x2x128xi32, #tpu.memory_space<hbm>>
        %dma_start3A_182 = tpu.memref_squeeze %dma_start3A_181 : memref<1x80x2x128xi32, #tpu.memory_space<hbm>> -> memref<80x2x128xi32, #tpu.memory_space<hbm>>
        %dma_start3A_183 = arith.constant 0 : i32
        %dma_start3A_184 = arith.constant 0 : i32
        %dma_start3A_185 = tpu.memref_slice %dma_start3A_182[%add3A_172, %dma_start3A_183, %dma_start3A_184] : memref<80x2x128xi32, #tpu.memory_space<hbm>> -> memref<1x2x128xi32, #tpu.memory_space<hbm>>
        %dma_start3A_186 = tpu.memref_squeeze %dma_start3A_185 : memref<1x2x128xi32, #tpu.memory_space<hbm>> -> memref<2x128xi32, #tpu.memory_space<hbm>>
        %dma_start3A_187 = arith.constant 0 : i32
        %dma_start3A_188 = arith.constant 0 : i32
        %dma_start3A_189 = tpu.memref_slice %arg4[%dma_start3A_173, %dma_start3A_187, %dma_start3A_188] : memref<2x2x128xi32, #tpu.memory_space<vmem>> -> memref<1x2x128xi32, #tpu.memory_space<vmem>>
        %dma_start3A_190 = tpu.memref_squeeze %dma_start3A_189 : memref<1x2x128xi32, #tpu.memory_space<vmem>> -> memref<2x128xi32, #tpu.memory_space<vmem>>
        %dma_start3A_191 = arith.constant 0 : i32
        %dma_start3A_192 = arith.constant 0 : i32
        %dma_start3A_193 = arith.constant 0 : i32
        %dma_start3A_194 = tpu.memref_slice %arg2[%add3A, %dma_start3A_191, %dma_start3A_192, %dma_start3A_193] : memref<32x80x2x128xi32, #tpu.memory_space<hbm>> -> memref<1x80x2x128xi32, #tpu.memory_space<hbm>>
        %dma_start3A_195 = tpu.memref_squeeze %dma_start3A_194 : memref<1x80x2x128xi32, #tpu.memory_space<hbm>> -> memref<80x2x128xi32, #tpu.memory_space<hbm>>
        %dma_start3A_196 = arith.constant 0 : i32
        %dma_start3A_197 = arith.constant 0 : i32
        %dma_start3A_198 = tpu.memref_slice %dma_start3A_195[%add3A_172, %dma_start3A_196, %dma_start3A_197] : memref<80x2x128xi32, #tpu.memory_space<hbm>> -> memref<1x2x128xi32, #tpu.memory_space<hbm>>
        %dma_start3A_199 = tpu.memref_squeeze %dma_start3A_198 : memref<1x2x128xi32, #tpu.memory_space<hbm>> -> memref<2x128xi32, #tpu.memory_space<hbm>>
        tpu.enqueue_dma source(%dma_start3A_199 : memref<2x128xi32, #tpu.memory_space<hbm>>) target(%dma_start3A_190 : memref<2x128xi32, #tpu.memory_space<vmem>>) target_semaphore(%arg7 : memref<!tpu.dma_semaphore, #tpu.memory_space<semaphore_mem>>)
      } else {
      }
      %add3A_132 = arith.constant 1 : i32
      %add3A_133 = arith.addi %add3A_96, %add3A_132 : i32
      %dma_wait3A_134 = arith.constant 1 : i32
      %dma_wait3A_135 = arith.constant 0 : i32
      %dma_wait3A_136 = arith.constant 0 : i32
      %dma_wait3A_137 = tpu.memref_slice %arg4[%dma_wait3A_134, %dma_wait3A_135, %dma_wait3A_136] : memref<2x2x128xi32, #tpu.memory_space<vmem>> -> memref<1x2x128xi32, #tpu.memory_space<vmem>>
      %dma_wait3A_138 = tpu.memref_squeeze %dma_wait3A_137 : memref<1x2x128xi32, #tpu.memory_space<vmem>> -> memref<2x128xi32, #tpu.memory_space<vmem>>
      %dma_wait3A_139 = arith.constant 0 : i32
      %dma_wait3A_140 = arith.constant 0 : i32
      %dma_wait3A_141 = arith.constant 0 : i32
      %dma_wait3A_142 = tpu.memref_slice %arg2[%add3A, %dma_wait3A_139, %dma_wait3A_140, %dma_wait3A_141] : memref<32x80x2x128xi32, #tpu.memory_space<hbm>> -> memref<1x80x2x128xi32, #tpu.memory_space<hbm>>
      %dma_wait3A_143 = tpu.memref_squeeze %dma_wait3A_142 : memref<1x80x2x128xi32, #tpu.memory_space<hbm>> -> memref<80x2x128xi32, #tpu.memory_space<hbm>>
      %dma_wait3A_144 = arith.constant 0 : i32
      %dma_wait3A_145 = arith.constant 0 : i32
      %dma_wait3A_146 = tpu.memref_slice %dma_wait3A_143[%add3A_133, %dma_wait3A_144, %dma_wait3A_145] : memref<80x2x128xi32, #tpu.memory_space<hbm>> -> memref<1x2x128xi32, #tpu.memory_space<hbm>>
      %dma_wait3A_147 = tpu.memref_squeeze %dma_wait3A_146 : memref<1x2x128xi32, #tpu.memory_space<hbm>> -> memref<2x128xi32, #tpu.memory_space<hbm>>
      %dma_wait3A_148 = arith.constant 0 : i32
      %dma_wait3A_149 = arith.constant 0 : i32
      %dma_wait3A_150 = tpu.memref_slice %arg4[%dma_wait3A_134, %dma_wait3A_148, %dma_wait3A_149] : memref<2x2x128xi32, #tpu.memory_space<vmem>> -> memref<1x2x128xi32, #tpu.memory_space<vmem>>
      %dma_wait3A_151 = tpu.memref_squeeze %dma_wait3A_150 : memref<1x2x128xi32, #tpu.memory_space<vmem>> -> memref<2x128xi32, #tpu.memory_space<vmem>>
      %dma_wait3A_152 = arith.constant 0 : i32
      %dma_wait3A_153 = arith.constant 0 : i32
      %dma_wait3A_154 = arith.constant 0 : i32
      %dma_wait3A_155 = tpu.memref_slice %arg2[%add3A, %dma_wait3A_152, %dma_wait3A_153, %dma_wait3A_154] : memref<32x80x2x128xi32, #tpu.memory_space<hbm>> -> memref<1x80x2x128xi32, #tpu.memory_space<hbm>>
      %dma_wait3A_156 = tpu.memref_squeeze %dma_wait3A_155 : memref<1x80x2x128xi32, #tpu.memory_space<hbm>> -> memref<80x2x128xi32, #tpu.memory_space<hbm>>
      %dma_wait3A_157 = arith.constant 0 : i32
      %dma_wait3A_158 = arith.constant 0 : i32
      %dma_wait3A_159 = tpu.memref_slice %dma_wait3A_156[%add3A_133, %dma_wait3A_157, %dma_wait3A_158] : memref<80x2x128xi32, #tpu.memory_space<hbm>> -> memref<1x2x128xi32, #tpu.memory_space<hbm>>
      %dma_wait3A_160 = tpu.memref_squeeze %dma_wait3A_159 : memref<1x2x128xi32, #tpu.memory_space<hbm>> -> memref<2x128xi32, #tpu.memory_space<hbm>>
      tpu.wait_dma2 semaphore(%arg8 : memref<!tpu.dma_semaphore, #tpu.memory_space<semaphore_mem>>) src(%dma_wait3A_160 : memref<2x128xi32, #tpu.memory_space<hbm>>) dst(%dma_wait3A_151 : memref<2x128xi32, #tpu.memory_space<vmem>>)
      %run_scoped3A_161 = arith.constant 0 : i32
      %run_scoped3A_162 = arith.constant 1 : i32
      %run_scoped3A_163 = arith.constant 1 : i32
      "tpu.region"() ({
        %run_scoped3A_171 = tpu.sem_alloc : memref<!tpu.dma_semaphore, #tpu.memory_space<semaphore_mem>>
        %dma_start3A_172 = arith.constant 0 : i32
        %dma_start3A_173 = arith.constant 0 : i32
        %dma_start3A_174 = tpu.memref_slice %arg5[%run_scoped3A_161, %dma_start3A_172, %dma_start3A_173] : memref<2x128x128xf32, #tpu.memory_space<vmem>> -> memref<1x128x128xf32, #tpu.memory_space<vmem>>
        %dma_start3A_175 = tpu.memref_squeeze %dma_start3A_174 : memref<1x128x128xf32, #tpu.memory_space<vmem>> -> memref<128x128xf32, #tpu.memory_space<vmem>>
        %dma_start3A_176 = arith.constant 0 : i32
        %dma_start3A_177 = tpu.memref_slice %arg4[%run_scoped3A_162, %run_scoped3A_163, %dma_start3A_176] : memref<2x2x128xi32, #tpu.memory_space<vmem>> -> memref<1x1x128xi32, #tpu.memory_space<vmem>>
        %dma_start3A_178 = tpu.memref_squeeze %dma_start3A_177 : memref<1x1x128xi32, #tpu.memory_space<vmem>> -> memref<128xi32, #tpu.memory_space<vmem>>
        %dma_start3A_179 = arith.constant 0 : i32
        %dma_start3A_180 = arith.constant 0 : i32
        %dma_start3A_181 = tpu.memref_slice %arg6[%dma_start3A_179, %dma_start3A_180] : memref<10112x128xf32, #tpu.memory_space<vmem_shared>> -> memref<10112x128xf32, #tpu.memory_space<vmem_shared>>
        tpu.enqueue_indirect_dma source(%dma_start3A_175 : memref<128x128xf32, #tpu.memory_space<vmem>>) target(%dma_start3A_181 : memref<10112x128xf32, #tpu.memory_space<vmem_shared>>) offsets(%dma_start3A_178 : memref<128xi32, #tpu.memory_space<vmem>>) semaphore(%run_scoped3A_171 : memref<!tpu.dma_semaphore, #tpu.memory_space<semaphore_mem>>) {add = true}
        %dma_wait3A_182 = arith.constant 0 : i32
        %dma_wait3A_183 = arith.constant 0 : i32
        %dma_wait3A_184 = tpu.memref_slice %arg5[%run_scoped3A_161, %dma_wait3A_182, %dma_wait3A_183] : memref<2x128x128xf32, #tpu.memory_space<vmem>> -> memref<1x128x128xf32, #tpu.memory_space<vmem>>
        %dma_wait3A_185 = tpu.memref_squeeze %dma_wait3A_184 : memref<1x128x128xf32, #tpu.memory_space<vmem>> -> memref<128x128xf32, #tpu.memory_space<vmem>>
        %dma_wait3A_186 = arith.constant 0 : i32
        %dma_wait3A_187 = tpu.memref_slice %arg4[%run_scoped3A_162, %run_scoped3A_163, %dma_wait3A_186] : memref<2x2x128xi32, #tpu.memory_space<vmem>> -> memref<1x1x128xi32, #tpu.memory_space<vmem>>
        %dma_wait3A_188 = tpu.memref_squeeze %dma_wait3A_187 : memref<1x1x128xi32, #tpu.memory_space<vmem>> -> memref<128xi32, #tpu.memory_space<vmem>>
        %dma_wait3A_189 = arith.constant 0 : i32
        %dma_wait3A_190 = arith.constant 0 : i32
        %dma_wait3A_191 = tpu.memref_slice %arg6[%dma_wait3A_189, %dma_wait3A_190] : memref<10112x128xf32, #tpu.memory_space<vmem_shared>> -> memref<10112x128xf32, #tpu.memory_space<vmem_shared>>
        tpu.wait_indirect_dma semaphore(%run_scoped3A_171 : memref<!tpu.dma_semaphore, #tpu.memory_space<semaphore_mem>>) src(%dma_wait3A_185 : memref<128x128xf32, #tpu.memory_space<vmem>>) dst(%dma_wait3A_191 : memref<10112x128xf32, #tpu.memory_space<vmem_shared>>)
        tpu.yield
      }) : () -> ()
      %add3A_164 = arith.constant 2 : i32
      %add3A_165 = arith.addi %add3A_133, %add3A_164 : i32
      %lt3A_166 = arith.constant 80 : i32
      %lt3A_167 = arith.cmpi slt, %add3A_165, %lt3A_166 : i32
      %convert_element_type3A_168 = arith.extui %lt3A_167 : i1 to i32
      %cond3A_169 = arith.constant 0 : i32
      %cond3A_170 = arith.cmpi ne, %convert_element_type3A_168, %cond3A_169 : i32
      scf.if %cond3A_170 {
        %add3A_171 = arith.constant 2 : i32
        %add3A_172 = arith.addi %add3A_133, %add3A_171 : i32
        %dma_start3A_173 = arith.constant 1 : i32
        %dma_start3A_174 = arith.constant 0 : i32
        %dma_start3A_175 = arith.constant 0 : i32
        %dma_start3A_176 = tpu.memref_slice %arg4[%dma_start3A_173, %dma_start3A_174, %dma_start3A_175] : memref<2x2x128xi32, #tpu.memory_space<vmem>> -> memref<1x2x128xi32, #tpu.memory_space<vmem>>
        %dma_start3A_177 = tpu.memref_squeeze %dma_start3A_176 : memref<1x2x128xi32, #tpu.memory_space<vmem>> -> memref<2x128xi32, #tpu.memory_space<vmem>>
        %dma_start3A_178 = arith.constant 0 : i32
        %dma_start3A_179 = arith.constant 0 : i32
        %dma_start3A_180 = arith.constant 0 : i32
        %dma_start3A_181 = tpu.memref_slice %arg2[%add3A, %dma_start3A_178, %dma_start3A_179, %dma_start3A_180] : memref<32x80x2x128xi32, #tpu.memory_space<hbm>> -> memref<1x80x2x128xi32, #tpu.memory_space<hbm>>
        %dma_start3A_182 = tpu.memref_squeeze %dma_start3A_181 : memref<1x80x2x128xi32, #tpu.memory_space<hbm>> -> memref<80x2x128xi32, #tpu.memory_space<hbm>>
        %dma_start3A_183 = arith.constant 0 : i32
        %dma_start3A_184 = arith.constant 0 : i32
        %dma_start3A_185 = tpu.memref_slice %dma_start3A_182[%add3A_172, %dma_start3A_183, %dma_start3A_184] : memref<80x2x128xi32, #tpu.memory_space<hbm>> -> memref<1x2x128xi32, #tpu.memory_space<hbm>>
        %dma_start3A_186 = tpu.memref_squeeze %dma_start3A_185 : memref<1x2x128xi32, #tpu.memory_space<hbm>> -> memref<2x128xi32, #tpu.memory_space<hbm>>
        %dma_start3A_187 = arith.constant 0 : i32
        %dma_start3A_188 = arith.constant 0 : i32
        %dma_start3A_189 = tpu.memref_slice %arg4[%dma_start3A_173, %dma_start3A_187, %dma_start3A_188] : memref<2x2x128xi32, #tpu.memory_space<vmem>> -> memref<1x2x128xi32, #tpu.memory_space<vmem>>
        %dma_start3A_190 = tpu.memref_squeeze %dma_start3A_189 : memref<1x2x128xi32, #tpu.memory_space<vmem>> -> memref<2x128xi32, #tpu.memory_space<vmem>>
        %dma_start3A_191 = arith.constant 0 : i32
        %dma_start3A_192 = arith.constant 0 : i32
        %dma_start3A_193 = arith.constant 0 : i32
        %dma_start3A_194 = tpu.memref_slice %arg2[%add3A, %dma_start3A_191, %dma_start3A_192, %dma_start3A_193] : memref<32x80x2x128xi32, #tpu.memory_space<hbm>> -> memref<1x80x2x128xi32, #tpu.memory_space<hbm>>
        %dma_start3A_195 = tpu.memref_squeeze %dma_start3A_194 : memref<1x80x2x128xi32, #tpu.memory_space<hbm>> -> memref<80x2x128xi32, #tpu.memory_space<hbm>>
        %dma_start3A_196 = arith.constant 0 : i32
        %dma_start3A_197 = arith.constant 0 : i32
        %dma_start3A_198 = tpu.memref_slice %dma_start3A_195[%add3A_172, %dma_start3A_196, %dma_start3A_197] : memref<80x2x128xi32, #tpu.memory_space<hbm>> -> memref<1x2x128xi32, #tpu.memory_space<hbm>>
        %dma_start3A_199 = tpu.memref_squeeze %dma_start3A_198 : memref<1x2x128xi32, #tpu.memory_space<hbm>> -> memref<2x128xi32, #tpu.memory_space<hbm>>
        tpu.enqueue_dma source(%dma_start3A_199 : memref<2x128xi32, #tpu.memory_space<hbm>>) target(%dma_start3A_190 : memref<2x128xi32, #tpu.memory_space<vmem>>) target_semaphore(%arg8 : memref<!tpu.dma_semaphore, #tpu.memory_space<semaphore_mem>>)
      } else {
      }
    }
    %scan3A_90 = arith.constant 40 : i32
    %barrier3A_91 = arith.constant 0 : index
    tpu.barrier barrier_id(%barrier3A_91)
    "tpu.region"() ({
      %run_scoped3A_92 = tpu.sem_alloc : memref<!tpu.dma_semaphore, #tpu.memory_space<semaphore_mem>>
      %dma_start3A_93 = arith.constant 0 : i32
      %dma_start3A_94 = tpu.memref_slice %arg3[%arg0, %mul3A_2, %dma_start3A_93] : memref<2x10112x128xf32, #tpu.memory_space<hbm>> -> memref<1x632x128xf32, #tpu.memory_space<hbm>>
      %dma_start3A_95 = tpu.memref_squeeze %dma_start3A_94 : memref<1x632x128xf32, #tpu.memory_space<hbm>> -> memref<632x128xf32, #tpu.memory_space<hbm>>
      %dma_start3A_96 = arith.constant 0 : i32
      %dma_start3A_97 = tpu.memref_slice %arg6[%mul3A_2, %dma_start3A_96] : memref<10112x128xf32, #tpu.memory_space<vmem_shared>> -> memref<632x128xf32, #tpu.memory_space<vmem_shared>>
      tpu.enqueue_dma source(%dma_start3A_97 : memref<632x128xf32, #tpu.memory_space<vmem_shared>>) target(%dma_start3A_95 : memref<632x128xf32, #tpu.memory_space<hbm>>) target_semaphore(%run_scoped3A_92 : memref<!tpu.dma_semaphore, #tpu.memory_space<semaphore_mem>>)
      %dma_wait3A = arith.constant 0 : i32
      %dma_wait3A_98 = tpu.memref_slice %arg3[%arg0, %mul3A_2, %dma_wait3A] : memref<2x10112x128xf32, #tpu.memory_space<hbm>> -> memref<1x632x128xf32, #tpu.memory_space<hbm>>
      %dma_wait3A_99 = tpu.memref_squeeze %dma_wait3A_98 : memref<1x632x128xf32, #tpu.memory_space<hbm>> -> memref<632x128xf32, #tpu.memory_space<hbm>>
      %dma_wait3A_100 = arith.constant 0 : i32
      %dma_wait3A_101 = tpu.memref_slice %arg6[%mul3A_2, %dma_wait3A_100] : memref<10112x128xf32, #tpu.memory_space<vmem_shared>> -> memref<632x128xf32, #tpu.memory_space<vmem_shared>>
      tpu.wait_dma2 semaphore(%run_scoped3A_92 : memref<!tpu.dma_semaphore, #tpu.memory_space<semaphore_mem>>) src(%dma_wait3A_101 : memref<632x128xf32, #tpu.memory_space<vmem_shared>>) dst(%dma_wait3A_99 : memref<632x128xf32, #tpu.memory_space<hbm>>)
      tpu.yield
    }) : () -> ()
    return
  }
}

#map = affine_map<(d0, d1) -> (0, 0)>
#map1 = affine_map<(d0, d1) -> (0, 0, 0, 0)>
#map2 = affine_map<(d0, d1) -> (0, 0, 0)>
module attributes {stable_mosaic.version = 14 : i64} {
  func.func @_embed_body(%arg0: i32, %arg1: i32, %arg2: memref<1024x128xf32, #tpu.memory_space<hbm>>, %arg3: memref<32x24x2x128xi32, #tpu.memory_space<hbm>>, %arg4: memref<2x10112x128xf32, #tpu.memory_space<hbm>>, %arg5: memref<2x2x128xi32, #tpu.memory_space<vmem>>, %arg6: memref<128x128xf32, #tpu.memory_space<vmem>>, %arg7: memref<128x128xf32, #tpu.memory_space<vmem>>, %arg8: memref<10112x128xf32, #tpu.memory_space<vmem_shared>>, %arg9: memref<!tpu.dma_semaphore, #tpu.memory_space<semaphore_mem>>, %arg10: memref<!tpu.dma_semaphore, #tpu.memory_space<semaphore_mem>>, %arg11: memref<!tpu.dma_semaphore, #tpu.memory_space<semaphore_mem>>, %arg12: memref<!tpu.dma_semaphore, #tpu.memory_space<semaphore_mem>>) attributes {dimension_semantics = [#tpu.dimension_semantics<core_parallel>, #tpu.dimension_semantics<subcore_parallel>], iteration_bounds = array<i64: 2, 16>, scalar_prefetch = 0 : i64, scratch_operands = 8 : i64, tpu.core_type = #tpu.core_type<sc_vector_subcore>, window_params = [{transform_indices = #map}, {transform_indices = #map1}, {transform_indices = #map2}]} {
    %mul3A = arith.constant 16 : i32
    %mul3A_0 = arith.muli %arg0, %mul3A : i32
    %add3A = arith.addi %mul3A_0, %arg1 : i32
    %mul3A_1 = arith.constant 632 : i32
    %mul3A_2 = arith.muli %arg1, %mul3A_1 : i32
    %broadcast_in_dim3A = arith.constant 0.000000e+00 : f32
    %broadcast_in_dim3A_3 = vector.broadcast %broadcast_in_dim3A : f32 to vector<16xf32>
    %scan3A = arith.constant 0 : i32
    %scan3A_4 = arith.constant 128 : i32
    %scan3A_5 = arith.addi %scan3A, %scan3A_4 : i32
    %scan3A_6 = arith.constant 1 : i32
    scf.for %scan3A_114 = %scan3A to %scan3A_5 step %scan3A_6  : i32 {
      %mul3A_115 = arith.constant 1 : i32
      %mul3A_116 = arith.muli %scan3A_114, %mul3A_115 : i32
      %add3A_117 = arith.constant 0 : i32
      %add3A_118 = arith.addi %add3A_117, %mul3A_116 : i32
      %swap3A = arith.index_cast %add3A_118 : i32 to index
      %swap3A_119 = arith.constant 0 : index
      %swap3A_120 = tpu.vector_load %arg6[%swap3A, %swap3A_119] {strides = array<i32>} : memref<128x128xf32, #tpu.memory_space<vmem>>, vector<1x16xf32>,
      %swap3A_121 = vector.shape_cast %swap3A_120 : vector<1x16xf32> to vector<16xf32>
      %swap3A_122 = vector.shape_cast %broadcast_in_dim3A_3 : vector<16xf32> to vector<1x16xf32>
      tpu.vector_store %arg6[%swap3A, %swap3A_119], %swap3A_122 {strides = array<i32>} : memref<128x128xf32, #tpu.memory_space<vmem>>, vector<1x16xf32>,
      %swap3A_123 = arith.index_cast %add3A_118 : i32 to index
      %swap3A_124 = arith.constant 16 : index
      %swap3A_125 = tpu.vector_load %arg6[%swap3A_123, %swap3A_124] {strides = array<i32>} : memref<128x128xf32, #tpu.memory_space<vmem>>, vector<1x16xf32>,
      %swap3A_126 = vector.shape_cast %swap3A_125 : vector<1x16xf32> to vector<16xf32>
      %swap3A_127 = vector.shape_cast %broadcast_in_dim3A_3 : vector<16xf32> to vector<1x16xf32>
      tpu.vector_store %arg6[%swap3A_123, %swap3A_124], %swap3A_127 {strides = array<i32>} : memref<128x128xf32, #tpu.memory_space<vmem>>, vector<1x16xf32>,
      %swap3A_128 = arith.index_cast %add3A_118 : i32 to index
      %swap3A_129 = arith.constant 32 : index
      %swap3A_130 = tpu.vector_load %arg6[%swap3A_128, %swap3A_129] {strides = array<i32>} : memref<128x128xf32, #tpu.memory_space<vmem>>, vector<1x16xf32>,
      %swap3A_131 = vector.shape_cast %swap3A_130 : vector<1x16xf32> to vector<16xf32>
      %swap3A_132 = vector.shape_cast %broadcast_in_dim3A_3 : vector<16xf32> to vector<1x16xf32>
      tpu.vector_store %arg6[%swap3A_128, %swap3A_129], %swap3A_132 {strides = array<i32>} : memref<128x128xf32, #tpu.memory_space<vmem>>, vector<1x16xf32>,
      %swap3A_133 = arith.index_cast %add3A_118 : i32 to index
      %swap3A_134 = arith.constant 48 : index
      %swap3A_135 = tpu.vector_load %arg6[%swap3A_133, %swap3A_134] {strides = array<i32>} : memref<128x128xf32, #tpu.memory_space<vmem>>, vector<1x16xf32>,
      %swap3A_136 = vector.shape_cast %swap3A_135 : vector<1x16xf32> to vector<16xf32>
      %swap3A_137 = vector.shape_cast %broadcast_in_dim3A_3 : vector<16xf32> to vector<1x16xf32>
      tpu.vector_store %arg6[%swap3A_133, %swap3A_134], %swap3A_137 {strides = array<i32>} : memref<128x128xf32, #tpu.memory_space<vmem>>, vector<1x16xf32>,
      %swap3A_138 = arith.index_cast %add3A_118 : i32 to index
      %swap3A_139 = arith.constant 64 : index
      %swap3A_140 = tpu.vector_load %arg6[%swap3A_138, %swap3A_139] {strides = array<i32>} : memref<128x128xf32, #tpu.memory_space<vmem>>, vector<1x16xf32>,
      %swap3A_141 = vector.shape_cast %swap3A_140 : vector<1x16xf32> to vector<16xf32>
      %swap3A_142 = vector.shape_cast %broadcast_in_dim3A_3 : vector<16xf32> to vector<1x16xf32>
      tpu.vector_store %arg6[%swap3A_138, %swap3A_139], %swap3A_142 {strides = array<i32>} : memref<128x128xf32, #tpu.memory_space<vmem>>, vector<1x16xf32>,
      %swap3A_143 = arith.index_cast %add3A_118 : i32 to index
      %swap3A_144 = arith.constant 80 : index
      %swap3A_145 = tpu.vector_load %arg6[%swap3A_143, %swap3A_144] {strides = array<i32>} : memref<128x128xf32, #tpu.memory_space<vmem>>, vector<1x16xf32>,
      %swap3A_146 = vector.shape_cast %swap3A_145 : vector<1x16xf32> to vector<16xf32>
      %swap3A_147 = vector.shape_cast %broadcast_in_dim3A_3 : vector<16xf32> to vector<1x16xf32>
      tpu.vector_store %arg6[%swap3A_143, %swap3A_144], %swap3A_147 {strides = array<i32>} : memref<128x128xf32, #tpu.memory_space<vmem>>, vector<1x16xf32>,
      %swap3A_148 = arith.index_cast %add3A_118 : i32 to index
      %swap3A_149 = arith.constant 96 : index
      %swap3A_150 = tpu.vector_load %arg6[%swap3A_148, %swap3A_149] {strides = array<i32>} : memref<128x128xf32, #tpu.memory_space<vmem>>, vector<1x16xf32>,
      %swap3A_151 = vector.shape_cast %swap3A_150 : vector<1x16xf32> to vector<16xf32>
      %swap3A_152 = vector.shape_cast %broadcast_in_dim3A_3 : vector<16xf32> to vector<1x16xf32>
      tpu.vector_store %arg6[%swap3A_148, %swap3A_149], %swap3A_152 {strides = array<i32>} : memref<128x128xf32, #tpu.memory_space<vmem>>, vector<1x16xf32>,
      %swap3A_153 = arith.index_cast %add3A_118 : i32 to index
      %swap3A_154 = arith.constant 112 : index
      %swap3A_155 = tpu.vector_load %arg6[%swap3A_153, %swap3A_154] {strides = array<i32>} : memref<128x128xf32, #tpu.memory_space<vmem>>, vector<1x16xf32>,
      %swap3A_156 = vector.shape_cast %swap3A_155 : vector<1x16xf32> to vector<16xf32>
      %swap3A_157 = vector.shape_cast %broadcast_in_dim3A_3 : vector<16xf32> to vector<1x16xf32>
      tpu.vector_store %arg6[%swap3A_153, %swap3A_154], %swap3A_157 {strides = array<i32>} : memref<128x128xf32, #tpu.memory_space<vmem>>, vector<1x16xf32>,
    }
    %scan3A_7 = arith.constant 128 : i32
    %add3A_8 = arith.constant 0 : i32
    %add3A_9 = arith.addi %mul3A_2, %add3A_8 : i32
    "tpu.region"() ({
      %run_scoped3A = tpu.sem_alloc : memref<!tpu.dma_semaphore, #tpu.memory_space<semaphore_mem>>
      %dma_start3A_114 = arith.constant 0 : i32
      %dma_start3A_115 = tpu.memref_slice %arg8[%add3A_9, %dma_start3A_114] : memref<10112x128xf32, #tpu.memory_space<vmem_shared>> -> memref<128x128xf32, #tpu.memory_space<vmem_shared>>
      %dma_start3A_116 = arith.constant 0 : i32
      %dma_start3A_117 = tpu.memref_slice %arg8[%add3A_9, %dma_start3A_116] : memref<10112x128xf32, #tpu.memory_space<vmem_shared>> -> memref<128x128xf32, #tpu.memory_space<vmem_shared>>
      tpu.enqueue_dma source(%arg6 : memref<128x128xf32, #tpu.memory_space<vmem>>) target(%dma_start3A_117 : memref<128x128xf32, #tpu.memory_space<vmem_shared>>) target_semaphore(%run_scoped3A : memref<!tpu.dma_semaphore, #tpu.memory_space<semaphore_mem>>)
      %dma_wait3A_118 = arith.constant 0 : i32
      %dma_wait3A_119 = tpu.memref_slice %arg8[%add3A_9, %dma_wait3A_118] : memref<10112x128xf32, #tpu.memory_space<vmem_shared>> -> memref<128x128xf32, #tpu.memory_space<vmem_shared>>
      %dma_wait3A_120 = arith.constant 0 : i32
      %dma_wait3A_121 = tpu.memref_slice %arg8[%add3A_9, %dma_wait3A_120] : memref<10112x128xf32, #tpu.memory_space<vmem_shared>> -> memref<128x128xf32, #tpu.memory_space<vmem_shared>>
      tpu.wait_dma2 semaphore(%run_scoped3A : memref<!tpu.dma_semaphore, #tpu.memory_space<semaphore_mem>>) src(%arg6 : memref<128x128xf32, #tpu.memory_space<vmem>>) dst(%dma_wait3A_121 : memref<128x128xf32, #tpu.memory_space<vmem_shared>>)
      tpu.yield
    }) : () -> ()
    %add3A_10 = arith.constant 128 : i32
    %add3A_11 = arith.addi %mul3A_2, %add3A_10 : i32
    "tpu.region"() ({
      %run_scoped3A = tpu.sem_alloc : memref<!tpu.dma_semaphore, #tpu.memory_space<semaphore_mem>>
      %dma_start3A_114 = arith.constant 0 : i32
      %dma_start3A_115 = tpu.memref_slice %arg8[%add3A_11, %dma_start3A_114] : memref<10112x128xf32, #tpu.memory_space<vmem_shared>> -> memref<128x128xf32, #tpu.memory_space<vmem_shared>>
      %dma_start3A_116 = arith.constant 0 : i32
      %dma_start3A_117 = tpu.memref_slice %arg8[%add3A_11, %dma_start3A_116] : memref<10112x128xf32, #tpu.memory_space<vmem_shared>> -> memref<128x128xf32, #tpu.memory_space<vmem_shared>>
      tpu.enqueue_dma source(%arg6 : memref<128x128xf32, #tpu.memory_space<vmem>>) target(%dma_start3A_117 : memref<128x128xf32, #tpu.memory_space<vmem_shared>>) target_semaphore(%run_scoped3A : memref<!tpu.dma_semaphore, #tpu.memory_space<semaphore_mem>>)
      %dma_wait3A_118 = arith.constant 0 : i32
      %dma_wait3A_119 = tpu.memref_slice %arg8[%add3A_11, %dma_wait3A_118] : memref<10112x128xf32, #tpu.memory_space<vmem_shared>> -> memref<128x128xf32, #tpu.memory_space<vmem_shared>>
      %dma_wait3A_120 = arith.constant 0 : i32
      %dma_wait3A_121 = tpu.memref_slice %arg8[%add3A_11, %dma_wait3A_120] : memref<10112x128xf32, #tpu.memory_space<vmem_shared>> -> memref<128x128xf32, #tpu.memory_space<vmem_shared>>
      tpu.wait_dma2 semaphore(%run_scoped3A : memref<!tpu.dma_semaphore, #tpu.memory_space<semaphore_mem>>) src(%arg6 : memref<128x128xf32, #tpu.memory_space<vmem>>) dst(%dma_wait3A_121 : memref<128x128xf32, #tpu.memory_space<vmem_shared>>)
      tpu.yield
    }) : () -> ()
    %add3A_12 = arith.constant 256 : i32
    %add3A_13 = arith.addi %mul3A_2, %add3A_12 : i32
    "tpu.region"() ({
      %run_scoped3A = tpu.sem_alloc : memref<!tpu.dma_semaphore, #tpu.memory_space<semaphore_mem>>
      %dma_start3A_114 = arith.constant 0 : i32
      %dma_start3A_115 = tpu.memref_slice %arg8[%add3A_13, %dma_start3A_114] : memref<10112x128xf32, #tpu.memory_space<vmem_shared>> -> memref<128x128xf32, #tpu.memory_space<vmem_shared>>
      %dma_start3A_116 = arith.constant 0 : i32
      %dma_start3A_117 = tpu.memref_slice %arg8[%add3A_13, %dma_start3A_116] : memref<10112x128xf32, #tpu.memory_space<vmem_shared>> -> memref<128x128xf32, #tpu.memory_space<vmem_shared>>
      tpu.enqueue_dma source(%arg6 : memref<128x128xf32, #tpu.memory_space<vmem>>) target(%dma_start3A_117 : memref<128x128xf32, #tpu.memory_space<vmem_shared>>) target_semaphore(%run_scoped3A : memref<!tpu.dma_semaphore, #tpu.memory_space<semaphore_mem>>)
      %dma_wait3A_118 = arith.constant 0 : i32
      %dma_wait3A_119 = tpu.memref_slice %arg8[%add3A_13, %dma_wait3A_118] : memref<10112x128xf32, #tpu.memory_space<vmem_shared>> -> memref<128x128xf32, #tpu.memory_space<vmem_shared>>
      %dma_wait3A_120 = arith.constant 0 : i32
      %dma_wait3A_121 = tpu.memref_slice %arg8[%add3A_13, %dma_wait3A_120] : memref<10112x128xf32, #tpu.memory_space<vmem_shared>> -> memref<128x128xf32, #tpu.memory_space<vmem_shared>>
      tpu.wait_dma2 semaphore(%run_scoped3A : memref<!tpu.dma_semaphore, #tpu.memory_space<semaphore_mem>>) src(%arg6 : memref<128x128xf32, #tpu.memory_space<vmem>>) dst(%dma_wait3A_121 : memref<128x128xf32, #tpu.memory_space<vmem_shared>>)
      tpu.yield
    }) : () -> ()
    %add3A_14 = arith.constant 384 : i32
    %add3A_15 = arith.addi %mul3A_2, %add3A_14 : i32
    "tpu.region"() ({
      %run_scoped3A = tpu.sem_alloc : memref<!tpu.dma_semaphore, #tpu.memory_space<semaphore_mem>>
      %dma_start3A_114 = arith.constant 0 : i32
      %dma_start3A_115 = tpu.memref_slice %arg8[%add3A_15, %dma_start3A_114] : memref<10112x128xf32, #tpu.memory_space<vmem_shared>> -> memref<128x128xf32, #tpu.memory_space<vmem_shared>>
      %dma_start3A_116 = arith.constant 0 : i32
      %dma_start3A_117 = tpu.memref_slice %arg8[%add3A_15, %dma_start3A_116] : memref<10112x128xf32, #tpu.memory_space<vmem_shared>> -> memref<128x128xf32, #tpu.memory_space<vmem_shared>>
      tpu.enqueue_dma source(%arg6 : memref<128x128xf32, #tpu.memory_space<vmem>>) target(%dma_start3A_117 : memref<128x128xf32, #tpu.memory_space<vmem_shared>>) target_semaphore(%run_scoped3A : memref<!tpu.dma_semaphore, #tpu.memory_space<semaphore_mem>>)
      %dma_wait3A_118 = arith.constant 0 : i32
      %dma_wait3A_119 = tpu.memref_slice %arg8[%add3A_15, %dma_wait3A_118] : memref<10112x128xf32, #tpu.memory_space<vmem_shared>> -> memref<128x128xf32, #tpu.memory_space<vmem_shared>>
      %dma_wait3A_120 = arith.constant 0 : i32
      %dma_wait3A_121 = tpu.memref_slice %arg8[%add3A_15, %dma_wait3A_120] : memref<10112x128xf32, #tpu.memory_space<vmem_shared>> -> memref<128x128xf32, #tpu.memory_space<vmem_shared>>
      tpu.wait_dma2 semaphore(%run_scoped3A : memref<!tpu.dma_semaphore, #tpu.memory_space<semaphore_mem>>) src(%arg6 : memref<128x128xf32, #tpu.memory_space<vmem>>) dst(%dma_wait3A_121 : memref<128x128xf32, #tpu.memory_space<vmem_shared>>)
      tpu.yield
    }) : () -> ()
    %add3A_16 = arith.constant 512 : i32
    %add3A_17 = arith.addi %mul3A_2, %add3A_16 : i32
    "tpu.region"() ({
      %run_scoped3A = tpu.sem_alloc : memref<!tpu.dma_semaphore, #tpu.memory_space<semaphore_mem>>
      %dma_start3A_114 = arith.constant 0 : i32
      %dma_start3A_115 = arith.constant 0 : i32
      %dma_start3A_116 = tpu.memref_slice %arg6[%dma_start3A_114, %dma_start3A_115] : memref<128x128xf32, #tpu.memory_space<vmem>> -> memref<120x128xf32, #tpu.memory_space<vmem>>
      %dma_start3A_117 = arith.constant 0 : i32
      %dma_start3A_118 = tpu.memref_slice %arg8[%add3A_17, %dma_start3A_117] : memref<10112x128xf32, #tpu.memory_space<vmem_shared>> -> memref<120x128xf32, #tpu.memory_space<vmem_shared>>
      %dma_start3A_119 = arith.constant 0 : i32
      %dma_start3A_120 = tpu.memref_slice %arg8[%add3A_17, %dma_start3A_119] : memref<10112x128xf32, #tpu.memory_space<vmem_shared>> -> memref<120x128xf32, #tpu.memory_space<vmem_shared>>
      %dma_start3A_121 = arith.constant 0 : i32
      %dma_start3A_122 = arith.constant 0 : i32
      %dma_start3A_123 = tpu.memref_slice %arg6[%dma_start3A_121, %dma_start3A_122] : memref<128x128xf32, #tpu.memory_space<vmem>> -> memref<120x128xf32, #tpu.memory_space<vmem>>
      tpu.enqueue_dma source(%dma_start3A_123 : memref<120x128xf32, #tpu.memory_space<vmem>>) target(%dma_start3A_120 : memref<120x128xf32, #tpu.memory_space<vmem_shared>>) target_semaphore(%run_scoped3A : memref<!tpu.dma_semaphore, #tpu.memory_space<semaphore_mem>>)
      %dma_wait3A_124 = arith.constant 0 : i32
      %dma_wait3A_125 = arith.constant 0 : i32
      %dma_wait3A_126 = tpu.memref_slice %arg6[%dma_wait3A_124, %dma_wait3A_125] : memref<128x128xf32, #tpu.memory_space<vmem>> -> memref<120x128xf32, #tpu.memory_space<vmem>>
      %dma_wait3A_127 = arith.constant 0 : i32
      %dma_wait3A_128 = tpu.memref_slice %arg8[%add3A_17, %dma_wait3A_127] : memref<10112x128xf32, #tpu.memory_space<vmem_shared>> -> memref<120x128xf32, #tpu.memory_space<vmem_shared>>
      %dma_wait3A_129 = arith.constant 0 : i32
      %dma_wait3A_130 = tpu.memref_slice %arg8[%add3A_17, %dma_wait3A_129] : memref<10112x128xf32, #tpu.memory_space<vmem_shared>> -> memref<120x128xf32, #tpu.memory_space<vmem_shared>>
      %dma_wait3A_131 = arith.constant 0 : i32
      %dma_wait3A_132 = arith.constant 0 : i32
      %dma_wait3A_133 = tpu.memref_slice %arg6[%dma_wait3A_131, %dma_wait3A_132] : memref<128x128xf32, #tpu.memory_space<vmem>> -> memref<120x128xf32, #tpu.memory_space<vmem>>
      tpu.wait_dma2 semaphore(%run_scoped3A : memref<!tpu.dma_semaphore, #tpu.memory_space<semaphore_mem>>) src(%dma_wait3A_133 : memref<120x128xf32, #tpu.memory_space<vmem>>) dst(%dma_wait3A_130 : memref<120x128xf32, #tpu.memory_space<vmem_shared>>)
      tpu.yield
    }) : () -> ()
    %barrier3A = arith.constant 0 : index
    tpu.barrier barrier_id(%barrier3A)
    %dma_start3A = arith.constant 0 : i32
    %dma_start3A_18 = arith.constant 0 : i32
    %dma_start3A_19 = arith.constant 0 : i32
    %dma_start3A_20 = arith.constant 0 : i32
    %dma_start3A_21 = tpu.memref_slice %arg5[%dma_start3A_18, %dma_start3A_19, %dma_start3A_20] : memref<2x2x128xi32, #tpu.memory_space<vmem>> -> memref<1x2x128xi32, #tpu.memory_space<vmem>>
    %dma_start3A_22 = tpu.memref_squeeze %dma_start3A_21 : memref<1x2x128xi32, #tpu.memory_space<vmem>> -> memref<2x128xi32, #tpu.memory_space<vmem>>
    %dma_start3A_23 = arith.constant 0 : i32
    %dma_start3A_24 = arith.constant 0 : i32
    %dma_start3A_25 = arith.constant 0 : i32
    %dma_start3A_26 = tpu.memref_slice %arg3[%add3A, %dma_start3A_23, %dma_start3A_24, %dma_start3A_25] : memref<32x24x2x128xi32, #tpu.memory_space<hbm>> -> memref<1x24x2x128xi32, #tpu.memory_space<hbm>>
    %dma_start3A_27 = tpu.memref_squeeze %dma_start3A_26 : memref<1x24x2x128xi32, #tpu.memory_space<hbm>> -> memref<24x2x128xi32, #tpu.memory_space<hbm>>
    %dma_start3A_28 = arith.constant 0 : i32
    %dma_start3A_29 = arith.constant 0 : i32
    %dma_start3A_30 = tpu.memref_slice %dma_start3A_27[%dma_start3A, %dma_start3A_28, %dma_start3A_29] : memref<24x2x128xi32, #tpu.memory_space<hbm>> -> memref<1x2x128xi32, #tpu.memory_space<hbm>>
    %dma_start3A_31 = tpu.memref_squeeze %dma_start3A_30 : memref<1x2x128xi32, #tpu.memory_space<hbm>> -> memref<2x128xi32, #tpu.memory_space<hbm>>
    %dma_start3A_32 = arith.constant 0 : i32
    %dma_start3A_33 = arith.constant 0 : i32
    %dma_start3A_34 = tpu.memref_slice %arg5[%dma_start3A_18, %dma_start3A_32, %dma_start3A_33] : memref<2x2x128xi32, #tpu.memory_space<vmem>> -> memref<1x2x128xi32, #tpu.memory_space<vmem>>
    %dma_start3A_35 = tpu.memref_squeeze %dma_start3A_34 : memref<1x2x128xi32, #tpu.memory_space<vmem>> -> memref<2x128xi32, #tpu.memory_space<vmem>>
    %dma_start3A_36 = arith.constant 0 : i32
    %dma_start3A_37 = arith.constant 0 : i32
    %dma_start3A_38 = arith.constant 0 : i32
    %dma_start3A_39 = tpu.memref_slice %arg3[%add3A, %dma_start3A_36, %dma_start3A_37, %dma_start3A_38] : memref<32x24x2x128xi32, #tpu.memory_space<hbm>> -> memref<1x24x2x128xi32, #tpu.memory_space<hbm>>
    %dma_start3A_40 = tpu.memref_squeeze %dma_start3A_39 : memref<1x24x2x128xi32, #tpu.memory_space<hbm>> -> memref<24x2x128xi32, #tpu.memory_space<hbm>>
    %dma_start3A_41 = arith.constant 0 : i32
    %dma_start3A_42 = arith.constant 0 : i32
    %dma_start3A_43 = tpu.memref_slice %dma_start3A_40[%dma_start3A, %dma_start3A_41, %dma_start3A_42] : memref<24x2x128xi32, #tpu.memory_space<hbm>> -> memref<1x2x128xi32, #tpu.memory_space<hbm>>
    %dma_start3A_44 = tpu.memref_squeeze %dma_start3A_43 : memref<1x2x128xi32, #tpu.memory_space<hbm>> -> memref<2x128xi32, #tpu.memory_space<hbm>>
    tpu.enqueue_dma source(%dma_start3A_44 : memref<2x128xi32, #tpu.memory_space<hbm>>) target(%dma_start3A_35 : memref<2x128xi32, #tpu.memory_space<vmem>>) target_semaphore(%arg9 : memref<!tpu.dma_semaphore, #tpu.memory_space<semaphore_mem>>)
    %dma_start3A_45 = arith.constant 1 : i32
    %dma_start3A_46 = arith.constant 1 : i32
    %dma_start3A_47 = arith.constant 0 : i32
    %dma_start3A_48 = arith.constant 0 : i32
    %dma_start3A_49 = tpu.memref_slice %arg5[%dma_start3A_46, %dma_start3A_47, %dma_start3A_48] : memref<2x2x128xi32, #tpu.memory_space<vmem>> -> memref<1x2x128xi32, #tpu.memory_space<vmem>>
    %dma_start3A_50 = tpu.memref_squeeze %dma_start3A_49 : memref<1x2x128xi32, #tpu.memory_space<vmem>> -> memref<2x128xi32, #tpu.memory_space<vmem>>
    %dma_start3A_51 = arith.constant 0 : i32
    %dma_start3A_52 = arith.constant 0 : i32
    %dma_start3A_53 = arith.constant 0 : i32
    %dma_start3A_54 = tpu.memref_slice %arg3[%add3A, %dma_start3A_51, %dma_start3A_52, %dma_start3A_53] : memref<32x24x2x128xi32, #tpu.memory_space<hbm>> -> memref<1x24x2x128xi32, #tpu.memory_space<hbm>>
    %dma_start3A_55 = tpu.memref_squeeze %dma_start3A_54 : memref<1x24x2x128xi32, #tpu.memory_space<hbm>> -> memref<24x2x128xi32, #tpu.memory_space<hbm>>
    %dma_start3A_56 = arith.constant 0 : i32
    %dma_start3A_57 = arith.constant 0 : i32
    %dma_start3A_58 = tpu.memref_slice %dma_start3A_55[%dma_start3A_45, %dma_start3A_56, %dma_start3A_57] : memref<24x2x128xi32, #tpu.memory_space<hbm>> -> memref<1x2x128xi32, #tpu.memory_space<hbm>>
    %dma_start3A_59 = tpu.memref_squeeze %dma_start3A_58 : memref<1x2x128xi32, #tpu.memory_space<hbm>> -> memref<2x128xi32, #tpu.memory_space<hbm>>
    %dma_start3A_60 = arith.constant 0 : i32
    %dma_start3A_61 = arith.constant 0 : i32
    %dma_start3A_62 = tpu.memref_slice %arg5[%dma_start3A_46, %dma_start3A_60, %dma_start3A_61] : memref<2x2x128xi32, #tpu.memory_space<vmem>> -> memref<1x2x128xi32, #tpu.memory_space<vmem>>
    %dma_start3A_63 = tpu.memref_squeeze %dma_start3A_62 : memref<1x2x128xi32, #tpu.memory_space<vmem>> -> memref<2x128xi32, #tpu.memory_space<vmem>>
    %dma_start3A_64 = arith.constant 0 : i32
    %dma_start3A_65 = arith.constant 0 : i32
    %dma_start3A_66 = arith.constant 0 : i32
    %dma_start3A_67 = tpu.memref_slice %arg3[%add3A, %dma_start3A_64, %dma_start3A_65, %dma_start3A_66] : memref<32x24x2x128xi32, #tpu.memory_space<hbm>> -> memref<1x24x2x128xi32, #tpu.memory_space<hbm>>
    %dma_start3A_68 = tpu.memref_squeeze %dma_start3A_67 : memref<1x24x2x128xi32, #tpu.memory_space<hbm>> -> memref<24x2x128xi32, #tpu.memory_space<hbm>>
    %dma_start3A_69 = arith.constant 0 : i32
    %dma_start3A_70 = arith.constant 0 : i32
    %dma_start3A_71 = tpu.memref_slice %dma_start3A_68[%dma_start3A_45, %dma_start3A_69, %dma_start3A_70] : memref<24x2x128xi32, #tpu.memory_space<hbm>> -> memref<1x2x128xi32, #tpu.memory_space<hbm>>
    %dma_start3A_72 = tpu.memref_squeeze %dma_start3A_71 : memref<1x2x128xi32, #tpu.memory_space<hbm>> -> memref<2x128xi32, #tpu.memory_space<hbm>>
    tpu.enqueue_dma source(%dma_start3A_72 : memref<2x128xi32, #tpu.memory_space<hbm>>) target(%dma_start3A_63 : memref<2x128xi32, #tpu.memory_space<vmem>>) target_semaphore(%arg10 : memref<!tpu.dma_semaphore, #tpu.memory_space<semaphore_mem>>)
    %dma_wait3A = arith.constant 0 : i32
    %dma_wait3A_73 = arith.constant 0 : i32
    %dma_wait3A_74 = arith.constant 0 : i32
    %dma_wait3A_75 = arith.constant 0 : i32
    %dma_wait3A_76 = tpu.memref_slice %arg5[%dma_wait3A_73, %dma_wait3A_74, %dma_wait3A_75] : memref<2x2x128xi32, #tpu.memory_space<vmem>> -> memref<1x2x128xi32, #tpu.memory_space<vmem>>
    %dma_wait3A_77 = tpu.memref_squeeze %dma_wait3A_76 : memref<1x2x128xi32, #tpu.memory_space<vmem>> -> memref<2x128xi32, #tpu.memory_space<vmem>>
    %dma_wait3A_78 = arith.constant 0 : i32
    %dma_wait3A_79 = arith.constant 0 : i32
    %dma_wait3A_80 = arith.constant 0 : i32
    %dma_wait3A_81 = tpu.memref_slice %arg3[%add3A, %dma_wait3A_78, %dma_wait3A_79, %dma_wait3A_80] : memref<32x24x2x128xi32, #tpu.memory_space<hbm>> -> memref<1x24x2x128xi32, #tpu.memory_space<hbm>>
    %dma_wait3A_82 = tpu.memref_squeeze %dma_wait3A_81 : memref<1x24x2x128xi32, #tpu.memory_space<hbm>> -> memref<24x2x128xi32, #tpu.memory_space<hbm>>
    %dma_wait3A_83 = arith.constant 0 : i32
    %dma_wait3A_84 = arith.constant 0 : i32
    %dma_wait3A_85 = tpu.memref_slice %dma_wait3A_82[%dma_wait3A, %dma_wait3A_83, %dma_wait3A_84] : memref<24x2x128xi32, #tpu.memory_space<hbm>> -> memref<1x2x128xi32, #tpu.memory_space<hbm>>
    %dma_wait3A_86 = tpu.memref_squeeze %dma_wait3A_85 : memref<1x2x128xi32, #tpu.memory_space<hbm>> -> memref<2x128xi32, #tpu.memory_space<hbm>>
    %dma_wait3A_87 = arith.constant 0 : i32
    %dma_wait3A_88 = arith.constant 0 : i32
    %dma_wait3A_89 = tpu.memref_slice %arg5[%dma_wait3A_73, %dma_wait3A_87, %dma_wait3A_88] : memref<2x2x128xi32, #tpu.memory_space<vmem>> -> memref<1x2x128xi32, #tpu.memory_space<vmem>>
    %dma_wait3A_90 = tpu.memref_squeeze %dma_wait3A_89 : memref<1x2x128xi32, #tpu.memory_space<vmem>> -> memref<2x128xi32, #tpu.memory_space<vmem>>
    %dma_wait3A_91 = arith.constant 0 : i32
    %dma_wait3A_92 = arith.constant 0 : i32
    %dma_wait3A_93 = arith.constant 0 : i32
    %dma_wait3A_94 = tpu.memref_slice %arg3[%add3A, %dma_wait3A_91, %dma_wait3A_92, %dma_wait3A_93] : memref<32x24x2x128xi32, #tpu.memory_space<hbm>> -> memref<1x24x2x128xi32, #tpu.memory_space<hbm>>
    %dma_wait3A_95 = tpu.memref_squeeze %dma_wait3A_94 : memref<1x24x2x128xi32, #tpu.memory_space<hbm>> -> memref<24x2x128xi32, #tpu.memory_space<hbm>>
    %dma_wait3A_96 = arith.constant 0 : i32
    %dma_wait3A_97 = arith.constant 0 : i32
    %dma_wait3A_98 = tpu.memref_slice %dma_wait3A_95[%dma_wait3A, %dma_wait3A_96, %dma_wait3A_97] : memref<24x2x128xi32, #tpu.memory_space<hbm>> -> memref<1x2x128xi32, #tpu.memory_space<hbm>>
    %dma_wait3A_99 = tpu.memref_squeeze %dma_wait3A_98 : memref<1x2x128xi32, #tpu.memory_space<hbm>> -> memref<2x128xi32, #tpu.memory_space<hbm>>
    tpu.wait_dma2 semaphore(%arg9 : memref<!tpu.dma_semaphore, #tpu.memory_space<semaphore_mem>>) src(%dma_wait3A_99 : memref<2x128xi32, #tpu.memory_space<hbm>>) dst(%dma_wait3A_90 : memref<2x128xi32, #tpu.memory_space<vmem>>)
    %dma_start3A_100 = arith.constant 0 : i32
    %dma_start3A_101 = arith.constant 0 : i32
    %dma_start3A_102 = arith.constant 0 : i32
    %dma_start3A_103 = tpu.memref_slice %arg5[%dma_start3A_100, %dma_start3A_101, %dma_start3A_102] : memref<2x2x128xi32, #tpu.memory_space<vmem>> -> memref<1x1x128xi32, #tpu.memory_space<vmem>>
    %dma_start3A_104 = tpu.memref_squeeze %dma_start3A_103 : memref<1x1x128xi32, #tpu.memory_space<vmem>> -> memref<128xi32, #tpu.memory_space<vmem>>
    %dma_start3A_105 = arith.constant 0 : i32
    %dma_start3A_106 = arith.constant 0 : i32
    %dma_start3A_107 = tpu.memref_slice %arg2[%dma_start3A_105, %dma_start3A_106] : memref<1024x128xf32, #tpu.memory_space<hbm>> -> memref<1024x128xf32, #tpu.memory_space<hbm>>
    tpu.enqueue_indirect_dma source(%dma_start3A_107 : memref<1024x128xf32, #tpu.memory_space<hbm>>) target(%arg6 : memref<128x128xf32, #tpu.memory_space<vmem>>) offsets(%dma_start3A_104 : memref<128xi32, #tpu.memory_space<vmem>>) semaphore(%arg11 : memref<!tpu.dma_semaphore, #tpu.memory_space<semaphore_mem>>)
    %scan3A_108 = arith.constant 0 : i32
    %scan3A_109 = arith.constant 12 : i32
    %scan3A_110 = arith.addi %scan3A_108, %scan3A_109 : i32
    %scan3A_111 = arith.constant 1 : i32
    scf.for %scan3A_114 = %scan3A_108 to %scan3A_110 step %scan3A_111  : i32 {
      %mul3A_115 = arith.constant 2 : i32
      %mul3A_116 = arith.muli %scan3A_114, %mul3A_115 : i32
      %add3A_117 = arith.constant 0 : i32
      %add3A_118 = arith.addi %add3A_117, %mul3A_116 : i32
      %add3A_119 = arith.constant 0 : i32
      %add3A_120 = arith.addi %add3A_118, %add3A_119 : i32
      %add3A_121 = arith.constant 1 : i32
      %add3A_122 = arith.addi %add3A_120, %add3A_121 : i32
      %lt3A = arith.constant 24 : i32
      %lt3A_123 = arith.cmpi slt, %add3A_122, %lt3A : i32
      %convert_element_type3A = arith.extui %lt3A_123 : i1 to i32
      %cond3A = arith.constant 0 : i32
      %cond3A_124 = arith.cmpi ne, %convert_element_type3A, %cond3A : i32
      scf.if %cond3A_124 {
        %add3A_167 = arith.constant 1 : i32
        %add3A_168 = arith.addi %add3A_120, %add3A_167 : i32
        %dma_wait3A_169 = arith.constant 1 : i32
        %dma_wait3A_170 = arith.constant 0 : i32
        %dma_wait3A_171 = arith.constant 0 : i32
        %dma_wait3A_172 = tpu.memref_slice %arg5[%dma_wait3A_169, %dma_wait3A_170, %dma_wait3A_171] : memref<2x2x128xi32, #tpu.memory_space<vmem>> -> memref<1x2x128xi32, #tpu.memory_space<vmem>>
        %dma_wait3A_173 = tpu.memref_squeeze %dma_wait3A_172 : memref<1x2x128xi32, #tpu.memory_space<vmem>> -> memref<2x128xi32, #tpu.memory_space<vmem>>
        %dma_wait3A_174 = arith.constant 0 : i32
        %dma_wait3A_175 = arith.constant 0 : i32
        %dma_wait3A_176 = arith.constant 0 : i32
        %dma_wait3A_177 = tpu.memref_slice %arg3[%add3A, %dma_wait3A_174, %dma_wait3A_175, %dma_wait3A_176] : memref<32x24x2x128xi32, #tpu.memory_space<hbm>> -> memref<1x24x2x128xi32, #tpu.memory_space<hbm>>
        %dma_wait3A_178 = tpu.memref_squeeze %dma_wait3A_177 : memref<1x24x2x128xi32, #tpu.memory_space<hbm>> -> memref<24x2x128xi32, #tpu.memory_space<hbm>>
        %dma_wait3A_179 = arith.constant 0 : i32
        %dma_wait3A_180 = arith.constant 0 : i32
        %dma_wait3A_181 = tpu.memref_slice %dma_wait3A_178[%add3A_168, %dma_wait3A_179, %dma_wait3A_180] : memref<24x2x128xi32, #tpu.memory_space<hbm>> -> memref<1x2x128xi32, #tpu.memory_space<hbm>>
        %dma_wait3A_182 = tpu.memref_squeeze %dma_wait3A_181 : memref<1x2x128xi32, #tpu.memory_space<hbm>> -> memref<2x128xi32, #tpu.memory_space<hbm>>
        %dma_wait3A_183 = arith.constant 0 : i32
        %dma_wait3A_184 = arith.constant 0 : i32
        %dma_wait3A_185 = tpu.memref_slice %arg5[%dma_wait3A_169, %dma_wait3A_183, %dma_wait3A_184] : memref<2x2x128xi32, #tpu.memory_space<vmem>> -> memref<1x2x128xi32, #tpu.memory_space<vmem>>
        %dma_wait3A_186 = tpu.memref_squeeze %dma_wait3A_185 : memref<1x2x128xi32, #tpu.memory_space<vmem>> -> memref<2x128xi32, #tpu.memory_space<vmem>>
        %dma_wait3A_187 = arith.constant 0 : i32
        %dma_wait3A_188 = arith.constant 0 : i32
        %dma_wait3A_189 = arith.constant 0 : i32
        %dma_wait3A_190 = tpu.memref_slice %arg3[%add3A, %dma_wait3A_187, %dma_wait3A_188, %dma_wait3A_189] : memref<32x24x2x128xi32, #tpu.memory_space<hbm>> -> memref<1x24x2x128xi32, #tpu.memory_space<hbm>>
        %dma_wait3A_191 = tpu.memref_squeeze %dma_wait3A_190 : memref<1x24x2x128xi32, #tpu.memory_space<hbm>> -> memref<24x2x128xi32, #tpu.memory_space<hbm>>
        %dma_wait3A_192 = arith.constant 0 : i32
        %dma_wait3A_193 = arith.constant 0 : i32
        %dma_wait3A_194 = tpu.memref_slice %dma_wait3A_191[%add3A_168, %dma_wait3A_192, %dma_wait3A_193] : memref<24x2x128xi32, #tpu.memory_space<hbm>> -> memref<1x2x128xi32, #tpu.memory_space<hbm>>
        %dma_wait3A_195 = tpu.memref_squeeze %dma_wait3A_194 : memref<1x2x128xi32, #tpu.memory_space<hbm>> -> memref<2x128xi32, #tpu.memory_space<hbm>>
        tpu.wait_dma2 semaphore(%arg10 : memref<!tpu.dma_semaphore, #tpu.memory_space<semaphore_mem>>) src(%dma_wait3A_195 : memref<2x128xi32, #tpu.memory_space<hbm>>) dst(%dma_wait3A_186 : memref<2x128xi32, #tpu.memory_space<vmem>>)
        %dma_start3A_196 = arith.constant 1 : i32
        %dma_start3A_197 = arith.constant 0 : i32
        %dma_start3A_198 = arith.constant 0 : i32
        %dma_start3A_199 = tpu.memref_slice %arg5[%dma_start3A_196, %dma_start3A_197, %dma_start3A_198] : memref<2x2x128xi32, #tpu.memory_space<vmem>> -> memref<1x1x128xi32, #tpu.memory_space<vmem>>
        %dma_start3A_200 = tpu.memref_squeeze %dma_start3A_199 : memref<1x1x128xi32, #tpu.memory_space<vmem>> -> memref<128xi32, #tpu.memory_space<vmem>>
        %dma_start3A_201 = arith.constant 0 : i32
        %dma_start3A_202 = arith.constant 0 : i32
        %dma_start3A_203 = tpu.memref_slice %arg2[%dma_start3A_201, %dma_start3A_202] : memref<1024x128xf32, #tpu.memory_space<hbm>> -> memref<1024x128xf32, #tpu.memory_space<hbm>>
        tpu.enqueue_indirect_dma source(%dma_start3A_203 : memref<1024x128xf32, #tpu.memory_space<hbm>>) target(%arg7 : memref<128x128xf32, #tpu.memory_space<vmem>>) offsets(%dma_start3A_200 : memref<128xi32, #tpu.memory_space<vmem>>) semaphore(%arg12 : memref<!tpu.dma_semaphore, #tpu.memory_space<semaphore_mem>>)
      } else {
      }
      %dma_wait3A_125 = arith.constant 0 : i32
      %dma_wait3A_126 = arith.constant 0 : i32
      %dma_wait3A_127 = arith.constant 0 : i32
      %dma_wait3A_128 = tpu.memref_slice %arg5[%dma_wait3A_125, %dma_wait3A_126, %dma_wait3A_127] : memref<2x2x128xi32, #tpu.memory_space<vmem>> -> memref<1x1x128xi32, #tpu.memory_space<vmem>>
      %dma_wait3A_129 = tpu.memref_squeeze %dma_wait3A_128 : memref<1x1x128xi32, #tpu.memory_space<vmem>> -> memref<128xi32, #tpu.memory_space<vmem>>
      %dma_wait3A_130 = arith.constant 0 : i32
      %dma_wait3A_131 = arith.constant 0 : i32
      %dma_wait3A_132 = tpu.memref_slice %arg2[%dma_wait3A_130, %dma_wait3A_131] : memref<1024x128xf32, #tpu.memory_space<hbm>> -> memref<1024x128xf32, #tpu.memory_space<hbm>>
      tpu.wait_indirect_dma semaphore(%arg11 : memref<!tpu.dma_semaphore, #tpu.memory_space<semaphore_mem>>) src(%dma_wait3A_132 : memref<1024x128xf32, #tpu.memory_space<hbm>>) dst(%arg6 : memref<128x128xf32, #tpu.memory_space<vmem>>)
      %run_scoped3A = arith.constant 0 : i32
      %run_scoped3A_133 = arith.constant 1 : i32
      "tpu.region"() ({
        %run_scoped3A_167 = tpu.sem_alloc : memref<!tpu.dma_semaphore, #tpu.memory_space<semaphore_mem>>
        %dma_start3A_168 = arith.constant 0 : i32
        %dma_start3A_169 = tpu.memref_slice %arg5[%run_scoped3A, %run_scoped3A_133, %dma_start3A_168] : memref<2x2x128xi32, #tpu.memory_space<vmem>> -> memref<1x1x128xi32, #tpu.memory_space<vmem>>
        %dma_start3A_170 = tpu.memref_squeeze %dma_start3A_169 : memref<1x1x128xi32, #tpu.memory_space<vmem>> -> memref<128xi32, #tpu.memory_space<vmem>>
        %dma_start3A_171 = arith.constant 0 : i32
        %dma_start3A_172 = arith.constant 0 : i32
        %dma_start3A_173 = tpu.memref_slice %arg8[%dma_start3A_171, %dma_start3A_172] : memref<10112x128xf32, #tpu.memory_space<vmem_shared>> -> memref<10112x128xf32, #tpu.memory_space<vmem_shared>>
        tpu.enqueue_indirect_dma source(%arg6 : memref<128x128xf32, #tpu.memory_space<vmem>>) target(%dma_start3A_173 : memref<10112x128xf32, #tpu.memory_space<vmem_shared>>) offsets(%dma_start3A_170 : memref<128xi32, #tpu.memory_space<vmem>>) semaphore(%run_scoped3A_167 : memref<!tpu.dma_semaphore, #tpu.memory_space<semaphore_mem>>) {add = true}
        %dma_wait3A_174 = arith.constant 0 : i32
        %dma_wait3A_175 = tpu.memref_slice %arg5[%run_scoped3A, %run_scoped3A_133, %dma_wait3A_174] : memref<2x2x128xi32, #tpu.memory_space<vmem>> -> memref<1x1x128xi32, #tpu.memory_space<vmem>>
        %dma_wait3A_176 = tpu.memref_squeeze %dma_wait3A_175 : memref<1x1x128xi32, #tpu.memory_space<vmem>> -> memref<128xi32, #tpu.memory_space<vmem>>
        %dma_wait3A_177 = arith.constant 0 : i32
        %dma_wait3A_178 = arith.constant 0 : i32
        %dma_wait3A_179 = tpu.memref_slice %arg8[%dma_wait3A_177, %dma_wait3A_178] : memref<10112x128xf32, #tpu.memory_space<vmem_shared>> -> memref<10112x128xf32, #tpu.memory_space<vmem_shared>>
        tpu.wait_indirect_dma semaphore(%run_scoped3A_167 : memref<!tpu.dma_semaphore, #tpu.memory_space<semaphore_mem>>) src(%arg6 : memref<128x128xf32, #tpu.memory_space<vmem>>) dst(%dma_wait3A_179 : memref<10112x128xf32, #tpu.memory_space<vmem_shared>>)
        tpu.yield
      }) : () -> ()
      %add3A_134 = arith.constant 2 : i32
      %add3A_135 = arith.addi %add3A_120, %add3A_134 : i32
      %lt3A_136 = arith.constant 24 : i32
      %lt3A_137 = arith.cmpi slt, %add3A_135, %lt3A_136 : i32
      %convert_element_type3A_138 = arith.extui %lt3A_137 : i1 to i32
      %cond3A_139 = arith.constant 0 : i32
      %cond3A_140 = arith.cmpi ne, %convert_element_type3A_138, %cond3A_139 : i32
      scf.if %cond3A_140 {
        %add3A_167 = arith.constant 2 : i32
        %add3A_168 = arith.addi %add3A_120, %add3A_167 : i32
        %dma_start3A_169 = arith.constant 0 : i32
        %dma_start3A_170 = arith.constant 0 : i32
        %dma_start3A_171 = arith.constant 0 : i32
        %dma_start3A_172 = tpu.memref_slice %arg5[%dma_start3A_169, %dma_start3A_170, %dma_start3A_171] : memref<2x2x128xi32, #tpu.memory_space<vmem>> -> memref<1x2x128xi32, #tpu.memory_space<vmem>>
        %dma_start3A_173 = tpu.memref_squeeze %dma_start3A_172 : memref<1x2x128xi32, #tpu.memory_space<vmem>> -> memref<2x128xi32, #tpu.memory_space<vmem>>
        %dma_start3A_174 = arith.constant 0 : i32
        %dma_start3A_175 = arith.constant 0 : i32
        %dma_start3A_176 = arith.constant 0 : i32
        %dma_start3A_177 = tpu.memref_slice %arg3[%add3A, %dma_start3A_174, %dma_start3A_175, %dma_start3A_176] : memref<32x24x2x128xi32, #tpu.memory_space<hbm>> -> memref<1x24x2x128xi32, #tpu.memory_space<hbm>>
        %dma_start3A_178 = tpu.memref_squeeze %dma_start3A_177 : memref<1x24x2x128xi32, #tpu.memory_space<hbm>> -> memref<24x2x128xi32, #tpu.memory_space<hbm>>
        %dma_start3A_179 = arith.constant 0 : i32
        %dma_start3A_180 = arith.constant 0 : i32
        %dma_start3A_181 = tpu.memref_slice %dma_start3A_178[%add3A_168, %dma_start3A_179, %dma_start3A_180] : memref<24x2x128xi32, #tpu.memory_space<hbm>> -> memref<1x2x128xi32, #tpu.memory_space<hbm>>
        %dma_start3A_182 = tpu.memref_squeeze %dma_start3A_181 : memref<1x2x128xi32, #tpu.memory_space<hbm>> -> memref<2x128xi32, #tpu.memory_space<hbm>>
        %dma_start3A_183 = arith.constant 0 : i32
        %dma_start3A_184 = arith.constant 0 : i32
        %dma_start3A_185 = tpu.memref_slice %arg5[%dma_start3A_169, %dma_start3A_183, %dma_start3A_184] : memref<2x2x128xi32, #tpu.memory_space<vmem>> -> memref<1x2x128xi32, #tpu.memory_space<vmem>>
        %dma_start3A_186 = tpu.memref_squeeze %dma_start3A_185 : memref<1x2x128xi32, #tpu.memory_space<vmem>> -> memref<2x128xi32, #tpu.memory_space<vmem>>
        %dma_start3A_187 = arith.constant 0 : i32
        %dma_start3A_188 = arith.constant 0 : i32
        %dma_start3A_189 = arith.constant 0 : i32
        %dma_start3A_190 = tpu.memref_slice %arg3[%add3A, %dma_start3A_187, %dma_start3A_188, %dma_start3A_189] : memref<32x24x2x128xi32, #tpu.memory_space<hbm>> -> memref<1x24x2x128xi32, #tpu.memory_space<hbm>>
        %dma_start3A_191 = tpu.memref_squeeze %dma_start3A_190 : memref<1x24x2x128xi32, #tpu.memory_space<hbm>> -> memref<24x2x128xi32, #tpu.memory_space<hbm>>
        %dma_start3A_192 = arith.constant 0 : i32
        %dma_start3A_193 = arith.constant 0 : i32
        %dma_start3A_194 = tpu.memref_slice %dma_start3A_191[%add3A_168, %dma_start3A_192, %dma_start3A_193] : memref<24x2x128xi32, #tpu.memory_space<hbm>> -> memref<1x2x128xi32, #tpu.memory_space<hbm>>
        %dma_start3A_195 = tpu.memref_squeeze %dma_start3A_194 : memref<1x2x128xi32, #tpu.memory_space<hbm>> -> memref<2x128xi32, #tpu.memory_space<hbm>>
        tpu.enqueue_dma source(%dma_start3A_195 : memref<2x128xi32, #tpu.memory_space<hbm>>) target(%dma_start3A_186 : memref<2x128xi32, #tpu.memory_space<vmem>>) target_semaphore(%arg9 : memref<!tpu.dma_semaphore, #tpu.memory_space<semaphore_mem>>)
      } else {
      }
      %add3A_141 = arith.constant 1 : i32
      %add3A_142 = arith.addi %add3A_118, %add3A_141 : i32
      %add3A_143 = arith.constant 1 : i32
      %add3A_144 = arith.addi %add3A_142, %add3A_143 : i32
      %lt3A_145 = arith.constant 24 : i32
      %lt3A_146 = arith.cmpi slt, %add3A_144, %lt3A_145 : i32
      %convert_element_type3A_147 = arith.extui %lt3A_146 : i1 to i32
      %cond3A_148 = arith.constant 0 : i32
      %cond3A_149 = arith.cmpi ne, %convert_element_type3A_147, %cond3A_148 : i32
      scf.if %cond3A_149 {
        %add3A_167 = arith.constant 1 : i32
        %add3A_168 = arith.addi %add3A_142, %add3A_167 : i32
        %dma_wait3A_169 = arith.constant 0 : i32
        %dma_wait3A_170 = arith.constant 0 : i32
        %dma_wait3A_171 = arith.constant 0 : i32
        %dma_wait3A_172 = tpu.memref_slice %arg5[%dma_wait3A_169, %dma_wait3A_170, %dma_wait3A_171] : memref<2x2x128xi32, #tpu.memory_space<vmem>> -> memref<1x2x128xi32, #tpu.memory_space<vmem>>
        %dma_wait3A_173 = tpu.memref_squeeze %dma_wait3A_172 : memref<1x2x128xi32, #tpu.memory_space<vmem>> -> memref<2x128xi32, #tpu.memory_space<vmem>>
        %dma_wait3A_174 = arith.constant 0 : i32
        %dma_wait3A_175 = arith.constant 0 : i32
        %dma_wait3A_176 = arith.constant 0 : i32
        %dma_wait3A_177 = tpu.memref_slice %arg3[%add3A, %dma_wait3A_174, %dma_wait3A_175, %dma_wait3A_176] : memref<32x24x2x128xi32, #tpu.memory_space<hbm>> -> memref<1x24x2x128xi32, #tpu.memory_space<hbm>>
        %dma_wait3A_178 = tpu.memref_squeeze %dma_wait3A_177 : memref<1x24x2x128xi32, #tpu.memory_space<hbm>> -> memref<24x2x128xi32, #tpu.memory_space<hbm>>
        %dma_wait3A_179 = arith.constant 0 : i32
        %dma_wait3A_180 = arith.constant 0 : i32
        %dma_wait3A_181 = tpu.memref_slice %dma_wait3A_178[%add3A_168, %dma_wait3A_179, %dma_wait3A_180] : memref<24x2x128xi32, #tpu.memory_space<hbm>> -> memref<1x2x128xi32, #tpu.memory_space<hbm>>
        %dma_wait3A_182 = tpu.memref_squeeze %dma_wait3A_181 : memref<1x2x128xi32, #tpu.memory_space<hbm>> -> memref<2x128xi32, #tpu.memory_space<hbm>>
        %dma_wait3A_183 = arith.constant 0 : i32
        %dma_wait3A_184 = arith.constant 0 : i32
        %dma_wait3A_185 = tpu.memref_slice %arg5[%dma_wait3A_169, %dma_wait3A_183, %dma_wait3A_184] : memref<2x2x128xi32, #tpu.memory_space<vmem>> -> memref<1x2x128xi32, #tpu.memory_space<vmem>>
        %dma_wait3A_186 = tpu.memref_squeeze %dma_wait3A_185 : memref<1x2x128xi32, #tpu.memory_space<vmem>> -> memref<2x128xi32, #tpu.memory_space<vmem>>
        %dma_wait3A_187 = arith.constant 0 : i32
        %dma_wait3A_188 = arith.constant 0 : i32
        %dma_wait3A_189 = arith.constant 0 : i32
        %dma_wait3A_190 = tpu.memref_slice %arg3[%add3A, %dma_wait3A_187, %dma_wait3A_188, %dma_wait3A_189] : memref<32x24x2x128xi32, #tpu.memory_space<hbm>> -> memref<1x24x2x128xi32, #tpu.memory_space<hbm>>
        %dma_wait3A_191 = tpu.memref_squeeze %dma_wait3A_190 : memref<1x24x2x128xi32, #tpu.memory_space<hbm>> -> memref<24x2x128xi32, #tpu.memory_space<hbm>>
        %dma_wait3A_192 = arith.constant 0 : i32
        %dma_wait3A_193 = arith.constant 0 : i32
        %dma_wait3A_194 = tpu.memref_slice %dma_wait3A_191[%add3A_168, %dma_wait3A_192, %dma_wait3A_193] : memref<24x2x128xi32, #tpu.memory_space<hbm>> -> memref<1x2x128xi32, #tpu.memory_space<hbm>>
        %dma_wait3A_195 = tpu.memref_squeeze %dma_wait3A_194 : memref<1x2x128xi32, #tpu.memory_space<hbm>> -> memref<2x128xi32, #tpu.memory_space<hbm>>
        tpu.wait_dma2 semaphore(%arg9 : memref<!tpu.dma_semaphore, #tpu.memory_space<semaphore_mem>>) src(%dma_wait3A_195 : memref<2x128xi32, #tpu.memory_space<hbm>>) dst(%dma_wait3A_186 : memref<2x128xi32, #tpu.memory_space<vmem>>)
        %dma_start3A_196 = arith.constant 0 : i32
        %dma_start3A_197 = arith.constant 0 : i32
        %dma_start3A_198 = arith.constant 0 : i32
        %dma_start3A_199 = tpu.memref_slice %arg5[%dma_start3A_196, %dma_start3A_197, %dma_start3A_198] : memref<2x2x128xi32, #tpu.memory_space<vmem>> -> memref<1x1x128xi32, #tpu.memory_space<vmem>>
        %dma_start3A_200 = tpu.memref_squeeze %dma_start3A_199 : memref<1x1x128xi32, #tpu.memory_space<vmem>> -> memref<128xi32, #tpu.memory_space<vmem>>
        %dma_start3A_201 = arith.constant 0 : i32
        %dma_start3A_202 = arith.constant 0 : i32
        %dma_start3A_203 = tpu.memref_slice %arg2[%dma_start3A_201, %dma_start3A_202] : memref<1024x128xf32, #tpu.memory_space<hbm>> -> memref<1024x128xf32, #tpu.memory_space<hbm>>
        tpu.enqueue_indirect_dma source(%dma_start3A_203 : memref<1024x128xf32, #tpu.memory_space<hbm>>) target(%arg6 : memref<128x128xf32, #tpu.memory_space<vmem>>) offsets(%dma_start3A_200 : memref<128xi32, #tpu.memory_space<vmem>>) semaphore(%arg11 : memref<!tpu.dma_semaphore, #tpu.memory_space<semaphore_mem>>)
      } else {
      }
      %dma_wait3A_150 = arith.constant 1 : i32
      %dma_wait3A_151 = arith.constant 0 : i32
      %dma_wait3A_152 = arith.constant 0 : i32
      %dma_wait3A_153 = tpu.memref_slice %arg5[%dma_wait3A_150, %dma_wait3A_151, %dma_wait3A_152] : memref<2x2x128xi32, #tpu.memory_space<vmem>> -> memref<1x1x128xi32, #tpu.memory_space<vmem>>
      %dma_wait3A_154 = tpu.memref_squeeze %dma_wait3A_153 : memref<1x1x128xi32, #tpu.memory_space<vmem>> -> memref<128xi32, #tpu.memory_space<vmem>>
      %dma_wait3A_155 = arith.constant 0 : i32
      %dma_wait3A_156 = arith.constant 0 : i32
      %dma_wait3A_157 = tpu.memref_slice %arg2[%dma_wait3A_155, %dma_wait3A_156] : memref<1024x128xf32, #tpu.memory_space<hbm>> -> memref<1024x128xf32, #tpu.memory_space<hbm>>
      tpu.wait_indirect_dma semaphore(%arg12 : memref<!tpu.dma_semaphore, #tpu.memory_space<semaphore_mem>>) src(%dma_wait3A_157 : memref<1024x128xf32, #tpu.memory_space<hbm>>) dst(%arg7 : memref<128x128xf32, #tpu.memory_space<vmem>>)
      %run_scoped3A_158 = arith.constant 1 : i32
      %run_scoped3A_159 = arith.constant 1 : i32
      "tpu.region"() ({
        %run_scoped3A_167 = tpu.sem_alloc : memref<!tpu.dma_semaphore, #tpu.memory_space<semaphore_mem>>
        %dma_start3A_168 = arith.constant 0 : i32
        %dma_start3A_169 = tpu.memref_slice %arg5[%run_scoped3A_158, %run_scoped3A_159, %dma_start3A_168] : memref<2x2x128xi32, #tpu.memory_space<vmem>> -> memref<1x1x128xi32, #tpu.memory_space<vmem>>
        %dma_start3A_170 = tpu.memref_squeeze %dma_start3A_169 : memref<1x1x128xi32, #tpu.memory_space<vmem>> -> memref<128xi32, #tpu.memory_space<vmem>>
        %dma_start3A_171 = arith.constant 0 : i32
        %dma_start3A_172 = arith.constant 0 : i32
        %dma_start3A_173 = tpu.memref_slice %arg8[%dma_start3A_171, %dma_start3A_172] : memref<10112x128xf32, #tpu.memory_space<vmem_shared>> -> memref<10112x128xf32, #tpu.memory_space<vmem_shared>>
        tpu.enqueue_indirect_dma source(%arg7 : memref<128x128xf32, #tpu.memory_space<vmem>>) target(%dma_start3A_173 : memref<10112x128xf32, #tpu.memory_space<vmem_shared>>) offsets(%dma_start3A_170 : memref<128xi32, #tpu.memory_space<vmem>>) semaphore(%run_scoped3A_167 : memref<!tpu.dma_semaphore, #tpu.memory_space<semaphore_mem>>) {add = true}
        %dma_wait3A_174 = arith.constant 0 : i32
        %dma_wait3A_175 = tpu.memref_slice %arg5[%run_scoped3A_158, %run_scoped3A_159, %dma_wait3A_174] : memref<2x2x128xi32, #tpu.memory_space<vmem>> -> memref<1x1x128xi32, #tpu.memory_space<vmem>>
        %dma_wait3A_176 = tpu.memref_squeeze %dma_wait3A_175 : memref<1x1x128xi32, #tpu.memory_space<vmem>> -> memref<128xi32, #tpu.memory_space<vmem>>
        %dma_wait3A_177 = arith.constant 0 : i32
        %dma_wait3A_178 = arith.constant 0 : i32
        %dma_wait3A_179 = tpu.memref_slice %arg8[%dma_wait3A_177, %dma_wait3A_178] : memref<10112x128xf32, #tpu.memory_space<vmem_shared>> -> memref<10112x128xf32, #tpu.memory_space<vmem_shared>>
        tpu.wait_indirect_dma semaphore(%run_scoped3A_167 : memref<!tpu.dma_semaphore, #tpu.memory_space<semaphore_mem>>) src(%arg7 : memref<128x128xf32, #tpu.memory_space<vmem>>) dst(%dma_wait3A_179 : memref<10112x128xf32, #tpu.memory_space<vmem_shared>>)
        tpu.yield
      }) : () -> ()
      %add3A_160 = arith.constant 2 : i32
      %add3A_161 = arith.addi %add3A_142, %add3A_160 : i32
      %lt3A_162 = arith.constant 24 : i32
      %lt3A_163 = arith.cmpi slt, %add3A_161, %lt3A_162 : i32
      %convert_element_type3A_164 = arith.extui %lt3A_163 : i1 to i32
      %cond3A_165 = arith.constant 0 : i32
      %cond3A_166 = arith.cmpi ne, %convert_element_type3A_164, %cond3A_165 : i32
      scf.if %cond3A_166 {
        %add3A_167 = arith.constant 2 : i32
        %add3A_168 = arith.addi %add3A_142, %add3A_167 : i32
        %dma_start3A_169 = arith.constant 1 : i32
        %dma_start3A_170 = arith.constant 0 : i32
        %dma_start3A_171 = arith.constant 0 : i32
        %dma_start3A_172 = tpu.memref_slice %arg5[%dma_start3A_169, %dma_start3A_170, %dma_start3A_171] : memref<2x2x128xi32, #tpu.memory_space<vmem>> -> memref<1x2x128xi32, #tpu.memory_space<vmem>>
        %dma_start3A_173 = tpu.memref_squeeze %dma_start3A_172 : memref<1x2x128xi32, #tpu.memory_space<vmem>> -> memref<2x128xi32, #tpu.memory_space<vmem>>
        %dma_start3A_174 = arith.constant 0 : i32
        %dma_start3A_175 = arith.constant 0 : i32
        %dma_start3A_176 = arith.constant 0 : i32
        %dma_start3A_177 = tpu.memref_slice %arg3[%add3A, %dma_start3A_174, %dma_start3A_175, %dma_start3A_176] : memref<32x24x2x128xi32, #tpu.memory_space<hbm>> -> memref<1x24x2x128xi32, #tpu.memory_space<hbm>>
        %dma_start3A_178 = tpu.memref_squeeze %dma_start3A_177 : memref<1x24x2x128xi32, #tpu.memory_space<hbm>> -> memref<24x2x128xi32, #tpu.memory_space<hbm>>
        %dma_start3A_179 = arith.constant 0 : i32
        %dma_start3A_180 = arith.constant 0 : i32
        %dma_start3A_181 = tpu.memref_slice %dma_start3A_178[%add3A_168, %dma_start3A_179, %dma_start3A_180] : memref<24x2x128xi32, #tpu.memory_space<hbm>> -> memref<1x2x128xi32, #tpu.memory_space<hbm>>
        %dma_start3A_182 = tpu.memref_squeeze %dma_start3A_181 : memref<1x2x128xi32, #tpu.memory_space<hbm>> -> memref<2x128xi32, #tpu.memory_space<hbm>>
        %dma_start3A_183 = arith.constant 0 : i32
        %dma_start3A_184 = arith.constant 0 : i32
        %dma_start3A_185 = tpu.memref_slice %arg5[%dma_start3A_169, %dma_start3A_183, %dma_start3A_184] : memref<2x2x128xi32, #tpu.memory_space<vmem>> -> memref<1x2x128xi32, #tpu.memory_space<vmem>>
        %dma_start3A_186 = tpu.memref_squeeze %dma_start3A_185 : memref<1x2x128xi32, #tpu.memory_space<vmem>> -> memref<2x128xi32, #tpu.memory_space<vmem>>
        %dma_start3A_187 = arith.constant 0 : i32
        %dma_start3A_188 = arith.constant 0 : i32
        %dma_start3A_189 = arith.constant 0 : i32
        %dma_start3A_190 = tpu.memref_slice %arg3[%add3A, %dma_start3A_187, %dma_start3A_188, %dma_start3A_189] : memref<32x24x2x128xi32, #tpu.memory_space<hbm>> -> memref<1x24x2x128xi32, #tpu.memory_space<hbm>>
        %dma_start3A_191 = tpu.memref_squeeze %dma_start3A_190 : memref<1x24x2x128xi32, #tpu.memory_space<hbm>> -> memref<24x2x128xi32, #tpu.memory_space<hbm>>
        %dma_start3A_192 = arith.constant 0 : i32
        %dma_start3A_193 = arith.constant 0 : i32
        %dma_start3A_194 = tpu.memref_slice %dma_start3A_191[%add3A_168, %dma_start3A_192, %dma_start3A_193] : memref<24x2x128xi32, #tpu.memory_space<hbm>> -> memref<1x2x128xi32, #tpu.memory_space<hbm>>
        %dma_start3A_195 = tpu.memref_squeeze %dma_start3A_194 : memref<1x2x128xi32, #tpu.memory_space<hbm>> -> memref<2x128xi32, #tpu.memory_space<hbm>>
        tpu.enqueue_dma source(%dma_start3A_195 : memref<2x128xi32, #tpu.memory_space<hbm>>) target(%dma_start3A_186 : memref<2x128xi32, #tpu.memory_space<vmem>>) target_semaphore(%arg10 : memref<!tpu.dma_semaphore, #tpu.memory_space<semaphore_mem>>)
      } else {
      }
    }
    %scan3A_112 = arith.constant 12 : i32
    %barrier3A_113 = arith.constant 0 : index
    tpu.barrier barrier_id(%barrier3A_113)
    "tpu.region"() ({
      %run_scoped3A = tpu.sem_alloc : memref<!tpu.dma_semaphore, #tpu.memory_space<semaphore_mem>>
      %dma_start3A_114 = arith.constant 0 : i32
      %dma_start3A_115 = tpu.memref_slice %arg4[%arg0, %mul3A_2, %dma_start3A_114] : memref<2x10112x128xf32, #tpu.memory_space<hbm>> -> memref<1x632x128xf32, #tpu.memory_space<hbm>>
      %dma_start3A_116 = tpu.memref_squeeze %dma_start3A_115 : memref<1x632x128xf32, #tpu.memory_space<hbm>> -> memref<632x128xf32, #tpu.memory_space<hbm>>
      %dma_start3A_117 = arith.constant 0 : i32
      %dma_start3A_118 = tpu.memref_slice %arg8[%mul3A_2, %dma_start3A_117] : memref<10112x128xf32, #tpu.memory_space<vmem_shared>> -> memref<632x128xf32, #tpu.memory_space<vmem_shared>>
      tpu.enqueue_dma source(%dma_start3A_118 : memref<632x128xf32, #tpu.memory_space<vmem_shared>>) target(%dma_start3A_116 : memref<632x128xf32, #tpu.memory_space<hbm>>) target_semaphore(%run_scoped3A : memref<!tpu.dma_semaphore, #tpu.memory_space<semaphore_mem>>)
      %dma_wait3A_119 = arith.constant 0 : i32
      %dma_wait3A_120 = tpu.memref_slice %arg4[%arg0, %mul3A_2, %dma_wait3A_119] : memref<2x10112x128xf32, #tpu.memory_space<hbm>> -> memref<1x632x128xf32, #tpu.memory_space<hbm>>
      %dma_wait3A_121 = tpu.memref_squeeze %dma_wait3A_120 : memref<1x632x128xf32, #tpu.memory_space<hbm>> -> memref<632x128xf32, #tpu.memory_space<hbm>>
      %dma_wait3A_122 = arith.constant 0 : i32
      %dma_wait3A_123 = tpu.memref_slice %arg8[%mul3A_2, %dma_wait3A_122] : memref<10112x128xf32, #tpu.memory_space<vmem_shared>> -> memref<632x128xf32, #tpu.memory_space<vmem_shared>>
      tpu.wait_dma2 semaphore(%run_scoped3A : memref<!tpu.dma_semaphore, #tpu.memory_space<semaphore_mem>>) src(%dma_wait3A_123 : memref<632x128xf32, #tpu.memory_space<vmem_shared>>) dst(%dma_wait3A_121 : memref<632x128xf32, #tpu.memory_space<hbm>>)
      tpu.yield
    }) : () -> ()
    return
  }
}

#map = affine_map<(d0, d1) -> (0, 0)>
#map1 = affine_map<(d0, d1) -> (0, 0, 0, 0)>
#map2 = affine_map<(d0, d1) -> (0, 0, 0)>
module attributes {stable_mosaic.version = 14 : i64} {
  func.func @_agg_body(%arg0: i32, %arg1: i32, %arg2: memref<10112x128xf32, #tpu.memory_space<hbm>>, %arg3: memref<32x80x2x128xi32, #tpu.memory_space<hbm>>, %arg4: memref<2x10112x128xf32, #tpu.memory_space<hbm>>, %arg5: memref<2x2x128xi32, #tpu.memory_space<vmem>>, %arg6: memref<128x128xf32, #tpu.memory_space<vmem>>, %arg7: memref<128x128xf32, #tpu.memory_space<vmem>>, %arg8: memref<10112x128xf32, #tpu.memory_space<vmem_shared>>, %arg9: memref<!tpu.dma_semaphore, #tpu.memory_space<semaphore_mem>>, %arg10: memref<!tpu.dma_semaphore, #tpu.memory_space<semaphore_mem>>, %arg11: memref<!tpu.dma_semaphore, #tpu.memory_space<semaphore_mem>>, %arg12: memref<!tpu.dma_semaphore, #tpu.memory_space<semaphore_mem>>) attributes {dimension_semantics = [#tpu.dimension_semantics<core_parallel>, #tpu.dimension_semantics<subcore_parallel>], iteration_bounds = array<i64: 2, 16>, scalar_prefetch = 0 : i64, scratch_operands = 8 : i64, tpu.core_type = #tpu.core_type<sc_vector_subcore>, window_params = [{transform_indices = #map}, {transform_indices = #map1}, {transform_indices = #map2}]} {
    %mul3A = arith.constant 16 : i32
    %mul3A_0 = arith.muli %arg0, %mul3A : i32
    %add3A = arith.addi %mul3A_0, %arg1 : i32
    %mul3A_1 = arith.constant 632 : i32
    %mul3A_2 = arith.muli %arg1, %mul3A_1 : i32
    %broadcast_in_dim3A = arith.constant 0.000000e+00 : f32
    %broadcast_in_dim3A_3 = vector.broadcast %broadcast_in_dim3A : f32 to vector<16xf32>
    %scan3A = arith.constant 0 : i32
    %scan3A_4 = arith.constant 128 : i32
    %scan3A_5 = arith.addi %scan3A, %scan3A_4 : i32
    %scan3A_6 = arith.constant 1 : i32
    scf.for %scan3A_114 = %scan3A to %scan3A_5 step %scan3A_6  : i32 {
      %mul3A_115 = arith.constant 1 : i32
      %mul3A_116 = arith.muli %scan3A_114, %mul3A_115 : i32
      %add3A_117 = arith.constant 0 : i32
      %add3A_118 = arith.addi %add3A_117, %mul3A_116 : i32
      %swap3A = arith.index_cast %add3A_118 : i32 to index
      %swap3A_119 = arith.constant 0 : index
      %swap3A_120 = tpu.vector_load %arg6[%swap3A, %swap3A_119] {strides = array<i32>} : memref<128x128xf32, #tpu.memory_space<vmem>>, vector<1x16xf32>,
      %swap3A_121 = vector.shape_cast %swap3A_120 : vector<1x16xf32> to vector<16xf32>
      %swap3A_122 = vector.shape_cast %broadcast_in_dim3A_3 : vector<16xf32> to vector<1x16xf32>
      tpu.vector_store %arg6[%swap3A, %swap3A_119], %swap3A_122 {strides = array<i32>} : memref<128x128xf32, #tpu.memory_space<vmem>>, vector<1x16xf32>,
      %swap3A_123 = arith.index_cast %add3A_118 : i32 to index
      %swap3A_124 = arith.constant 16 : index
      %swap3A_125 = tpu.vector_load %arg6[%swap3A_123, %swap3A_124] {strides = array<i32>} : memref<128x128xf32, #tpu.memory_space<vmem>>, vector<1x16xf32>,
      %swap3A_126 = vector.shape_cast %swap3A_125 : vector<1x16xf32> to vector<16xf32>
      %swap3A_127 = vector.shape_cast %broadcast_in_dim3A_3 : vector<16xf32> to vector<1x16xf32>
      tpu.vector_store %arg6[%swap3A_123, %swap3A_124], %swap3A_127 {strides = array<i32>} : memref<128x128xf32, #tpu.memory_space<vmem>>, vector<1x16xf32>,
      %swap3A_128 = arith.index_cast %add3A_118 : i32 to index
      %swap3A_129 = arith.constant 32 : index
      %swap3A_130 = tpu.vector_load %arg6[%swap3A_128, %swap3A_129] {strides = array<i32>} : memref<128x128xf32, #tpu.memory_space<vmem>>, vector<1x16xf32>,
      %swap3A_131 = vector.shape_cast %swap3A_130 : vector<1x16xf32> to vector<16xf32>
      %swap3A_132 = vector.shape_cast %broadcast_in_dim3A_3 : vector<16xf32> to vector<1x16xf32>
      tpu.vector_store %arg6[%swap3A_128, %swap3A_129], %swap3A_132 {strides = array<i32>} : memref<128x128xf32, #tpu.memory_space<vmem>>, vector<1x16xf32>,
      %swap3A_133 = arith.index_cast %add3A_118 : i32 to index
      %swap3A_134 = arith.constant 48 : index
      %swap3A_135 = tpu.vector_load %arg6[%swap3A_133, %swap3A_134] {strides = array<i32>} : memref<128x128xf32, #tpu.memory_space<vmem>>, vector<1x16xf32>,
      %swap3A_136 = vector.shape_cast %swap3A_135 : vector<1x16xf32> to vector<16xf32>
      %swap3A_137 = vector.shape_cast %broadcast_in_dim3A_3 : vector<16xf32> to vector<1x16xf32>
      tpu.vector_store %arg6[%swap3A_133, %swap3A_134], %swap3A_137 {strides = array<i32>} : memref<128x128xf32, #tpu.memory_space<vmem>>, vector<1x16xf32>,
      %swap3A_138 = arith.index_cast %add3A_118 : i32 to index
      %swap3A_139 = arith.constant 64 : index
      %swap3A_140 = tpu.vector_load %arg6[%swap3A_138, %swap3A_139] {strides = array<i32>} : memref<128x128xf32, #tpu.memory_space<vmem>>, vector<1x16xf32>,
      %swap3A_141 = vector.shape_cast %swap3A_140 : vector<1x16xf32> to vector<16xf32>
      %swap3A_142 = vector.shape_cast %broadcast_in_dim3A_3 : vector<16xf32> to vector<1x16xf32>
      tpu.vector_store %arg6[%swap3A_138, %swap3A_139], %swap3A_142 {strides = array<i32>} : memref<128x128xf32, #tpu.memory_space<vmem>>, vector<1x16xf32>,
      %swap3A_143 = arith.index_cast %add3A_118 : i32 to index
      %swap3A_144 = arith.constant 80 : index
      %swap3A_145 = tpu.vector_load %arg6[%swap3A_143, %swap3A_144] {strides = array<i32>} : memref<128x128xf32, #tpu.memory_space<vmem>>, vector<1x16xf32>,
      %swap3A_146 = vector.shape_cast %swap3A_145 : vector<1x16xf32> to vector<16xf32>
      %swap3A_147 = vector.shape_cast %broadcast_in_dim3A_3 : vector<16xf32> to vector<1x16xf32>
      tpu.vector_store %arg6[%swap3A_143, %swap3A_144], %swap3A_147 {strides = array<i32>} : memref<128x128xf32, #tpu.memory_space<vmem>>, vector<1x16xf32>,
      %swap3A_148 = arith.index_cast %add3A_118 : i32 to index
      %swap3A_149 = arith.constant 96 : index
      %swap3A_150 = tpu.vector_load %arg6[%swap3A_148, %swap3A_149] {strides = array<i32>} : memref<128x128xf32, #tpu.memory_space<vmem>>, vector<1x16xf32>,
      %swap3A_151 = vector.shape_cast %swap3A_150 : vector<1x16xf32> to vector<16xf32>
      %swap3A_152 = vector.shape_cast %broadcast_in_dim3A_3 : vector<16xf32> to vector<1x16xf32>
      tpu.vector_store %arg6[%swap3A_148, %swap3A_149], %swap3A_152 {strides = array<i32>} : memref<128x128xf32, #tpu.memory_space<vmem>>, vector<1x16xf32>,
      %swap3A_153 = arith.index_cast %add3A_118 : i32 to index
      %swap3A_154 = arith.constant 112 : index
      %swap3A_155 = tpu.vector_load %arg6[%swap3A_153, %swap3A_154] {strides = array<i32>} : memref<128x128xf32, #tpu.memory_space<vmem>>, vector<1x16xf32>,
      %swap3A_156 = vector.shape_cast %swap3A_155 : vector<1x16xf32> to vector<16xf32>
      %swap3A_157 = vector.shape_cast %broadcast_in_dim3A_3 : vector<16xf32> to vector<1x16xf32>
      tpu.vector_store %arg6[%swap3A_153, %swap3A_154], %swap3A_157 {strides = array<i32>} : memref<128x128xf32, #tpu.memory_space<vmem>>, vector<1x16xf32>,
    }
    %scan3A_7 = arith.constant 128 : i32
    %add3A_8 = arith.constant 0 : i32
    %add3A_9 = arith.addi %mul3A_2, %add3A_8 : i32
    "tpu.region"() ({
      %run_scoped3A = tpu.sem_alloc : memref<!tpu.dma_semaphore, #tpu.memory_space<semaphore_mem>>
      %dma_start3A_114 = arith.constant 0 : i32
      %dma_start3A_115 = tpu.memref_slice %arg8[%add3A_9, %dma_start3A_114] : memref<10112x128xf32, #tpu.memory_space<vmem_shared>> -> memref<128x128xf32, #tpu.memory_space<vmem_shared>>
      %dma_start3A_116 = arith.constant 0 : i32
      %dma_start3A_117 = tpu.memref_slice %arg8[%add3A_9, %dma_start3A_116] : memref<10112x128xf32, #tpu.memory_space<vmem_shared>> -> memref<128x128xf32, #tpu.memory_space<vmem_shared>>
      tpu.enqueue_dma source(%arg6 : memref<128x128xf32, #tpu.memory_space<vmem>>) target(%dma_start3A_117 : memref<128x128xf32, #tpu.memory_space<vmem_shared>>) target_semaphore(%run_scoped3A : memref<!tpu.dma_semaphore, #tpu.memory_space<semaphore_mem>>)
      %dma_wait3A_118 = arith.constant 0 : i32
      %dma_wait3A_119 = tpu.memref_slice %arg8[%add3A_9, %dma_wait3A_118] : memref<10112x128xf32, #tpu.memory_space<vmem_shared>> -> memref<128x128xf32, #tpu.memory_space<vmem_shared>>
      %dma_wait3A_120 = arith.constant 0 : i32
      %dma_wait3A_121 = tpu.memref_slice %arg8[%add3A_9, %dma_wait3A_120] : memref<10112x128xf32, #tpu.memory_space<vmem_shared>> -> memref<128x128xf32, #tpu.memory_space<vmem_shared>>
      tpu.wait_dma2 semaphore(%run_scoped3A : memref<!tpu.dma_semaphore, #tpu.memory_space<semaphore_mem>>) src(%arg6 : memref<128x128xf32, #tpu.memory_space<vmem>>) dst(%dma_wait3A_121 : memref<128x128xf32, #tpu.memory_space<vmem_shared>>)
      tpu.yield
    }) : () -> ()
    %add3A_10 = arith.constant 128 : i32
    %add3A_11 = arith.addi %mul3A_2, %add3A_10 : i32
    "tpu.region"() ({
      %run_scoped3A = tpu.sem_alloc : memref<!tpu.dma_semaphore, #tpu.memory_space<semaphore_mem>>
      %dma_start3A_114 = arith.constant 0 : i32
      %dma_start3A_115 = tpu.memref_slice %arg8[%add3A_11, %dma_start3A_114] : memref<10112x128xf32, #tpu.memory_space<vmem_shared>> -> memref<128x128xf32, #tpu.memory_space<vmem_shared>>
      %dma_start3A_116 = arith.constant 0 : i32
      %dma_start3A_117 = tpu.memref_slice %arg8[%add3A_11, %dma_start3A_116] : memref<10112x128xf32, #tpu.memory_space<vmem_shared>> -> memref<128x128xf32, #tpu.memory_space<vmem_shared>>
      tpu.enqueue_dma source(%arg6 : memref<128x128xf32, #tpu.memory_space<vmem>>) target(%dma_start3A_117 : memref<128x128xf32, #tpu.memory_space<vmem_shared>>) target_semaphore(%run_scoped3A : memref<!tpu.dma_semaphore, #tpu.memory_space<semaphore_mem>>)
      %dma_wait3A_118 = arith.constant 0 : i32
      %dma_wait3A_119 = tpu.memref_slice %arg8[%add3A_11, %dma_wait3A_118] : memref<10112x128xf32, #tpu.memory_space<vmem_shared>> -> memref<128x128xf32, #tpu.memory_space<vmem_shared>>
      %dma_wait3A_120 = arith.constant 0 : i32
      %dma_wait3A_121 = tpu.memref_slice %arg8[%add3A_11, %dma_wait3A_120] : memref<10112x128xf32, #tpu.memory_space<vmem_shared>> -> memref<128x128xf32, #tpu.memory_space<vmem_shared>>
      tpu.wait_dma2 semaphore(%run_scoped3A : memref<!tpu.dma_semaphore, #tpu.memory_space<semaphore_mem>>) src(%arg6 : memref<128x128xf32, #tpu.memory_space<vmem>>) dst(%dma_wait3A_121 : memref<128x128xf32, #tpu.memory_space<vmem_shared>>)
      tpu.yield
    }) : () -> ()
    %add3A_12 = arith.constant 256 : i32
    %add3A_13 = arith.addi %mul3A_2, %add3A_12 : i32
    "tpu.region"() ({
      %run_scoped3A = tpu.sem_alloc : memref<!tpu.dma_semaphore, #tpu.memory_space<semaphore_mem>>
      %dma_start3A_114 = arith.constant 0 : i32
      %dma_start3A_115 = tpu.memref_slice %arg8[%add3A_13, %dma_start3A_114] : memref<10112x128xf32, #tpu.memory_space<vmem_shared>> -> memref<128x128xf32, #tpu.memory_space<vmem_shared>>
      %dma_start3A_116 = arith.constant 0 : i32
      %dma_start3A_117 = tpu.memref_slice %arg8[%add3A_13, %dma_start3A_116] : memref<10112x128xf32, #tpu.memory_space<vmem_shared>> -> memref<128x128xf32, #tpu.memory_space<vmem_shared>>
      tpu.enqueue_dma source(%arg6 : memref<128x128xf32, #tpu.memory_space<vmem>>) target(%dma_start3A_117 : memref<128x128xf32, #tpu.memory_space<vmem_shared>>) target_semaphore(%run_scoped3A : memref<!tpu.dma_semaphore, #tpu.memory_space<semaphore_mem>>)
      %dma_wait3A_118 = arith.constant 0 : i32
      %dma_wait3A_119 = tpu.memref_slice %arg8[%add3A_13, %dma_wait3A_118] : memref<10112x128xf32, #tpu.memory_space<vmem_shared>> -> memref<128x128xf32, #tpu.memory_space<vmem_shared>>
      %dma_wait3A_120 = arith.constant 0 : i32
      %dma_wait3A_121 = tpu.memref_slice %arg8[%add3A_13, %dma_wait3A_120] : memref<10112x128xf32, #tpu.memory_space<vmem_shared>> -> memref<128x128xf32, #tpu.memory_space<vmem_shared>>
      tpu.wait_dma2 semaphore(%run_scoped3A : memref<!tpu.dma_semaphore, #tpu.memory_space<semaphore_mem>>) src(%arg6 : memref<128x128xf32, #tpu.memory_space<vmem>>) dst(%dma_wait3A_121 : memref<128x128xf32, #tpu.memory_space<vmem_shared>>)
      tpu.yield
    }) : () -> ()
    %add3A_14 = arith.constant 384 : i32
    %add3A_15 = arith.addi %mul3A_2, %add3A_14 : i32
    "tpu.region"() ({
      %run_scoped3A = tpu.sem_alloc : memref<!tpu.dma_semaphore, #tpu.memory_space<semaphore_mem>>
      %dma_start3A_114 = arith.constant 0 : i32
      %dma_start3A_115 = tpu.memref_slice %arg8[%add3A_15, %dma_start3A_114] : memref<10112x128xf32, #tpu.memory_space<vmem_shared>> -> memref<128x128xf32, #tpu.memory_space<vmem_shared>>
      %dma_start3A_116 = arith.constant 0 : i32
      %dma_start3A_117 = tpu.memref_slice %arg8[%add3A_15, %dma_start3A_116] : memref<10112x128xf32, #tpu.memory_space<vmem_shared>> -> memref<128x128xf32, #tpu.memory_space<vmem_shared>>
      tpu.enqueue_dma source(%arg6 : memref<128x128xf32, #tpu.memory_space<vmem>>) target(%dma_start3A_117 : memref<128x128xf32, #tpu.memory_space<vmem_shared>>) target_semaphore(%run_scoped3A : memref<!tpu.dma_semaphore, #tpu.memory_space<semaphore_mem>>)
      %dma_wait3A_118 = arith.constant 0 : i32
      %dma_wait3A_119 = tpu.memref_slice %arg8[%add3A_15, %dma_wait3A_118] : memref<10112x128xf32, #tpu.memory_space<vmem_shared>> -> memref<128x128xf32, #tpu.memory_space<vmem_shared>>
      %dma_wait3A_120 = arith.constant 0 : i32
      %dma_wait3A_121 = tpu.memref_slice %arg8[%add3A_15, %dma_wait3A_120] : memref<10112x128xf32, #tpu.memory_space<vmem_shared>> -> memref<128x128xf32, #tpu.memory_space<vmem_shared>>
      tpu.wait_dma2 semaphore(%run_scoped3A : memref<!tpu.dma_semaphore, #tpu.memory_space<semaphore_mem>>) src(%arg6 : memref<128x128xf32, #tpu.memory_space<vmem>>) dst(%dma_wait3A_121 : memref<128x128xf32, #tpu.memory_space<vmem_shared>>)
      tpu.yield
    }) : () -> ()
    %add3A_16 = arith.constant 512 : i32
    %add3A_17 = arith.addi %mul3A_2, %add3A_16 : i32
    "tpu.region"() ({
      %run_scoped3A = tpu.sem_alloc : memref<!tpu.dma_semaphore, #tpu.memory_space<semaphore_mem>>
      %dma_start3A_114 = arith.constant 0 : i32
      %dma_start3A_115 = arith.constant 0 : i32
      %dma_start3A_116 = tpu.memref_slice %arg6[%dma_start3A_114, %dma_start3A_115] : memref<128x128xf32, #tpu.memory_space<vmem>> -> memref<120x128xf32, #tpu.memory_space<vmem>>
      %dma_start3A_117 = arith.constant 0 : i32
      %dma_start3A_118 = tpu.memref_slice %arg8[%add3A_17, %dma_start3A_117] : memref<10112x128xf32, #tpu.memory_space<vmem_shared>> -> memref<120x128xf32, #tpu.memory_space<vmem_shared>>
      %dma_start3A_119 = arith.constant 0 : i32
      %dma_start3A_120 = tpu.memref_slice %arg8[%add3A_17, %dma_start3A_119] : memref<10112x128xf32, #tpu.memory_space<vmem_shared>> -> memref<120x128xf32, #tpu.memory_space<vmem_shared>>
      %dma_start3A_121 = arith.constant 0 : i32
      %dma_start3A_122 = arith.constant 0 : i32
      %dma_start3A_123 = tpu.memref_slice %arg6[%dma_start3A_121, %dma_start3A_122] : memref<128x128xf32, #tpu.memory_space<vmem>> -> memref<120x128xf32, #tpu.memory_space<vmem>>
      tpu.enqueue_dma source(%dma_start3A_123 : memref<120x128xf32, #tpu.memory_space<vmem>>) target(%dma_start3A_120 : memref<120x128xf32, #tpu.memory_space<vmem_shared>>) target_semaphore(%run_scoped3A : memref<!tpu.dma_semaphore, #tpu.memory_space<semaphore_mem>>)
      %dma_wait3A_124 = arith.constant 0 : i32
      %dma_wait3A_125 = arith.constant 0 : i32
      %dma_wait3A_126 = tpu.memref_slice %arg6[%dma_wait3A_124, %dma_wait3A_125] : memref<128x128xf32, #tpu.memory_space<vmem>> -> memref<120x128xf32, #tpu.memory_space<vmem>>
      %dma_wait3A_127 = arith.constant 0 : i32
      %dma_wait3A_128 = tpu.memref_slice %arg8[%add3A_17, %dma_wait3A_127] : memref<10112x128xf32, #tpu.memory_space<vmem_shared>> -> memref<120x128xf32, #tpu.memory_space<vmem_shared>>
      %dma_wait3A_129 = arith.constant 0 : i32
      %dma_wait3A_130 = tpu.memref_slice %arg8[%add3A_17, %dma_wait3A_129] : memref<10112x128xf32, #tpu.memory_space<vmem_shared>> -> memref<120x128xf32, #tpu.memory_space<vmem_shared>>
      %dma_wait3A_131 = arith.constant 0 : i32
      %dma_wait3A_132 = arith.constant 0 : i32
      %dma_wait3A_133 = tpu.memref_slice %arg6[%dma_wait3A_131, %dma_wait3A_132] : memref<128x128xf32, #tpu.memory_space<vmem>> -> memref<120x128xf32, #tpu.memory_space<vmem>>
      tpu.wait_dma2 semaphore(%run_scoped3A : memref<!tpu.dma_semaphore, #tpu.memory_space<semaphore_mem>>) src(%dma_wait3A_133 : memref<120x128xf32, #tpu.memory_space<vmem>>) dst(%dma_wait3A_130 : memref<120x128xf32, #tpu.memory_space<vmem_shared>>)
      tpu.yield
    }) : () -> ()
    %barrier3A = arith.constant 0 : index
    tpu.barrier barrier_id(%barrier3A)
    %dma_start3A = arith.constant 0 : i32
    %dma_start3A_18 = arith.constant 0 : i32
    %dma_start3A_19 = arith.constant 0 : i32
    %dma_start3A_20 = arith.constant 0 : i32
    %dma_start3A_21 = tpu.memref_slice %arg5[%dma_start3A_18, %dma_start3A_19, %dma_start3A_20] : memref<2x2x128xi32, #tpu.memory_space<vmem>> -> memref<1x2x128xi32, #tpu.memory_space<vmem>>
    %dma_start3A_22 = tpu.memref_squeeze %dma_start3A_21 : memref<1x2x128xi32, #tpu.memory_space<vmem>> -> memref<2x128xi32, #tpu.memory_space<vmem>>
    %dma_start3A_23 = arith.constant 0 : i32
    %dma_start3A_24 = arith.constant 0 : i32
    %dma_start3A_25 = arith.constant 0 : i32
    %dma_start3A_26 = tpu.memref_slice %arg3[%add3A, %dma_start3A_23, %dma_start3A_24, %dma_start3A_25] : memref<32x80x2x128xi32, #tpu.memory_space<hbm>> -> memref<1x80x2x128xi32, #tpu.memory_space<hbm>>
    %dma_start3A_27 = tpu.memref_squeeze %dma_start3A_26 : memref<1x80x2x128xi32, #tpu.memory_space<hbm>> -> memref<80x2x128xi32, #tpu.memory_space<hbm>>
    %dma_start3A_28 = arith.constant 0 : i32
    %dma_start3A_29 = arith.constant 0 : i32
    %dma_start3A_30 = tpu.memref_slice %dma_start3A_27[%dma_start3A, %dma_start3A_28, %dma_start3A_29] : memref<80x2x128xi32, #tpu.memory_space<hbm>> -> memref<1x2x128xi32, #tpu.memory_space<hbm>>
    %dma_start3A_31 = tpu.memref_squeeze %dma_start3A_30 : memref<1x2x128xi32, #tpu.memory_space<hbm>> -> memref<2x128xi32, #tpu.memory_space<hbm>>
    %dma_start3A_32 = arith.constant 0 : i32
    %dma_start3A_33 = arith.constant 0 : i32
    %dma_start3A_34 = tpu.memref_slice %arg5[%dma_start3A_18, %dma_start3A_32, %dma_start3A_33] : memref<2x2x128xi32, #tpu.memory_space<vmem>> -> memref<1x2x128xi32, #tpu.memory_space<vmem>>
    %dma_start3A_35 = tpu.memref_squeeze %dma_start3A_34 : memref<1x2x128xi32, #tpu.memory_space<vmem>> -> memref<2x128xi32, #tpu.memory_space<vmem>>
    %dma_start3A_36 = arith.constant 0 : i32
    %dma_start3A_37 = arith.constant 0 : i32
    %dma_start3A_38 = arith.constant 0 : i32
    %dma_start3A_39 = tpu.memref_slice %arg3[%add3A, %dma_start3A_36, %dma_start3A_37, %dma_start3A_38] : memref<32x80x2x128xi32, #tpu.memory_space<hbm>> -> memref<1x80x2x128xi32, #tpu.memory_space<hbm>>
    %dma_start3A_40 = tpu.memref_squeeze %dma_start3A_39 : memref<1x80x2x128xi32, #tpu.memory_space<hbm>> -> memref<80x2x128xi32, #tpu.memory_space<hbm>>
    %dma_start3A_41 = arith.constant 0 : i32
    %dma_start3A_42 = arith.constant 0 : i32
    %dma_start3A_43 = tpu.memref_slice %dma_start3A_40[%dma_start3A, %dma_start3A_41, %dma_start3A_42] : memref<80x2x128xi32, #tpu.memory_space<hbm>> -> memref<1x2x128xi32, #tpu.memory_space<hbm>>
    %dma_start3A_44 = tpu.memref_squeeze %dma_start3A_43 : memref<1x2x128xi32, #tpu.memory_space<hbm>> -> memref<2x128xi32, #tpu.memory_space<hbm>>
    tpu.enqueue_dma source(%dma_start3A_44 : memref<2x128xi32, #tpu.memory_space<hbm>>) target(%dma_start3A_35 : memref<2x128xi32, #tpu.memory_space<vmem>>) target_semaphore(%arg9 : memref<!tpu.dma_semaphore, #tpu.memory_space<semaphore_mem>>)
    %dma_start3A_45 = arith.constant 1 : i32
    %dma_start3A_46 = arith.constant 1 : i32
    %dma_start3A_47 = arith.constant 0 : i32
    %dma_start3A_48 = arith.constant 0 : i32
    %dma_start3A_49 = tpu.memref_slice %arg5[%dma_start3A_46, %dma_start3A_47, %dma_start3A_48] : memref<2x2x128xi32, #tpu.memory_space<vmem>> -> memref<1x2x128xi32, #tpu.memory_space<vmem>>
    %dma_start3A_50 = tpu.memref_squeeze %dma_start3A_49 : memref<1x2x128xi32, #tpu.memory_space<vmem>> -> memref<2x128xi32, #tpu.memory_space<vmem>>
    %dma_start3A_51 = arith.constant 0 : i32
    %dma_start3A_52 = arith.constant 0 : i32
    %dma_start3A_53 = arith.constant 0 : i32
    %dma_start3A_54 = tpu.memref_slice %arg3[%add3A, %dma_start3A_51, %dma_start3A_52, %dma_start3A_53] : memref<32x80x2x128xi32, #tpu.memory_space<hbm>> -> memref<1x80x2x128xi32, #tpu.memory_space<hbm>>
    %dma_start3A_55 = tpu.memref_squeeze %dma_start3A_54 : memref<1x80x2x128xi32, #tpu.memory_space<hbm>> -> memref<80x2x128xi32, #tpu.memory_space<hbm>>
    %dma_start3A_56 = arith.constant 0 : i32
    %dma_start3A_57 = arith.constant 0 : i32
    %dma_start3A_58 = tpu.memref_slice %dma_start3A_55[%dma_start3A_45, %dma_start3A_56, %dma_start3A_57] : memref<80x2x128xi32, #tpu.memory_space<hbm>> -> memref<1x2x128xi32, #tpu.memory_space<hbm>>
    %dma_start3A_59 = tpu.memref_squeeze %dma_start3A_58 : memref<1x2x128xi32, #tpu.memory_space<hbm>> -> memref<2x128xi32, #tpu.memory_space<hbm>>
    %dma_start3A_60 = arith.constant 0 : i32
    %dma_start3A_61 = arith.constant 0 : i32
    %dma_start3A_62 = tpu.memref_slice %arg5[%dma_start3A_46, %dma_start3A_60, %dma_start3A_61] : memref<2x2x128xi32, #tpu.memory_space<vmem>> -> memref<1x2x128xi32, #tpu.memory_space<vmem>>
    %dma_start3A_63 = tpu.memref_squeeze %dma_start3A_62 : memref<1x2x128xi32, #tpu.memory_space<vmem>> -> memref<2x128xi32, #tpu.memory_space<vmem>>
    %dma_start3A_64 = arith.constant 0 : i32
    %dma_start3A_65 = arith.constant 0 : i32
    %dma_start3A_66 = arith.constant 0 : i32
    %dma_start3A_67 = tpu.memref_slice %arg3[%add3A, %dma_start3A_64, %dma_start3A_65, %dma_start3A_66] : memref<32x80x2x128xi32, #tpu.memory_space<hbm>> -> memref<1x80x2x128xi32, #tpu.memory_space<hbm>>
    %dma_start3A_68 = tpu.memref_squeeze %dma_start3A_67 : memref<1x80x2x128xi32, #tpu.memory_space<hbm>> -> memref<80x2x128xi32, #tpu.memory_space<hbm>>
    %dma_start3A_69 = arith.constant 0 : i32
    %dma_start3A_70 = arith.constant 0 : i32
    %dma_start3A_71 = tpu.memref_slice %dma_start3A_68[%dma_start3A_45, %dma_start3A_69, %dma_start3A_70] : memref<80x2x128xi32, #tpu.memory_space<hbm>> -> memref<1x2x128xi32, #tpu.memory_space<hbm>>
    %dma_start3A_72 = tpu.memref_squeeze %dma_start3A_71 : memref<1x2x128xi32, #tpu.memory_space<hbm>> -> memref<2x128xi32, #tpu.memory_space<hbm>>
    tpu.enqueue_dma source(%dma_start3A_72 : memref<2x128xi32, #tpu.memory_space<hbm>>) target(%dma_start3A_63 : memref<2x128xi32, #tpu.memory_space<vmem>>) target_semaphore(%arg10 : memref<!tpu.dma_semaphore, #tpu.memory_space<semaphore_mem>>)
    %dma_wait3A = arith.constant 0 : i32
    %dma_wait3A_73 = arith.constant 0 : i32
    %dma_wait3A_74 = arith.constant 0 : i32
    %dma_wait3A_75 = arith.constant 0 : i32
    %dma_wait3A_76 = tpu.memref_slice %arg5[%dma_wait3A_73, %dma_wait3A_74, %dma_wait3A_75] : memref<2x2x128xi32, #tpu.memory_space<vmem>> -> memref<1x2x128xi32, #tpu.memory_space<vmem>>
    %dma_wait3A_77 = tpu.memref_squeeze %dma_wait3A_76 : memref<1x2x128xi32, #tpu.memory_space<vmem>> -> memref<2x128xi32, #tpu.memory_space<vmem>>
    %dma_wait3A_78 = arith.constant 0 : i32
    %dma_wait3A_79 = arith.constant 0 : i32
    %dma_wait3A_80 = arith.constant 0 : i32
    %dma_wait3A_81 = tpu.memref_slice %arg3[%add3A, %dma_wait3A_78, %dma_wait3A_79, %dma_wait3A_80] : memref<32x80x2x128xi32, #tpu.memory_space<hbm>> -> memref<1x80x2x128xi32, #tpu.memory_space<hbm>>
    %dma_wait3A_82 = tpu.memref_squeeze %dma_wait3A_81 : memref<1x80x2x128xi32, #tpu.memory_space<hbm>> -> memref<80x2x128xi32, #tpu.memory_space<hbm>>
    %dma_wait3A_83 = arith.constant 0 : i32
    %dma_wait3A_84 = arith.constant 0 : i32
    %dma_wait3A_85 = tpu.memref_slice %dma_wait3A_82[%dma_wait3A, %dma_wait3A_83, %dma_wait3A_84] : memref<80x2x128xi32, #tpu.memory_space<hbm>> -> memref<1x2x128xi32, #tpu.memory_space<hbm>>
    %dma_wait3A_86 = tpu.memref_squeeze %dma_wait3A_85 : memref<1x2x128xi32, #tpu.memory_space<hbm>> -> memref<2x128xi32, #tpu.memory_space<hbm>>
    %dma_wait3A_87 = arith.constant 0 : i32
    %dma_wait3A_88 = arith.constant 0 : i32
    %dma_wait3A_89 = tpu.memref_slice %arg5[%dma_wait3A_73, %dma_wait3A_87, %dma_wait3A_88] : memref<2x2x128xi32, #tpu.memory_space<vmem>> -> memref<1x2x128xi32, #tpu.memory_space<vmem>>
    %dma_wait3A_90 = tpu.memref_squeeze %dma_wait3A_89 : memref<1x2x128xi32, #tpu.memory_space<vmem>> -> memref<2x128xi32, #tpu.memory_space<vmem>>
    %dma_wait3A_91 = arith.constant 0 : i32
    %dma_wait3A_92 = arith.constant 0 : i32
    %dma_wait3A_93 = arith.constant 0 : i32
    %dma_wait3A_94 = tpu.memref_slice %arg3[%add3A, %dma_wait3A_91, %dma_wait3A_92, %dma_wait3A_93] : memref<32x80x2x128xi32, #tpu.memory_space<hbm>> -> memref<1x80x2x128xi32, #tpu.memory_space<hbm>>
    %dma_wait3A_95 = tpu.memref_squeeze %dma_wait3A_94 : memref<1x80x2x128xi32, #tpu.memory_space<hbm>> -> memref<80x2x128xi32, #tpu.memory_space<hbm>>
    %dma_wait3A_96 = arith.constant 0 : i32
    %dma_wait3A_97 = arith.constant 0 : i32
    %dma_wait3A_98 = tpu.memref_slice %dma_wait3A_95[%dma_wait3A, %dma_wait3A_96, %dma_wait3A_97] : memref<80x2x128xi32, #tpu.memory_space<hbm>> -> memref<1x2x128xi32, #tpu.memory_space<hbm>>
    %dma_wait3A_99 = tpu.memref_squeeze %dma_wait3A_98 : memref<1x2x128xi32, #tpu.memory_space<hbm>> -> memref<2x128xi32, #tpu.memory_space<hbm>>
    tpu.wait_dma2 semaphore(%arg9 : memref<!tpu.dma_semaphore, #tpu.memory_space<semaphore_mem>>) src(%dma_wait3A_99 : memref<2x128xi32, #tpu.memory_space<hbm>>) dst(%dma_wait3A_90 : memref<2x128xi32, #tpu.memory_space<vmem>>)
    %dma_start3A_100 = arith.constant 0 : i32
    %dma_start3A_101 = arith.constant 0 : i32
    %dma_start3A_102 = arith.constant 0 : i32
    %dma_start3A_103 = tpu.memref_slice %arg5[%dma_start3A_100, %dma_start3A_101, %dma_start3A_102] : memref<2x2x128xi32, #tpu.memory_space<vmem>> -> memref<1x1x128xi32, #tpu.memory_space<vmem>>
    %dma_start3A_104 = tpu.memref_squeeze %dma_start3A_103 : memref<1x1x128xi32, #tpu.memory_space<vmem>> -> memref<128xi32, #tpu.memory_space<vmem>>
    %dma_start3A_105 = arith.constant 0 : i32
    %dma_start3A_106 = arith.constant 0 : i32
    %dma_start3A_107 = tpu.memref_slice %arg2[%dma_start3A_105, %dma_start3A_106] : memref<10112x128xf32, #tpu.memory_space<hbm>> -> memref<10112x128xf32, #tpu.memory_space<hbm>>
    tpu.enqueue_indirect_dma source(%dma_start3A_107 : memref<10112x128xf32, #tpu.memory_space<hbm>>) target(%arg6 : memref<128x128xf32, #tpu.memory_space<vmem>>) offsets(%dma_start3A_104 : memref<128xi32, #tpu.memory_space<vmem>>) semaphore(%arg11 : memref<!tpu.dma_semaphore, #tpu.memory_space<semaphore_mem>>)
    %scan3A_108 = arith.constant 0 : i32
    %scan3A_109 = arith.constant 40 : i32
    %scan3A_110 = arith.addi %scan3A_108, %scan3A_109 : i32
    %scan3A_111 = arith.constant 1 : i32
    scf.for %scan3A_114 = %scan3A_108 to %scan3A_110 step %scan3A_111  : i32 {
      %mul3A_115 = arith.constant 2 : i32
      %mul3A_116 = arith.muli %scan3A_114, %mul3A_115 : i32
      %add3A_117 = arith.constant 0 : i32
      %add3A_118 = arith.addi %add3A_117, %mul3A_116 : i32
      %add3A_119 = arith.constant 0 : i32
      %add3A_120 = arith.addi %add3A_118, %add3A_119 : i32
      %add3A_121 = arith.constant 1 : i32
      %add3A_122 = arith.addi %add3A_120, %add3A_121 : i32
      %lt3A = arith.constant 80 : i32
      %lt3A_123 = arith.cmpi slt, %add3A_122, %lt3A : i32
      %convert_element_type3A = arith.extui %lt3A_123 : i1 to i32
      %cond3A = arith.constant 0 : i32
      %cond3A_124 = arith.cmpi ne, %convert_element_type3A, %cond3A : i32
      scf.if %cond3A_124 {
        %add3A_167 = arith.constant 1 : i32
        %add3A_168 = arith.addi %add3A_120, %add3A_167 : i32
        %dma_wait3A_169 = arith.constant 1 : i32
        %dma_wait3A_170 = arith.constant 0 : i32
        %dma_wait3A_171 = arith.constant 0 : i32
        %dma_wait3A_172 = tpu.memref_slice %arg5[%dma_wait3A_169, %dma_wait3A_170, %dma_wait3A_171] : memref<2x2x128xi32, #tpu.memory_space<vmem>> -> memref<1x2x128xi32, #tpu.memory_space<vmem>>
        %dma_wait3A_173 = tpu.memref_squeeze %dma_wait3A_172 : memref<1x2x128xi32, #tpu.memory_space<vmem>> -> memref<2x128xi32, #tpu.memory_space<vmem>>
        %dma_wait3A_174 = arith.constant 0 : i32
        %dma_wait3A_175 = arith.constant 0 : i32
        %dma_wait3A_176 = arith.constant 0 : i32
        %dma_wait3A_177 = tpu.memref_slice %arg3[%add3A, %dma_wait3A_174, %dma_wait3A_175, %dma_wait3A_176] : memref<32x80x2x128xi32, #tpu.memory_space<hbm>> -> memref<1x80x2x128xi32, #tpu.memory_space<hbm>>
        %dma_wait3A_178 = tpu.memref_squeeze %dma_wait3A_177 : memref<1x80x2x128xi32, #tpu.memory_space<hbm>> -> memref<80x2x128xi32, #tpu.memory_space<hbm>>
        %dma_wait3A_179 = arith.constant 0 : i32
        %dma_wait3A_180 = arith.constant 0 : i32
        %dma_wait3A_181 = tpu.memref_slice %dma_wait3A_178[%add3A_168, %dma_wait3A_179, %dma_wait3A_180] : memref<80x2x128xi32, #tpu.memory_space<hbm>> -> memref<1x2x128xi32, #tpu.memory_space<hbm>>
        %dma_wait3A_182 = tpu.memref_squeeze %dma_wait3A_181 : memref<1x2x128xi32, #tpu.memory_space<hbm>> -> memref<2x128xi32, #tpu.memory_space<hbm>>
        %dma_wait3A_183 = arith.constant 0 : i32
        %dma_wait3A_184 = arith.constant 0 : i32
        %dma_wait3A_185 = tpu.memref_slice %arg5[%dma_wait3A_169, %dma_wait3A_183, %dma_wait3A_184] : memref<2x2x128xi32, #tpu.memory_space<vmem>> -> memref<1x2x128xi32, #tpu.memory_space<vmem>>
        %dma_wait3A_186 = tpu.memref_squeeze %dma_wait3A_185 : memref<1x2x128xi32, #tpu.memory_space<vmem>> -> memref<2x128xi32, #tpu.memory_space<vmem>>
        %dma_wait3A_187 = arith.constant 0 : i32
        %dma_wait3A_188 = arith.constant 0 : i32
        %dma_wait3A_189 = arith.constant 0 : i32
        %dma_wait3A_190 = tpu.memref_slice %arg3[%add3A, %dma_wait3A_187, %dma_wait3A_188, %dma_wait3A_189] : memref<32x80x2x128xi32, #tpu.memory_space<hbm>> -> memref<1x80x2x128xi32, #tpu.memory_space<hbm>>
        %dma_wait3A_191 = tpu.memref_squeeze %dma_wait3A_190 : memref<1x80x2x128xi32, #tpu.memory_space<hbm>> -> memref<80x2x128xi32, #tpu.memory_space<hbm>>
        %dma_wait3A_192 = arith.constant 0 : i32
        %dma_wait3A_193 = arith.constant 0 : i32
        %dma_wait3A_194 = tpu.memref_slice %dma_wait3A_191[%add3A_168, %dma_wait3A_192, %dma_wait3A_193] : memref<80x2x128xi32, #tpu.memory_space<hbm>> -> memref<1x2x128xi32, #tpu.memory_space<hbm>>
        %dma_wait3A_195 = tpu.memref_squeeze %dma_wait3A_194 : memref<1x2x128xi32, #tpu.memory_space<hbm>> -> memref<2x128xi32, #tpu.memory_space<hbm>>
        tpu.wait_dma2 semaphore(%arg10 : memref<!tpu.dma_semaphore, #tpu.memory_space<semaphore_mem>>) src(%dma_wait3A_195 : memref<2x128xi32, #tpu.memory_space<hbm>>) dst(%dma_wait3A_186 : memref<2x128xi32, #tpu.memory_space<vmem>>)
        %dma_start3A_196 = arith.constant 1 : i32
        %dma_start3A_197 = arith.constant 0 : i32
        %dma_start3A_198 = arith.constant 0 : i32
        %dma_start3A_199 = tpu.memref_slice %arg5[%dma_start3A_196, %dma_start3A_197, %dma_start3A_198] : memref<2x2x128xi32, #tpu.memory_space<vmem>> -> memref<1x1x128xi32, #tpu.memory_space<vmem>>
        %dma_start3A_200 = tpu.memref_squeeze %dma_start3A_199 : memref<1x1x128xi32, #tpu.memory_space<vmem>> -> memref<128xi32, #tpu.memory_space<vmem>>
        %dma_start3A_201 = arith.constant 0 : i32
        %dma_start3A_202 = arith.constant 0 : i32
        %dma_start3A_203 = tpu.memref_slice %arg2[%dma_start3A_201, %dma_start3A_202] : memref<10112x128xf32, #tpu.memory_space<hbm>> -> memref<10112x128xf32, #tpu.memory_space<hbm>>
        tpu.enqueue_indirect_dma source(%dma_start3A_203 : memref<10112x128xf32, #tpu.memory_space<hbm>>) target(%arg7 : memref<128x128xf32, #tpu.memory_space<vmem>>) offsets(%dma_start3A_200 : memref<128xi32, #tpu.memory_space<vmem>>) semaphore(%arg12 : memref<!tpu.dma_semaphore, #tpu.memory_space<semaphore_mem>>)
      } else {
      }
      %dma_wait3A_125 = arith.constant 0 : i32
      %dma_wait3A_126 = arith.constant 0 : i32
      %dma_wait3A_127 = arith.constant 0 : i32
      %dma_wait3A_128 = tpu.memref_slice %arg5[%dma_wait3A_125, %dma_wait3A_126, %dma_wait3A_127] : memref<2x2x128xi32, #tpu.memory_space<vmem>> -> memref<1x1x128xi32, #tpu.memory_space<vmem>>
      %dma_wait3A_129 = tpu.memref_squeeze %dma_wait3A_128 : memref<1x1x128xi32, #tpu.memory_space<vmem>> -> memref<128xi32, #tpu.memory_space<vmem>>
      %dma_wait3A_130 = arith.constant 0 : i32
      %dma_wait3A_131 = arith.constant 0 : i32
      %dma_wait3A_132 = tpu.memref_slice %arg2[%dma_wait3A_130, %dma_wait3A_131] : memref<10112x128xf32, #tpu.memory_space<hbm>> -> memref<10112x128xf32, #tpu.memory_space<hbm>>
      tpu.wait_indirect_dma semaphore(%arg11 : memref<!tpu.dma_semaphore, #tpu.memory_space<semaphore_mem>>) src(%dma_wait3A_132 : memref<10112x128xf32, #tpu.memory_space<hbm>>) dst(%arg6 : memref<128x128xf32, #tpu.memory_space<vmem>>)
      %run_scoped3A = arith.constant 0 : i32
      %run_scoped3A_133 = arith.constant 1 : i32
      "tpu.region"() ({
        %run_scoped3A_167 = tpu.sem_alloc : memref<!tpu.dma_semaphore, #tpu.memory_space<semaphore_mem>>
        %dma_start3A_168 = arith.constant 0 : i32
        %dma_start3A_169 = tpu.memref_slice %arg5[%run_scoped3A, %run_scoped3A_133, %dma_start3A_168] : memref<2x2x128xi32, #tpu.memory_space<vmem>> -> memref<1x1x128xi32, #tpu.memory_space<vmem>>
        %dma_start3A_170 = tpu.memref_squeeze %dma_start3A_169 : memref<1x1x128xi32, #tpu.memory_space<vmem>> -> memref<128xi32, #tpu.memory_space<vmem>>
        %dma_start3A_171 = arith.constant 0 : i32
        %dma_start3A_172 = arith.constant 0 : i32
        %dma_start3A_173 = tpu.memref_slice %arg8[%dma_start3A_171, %dma_start3A_172] : memref<10112x128xf32, #tpu.memory_space<vmem_shared>> -> memref<10112x128xf32, #tpu.memory_space<vmem_shared>>
        tpu.enqueue_indirect_dma source(%arg6 : memref<128x128xf32, #tpu.memory_space<vmem>>) target(%dma_start3A_173 : memref<10112x128xf32, #tpu.memory_space<vmem_shared>>) offsets(%dma_start3A_170 : memref<128xi32, #tpu.memory_space<vmem>>) semaphore(%run_scoped3A_167 : memref<!tpu.dma_semaphore, #tpu.memory_space<semaphore_mem>>) {add = true}
        %dma_wait3A_174 = arith.constant 0 : i32
        %dma_wait3A_175 = tpu.memref_slice %arg5[%run_scoped3A, %run_scoped3A_133, %dma_wait3A_174] : memref<2x2x128xi32, #tpu.memory_space<vmem>> -> memref<1x1x128xi32, #tpu.memory_space<vmem>>
        %dma_wait3A_176 = tpu.memref_squeeze %dma_wait3A_175 : memref<1x1x128xi32, #tpu.memory_space<vmem>> -> memref<128xi32, #tpu.memory_space<vmem>>
        %dma_wait3A_177 = arith.constant 0 : i32
        %dma_wait3A_178 = arith.constant 0 : i32
        %dma_wait3A_179 = tpu.memref_slice %arg8[%dma_wait3A_177, %dma_wait3A_178] : memref<10112x128xf32, #tpu.memory_space<vmem_shared>> -> memref<10112x128xf32, #tpu.memory_space<vmem_shared>>
        tpu.wait_indirect_dma semaphore(%run_scoped3A_167 : memref<!tpu.dma_semaphore, #tpu.memory_space<semaphore_mem>>) src(%arg6 : memref<128x128xf32, #tpu.memory_space<vmem>>) dst(%dma_wait3A_179 : memref<10112x128xf32, #tpu.memory_space<vmem_shared>>)
        tpu.yield
      }) : () -> ()
      %add3A_134 = arith.constant 2 : i32
      %add3A_135 = arith.addi %add3A_120, %add3A_134 : i32
      %lt3A_136 = arith.constant 80 : i32
      %lt3A_137 = arith.cmpi slt, %add3A_135, %lt3A_136 : i32
      %convert_element_type3A_138 = arith.extui %lt3A_137 : i1 to i32
      %cond3A_139 = arith.constant 0 : i32
      %cond3A_140 = arith.cmpi ne, %convert_element_type3A_138, %cond3A_139 : i32
      scf.if %cond3A_140 {
        %add3A_167 = arith.constant 2 : i32
        %add3A_168 = arith.addi %add3A_120, %add3A_167 : i32
        %dma_start3A_169 = arith.constant 0 : i32
        %dma_start3A_170 = arith.constant 0 : i32
        %dma_start3A_171 = arith.constant 0 : i32
        %dma_start3A_172 = tpu.memref_slice %arg5[%dma_start3A_169, %dma_start3A_170, %dma_start3A_171] : memref<2x2x128xi32, #tpu.memory_space<vmem>> -> memref<1x2x128xi32, #tpu.memory_space<vmem>>
        %dma_start3A_173 = tpu.memref_squeeze %dma_start3A_172 : memref<1x2x128xi32, #tpu.memory_space<vmem>> -> memref<2x128xi32, #tpu.memory_space<vmem>>
        %dma_start3A_174 = arith.constant 0 : i32
        %dma_start3A_175 = arith.constant 0 : i32
        %dma_start3A_176 = arith.constant 0 : i32
        %dma_start3A_177 = tpu.memref_slice %arg3[%add3A, %dma_start3A_174, %dma_start3A_175, %dma_start3A_176] : memref<32x80x2x128xi32, #tpu.memory_space<hbm>> -> memref<1x80x2x128xi32, #tpu.memory_space<hbm>>
        %dma_start3A_178 = tpu.memref_squeeze %dma_start3A_177 : memref<1x80x2x128xi32, #tpu.memory_space<hbm>> -> memref<80x2x128xi32, #tpu.memory_space<hbm>>
        %dma_start3A_179 = arith.constant 0 : i32
        %dma_start3A_180 = arith.constant 0 : i32
        %dma_start3A_181 = tpu.memref_slice %dma_start3A_178[%add3A_168, %dma_start3A_179, %dma_start3A_180] : memref<80x2x128xi32, #tpu.memory_space<hbm>> -> memref<1x2x128xi32, #tpu.memory_space<hbm>>
        %dma_start3A_182 = tpu.memref_squeeze %dma_start3A_181 : memref<1x2x128xi32, #tpu.memory_space<hbm>> -> memref<2x128xi32, #tpu.memory_space<hbm>>
        %dma_start3A_183 = arith.constant 0 : i32
        %dma_start3A_184 = arith.constant 0 : i32
        %dma_start3A_185 = tpu.memref_slice %arg5[%dma_start3A_169, %dma_start3A_183, %dma_start3A_184] : memref<2x2x128xi32, #tpu.memory_space<vmem>> -> memref<1x2x128xi32, #tpu.memory_space<vmem>>
        %dma_start3A_186 = tpu.memref_squeeze %dma_start3A_185 : memref<1x2x128xi32, #tpu.memory_space<vmem>> -> memref<2x128xi32, #tpu.memory_space<vmem>>
        %dma_start3A_187 = arith.constant 0 : i32
        %dma_start3A_188 = arith.constant 0 : i32
        %dma_start3A_189 = arith.constant 0 : i32
        %dma_start3A_190 = tpu.memref_slice %arg3[%add3A, %dma_start3A_187, %dma_start3A_188, %dma_start3A_189] : memref<32x80x2x128xi32, #tpu.memory_space<hbm>> -> memref<1x80x2x128xi32, #tpu.memory_space<hbm>>
        %dma_start3A_191 = tpu.memref_squeeze %dma_start3A_190 : memref<1x80x2x128xi32, #tpu.memory_space<hbm>> -> memref<80x2x128xi32, #tpu.memory_space<hbm>>
        %dma_start3A_192 = arith.constant 0 : i32
        %dma_start3A_193 = arith.constant 0 : i32
        %dma_start3A_194 = tpu.memref_slice %dma_start3A_191[%add3A_168, %dma_start3A_192, %dma_start3A_193] : memref<80x2x128xi32, #tpu.memory_space<hbm>> -> memref<1x2x128xi32, #tpu.memory_space<hbm>>
        %dma_start3A_195 = tpu.memref_squeeze %dma_start3A_194 : memref<1x2x128xi32, #tpu.memory_space<hbm>> -> memref<2x128xi32, #tpu.memory_space<hbm>>
        tpu.enqueue_dma source(%dma_start3A_195 : memref<2x128xi32, #tpu.memory_space<hbm>>) target(%dma_start3A_186 : memref<2x128xi32, #tpu.memory_space<vmem>>) target_semaphore(%arg9 : memref<!tpu.dma_semaphore, #tpu.memory_space<semaphore_mem>>)
      } else {
      }
      %add3A_141 = arith.constant 1 : i32
      %add3A_142 = arith.addi %add3A_118, %add3A_141 : i32
      %add3A_143 = arith.constant 1 : i32
      %add3A_144 = arith.addi %add3A_142, %add3A_143 : i32
      %lt3A_145 = arith.constant 80 : i32
      %lt3A_146 = arith.cmpi slt, %add3A_144, %lt3A_145 : i32
      %convert_element_type3A_147 = arith.extui %lt3A_146 : i1 to i32
      %cond3A_148 = arith.constant 0 : i32
      %cond3A_149 = arith.cmpi ne, %convert_element_type3A_147, %cond3A_148 : i32
      scf.if %cond3A_149 {
        %add3A_167 = arith.constant 1 : i32
        %add3A_168 = arith.addi %add3A_142, %add3A_167 : i32
        %dma_wait3A_169 = arith.constant 0 : i32
        %dma_wait3A_170 = arith.constant 0 : i32
        %dma_wait3A_171 = arith.constant 0 : i32
        %dma_wait3A_172 = tpu.memref_slice %arg5[%dma_wait3A_169, %dma_wait3A_170, %dma_wait3A_171] : memref<2x2x128xi32, #tpu.memory_space<vmem>> -> memref<1x2x128xi32, #tpu.memory_space<vmem>>
        %dma_wait3A_173 = tpu.memref_squeeze %dma_wait3A_172 : memref<1x2x128xi32, #tpu.memory_space<vmem>> -> memref<2x128xi32, #tpu.memory_space<vmem>>
        %dma_wait3A_174 = arith.constant 0 : i32
        %dma_wait3A_175 = arith.constant 0 : i32
        %dma_wait3A_176 = arith.constant 0 : i32
        %dma_wait3A_177 = tpu.memref_slice %arg3[%add3A, %dma_wait3A_174, %dma_wait3A_175, %dma_wait3A_176] : memref<32x80x2x128xi32, #tpu.memory_space<hbm>> -> memref<1x80x2x128xi32, #tpu.memory_space<hbm>>
        %dma_wait3A_178 = tpu.memref_squeeze %dma_wait3A_177 : memref<1x80x2x128xi32, #tpu.memory_space<hbm>> -> memref<80x2x128xi32, #tpu.memory_space<hbm>>
        %dma_wait3A_179 = arith.constant 0 : i32
        %dma_wait3A_180 = arith.constant 0 : i32
        %dma_wait3A_181 = tpu.memref_slice %dma_wait3A_178[%add3A_168, %dma_wait3A_179, %dma_wait3A_180] : memref<80x2x128xi32, #tpu.memory_space<hbm>> -> memref<1x2x128xi32, #tpu.memory_space<hbm>>
        %dma_wait3A_182 = tpu.memref_squeeze %dma_wait3A_181 : memref<1x2x128xi32, #tpu.memory_space<hbm>> -> memref<2x128xi32, #tpu.memory_space<hbm>>
        %dma_wait3A_183 = arith.constant 0 : i32
        %dma_wait3A_184 = arith.constant 0 : i32
        %dma_wait3A_185 = tpu.memref_slice %arg5[%dma_wait3A_169, %dma_wait3A_183, %dma_wait3A_184] : memref<2x2x128xi32, #tpu.memory_space<vmem>> -> memref<1x2x128xi32, #tpu.memory_space<vmem>>
        %dma_wait3A_186 = tpu.memref_squeeze %dma_wait3A_185 : memref<1x2x128xi32, #tpu.memory_space<vmem>> -> memref<2x128xi32, #tpu.memory_space<vmem>>
        %dma_wait3A_187 = arith.constant 0 : i32
        %dma_wait3A_188 = arith.constant 0 : i32
        %dma_wait3A_189 = arith.constant 0 : i32
        %dma_wait3A_190 = tpu.memref_slice %arg3[%add3A, %dma_wait3A_187, %dma_wait3A_188, %dma_wait3A_189] : memref<32x80x2x128xi32, #tpu.memory_space<hbm>> -> memref<1x80x2x128xi32, #tpu.memory_space<hbm>>
        %dma_wait3A_191 = tpu.memref_squeeze %dma_wait3A_190 : memref<1x80x2x128xi32, #tpu.memory_space<hbm>> -> memref<80x2x128xi32, #tpu.memory_space<hbm>>
        %dma_wait3A_192 = arith.constant 0 : i32
        %dma_wait3A_193 = arith.constant 0 : i32
        %dma_wait3A_194 = tpu.memref_slice %dma_wait3A_191[%add3A_168, %dma_wait3A_192, %dma_wait3A_193] : memref<80x2x128xi32, #tpu.memory_space<hbm>> -> memref<1x2x128xi32, #tpu.memory_space<hbm>>
        %dma_wait3A_195 = tpu.memref_squeeze %dma_wait3A_194 : memref<1x2x128xi32, #tpu.memory_space<hbm>> -> memref<2x128xi32, #tpu.memory_space<hbm>>
        tpu.wait_dma2 semaphore(%arg9 : memref<!tpu.dma_semaphore, #tpu.memory_space<semaphore_mem>>) src(%dma_wait3A_195 : memref<2x128xi32, #tpu.memory_space<hbm>>) dst(%dma_wait3A_186 : memref<2x128xi32, #tpu.memory_space<vmem>>)
        %dma_start3A_196 = arith.constant 0 : i32
        %dma_start3A_197 = arith.constant 0 : i32
        %dma_start3A_198 = arith.constant 0 : i32
        %dma_start3A_199 = tpu.memref_slice %arg5[%dma_start3A_196, %dma_start3A_197, %dma_start3A_198] : memref<2x2x128xi32, #tpu.memory_space<vmem>> -> memref<1x1x128xi32, #tpu.memory_space<vmem>>
        %dma_start3A_200 = tpu.memref_squeeze %dma_start3A_199 : memref<1x1x128xi32, #tpu.memory_space<vmem>> -> memref<128xi32, #tpu.memory_space<vmem>>
        %dma_start3A_201 = arith.constant 0 : i32
        %dma_start3A_202 = arith.constant 0 : i32
        %dma_start3A_203 = tpu.memref_slice %arg2[%dma_start3A_201, %dma_start3A_202] : memref<10112x128xf32, #tpu.memory_space<hbm>> -> memref<10112x128xf32, #tpu.memory_space<hbm>>
        tpu.enqueue_indirect_dma source(%dma_start3A_203 : memref<10112x128xf32, #tpu.memory_space<hbm>>) target(%arg6 : memref<128x128xf32, #tpu.memory_space<vmem>>) offsets(%dma_start3A_200 : memref<128xi32, #tpu.memory_space<vmem>>) semaphore(%arg11 : memref<!tpu.dma_semaphore, #tpu.memory_space<semaphore_mem>>)
      } else {
      }
      %dma_wait3A_150 = arith.constant 1 : i32
      %dma_wait3A_151 = arith.constant 0 : i32
      %dma_wait3A_152 = arith.constant 0 : i32
      %dma_wait3A_153 = tpu.memref_slice %arg5[%dma_wait3A_150, %dma_wait3A_151, %dma_wait3A_152] : memref<2x2x128xi32, #tpu.memory_space<vmem>> -> memref<1x1x128xi32, #tpu.memory_space<vmem>>
      %dma_wait3A_154 = tpu.memref_squeeze %dma_wait3A_153 : memref<1x1x128xi32, #tpu.memory_space<vmem>> -> memref<128xi32, #tpu.memory_space<vmem>>
      %dma_wait3A_155 = arith.constant 0 : i32
      %dma_wait3A_156 = arith.constant 0 : i32
      %dma_wait3A_157 = tpu.memref_slice %arg2[%dma_wait3A_155, %dma_wait3A_156] : memref<10112x128xf32, #tpu.memory_space<hbm>> -> memref<10112x128xf32, #tpu.memory_space<hbm>>
      tpu.wait_indirect_dma semaphore(%arg12 : memref<!tpu.dma_semaphore, #tpu.memory_space<semaphore_mem>>) src(%dma_wait3A_157 : memref<10112x128xf32, #tpu.memory_space<hbm>>) dst(%arg7 : memref<128x128xf32, #tpu.memory_space<vmem>>)
      %run_scoped3A_158 = arith.constant 1 : i32
      %run_scoped3A_159 = arith.constant 1 : i32
      "tpu.region"() ({
        %run_scoped3A_167 = tpu.sem_alloc : memref<!tpu.dma_semaphore, #tpu.memory_space<semaphore_mem>>
        %dma_start3A_168 = arith.constant 0 : i32
        %dma_start3A_169 = tpu.memref_slice %arg5[%run_scoped3A_158, %run_scoped3A_159, %dma_start3A_168] : memref<2x2x128xi32, #tpu.memory_space<vmem>> -> memref<1x1x128xi32, #tpu.memory_space<vmem>>
        %dma_start3A_170 = tpu.memref_squeeze %dma_start3A_169 : memref<1x1x128xi32, #tpu.memory_space<vmem>> -> memref<128xi32, #tpu.memory_space<vmem>>
        %dma_start3A_171 = arith.constant 0 : i32
        %dma_start3A_172 = arith.constant 0 : i32
        %dma_start3A_173 = tpu.memref_slice %arg8[%dma_start3A_171, %dma_start3A_172] : memref<10112x128xf32, #tpu.memory_space<vmem_shared>> -> memref<10112x128xf32, #tpu.memory_space<vmem_shared>>
        tpu.enqueue_indirect_dma source(%arg7 : memref<128x128xf32, #tpu.memory_space<vmem>>) target(%dma_start3A_173 : memref<10112x128xf32, #tpu.memory_space<vmem_shared>>) offsets(%dma_start3A_170 : memref<128xi32, #tpu.memory_space<vmem>>) semaphore(%run_scoped3A_167 : memref<!tpu.dma_semaphore, #tpu.memory_space<semaphore_mem>>) {add = true}
        %dma_wait3A_174 = arith.constant 0 : i32
        %dma_wait3A_175 = tpu.memref_slice %arg5[%run_scoped3A_158, %run_scoped3A_159, %dma_wait3A_174] : memref<2x2x128xi32, #tpu.memory_space<vmem>> -> memref<1x1x128xi32, #tpu.memory_space<vmem>>
        %dma_wait3A_176 = tpu.memref_squeeze %dma_wait3A_175 : memref<1x1x128xi32, #tpu.memory_space<vmem>> -> memref<128xi32, #tpu.memory_space<vmem>>
        %dma_wait3A_177 = arith.constant 0 : i32
        %dma_wait3A_178 = arith.constant 0 : i32
        %dma_wait3A_179 = tpu.memref_slice %arg8[%dma_wait3A_177, %dma_wait3A_178] : memref<10112x128xf32, #tpu.memory_space<vmem_shared>> -> memref<10112x128xf32, #tpu.memory_space<vmem_shared>>
        tpu.wait_indirect_dma semaphore(%run_scoped3A_167 : memref<!tpu.dma_semaphore, #tpu.memory_space<semaphore_mem>>) src(%arg7 : memref<128x128xf32, #tpu.memory_space<vmem>>) dst(%dma_wait3A_179 : memref<10112x128xf32, #tpu.memory_space<vmem_shared>>)
        tpu.yield
      }) : () -> ()
      %add3A_160 = arith.constant 2 : i32
      %add3A_161 = arith.addi %add3A_142, %add3A_160 : i32
      %lt3A_162 = arith.constant 80 : i32
      %lt3A_163 = arith.cmpi slt, %add3A_161, %lt3A_162 : i32
      %convert_element_type3A_164 = arith.extui %lt3A_163 : i1 to i32
      %cond3A_165 = arith.constant 0 : i32
      %cond3A_166 = arith.cmpi ne, %convert_element_type3A_164, %cond3A_165 : i32
      scf.if %cond3A_166 {
        %add3A_167 = arith.constant 2 : i32
        %add3A_168 = arith.addi %add3A_142, %add3A_167 : i32
        %dma_start3A_169 = arith.constant 1 : i32
        %dma_start3A_170 = arith.constant 0 : i32
        %dma_start3A_171 = arith.constant 0 : i32
        %dma_start3A_172 = tpu.memref_slice %arg5[%dma_start3A_169, %dma_start3A_170, %dma_start3A_171] : memref<2x2x128xi32, #tpu.memory_space<vmem>> -> memref<1x2x128xi32, #tpu.memory_space<vmem>>
        %dma_start3A_173 = tpu.memref_squeeze %dma_start3A_172 : memref<1x2x128xi32, #tpu.memory_space<vmem>> -> memref<2x128xi32, #tpu.memory_space<vmem>>
        %dma_start3A_174 = arith.constant 0 : i32
        %dma_start3A_175 = arith.constant 0 : i32
        %dma_start3A_176 = arith.constant 0 : i32
        %dma_start3A_177 = tpu.memref_slice %arg3[%add3A, %dma_start3A_174, %dma_start3A_175, %dma_start3A_176] : memref<32x80x2x128xi32, #tpu.memory_space<hbm>> -> memref<1x80x2x128xi32, #tpu.memory_space<hbm>>
        %dma_start3A_178 = tpu.memref_squeeze %dma_start3A_177 : memref<1x80x2x128xi32, #tpu.memory_space<hbm>> -> memref<80x2x128xi32, #tpu.memory_space<hbm>>
        %dma_start3A_179 = arith.constant 0 : i32
        %dma_start3A_180 = arith.constant 0 : i32
        %dma_start3A_181 = tpu.memref_slice %dma_start3A_178[%add3A_168, %dma_start3A_179, %dma_start3A_180] : memref<80x2x128xi32, #tpu.memory_space<hbm>> -> memref<1x2x128xi32, #tpu.memory_space<hbm>>
        %dma_start3A_182 = tpu.memref_squeeze %dma_start3A_181 : memref<1x2x128xi32, #tpu.memory_space<hbm>> -> memref<2x128xi32, #tpu.memory_space<hbm>>
        %dma_start3A_183 = arith.constant 0 : i32
        %dma_start3A_184 = arith.constant 0 : i32
        %dma_start3A_185 = tpu.memref_slice %arg5[%dma_start3A_169, %dma_start3A_183, %dma_start3A_184] : memref<2x2x128xi32, #tpu.memory_space<vmem>> -> memref<1x2x128xi32, #tpu.memory_space<vmem>>
        %dma_start3A_186 = tpu.memref_squeeze %dma_start3A_185 : memref<1x2x128xi32, #tpu.memory_space<vmem>> -> memref<2x128xi32, #tpu.memory_space<vmem>>
        %dma_start3A_187 = arith.constant 0 : i32
        %dma_start3A_188 = arith.constant 0 : i32
        %dma_start3A_189 = arith.constant 0 : i32
        %dma_start3A_190 = tpu.memref_slice %arg3[%add3A, %dma_start3A_187, %dma_start3A_188, %dma_start3A_189] : memref<32x80x2x128xi32, #tpu.memory_space<hbm>> -> memref<1x80x2x128xi32, #tpu.memory_space<hbm>>
        %dma_start3A_191 = tpu.memref_squeeze %dma_start3A_190 : memref<1x80x2x128xi32, #tpu.memory_space<hbm>> -> memref<80x2x128xi32, #tpu.memory_space<hbm>>
        %dma_start3A_192 = arith.constant 0 : i32
        %dma_start3A_193 = arith.constant 0 : i32
        %dma_start3A_194 = tpu.memref_slice %dma_start3A_191[%add3A_168, %dma_start3A_192, %dma_start3A_193] : memref<80x2x128xi32, #tpu.memory_space<hbm>> -> memref<1x2x128xi32, #tpu.memory_space<hbm>>
        %dma_start3A_195 = tpu.memref_squeeze %dma_start3A_194 : memref<1x2x128xi32, #tpu.memory_space<hbm>> -> memref<2x128xi32, #tpu.memory_space<hbm>>
        tpu.enqueue_dma source(%dma_start3A_195 : memref<2x128xi32, #tpu.memory_space<hbm>>) target(%dma_start3A_186 : memref<2x128xi32, #tpu.memory_space<vmem>>) target_semaphore(%arg10 : memref<!tpu.dma_semaphore, #tpu.memory_space<semaphore_mem>>)
      } else {
      }
    }
    %scan3A_112 = arith.constant 40 : i32
    %barrier3A_113 = arith.constant 0 : index
    tpu.barrier barrier_id(%barrier3A_113)
    "tpu.region"() ({
      %run_scoped3A = tpu.sem_alloc : memref<!tpu.dma_semaphore, #tpu.memory_space<semaphore_mem>>
      %dma_start3A_114 = arith.constant 0 : i32
      %dma_start3A_115 = tpu.memref_slice %arg4[%arg0, %mul3A_2, %dma_start3A_114] : memref<2x10112x128xf32, #tpu.memory_space<hbm>> -> memref<1x632x128xf32, #tpu.memory_space<hbm>>
      %dma_start3A_116 = tpu.memref_squeeze %dma_start3A_115 : memref<1x632x128xf32, #tpu.memory_space<hbm>> -> memref<632x128xf32, #tpu.memory_space<hbm>>
      %dma_start3A_117 = arith.constant 0 : i32
      %dma_start3A_118 = tpu.memref_slice %arg8[%mul3A_2, %dma_start3A_117] : memref<10112x128xf32, #tpu.memory_space<vmem_shared>> -> memref<632x128xf32, #tpu.memory_space<vmem_shared>>
      tpu.enqueue_dma source(%dma_start3A_118 : memref<632x128xf32, #tpu.memory_space<vmem_shared>>) target(%dma_start3A_116 : memref<632x128xf32, #tpu.memory_space<hbm>>) target_semaphore(%run_scoped3A : memref<!tpu.dma_semaphore, #tpu.memory_space<semaphore_mem>>)
      %dma_wait3A_119 = arith.constant 0 : i32
      %dma_wait3A_120 = tpu.memref_slice %arg4[%arg0, %mul3A_2, %dma_wait3A_119] : memref<2x10112x128xf32, #tpu.memory_space<hbm>> -> memref<1x632x128xf32, #tpu.memory_space<hbm>>
      %dma_wait3A_121 = tpu.memref_squeeze %dma_wait3A_120 : memref<1x632x128xf32, #tpu.memory_space<hbm>> -> memref<632x128xf32, #tpu.memory_space<hbm>>
      %dma_wait3A_122 = arith.constant 0 : i32
      %dma_wait3A_123 = tpu.memref_slice %arg8[%mul3A_2, %dma_wait3A_122] : memref<10112x128xf32, #tpu.memory_space<vmem_shared>> -> memref<632x128xf32, #tpu.memory_space<vmem_shared>>
      tpu.wait_dma2 semaphore(%run_scoped3A : memref<!tpu.dma_semaphore, #tpu.memory_space<semaphore_mem>>) src(%dma_wait3A_123 : memref<632x128xf32, #tpu.memory_space<vmem_shared>>) dst(%dma_wait3A_121 : memref<632x128xf32, #tpu.memory_space<hbm>>)
      tpu.yield
    }) : () -> ()
    return
  }
}

#map = affine_map<(d0, d1) -> (0, 0)>
#map1 = affine_map<(d0, d1) -> (0, 0, 0, 0)>
#map2 = affine_map<(d0, d1) -> (0, 0, 0)>
module attributes {stable_mosaic.version = 14 : i64} {
  func.func @_agg_body(%arg0: i32, %arg1: i32, %arg2: memref<10112x128xf32, #tpu.memory_space<hbm>>, %arg3: memref<32x80x2x128xi32, #tpu.memory_space<hbm>>, %arg4: memref<2x10112x128xf32, #tpu.memory_space<hbm>>, %arg5: memref<2x2x128xi32, #tpu.memory_space<vmem>>, %arg6: memref<128x128xf32, #tpu.memory_space<vmem>>, %arg7: memref<128x128xf32, #tpu.memory_space<vmem>>, %arg8: memref<10112x128xf32, #tpu.memory_space<vmem_shared>>, %arg9: memref<!tpu.dma_semaphore, #tpu.memory_space<semaphore_mem>>, %arg10: memref<!tpu.dma_semaphore, #tpu.memory_space<semaphore_mem>>, %arg11: memref<!tpu.dma_semaphore, #tpu.memory_space<semaphore_mem>>, %arg12: memref<!tpu.dma_semaphore, #tpu.memory_space<semaphore_mem>>) attributes {dimension_semantics = [#tpu.dimension_semantics<core_parallel>, #tpu.dimension_semantics<subcore_parallel>], iteration_bounds = array<i64: 2, 16>, scalar_prefetch = 0 : i64, scratch_operands = 8 : i64, tpu.core_type = #tpu.core_type<sc_vector_subcore>, window_params = [{transform_indices = #map}, {transform_indices = #map1}, {transform_indices = #map2}]} {
    %mul3A = arith.constant 16 : i32
    %mul3A_0 = arith.muli %arg0, %mul3A : i32
    %add3A = arith.addi %mul3A_0, %arg1 : i32
    %mul3A_1 = arith.constant 632 : i32
    %mul3A_2 = arith.muli %arg1, %mul3A_1 : i32
    %broadcast_in_dim3A = arith.constant 0.000000e+00 : f32
    %broadcast_in_dim3A_3 = vector.broadcast %broadcast_in_dim3A : f32 to vector<16xf32>
    %scan3A = arith.constant 0 : i32
    %scan3A_4 = arith.constant 128 : i32
    %scan3A_5 = arith.addi %scan3A, %scan3A_4 : i32
    %scan3A_6 = arith.constant 1 : i32
    scf.for %scan3A_114 = %scan3A to %scan3A_5 step %scan3A_6  : i32 {
      %mul3A_115 = arith.constant 1 : i32
      %mul3A_116 = arith.muli %scan3A_114, %mul3A_115 : i32
      %add3A_117 = arith.constant 0 : i32
      %add3A_118 = arith.addi %add3A_117, %mul3A_116 : i32
      %swap3A = arith.index_cast %add3A_118 : i32 to index
      %swap3A_119 = arith.constant 0 : index
      %swap3A_120 = tpu.vector_load %arg6[%swap3A, %swap3A_119] {strides = array<i32>} : memref<128x128xf32, #tpu.memory_space<vmem>>, vector<1x16xf32>,
      %swap3A_121 = vector.shape_cast %swap3A_120 : vector<1x16xf32> to vector<16xf32>
      %swap3A_122 = vector.shape_cast %broadcast_in_dim3A_3 : vector<16xf32> to vector<1x16xf32>
      tpu.vector_store %arg6[%swap3A, %swap3A_119], %swap3A_122 {strides = array<i32>} : memref<128x128xf32, #tpu.memory_space<vmem>>, vector<1x16xf32>,
      %swap3A_123 = arith.index_cast %add3A_118 : i32 to index
      %swap3A_124 = arith.constant 16 : index
      %swap3A_125 = tpu.vector_load %arg6[%swap3A_123, %swap3A_124] {strides = array<i32>} : memref<128x128xf32, #tpu.memory_space<vmem>>, vector<1x16xf32>,
      %swap3A_126 = vector.shape_cast %swap3A_125 : vector<1x16xf32> to vector<16xf32>
      %swap3A_127 = vector.shape_cast %broadcast_in_dim3A_3 : vector<16xf32> to vector<1x16xf32>
      tpu.vector_store %arg6[%swap3A_123, %swap3A_124], %swap3A_127 {strides = array<i32>} : memref<128x128xf32, #tpu.memory_space<vmem>>, vector<1x16xf32>,
      %swap3A_128 = arith.index_cast %add3A_118 : i32 to index
      %swap3A_129 = arith.constant 32 : index
      %swap3A_130 = tpu.vector_load %arg6[%swap3A_128, %swap3A_129] {strides = array<i32>} : memref<128x128xf32, #tpu.memory_space<vmem>>, vector<1x16xf32>,
      %swap3A_131 = vector.shape_cast %swap3A_130 : vector<1x16xf32> to vector<16xf32>
      %swap3A_132 = vector.shape_cast %broadcast_in_dim3A_3 : vector<16xf32> to vector<1x16xf32>
      tpu.vector_store %arg6[%swap3A_128, %swap3A_129], %swap3A_132 {strides = array<i32>} : memref<128x128xf32, #tpu.memory_space<vmem>>, vector<1x16xf32>,
      %swap3A_133 = arith.index_cast %add3A_118 : i32 to index
      %swap3A_134 = arith.constant 48 : index
      %swap3A_135 = tpu.vector_load %arg6[%swap3A_133, %swap3A_134] {strides = array<i32>} : memref<128x128xf32, #tpu.memory_space<vmem>>, vector<1x16xf32>,
      %swap3A_136 = vector.shape_cast %swap3A_135 : vector<1x16xf32> to vector<16xf32>
      %swap3A_137 = vector.shape_cast %broadcast_in_dim3A_3 : vector<16xf32> to vector<1x16xf32>
      tpu.vector_store %arg6[%swap3A_133, %swap3A_134], %swap3A_137 {strides = array<i32>} : memref<128x128xf32, #tpu.memory_space<vmem>>, vector<1x16xf32>,
      %swap3A_138 = arith.index_cast %add3A_118 : i32 to index
      %swap3A_139 = arith.constant 64 : index
      %swap3A_140 = tpu.vector_load %arg6[%swap3A_138, %swap3A_139] {strides = array<i32>} : memref<128x128xf32, #tpu.memory_space<vmem>>, vector<1x16xf32>,
      %swap3A_141 = vector.shape_cast %swap3A_140 : vector<1x16xf32> to vector<16xf32>
      %swap3A_142 = vector.shape_cast %broadcast_in_dim3A_3 : vector<16xf32> to vector<1x16xf32>
      tpu.vector_store %arg6[%swap3A_138, %swap3A_139], %swap3A_142 {strides = array<i32>} : memref<128x128xf32, #tpu.memory_space<vmem>>, vector<1x16xf32>,
      %swap3A_143 = arith.index_cast %add3A_118 : i32 to index
      %swap3A_144 = arith.constant 80 : index
      %swap3A_145 = tpu.vector_load %arg6[%swap3A_143, %swap3A_144] {strides = array<i32>} : memref<128x128xf32, #tpu.memory_space<vmem>>, vector<1x16xf32>,
      %swap3A_146 = vector.shape_cast %swap3A_145 : vector<1x16xf32> to vector<16xf32>
      %swap3A_147 = vector.shape_cast %broadcast_in_dim3A_3 : vector<16xf32> to vector<1x16xf32>
      tpu.vector_store %arg6[%swap3A_143, %swap3A_144], %swap3A_147 {strides = array<i32>} : memref<128x128xf32, #tpu.memory_space<vmem>>, vector<1x16xf32>,
      %swap3A_148 = arith.index_cast %add3A_118 : i32 to index
      %swap3A_149 = arith.constant 96 : index
      %swap3A_150 = tpu.vector_load %arg6[%swap3A_148, %swap3A_149] {strides = array<i32>} : memref<128x128xf32, #tpu.memory_space<vmem>>, vector<1x16xf32>,
      %swap3A_151 = vector.shape_cast %swap3A_150 : vector<1x16xf32> to vector<16xf32>
      %swap3A_152 = vector.shape_cast %broadcast_in_dim3A_3 : vector<16xf32> to vector<1x16xf32>
      tpu.vector_store %arg6[%swap3A_148, %swap3A_149], %swap3A_152 {strides = array<i32>} : memref<128x128xf32, #tpu.memory_space<vmem>>, vector<1x16xf32>,
      %swap3A_153 = arith.index_cast %add3A_118 : i32 to index
      %swap3A_154 = arith.constant 112 : index
      %swap3A_155 = tpu.vector_load %arg6[%swap3A_153, %swap3A_154] {strides = array<i32>} : memref<128x128xf32, #tpu.memory_space<vmem>>, vector<1x16xf32>,
      %swap3A_156 = vector.shape_cast %swap3A_155 : vector<1x16xf32> to vector<16xf32>
      %swap3A_157 = vector.shape_cast %broadcast_in_dim3A_3 : vector<16xf32> to vector<1x16xf32>
      tpu.vector_store %arg6[%swap3A_153, %swap3A_154], %swap3A_157 {strides = array<i32>} : memref<128x128xf32, #tpu.memory_space<vmem>>, vector<1x16xf32>,
    }
    %scan3A_7 = arith.constant 128 : i32
    %add3A_8 = arith.constant 0 : i32
    %add3A_9 = arith.addi %mul3A_2, %add3A_8 : i32
    "tpu.region"() ({
      %run_scoped3A = tpu.sem_alloc : memref<!tpu.dma_semaphore, #tpu.memory_space<semaphore_mem>>
      %dma_start3A_114 = arith.constant 0 : i32
      %dma_start3A_115 = tpu.memref_slice %arg8[%add3A_9, %dma_start3A_114] : memref<10112x128xf32, #tpu.memory_space<vmem_shared>> -> memref<128x128xf32, #tpu.memory_space<vmem_shared>>
      %dma_start3A_116 = arith.constant 0 : i32
      %dma_start3A_117 = tpu.memref_slice %arg8[%add3A_9, %dma_start3A_116] : memref<10112x128xf32, #tpu.memory_space<vmem_shared>> -> memref<128x128xf32, #tpu.memory_space<vmem_shared>>
      tpu.enqueue_dma source(%arg6 : memref<128x128xf32, #tpu.memory_space<vmem>>) target(%dma_start3A_117 : memref<128x128xf32, #tpu.memory_space<vmem_shared>>) target_semaphore(%run_scoped3A : memref<!tpu.dma_semaphore, #tpu.memory_space<semaphore_mem>>)
      %dma_wait3A_118 = arith.constant 0 : i32
      %dma_wait3A_119 = tpu.memref_slice %arg8[%add3A_9, %dma_wait3A_118] : memref<10112x128xf32, #tpu.memory_space<vmem_shared>> -> memref<128x128xf32, #tpu.memory_space<vmem_shared>>
      %dma_wait3A_120 = arith.constant 0 : i32
      %dma_wait3A_121 = tpu.memref_slice %arg8[%add3A_9, %dma_wait3A_120] : memref<10112x128xf32, #tpu.memory_space<vmem_shared>> -> memref<128x128xf32, #tpu.memory_space<vmem_shared>>
      tpu.wait_dma2 semaphore(%run_scoped3A : memref<!tpu.dma_semaphore, #tpu.memory_space<semaphore_mem>>) src(%arg6 : memref<128x128xf32, #tpu.memory_space<vmem>>) dst(%dma_wait3A_121 : memref<128x128xf32, #tpu.memory_space<vmem_shared>>)
      tpu.yield
    }) : () -> ()
    %add3A_10 = arith.constant 128 : i32
    %add3A_11 = arith.addi %mul3A_2, %add3A_10 : i32
    "tpu.region"() ({
      %run_scoped3A = tpu.sem_alloc : memref<!tpu.dma_semaphore, #tpu.memory_space<semaphore_mem>>
      %dma_start3A_114 = arith.constant 0 : i32
      %dma_start3A_115 = tpu.memref_slice %arg8[%add3A_11, %dma_start3A_114] : memref<10112x128xf32, #tpu.memory_space<vmem_shared>> -> memref<128x128xf32, #tpu.memory_space<vmem_shared>>
      %dma_start3A_116 = arith.constant 0 : i32
      %dma_start3A_117 = tpu.memref_slice %arg8[%add3A_11, %dma_start3A_116] : memref<10112x128xf32, #tpu.memory_space<vmem_shared>> -> memref<128x128xf32, #tpu.memory_space<vmem_shared>>
      tpu.enqueue_dma source(%arg6 : memref<128x128xf32, #tpu.memory_space<vmem>>) target(%dma_start3A_117 : memref<128x128xf32, #tpu.memory_space<vmem_shared>>) target_semaphore(%run_scoped3A : memref<!tpu.dma_semaphore, #tpu.memory_space<semaphore_mem>>)
      %dma_wait3A_118 = arith.constant 0 : i32
      %dma_wait3A_119 = tpu.memref_slice %arg8[%add3A_11, %dma_wait3A_118] : memref<10112x128xf32, #tpu.memory_space<vmem_shared>> -> memref<128x128xf32, #tpu.memory_space<vmem_shared>>
      %dma_wait3A_120 = arith.constant 0 : i32
      %dma_wait3A_121 = tpu.memref_slice %arg8[%add3A_11, %dma_wait3A_120] : memref<10112x128xf32, #tpu.memory_space<vmem_shared>> -> memref<128x128xf32, #tpu.memory_space<vmem_shared>>
      tpu.wait_dma2 semaphore(%run_scoped3A : memref<!tpu.dma_semaphore, #tpu.memory_space<semaphore_mem>>) src(%arg6 : memref<128x128xf32, #tpu.memory_space<vmem>>) dst(%dma_wait3A_121 : memref<128x128xf32, #tpu.memory_space<vmem_shared>>)
      tpu.yield
    }) : () -> ()
    %add3A_12 = arith.constant 256 : i32
    %add3A_13 = arith.addi %mul3A_2, %add3A_12 : i32
    "tpu.region"() ({
      %run_scoped3A = tpu.sem_alloc : memref<!tpu.dma_semaphore, #tpu.memory_space<semaphore_mem>>
      %dma_start3A_114 = arith.constant 0 : i32
      %dma_start3A_115 = tpu.memref_slice %arg8[%add3A_13, %dma_start3A_114] : memref<10112x128xf32, #tpu.memory_space<vmem_shared>> -> memref<128x128xf32, #tpu.memory_space<vmem_shared>>
      %dma_start3A_116 = arith.constant 0 : i32
      %dma_start3A_117 = tpu.memref_slice %arg8[%add3A_13, %dma_start3A_116] : memref<10112x128xf32, #tpu.memory_space<vmem_shared>> -> memref<128x128xf32, #tpu.memory_space<vmem_shared>>
      tpu.enqueue_dma source(%arg6 : memref<128x128xf32, #tpu.memory_space<vmem>>) target(%dma_start3A_117 : memref<128x128xf32, #tpu.memory_space<vmem_shared>>) target_semaphore(%run_scoped3A : memref<!tpu.dma_semaphore, #tpu.memory_space<semaphore_mem>>)
      %dma_wait3A_118 = arith.constant 0 : i32
      %dma_wait3A_119 = tpu.memref_slice %arg8[%add3A_13, %dma_wait3A_118] : memref<10112x128xf32, #tpu.memory_space<vmem_shared>> -> memref<128x128xf32, #tpu.memory_space<vmem_shared>>
      %dma_wait3A_120 = arith.constant 0 : i32
      %dma_wait3A_121 = tpu.memref_slice %arg8[%add3A_13, %dma_wait3A_120] : memref<10112x128xf32, #tpu.memory_space<vmem_shared>> -> memref<128x128xf32, #tpu.memory_space<vmem_shared>>
      tpu.wait_dma2 semaphore(%run_scoped3A : memref<!tpu.dma_semaphore, #tpu.memory_space<semaphore_mem>>) src(%arg6 : memref<128x128xf32, #tpu.memory_space<vmem>>) dst(%dma_wait3A_121 : memref<128x128xf32, #tpu.memory_space<vmem_shared>>)
      tpu.yield
    }) : () -> ()
    %add3A_14 = arith.constant 384 : i32
    %add3A_15 = arith.addi %mul3A_2, %add3A_14 : i32
    "tpu.region"() ({
      %run_scoped3A = tpu.sem_alloc : memref<!tpu.dma_semaphore, #tpu.memory_space<semaphore_mem>>
      %dma_start3A_114 = arith.constant 0 : i32
      %dma_start3A_115 = tpu.memref_slice %arg8[%add3A_15, %dma_start3A_114] : memref<10112x128xf32, #tpu.memory_space<vmem_shared>> -> memref<128x128xf32, #tpu.memory_space<vmem_shared>>
      %dma_start3A_116 = arith.constant 0 : i32
      %dma_start3A_117 = tpu.memref_slice %arg8[%add3A_15, %dma_start3A_116] : memref<10112x128xf32, #tpu.memory_space<vmem_shared>> -> memref<128x128xf32, #tpu.memory_space<vmem_shared>>
      tpu.enqueue_dma source(%arg6 : memref<128x128xf32, #tpu.memory_space<vmem>>) target(%dma_start3A_117 : memref<128x128xf32, #tpu.memory_space<vmem_shared>>) target_semaphore(%run_scoped3A : memref<!tpu.dma_semaphore, #tpu.memory_space<semaphore_mem>>)
      %dma_wait3A_118 = arith.constant 0 : i32
      %dma_wait3A_119 = tpu.memref_slice %arg8[%add3A_15, %dma_wait3A_118] : memref<10112x128xf32, #tpu.memory_space<vmem_shared>> -> memref<128x128xf32, #tpu.memory_space<vmem_shared>>
      %dma_wait3A_120 = arith.constant 0 : i32
      %dma_wait3A_121 = tpu.memref_slice %arg8[%add3A_15, %dma_wait3A_120] : memref<10112x128xf32, #tpu.memory_space<vmem_shared>> -> memref<128x128xf32, #tpu.memory_space<vmem_shared>>
      tpu.wait_dma2 semaphore(%run_scoped3A : memref<!tpu.dma_semaphore, #tpu.memory_space<semaphore_mem>>) src(%arg6 : memref<128x128xf32, #tpu.memory_space<vmem>>) dst(%dma_wait3A_121 : memref<128x128xf32, #tpu.memory_space<vmem_shared>>)
      tpu.yield
    }) : () -> ()
    %add3A_16 = arith.constant 512 : i32
    %add3A_17 = arith.addi %mul3A_2, %add3A_16 : i32
    "tpu.region"() ({
      %run_scoped3A = tpu.sem_alloc : memref<!tpu.dma_semaphore, #tpu.memory_space<semaphore_mem>>
      %dma_start3A_114 = arith.constant 0 : i32
      %dma_start3A_115 = arith.constant 0 : i32
      %dma_start3A_116 = tpu.memref_slice %arg6[%dma_start3A_114, %dma_start3A_115] : memref<128x128xf32, #tpu.memory_space<vmem>> -> memref<120x128xf32, #tpu.memory_space<vmem>>
      %dma_start3A_117 = arith.constant 0 : i32
      %dma_start3A_118 = tpu.memref_slice %arg8[%add3A_17, %dma_start3A_117] : memref<10112x128xf32, #tpu.memory_space<vmem_shared>> -> memref<120x128xf32, #tpu.memory_space<vmem_shared>>
      %dma_start3A_119 = arith.constant 0 : i32
      %dma_start3A_120 = tpu.memref_slice %arg8[%add3A_17, %dma_start3A_119] : memref<10112x128xf32, #tpu.memory_space<vmem_shared>> -> memref<120x128xf32, #tpu.memory_space<vmem_shared>>
      %dma_start3A_121 = arith.constant 0 : i32
      %dma_start3A_122 = arith.constant 0 : i32
      %dma_start3A_123 = tpu.memref_slice %arg6[%dma_start3A_121, %dma_start3A_122] : memref<128x128xf32, #tpu.memory_space<vmem>> -> memref<120x128xf32, #tpu.memory_space<vmem>>
      tpu.enqueue_dma source(%dma_start3A_123 : memref<120x128xf32, #tpu.memory_space<vmem>>) target(%dma_start3A_120 : memref<120x128xf32, #tpu.memory_space<vmem_shared>>) target_semaphore(%run_scoped3A : memref<!tpu.dma_semaphore, #tpu.memory_space<semaphore_mem>>)
      %dma_wait3A_124 = arith.constant 0 : i32
      %dma_wait3A_125 = arith.constant 0 : i32
      %dma_wait3A_126 = tpu.memref_slice %arg6[%dma_wait3A_124, %dma_wait3A_125] : memref<128x128xf32, #tpu.memory_space<vmem>> -> memref<120x128xf32, #tpu.memory_space<vmem>>
      %dma_wait3A_127 = arith.constant 0 : i32
      %dma_wait3A_128 = tpu.memref_slice %arg8[%add3A_17, %dma_wait3A_127] : memref<10112x128xf32, #tpu.memory_space<vmem_shared>> -> memref<120x128xf32, #tpu.memory_space<vmem_shared>>
      %dma_wait3A_129 = arith.constant 0 : i32
      %dma_wait3A_130 = tpu.memref_slice %arg8[%add3A_17, %dma_wait3A_129] : memref<10112x128xf32, #tpu.memory_space<vmem_shared>> -> memref<120x128xf32, #tpu.memory_space<vmem_shared>>
      %dma_wait3A_131 = arith.constant 0 : i32
      %dma_wait3A_132 = arith.constant 0 : i32
      %dma_wait3A_133 = tpu.memref_slice %arg6[%dma_wait3A_131, %dma_wait3A_132] : memref<128x128xf32, #tpu.memory_space<vmem>> -> memref<120x128xf32, #tpu.memory_space<vmem>>
      tpu.wait_dma2 semaphore(%run_scoped3A : memref<!tpu.dma_semaphore, #tpu.memory_space<semaphore_mem>>) src(%dma_wait3A_133 : memref<120x128xf32, #tpu.memory_space<vmem>>) dst(%dma_wait3A_130 : memref<120x128xf32, #tpu.memory_space<vmem_shared>>)
      tpu.yield
    }) : () -> ()
    %barrier3A = arith.constant 0 : index
    tpu.barrier barrier_id(%barrier3A)
    %dma_start3A = arith.constant 0 : i32
    %dma_start3A_18 = arith.constant 0 : i32
    %dma_start3A_19 = arith.constant 0 : i32
    %dma_start3A_20 = arith.constant 0 : i32
    %dma_start3A_21 = tpu.memref_slice %arg5[%dma_start3A_18, %dma_start3A_19, %dma_start3A_20] : memref<2x2x128xi32, #tpu.memory_space<vmem>> -> memref<1x2x128xi32, #tpu.memory_space<vmem>>
    %dma_start3A_22 = tpu.memref_squeeze %dma_start3A_21 : memref<1x2x128xi32, #tpu.memory_space<vmem>> -> memref<2x128xi32, #tpu.memory_space<vmem>>
    %dma_start3A_23 = arith.constant 0 : i32
    %dma_start3A_24 = arith.constant 0 : i32
    %dma_start3A_25 = arith.constant 0 : i32
    %dma_start3A_26 = tpu.memref_slice %arg3[%add3A, %dma_start3A_23, %dma_start3A_24, %dma_start3A_25] : memref<32x80x2x128xi32, #tpu.memory_space<hbm>> -> memref<1x80x2x128xi32, #tpu.memory_space<hbm>>
    %dma_start3A_27 = tpu.memref_squeeze %dma_start3A_26 : memref<1x80x2x128xi32, #tpu.memory_space<hbm>> -> memref<80x2x128xi32, #tpu.memory_space<hbm>>
    %dma_start3A_28 = arith.constant 0 : i32
    %dma_start3A_29 = arith.constant 0 : i32
    %dma_start3A_30 = tpu.memref_slice %dma_start3A_27[%dma_start3A, %dma_start3A_28, %dma_start3A_29] : memref<80x2x128xi32, #tpu.memory_space<hbm>> -> memref<1x2x128xi32, #tpu.memory_space<hbm>>
    %dma_start3A_31 = tpu.memref_squeeze %dma_start3A_30 : memref<1x2x128xi32, #tpu.memory_space<hbm>> -> memref<2x128xi32, #tpu.memory_space<hbm>>
    %dma_start3A_32 = arith.constant 0 : i32
    %dma_start3A_33 = arith.constant 0 : i32
    %dma_start3A_34 = tpu.memref_slice %arg5[%dma_start3A_18, %dma_start3A_32, %dma_start3A_33] : memref<2x2x128xi32, #tpu.memory_space<vmem>> -> memref<1x2x128xi32, #tpu.memory_space<vmem>>
    %dma_start3A_35 = tpu.memref_squeeze %dma_start3A_34 : memref<1x2x128xi32, #tpu.memory_space<vmem>> -> memref<2x128xi32, #tpu.memory_space<vmem>>
    %dma_start3A_36 = arith.constant 0 : i32
    %dma_start3A_37 = arith.constant 0 : i32
    %dma_start3A_38 = arith.constant 0 : i32
    %dma_start3A_39 = tpu.memref_slice %arg3[%add3A, %dma_start3A_36, %dma_start3A_37, %dma_start3A_38] : memref<32x80x2x128xi32, #tpu.memory_space<hbm>> -> memref<1x80x2x128xi32, #tpu.memory_space<hbm>>
    %dma_start3A_40 = tpu.memref_squeeze %dma_start3A_39 : memref<1x80x2x128xi32, #tpu.memory_space<hbm>> -> memref<80x2x128xi32, #tpu.memory_space<hbm>>
    %dma_start3A_41 = arith.constant 0 : i32
    %dma_start3A_42 = arith.constant 0 : i32
    %dma_start3A_43 = tpu.memref_slice %dma_start3A_40[%dma_start3A, %dma_start3A_41, %dma_start3A_42] : memref<80x2x128xi32, #tpu.memory_space<hbm>> -> memref<1x2x128xi32, #tpu.memory_space<hbm>>
    %dma_start3A_44 = tpu.memref_squeeze %dma_start3A_43 : memref<1x2x128xi32, #tpu.memory_space<hbm>> -> memref<2x128xi32, #tpu.memory_space<hbm>>
    tpu.enqueue_dma source(%dma_start3A_44 : memref<2x128xi32, #tpu.memory_space<hbm>>) target(%dma_start3A_35 : memref<2x128xi32, #tpu.memory_space<vmem>>) target_semaphore(%arg9 : memref<!tpu.dma_semaphore, #tpu.memory_space<semaphore_mem>>)
    %dma_start3A_45 = arith.constant 1 : i32
    %dma_start3A_46 = arith.constant 1 : i32
    %dma_start3A_47 = arith.constant 0 : i32
    %dma_start3A_48 = arith.constant 0 : i32
    %dma_start3A_49 = tpu.memref_slice %arg5[%dma_start3A_46, %dma_start3A_47, %dma_start3A_48] : memref<2x2x128xi32, #tpu.memory_space<vmem>> -> memref<1x2x128xi32, #tpu.memory_space<vmem>>
    %dma_start3A_50 = tpu.memref_squeeze %dma_start3A_49 : memref<1x2x128xi32, #tpu.memory_space<vmem>> -> memref<2x128xi32, #tpu.memory_space<vmem>>
    %dma_start3A_51 = arith.constant 0 : i32
    %dma_start3A_52 = arith.constant 0 : i32
    %dma_start3A_53 = arith.constant 0 : i32
    %dma_start3A_54 = tpu.memref_slice %arg3[%add3A, %dma_start3A_51, %dma_start3A_52, %dma_start3A_53] : memref<32x80x2x128xi32, #tpu.memory_space<hbm>> -> memref<1x80x2x128xi32, #tpu.memory_space<hbm>>
    %dma_start3A_55 = tpu.memref_squeeze %dma_start3A_54 : memref<1x80x2x128xi32, #tpu.memory_space<hbm>> -> memref<80x2x128xi32, #tpu.memory_space<hbm>>
    %dma_start3A_56 = arith.constant 0 : i32
    %dma_start3A_57 = arith.constant 0 : i32
    %dma_start3A_58 = tpu.memref_slice %dma_start3A_55[%dma_start3A_45, %dma_start3A_56, %dma_start3A_57] : memref<80x2x128xi32, #tpu.memory_space<hbm>> -> memref<1x2x128xi32, #tpu.memory_space<hbm>>
    %dma_start3A_59 = tpu.memref_squeeze %dma_start3A_58 : memref<1x2x128xi32, #tpu.memory_space<hbm>> -> memref<2x128xi32, #tpu.memory_space<hbm>>
    %dma_start3A_60 = arith.constant 0 : i32
    %dma_start3A_61 = arith.constant 0 : i32
    %dma_start3A_62 = tpu.memref_slice %arg5[%dma_start3A_46, %dma_start3A_60, %dma_start3A_61] : memref<2x2x128xi32, #tpu.memory_space<vmem>> -> memref<1x2x128xi32, #tpu.memory_space<vmem>>
    %dma_start3A_63 = tpu.memref_squeeze %dma_start3A_62 : memref<1x2x128xi32, #tpu.memory_space<vmem>> -> memref<2x128xi32, #tpu.memory_space<vmem>>
    %dma_start3A_64 = arith.constant 0 : i32
    %dma_start3A_65 = arith.constant 0 : i32
    %dma_start3A_66 = arith.constant 0 : i32
    %dma_start3A_67 = tpu.memref_slice %arg3[%add3A, %dma_start3A_64, %dma_start3A_65, %dma_start3A_66] : memref<32x80x2x128xi32, #tpu.memory_space<hbm>> -> memref<1x80x2x128xi32, #tpu.memory_space<hbm>>
    %dma_start3A_68 = tpu.memref_squeeze %dma_start3A_67 : memref<1x80x2x128xi32, #tpu.memory_space<hbm>> -> memref<80x2x128xi32, #tpu.memory_space<hbm>>
    %dma_start3A_69 = arith.constant 0 : i32
    %dma_start3A_70 = arith.constant 0 : i32
    %dma_start3A_71 = tpu.memref_slice %dma_start3A_68[%dma_start3A_45, %dma_start3A_69, %dma_start3A_70] : memref<80x2x128xi32, #tpu.memory_space<hbm>> -> memref<1x2x128xi32, #tpu.memory_space<hbm>>
    %dma_start3A_72 = tpu.memref_squeeze %dma_start3A_71 : memref<1x2x128xi32, #tpu.memory_space<hbm>> -> memref<2x128xi32, #tpu.memory_space<hbm>>
    tpu.enqueue_dma source(%dma_start3A_72 : memref<2x128xi32, #tpu.memory_space<hbm>>) target(%dma_start3A_63 : memref<2x128xi32, #tpu.memory_space<vmem>>) target_semaphore(%arg10 : memref<!tpu.dma_semaphore, #tpu.memory_space<semaphore_mem>>)
    %dma_wait3A = arith.constant 0 : i32
    %dma_wait3A_73 = arith.constant 0 : i32
    %dma_wait3A_74 = arith.constant 0 : i32
    %dma_wait3A_75 = arith.constant 0 : i32
    %dma_wait3A_76 = tpu.memref_slice %arg5[%dma_wait3A_73, %dma_wait3A_74, %dma_wait3A_75] : memref<2x2x128xi32, #tpu.memory_space<vmem>> -> memref<1x2x128xi32, #tpu.memory_space<vmem>>
    %dma_wait3A_77 = tpu.memref_squeeze %dma_wait3A_76 : memref<1x2x128xi32, #tpu.memory_space<vmem>> -> memref<2x128xi32, #tpu.memory_space<vmem>>
    %dma_wait3A_78 = arith.constant 0 : i32
    %dma_wait3A_79 = arith.constant 0 : i32
    %dma_wait3A_80 = arith.constant 0 : i32
    %dma_wait3A_81 = tpu.memref_slice %arg3[%add3A, %dma_wait3A_78, %dma_wait3A_79, %dma_wait3A_80] : memref<32x80x2x128xi32, #tpu.memory_space<hbm>> -> memref<1x80x2x128xi32, #tpu.memory_space<hbm>>
    %dma_wait3A_82 = tpu.memref_squeeze %dma_wait3A_81 : memref<1x80x2x128xi32, #tpu.memory_space<hbm>> -> memref<80x2x128xi32, #tpu.memory_space<hbm>>
    %dma_wait3A_83 = arith.constant 0 : i32
    %dma_wait3A_84 = arith.constant 0 : i32
    %dma_wait3A_85 = tpu.memref_slice %dma_wait3A_82[%dma_wait3A, %dma_wait3A_83, %dma_wait3A_84] : memref<80x2x128xi32, #tpu.memory_space<hbm>> -> memref<1x2x128xi32, #tpu.memory_space<hbm>>
    %dma_wait3A_86 = tpu.memref_squeeze %dma_wait3A_85 : memref<1x2x128xi32, #tpu.memory_space<hbm>> -> memref<2x128xi32, #tpu.memory_space<hbm>>
    %dma_wait3A_87 = arith.constant 0 : i32
    %dma_wait3A_88 = arith.constant 0 : i32
    %dma_wait3A_89 = tpu.memref_slice %arg5[%dma_wait3A_73, %dma_wait3A_87, %dma_wait3A_88] : memref<2x2x128xi32, #tpu.memory_space<vmem>> -> memref<1x2x128xi32, #tpu.memory_space<vmem>>
    %dma_wait3A_90 = tpu.memref_squeeze %dma_wait3A_89 : memref<1x2x128xi32, #tpu.memory_space<vmem>> -> memref<2x128xi32, #tpu.memory_space<vmem>>
    %dma_wait3A_91 = arith.constant 0 : i32
    %dma_wait3A_92 = arith.constant 0 : i32
    %dma_wait3A_93 = arith.constant 0 : i32
    %dma_wait3A_94 = tpu.memref_slice %arg3[%add3A, %dma_wait3A_91, %dma_wait3A_92, %dma_wait3A_93] : memref<32x80x2x128xi32, #tpu.memory_space<hbm>> -> memref<1x80x2x128xi32, #tpu.memory_space<hbm>>
    %dma_wait3A_95 = tpu.memref_squeeze %dma_wait3A_94 : memref<1x80x2x128xi32, #tpu.memory_space<hbm>> -> memref<80x2x128xi32, #tpu.memory_space<hbm>>
    %dma_wait3A_96 = arith.constant 0 : i32
    %dma_wait3A_97 = arith.constant 0 : i32
    %dma_wait3A_98 = tpu.memref_slice %dma_wait3A_95[%dma_wait3A, %dma_wait3A_96, %dma_wait3A_97] : memref<80x2x128xi32, #tpu.memory_space<hbm>> -> memref<1x2x128xi32, #tpu.memory_space<hbm>>
    %dma_wait3A_99 = tpu.memref_squeeze %dma_wait3A_98 : memref<1x2x128xi32, #tpu.memory_space<hbm>> -> memref<2x128xi32, #tpu.memory_space<hbm>>
    tpu.wait_dma2 semaphore(%arg9 : memref<!tpu.dma_semaphore, #tpu.memory_space<semaphore_mem>>) src(%dma_wait3A_99 : memref<2x128xi32, #tpu.memory_space<hbm>>) dst(%dma_wait3A_90 : memref<2x128xi32, #tpu.memory_space<vmem>>)
    %dma_start3A_100 = arith.constant 0 : i32
    %dma_start3A_101 = arith.constant 0 : i32
    %dma_start3A_102 = arith.constant 0 : i32
    %dma_start3A_103 = tpu.memref_slice %arg5[%dma_start3A_100, %dma_start3A_101, %dma_start3A_102] : memref<2x2x128xi32, #tpu.memory_space<vmem>> -> memref<1x1x128xi32, #tpu.memory_space<vmem>>
    %dma_start3A_104 = tpu.memref_squeeze %dma_start3A_103 : memref<1x1x128xi32, #tpu.memory_space<vmem>> -> memref<128xi32, #tpu.memory_space<vmem>>
    %dma_start3A_105 = arith.constant 0 : i32
    %dma_start3A_106 = arith.constant 0 : i32
    %dma_start3A_107 = tpu.memref_slice %arg2[%dma_start3A_105, %dma_start3A_106] : memref<10112x128xf32, #tpu.memory_space<hbm>> -> memref<10112x128xf32, #tpu.memory_space<hbm>>
    tpu.enqueue_indirect_dma source(%dma_start3A_107 : memref<10112x128xf32, #tpu.memory_space<hbm>>) target(%arg6 : memref<128x128xf32, #tpu.memory_space<vmem>>) offsets(%dma_start3A_104 : memref<128xi32, #tpu.memory_space<vmem>>) semaphore(%arg11 : memref<!tpu.dma_semaphore, #tpu.memory_space<semaphore_mem>>)
    %scan3A_108 = arith.constant 0 : i32
    %scan3A_109 = arith.constant 40 : i32
    %scan3A_110 = arith.addi %scan3A_108, %scan3A_109 : i32
    %scan3A_111 = arith.constant 1 : i32
    scf.for %scan3A_114 = %scan3A_108 to %scan3A_110 step %scan3A_111  : i32 {
      %mul3A_115 = arith.constant 2 : i32
      %mul3A_116 = arith.muli %scan3A_114, %mul3A_115 : i32
      %add3A_117 = arith.constant 0 : i32
      %add3A_118 = arith.addi %add3A_117, %mul3A_116 : i32
      %add3A_119 = arith.constant 0 : i32
      %add3A_120 = arith.addi %add3A_118, %add3A_119 : i32
      %add3A_121 = arith.constant 1 : i32
      %add3A_122 = arith.addi %add3A_120, %add3A_121 : i32
      %lt3A = arith.constant 80 : i32
      %lt3A_123 = arith.cmpi slt, %add3A_122, %lt3A : i32
      %convert_element_type3A = arith.extui %lt3A_123 : i1 to i32
      %cond3A = arith.constant 0 : i32
      %cond3A_124 = arith.cmpi ne, %convert_element_type3A, %cond3A : i32
      scf.if %cond3A_124 {
        %add3A_167 = arith.constant 1 : i32
        %add3A_168 = arith.addi %add3A_120, %add3A_167 : i32
        %dma_wait3A_169 = arith.constant 1 : i32
        %dma_wait3A_170 = arith.constant 0 : i32
        %dma_wait3A_171 = arith.constant 0 : i32
        %dma_wait3A_172 = tpu.memref_slice %arg5[%dma_wait3A_169, %dma_wait3A_170, %dma_wait3A_171] : memref<2x2x128xi32, #tpu.memory_space<vmem>> -> memref<1x2x128xi32, #tpu.memory_space<vmem>>
        %dma_wait3A_173 = tpu.memref_squeeze %dma_wait3A_172 : memref<1x2x128xi32, #tpu.memory_space<vmem>> -> memref<2x128xi32, #tpu.memory_space<vmem>>
        %dma_wait3A_174 = arith.constant 0 : i32
        %dma_wait3A_175 = arith.constant 0 : i32
        %dma_wait3A_176 = arith.constant 0 : i32
        %dma_wait3A_177 = tpu.memref_slice %arg3[%add3A, %dma_wait3A_174, %dma_wait3A_175, %dma_wait3A_176] : memref<32x80x2x128xi32, #tpu.memory_space<hbm>> -> memref<1x80x2x128xi32, #tpu.memory_space<hbm>>
        %dma_wait3A_178 = tpu.memref_squeeze %dma_wait3A_177 : memref<1x80x2x128xi32, #tpu.memory_space<hbm>> -> memref<80x2x128xi32, #tpu.memory_space<hbm>>
        %dma_wait3A_179 = arith.constant 0 : i32
        %dma_wait3A_180 = arith.constant 0 : i32
        %dma_wait3A_181 = tpu.memref_slice %dma_wait3A_178[%add3A_168, %dma_wait3A_179, %dma_wait3A_180] : memref<80x2x128xi32, #tpu.memory_space<hbm>> -> memref<1x2x128xi32, #tpu.memory_space<hbm>>
        %dma_wait3A_182 = tpu.memref_squeeze %dma_wait3A_181 : memref<1x2x128xi32, #tpu.memory_space<hbm>> -> memref<2x128xi32, #tpu.memory_space<hbm>>
        %dma_wait3A_183 = arith.constant 0 : i32
        %dma_wait3A_184 = arith.constant 0 : i32
        %dma_wait3A_185 = tpu.memref_slice %arg5[%dma_wait3A_169, %dma_wait3A_183, %dma_wait3A_184] : memref<2x2x128xi32, #tpu.memory_space<vmem>> -> memref<1x2x128xi32, #tpu.memory_space<vmem>>
        %dma_wait3A_186 = tpu.memref_squeeze %dma_wait3A_185 : memref<1x2x128xi32, #tpu.memory_space<vmem>> -> memref<2x128xi32, #tpu.memory_space<vmem>>
        %dma_wait3A_187 = arith.constant 0 : i32
        %dma_wait3A_188 = arith.constant 0 : i32
        %dma_wait3A_189 = arith.constant 0 : i32
        %dma_wait3A_190 = tpu.memref_slice %arg3[%add3A, %dma_wait3A_187, %dma_wait3A_188, %dma_wait3A_189] : memref<32x80x2x128xi32, #tpu.memory_space<hbm>> -> memref<1x80x2x128xi32, #tpu.memory_space<hbm>>
        %dma_wait3A_191 = tpu.memref_squeeze %dma_wait3A_190 : memref<1x80x2x128xi32, #tpu.memory_space<hbm>> -> memref<80x2x128xi32, #tpu.memory_space<hbm>>
        %dma_wait3A_192 = arith.constant 0 : i32
        %dma_wait3A_193 = arith.constant 0 : i32
        %dma_wait3A_194 = tpu.memref_slice %dma_wait3A_191[%add3A_168, %dma_wait3A_192, %dma_wait3A_193] : memref<80x2x128xi32, #tpu.memory_space<hbm>> -> memref<1x2x128xi32, #tpu.memory_space<hbm>>
        %dma_wait3A_195 = tpu.memref_squeeze %dma_wait3A_194 : memref<1x2x128xi32, #tpu.memory_space<hbm>> -> memref<2x128xi32, #tpu.memory_space<hbm>>
        tpu.wait_dma2 semaphore(%arg10 : memref<!tpu.dma_semaphore, #tpu.memory_space<semaphore_mem>>) src(%dma_wait3A_195 : memref<2x128xi32, #tpu.memory_space<hbm>>) dst(%dma_wait3A_186 : memref<2x128xi32, #tpu.memory_space<vmem>>)
        %dma_start3A_196 = arith.constant 1 : i32
        %dma_start3A_197 = arith.constant 0 : i32
        %dma_start3A_198 = arith.constant 0 : i32
        %dma_start3A_199 = tpu.memref_slice %arg5[%dma_start3A_196, %dma_start3A_197, %dma_start3A_198] : memref<2x2x128xi32, #tpu.memory_space<vmem>> -> memref<1x1x128xi32, #tpu.memory_space<vmem>>
        %dma_start3A_200 = tpu.memref_squeeze %dma_start3A_199 : memref<1x1x128xi32, #tpu.memory_space<vmem>> -> memref<128xi32, #tpu.memory_space<vmem>>
        %dma_start3A_201 = arith.constant 0 : i32
        %dma_start3A_202 = arith.constant 0 : i32
        %dma_start3A_203 = tpu.memref_slice %arg2[%dma_start3A_201, %dma_start3A_202] : memref<10112x128xf32, #tpu.memory_space<hbm>> -> memref<10112x128xf32, #tpu.memory_space<hbm>>
        tpu.enqueue_indirect_dma source(%dma_start3A_203 : memref<10112x128xf32, #tpu.memory_space<hbm>>) target(%arg7 : memref<128x128xf32, #tpu.memory_space<vmem>>) offsets(%dma_start3A_200 : memref<128xi32, #tpu.memory_space<vmem>>) semaphore(%arg12 : memref<!tpu.dma_semaphore, #tpu.memory_space<semaphore_mem>>)
      } else {
      }
      %dma_wait3A_125 = arith.constant 0 : i32
      %dma_wait3A_126 = arith.constant 0 : i32
      %dma_wait3A_127 = arith.constant 0 : i32
      %dma_wait3A_128 = tpu.memref_slice %arg5[%dma_wait3A_125, %dma_wait3A_126, %dma_wait3A_127] : memref<2x2x128xi32, #tpu.memory_space<vmem>> -> memref<1x1x128xi32, #tpu.memory_space<vmem>>
      %dma_wait3A_129 = tpu.memref_squeeze %dma_wait3A_128 : memref<1x1x128xi32, #tpu.memory_space<vmem>> -> memref<128xi32, #tpu.memory_space<vmem>>
      %dma_wait3A_130 = arith.constant 0 : i32
      %dma_wait3A_131 = arith.constant 0 : i32
      %dma_wait3A_132 = tpu.memref_slice %arg2[%dma_wait3A_130, %dma_wait3A_131] : memref<10112x128xf32, #tpu.memory_space<hbm>> -> memref<10112x128xf32, #tpu.memory_space<hbm>>
      tpu.wait_indirect_dma semaphore(%arg11 : memref<!tpu.dma_semaphore, #tpu.memory_space<semaphore_mem>>) src(%dma_wait3A_132 : memref<10112x128xf32, #tpu.memory_space<hbm>>) dst(%arg6 : memref<128x128xf32, #tpu.memory_space<vmem>>)
      %run_scoped3A = arith.constant 0 : i32
      %run_scoped3A_133 = arith.constant 1 : i32
      "tpu.region"() ({
        %run_scoped3A_167 = tpu.sem_alloc : memref<!tpu.dma_semaphore, #tpu.memory_space<semaphore_mem>>
        %dma_start3A_168 = arith.constant 0 : i32
        %dma_start3A_169 = tpu.memref_slice %arg5[%run_scoped3A, %run_scoped3A_133, %dma_start3A_168] : memref<2x2x128xi32, #tpu.memory_space<vmem>> -> memref<1x1x128xi32, #tpu.memory_space<vmem>>
        %dma_start3A_170 = tpu.memref_squeeze %dma_start3A_169 : memref<1x1x128xi32, #tpu.memory_space<vmem>> -> memref<128xi32, #tpu.memory_space<vmem>>
        %dma_start3A_171 = arith.constant 0 : i32
        %dma_start3A_172 = arith.constant 0 : i32
        %dma_start3A_173 = tpu.memref_slice %arg8[%dma_start3A_171, %dma_start3A_172] : memref<10112x128xf32, #tpu.memory_space<vmem_shared>> -> memref<10112x128xf32, #tpu.memory_space<vmem_shared>>
        tpu.enqueue_indirect_dma source(%arg6 : memref<128x128xf32, #tpu.memory_space<vmem>>) target(%dma_start3A_173 : memref<10112x128xf32, #tpu.memory_space<vmem_shared>>) offsets(%dma_start3A_170 : memref<128xi32, #tpu.memory_space<vmem>>) semaphore(%run_scoped3A_167 : memref<!tpu.dma_semaphore, #tpu.memory_space<semaphore_mem>>) {add = true}
        %dma_wait3A_174 = arith.constant 0 : i32
        %dma_wait3A_175 = tpu.memref_slice %arg5[%run_scoped3A, %run_scoped3A_133, %dma_wait3A_174] : memref<2x2x128xi32, #tpu.memory_space<vmem>> -> memref<1x1x128xi32, #tpu.memory_space<vmem>>
        %dma_wait3A_176 = tpu.memref_squeeze %dma_wait3A_175 : memref<1x1x128xi32, #tpu.memory_space<vmem>> -> memref<128xi32, #tpu.memory_space<vmem>>
        %dma_wait3A_177 = arith.constant 0 : i32
        %dma_wait3A_178 = arith.constant 0 : i32
        %dma_wait3A_179 = tpu.memref_slice %arg8[%dma_wait3A_177, %dma_wait3A_178] : memref<10112x128xf32, #tpu.memory_space<vmem_shared>> -> memref<10112x128xf32, #tpu.memory_space<vmem_shared>>
        tpu.wait_indirect_dma semaphore(%run_scoped3A_167 : memref<!tpu.dma_semaphore, #tpu.memory_space<semaphore_mem>>) src(%arg6 : memref<128x128xf32, #tpu.memory_space<vmem>>) dst(%dma_wait3A_179 : memref<10112x128xf32, #tpu.memory_space<vmem_shared>>)
        tpu.yield
      }) : () -> ()
      %add3A_134 = arith.constant 2 : i32
      %add3A_135 = arith.addi %add3A_120, %add3A_134 : i32
      %lt3A_136 = arith.constant 80 : i32
      %lt3A_137 = arith.cmpi slt, %add3A_135, %lt3A_136 : i32
      %convert_element_type3A_138 = arith.extui %lt3A_137 : i1 to i32
      %cond3A_139 = arith.constant 0 : i32
      %cond3A_140 = arith.cmpi ne, %convert_element_type3A_138, %cond3A_139 : i32
      scf.if %cond3A_140 {
        %add3A_167 = arith.constant 2 : i32
        %add3A_168 = arith.addi %add3A_120, %add3A_167 : i32
        %dma_start3A_169 = arith.constant 0 : i32
        %dma_start3A_170 = arith.constant 0 : i32
        %dma_start3A_171 = arith.constant 0 : i32
        %dma_start3A_172 = tpu.memref_slice %arg5[%dma_start3A_169, %dma_start3A_170, %dma_start3A_171] : memref<2x2x128xi32, #tpu.memory_space<vmem>> -> memref<1x2x128xi32, #tpu.memory_space<vmem>>
        %dma_start3A_173 = tpu.memref_squeeze %dma_start3A_172 : memref<1x2x128xi32, #tpu.memory_space<vmem>> -> memref<2x128xi32, #tpu.memory_space<vmem>>
        %dma_start3A_174 = arith.constant 0 : i32
        %dma_start3A_175 = arith.constant 0 : i32
        %dma_start3A_176 = arith.constant 0 : i32
        %dma_start3A_177 = tpu.memref_slice %arg3[%add3A, %dma_start3A_174, %dma_start3A_175, %dma_start3A_176] : memref<32x80x2x128xi32, #tpu.memory_space<hbm>> -> memref<1x80x2x128xi32, #tpu.memory_space<hbm>>
        %dma_start3A_178 = tpu.memref_squeeze %dma_start3A_177 : memref<1x80x2x128xi32, #tpu.memory_space<hbm>> -> memref<80x2x128xi32, #tpu.memory_space<hbm>>
        %dma_start3A_179 = arith.constant 0 : i32
        %dma_start3A_180 = arith.constant 0 : i32
        %dma_start3A_181 = tpu.memref_slice %dma_start3A_178[%add3A_168, %dma_start3A_179, %dma_start3A_180] : memref<80x2x128xi32, #tpu.memory_space<hbm>> -> memref<1x2x128xi32, #tpu.memory_space<hbm>>
        %dma_start3A_182 = tpu.memref_squeeze %dma_start3A_181 : memref<1x2x128xi32, #tpu.memory_space<hbm>> -> memref<2x128xi32, #tpu.memory_space<hbm>>
        %dma_start3A_183 = arith.constant 0 : i32
        %dma_start3A_184 = arith.constant 0 : i32
        %dma_start3A_185 = tpu.memref_slice %arg5[%dma_start3A_169, %dma_start3A_183, %dma_start3A_184] : memref<2x2x128xi32, #tpu.memory_space<vmem>> -> memref<1x2x128xi32, #tpu.memory_space<vmem>>
        %dma_start3A_186 = tpu.memref_squeeze %dma_start3A_185 : memref<1x2x128xi32, #tpu.memory_space<vmem>> -> memref<2x128xi32, #tpu.memory_space<vmem>>
        %dma_start3A_187 = arith.constant 0 : i32
        %dma_start3A_188 = arith.constant 0 : i32
        %dma_start3A_189 = arith.constant 0 : i32
        %dma_start3A_190 = tpu.memref_slice %arg3[%add3A, %dma_start3A_187, %dma_start3A_188, %dma_start3A_189] : memref<32x80x2x128xi32, #tpu.memory_space<hbm>> -> memref<1x80x2x128xi32, #tpu.memory_space<hbm>>
        %dma_start3A_191 = tpu.memref_squeeze %dma_start3A_190 : memref<1x80x2x128xi32, #tpu.memory_space<hbm>> -> memref<80x2x128xi32, #tpu.memory_space<hbm>>
        %dma_start3A_192 = arith.constant 0 : i32
        %dma_start3A_193 = arith.constant 0 : i32
        %dma_start3A_194 = tpu.memref_slice %dma_start3A_191[%add3A_168, %dma_start3A_192, %dma_start3A_193] : memref<80x2x128xi32, #tpu.memory_space<hbm>> -> memref<1x2x128xi32, #tpu.memory_space<hbm>>
        %dma_start3A_195 = tpu.memref_squeeze %dma_start3A_194 : memref<1x2x128xi32, #tpu.memory_space<hbm>> -> memref<2x128xi32, #tpu.memory_space<hbm>>
        tpu.enqueue_dma source(%dma_start3A_195 : memref<2x128xi32, #tpu.memory_space<hbm>>) target(%dma_start3A_186 : memref<2x128xi32, #tpu.memory_space<vmem>>) target_semaphore(%arg9 : memref<!tpu.dma_semaphore, #tpu.memory_space<semaphore_mem>>)
      } else {
      }
      %add3A_141 = arith.constant 1 : i32
      %add3A_142 = arith.addi %add3A_118, %add3A_141 : i32
      %add3A_143 = arith.constant 1 : i32
      %add3A_144 = arith.addi %add3A_142, %add3A_143 : i32
      %lt3A_145 = arith.constant 80 : i32
      %lt3A_146 = arith.cmpi slt, %add3A_144, %lt3A_145 : i32
      %convert_element_type3A_147 = arith.extui %lt3A_146 : i1 to i32
      %cond3A_148 = arith.constant 0 : i32
      %cond3A_149 = arith.cmpi ne, %convert_element_type3A_147, %cond3A_148 : i32
      scf.if %cond3A_149 {
        %add3A_167 = arith.constant 1 : i32
        %add3A_168 = arith.addi %add3A_142, %add3A_167 : i32
        %dma_wait3A_169 = arith.constant 0 : i32
        %dma_wait3A_170 = arith.constant 0 : i32
        %dma_wait3A_171 = arith.constant 0 : i32
        %dma_wait3A_172 = tpu.memref_slice %arg5[%dma_wait3A_169, %dma_wait3A_170, %dma_wait3A_171] : memref<2x2x128xi32, #tpu.memory_space<vmem>> -> memref<1x2x128xi32, #tpu.memory_space<vmem>>
        %dma_wait3A_173 = tpu.memref_squeeze %dma_wait3A_172 : memref<1x2x128xi32, #tpu.memory_space<vmem>> -> memref<2x128xi32, #tpu.memory_space<vmem>>
        %dma_wait3A_174 = arith.constant 0 : i32
        %dma_wait3A_175 = arith.constant 0 : i32
        %dma_wait3A_176 = arith.constant 0 : i32
        %dma_wait3A_177 = tpu.memref_slice %arg3[%add3A, %dma_wait3A_174, %dma_wait3A_175, %dma_wait3A_176] : memref<32x80x2x128xi32, #tpu.memory_space<hbm>> -> memref<1x80x2x128xi32, #tpu.memory_space<hbm>>
        %dma_wait3A_178 = tpu.memref_squeeze %dma_wait3A_177 : memref<1x80x2x128xi32, #tpu.memory_space<hbm>> -> memref<80x2x128xi32, #tpu.memory_space<hbm>>
        %dma_wait3A_179 = arith.constant 0 : i32
        %dma_wait3A_180 = arith.constant 0 : i32
        %dma_wait3A_181 = tpu.memref_slice %dma_wait3A_178[%add3A_168, %dma_wait3A_179, %dma_wait3A_180] : memref<80x2x128xi32, #tpu.memory_space<hbm>> -> memref<1x2x128xi32, #tpu.memory_space<hbm>>
        %dma_wait3A_182 = tpu.memref_squeeze %dma_wait3A_181 : memref<1x2x128xi32, #tpu.memory_space<hbm>> -> memref<2x128xi32, #tpu.memory_space<hbm>>
        %dma_wait3A_183 = arith.constant 0 : i32
        %dma_wait3A_184 = arith.constant 0 : i32
        %dma_wait3A_185 = tpu.memref_slice %arg5[%dma_wait3A_169, %dma_wait3A_183, %dma_wait3A_184] : memref<2x2x128xi32, #tpu.memory_space<vmem>> -> memref<1x2x128xi32, #tpu.memory_space<vmem>>
        %dma_wait3A_186 = tpu.memref_squeeze %dma_wait3A_185 : memref<1x2x128xi32, #tpu.memory_space<vmem>> -> memref<2x128xi32, #tpu.memory_space<vmem>>
        %dma_wait3A_187 = arith.constant 0 : i32
        %dma_wait3A_188 = arith.constant 0 : i32
        %dma_wait3A_189 = arith.constant 0 : i32
        %dma_wait3A_190 = tpu.memref_slice %arg3[%add3A, %dma_wait3A_187, %dma_wait3A_188, %dma_wait3A_189] : memref<32x80x2x128xi32, #tpu.memory_space<hbm>> -> memref<1x80x2x128xi32, #tpu.memory_space<hbm>>
        %dma_wait3A_191 = tpu.memref_squeeze %dma_wait3A_190 : memref<1x80x2x128xi32, #tpu.memory_space<hbm>> -> memref<80x2x128xi32, #tpu.memory_space<hbm>>
        %dma_wait3A_192 = arith.constant 0 : i32
        %dma_wait3A_193 = arith.constant 0 : i32
        %dma_wait3A_194 = tpu.memref_slice %dma_wait3A_191[%add3A_168, %dma_wait3A_192, %dma_wait3A_193] : memref<80x2x128xi32, #tpu.memory_space<hbm>> -> memref<1x2x128xi32, #tpu.memory_space<hbm>>
        %dma_wait3A_195 = tpu.memref_squeeze %dma_wait3A_194 : memref<1x2x128xi32, #tpu.memory_space<hbm>> -> memref<2x128xi32, #tpu.memory_space<hbm>>
        tpu.wait_dma2 semaphore(%arg9 : memref<!tpu.dma_semaphore, #tpu.memory_space<semaphore_mem>>) src(%dma_wait3A_195 : memref<2x128xi32, #tpu.memory_space<hbm>>) dst(%dma_wait3A_186 : memref<2x128xi32, #tpu.memory_space<vmem>>)
        %dma_start3A_196 = arith.constant 0 : i32
        %dma_start3A_197 = arith.constant 0 : i32
        %dma_start3A_198 = arith.constant 0 : i32
        %dma_start3A_199 = tpu.memref_slice %arg5[%dma_start3A_196, %dma_start3A_197, %dma_start3A_198] : memref<2x2x128xi32, #tpu.memory_space<vmem>> -> memref<1x1x128xi32, #tpu.memory_space<vmem>>
        %dma_start3A_200 = tpu.memref_squeeze %dma_start3A_199 : memref<1x1x128xi32, #tpu.memory_space<vmem>> -> memref<128xi32, #tpu.memory_space<vmem>>
        %dma_start3A_201 = arith.constant 0 : i32
        %dma_start3A_202 = arith.constant 0 : i32
        %dma_start3A_203 = tpu.memref_slice %arg2[%dma_start3A_201, %dma_start3A_202] : memref<10112x128xf32, #tpu.memory_space<hbm>> -> memref<10112x128xf32, #tpu.memory_space<hbm>>
        tpu.enqueue_indirect_dma source(%dma_start3A_203 : memref<10112x128xf32, #tpu.memory_space<hbm>>) target(%arg6 : memref<128x128xf32, #tpu.memory_space<vmem>>) offsets(%dma_start3A_200 : memref<128xi32, #tpu.memory_space<vmem>>) semaphore(%arg11 : memref<!tpu.dma_semaphore, #tpu.memory_space<semaphore_mem>>)
      } else {
      }
      %dma_wait3A_150 = arith.constant 1 : i32
      %dma_wait3A_151 = arith.constant 0 : i32
      %dma_wait3A_152 = arith.constant 0 : i32
      %dma_wait3A_153 = tpu.memref_slice %arg5[%dma_wait3A_150, %dma_wait3A_151, %dma_wait3A_152] : memref<2x2x128xi32, #tpu.memory_space<vmem>> -> memref<1x1x128xi32, #tpu.memory_space<vmem>>
      %dma_wait3A_154 = tpu.memref_squeeze %dma_wait3A_153 : memref<1x1x128xi32, #tpu.memory_space<vmem>> -> memref<128xi32, #tpu.memory_space<vmem>>
      %dma_wait3A_155 = arith.constant 0 : i32
      %dma_wait3A_156 = arith.constant 0 : i32
      %dma_wait3A_157 = tpu.memref_slice %arg2[%dma_wait3A_155, %dma_wait3A_156] : memref<10112x128xf32, #tpu.memory_space<hbm>> -> memref<10112x128xf32, #tpu.memory_space<hbm>>
      tpu.wait_indirect_dma semaphore(%arg12 : memref<!tpu.dma_semaphore, #tpu.memory_space<semaphore_mem>>) src(%dma_wait3A_157 : memref<10112x128xf32, #tpu.memory_space<hbm>>) dst(%arg7 : memref<128x128xf32, #tpu.memory_space<vmem>>)
      %run_scoped3A_158 = arith.constant 1 : i32
      %run_scoped3A_159 = arith.constant 1 : i32
      "tpu.region"() ({
        %run_scoped3A_167 = tpu.sem_alloc : memref<!tpu.dma_semaphore, #tpu.memory_space<semaphore_mem>>
        %dma_start3A_168 = arith.constant 0 : i32
        %dma_start3A_169 = tpu.memref_slice %arg5[%run_scoped3A_158, %run_scoped3A_159, %dma_start3A_168] : memref<2x2x128xi32, #tpu.memory_space<vmem>> -> memref<1x1x128xi32, #tpu.memory_space<vmem>>
        %dma_start3A_170 = tpu.memref_squeeze %dma_start3A_169 : memref<1x1x128xi32, #tpu.memory_space<vmem>> -> memref<128xi32, #tpu.memory_space<vmem>>
        %dma_start3A_171 = arith.constant 0 : i32
        %dma_start3A_172 = arith.constant 0 : i32
        %dma_start3A_173 = tpu.memref_slice %arg8[%dma_start3A_171, %dma_start3A_172] : memref<10112x128xf32, #tpu.memory_space<vmem_shared>> -> memref<10112x128xf32, #tpu.memory_space<vmem_shared>>
        tpu.enqueue_indirect_dma source(%arg7 : memref<128x128xf32, #tpu.memory_space<vmem>>) target(%dma_start3A_173 : memref<10112x128xf32, #tpu.memory_space<vmem_shared>>) offsets(%dma_start3A_170 : memref<128xi32, #tpu.memory_space<vmem>>) semaphore(%run_scoped3A_167 : memref<!tpu.dma_semaphore, #tpu.memory_space<semaphore_mem>>) {add = true}
        %dma_wait3A_174 = arith.constant 0 : i32
        %dma_wait3A_175 = tpu.memref_slice %arg5[%run_scoped3A_158, %run_scoped3A_159, %dma_wait3A_174] : memref<2x2x128xi32, #tpu.memory_space<vmem>> -> memref<1x1x128xi32, #tpu.memory_space<vmem>>
        %dma_wait3A_176 = tpu.memref_squeeze %dma_wait3A_175 : memref<1x1x128xi32, #tpu.memory_space<vmem>> -> memref<128xi32, #tpu.memory_space<vmem>>
        %dma_wait3A_177 = arith.constant 0 : i32
        %dma_wait3A_178 = arith.constant 0 : i32
        %dma_wait3A_179 = tpu.memref_slice %arg8[%dma_wait3A_177, %dma_wait3A_178] : memref<10112x128xf32, #tpu.memory_space<vmem_shared>> -> memref<10112x128xf32, #tpu.memory_space<vmem_shared>>
        tpu.wait_indirect_dma semaphore(%run_scoped3A_167 : memref<!tpu.dma_semaphore, #tpu.memory_space<semaphore_mem>>) src(%arg7 : memref<128x128xf32, #tpu.memory_space<vmem>>) dst(%dma_wait3A_179 : memref<10112x128xf32, #tpu.memory_space<vmem_shared>>)
        tpu.yield
      }) : () -> ()
      %add3A_160 = arith.constant 2 : i32
      %add3A_161 = arith.addi %add3A_142, %add3A_160 : i32
      %lt3A_162 = arith.constant 80 : i32
      %lt3A_163 = arith.cmpi slt, %add3A_161, %lt3A_162 : i32
      %convert_element_type3A_164 = arith.extui %lt3A_163 : i1 to i32
      %cond3A_165 = arith.constant 0 : i32
      %cond3A_166 = arith.cmpi ne, %convert_element_type3A_164, %cond3A_165 : i32
      scf.if %cond3A_166 {
        %add3A_167 = arith.constant 2 : i32
        %add3A_168 = arith.addi %add3A_142, %add3A_167 : i32
        %dma_start3A_169 = arith.constant 1 : i32
        %dma_start3A_170 = arith.constant 0 : i32
        %dma_start3A_171 = arith.constant 0 : i32
        %dma_start3A_172 = tpu.memref_slice %arg5[%dma_start3A_169, %dma_start3A_170, %dma_start3A_171] : memref<2x2x128xi32, #tpu.memory_space<vmem>> -> memref<1x2x128xi32, #tpu.memory_space<vmem>>
        %dma_start3A_173 = tpu.memref_squeeze %dma_start3A_172 : memref<1x2x128xi32, #tpu.memory_space<vmem>> -> memref<2x128xi32, #tpu.memory_space<vmem>>
        %dma_start3A_174 = arith.constant 0 : i32
        %dma_start3A_175 = arith.constant 0 : i32
        %dma_start3A_176 = arith.constant 0 : i32
        %dma_start3A_177 = tpu.memref_slice %arg3[%add3A, %dma_start3A_174, %dma_start3A_175, %dma_start3A_176] : memref<32x80x2x128xi32, #tpu.memory_space<hbm>> -> memref<1x80x2x128xi32, #tpu.memory_space<hbm>>
        %dma_start3A_178 = tpu.memref_squeeze %dma_start3A_177 : memref<1x80x2x128xi32, #tpu.memory_space<hbm>> -> memref<80x2x128xi32, #tpu.memory_space<hbm>>
        %dma_start3A_179 = arith.constant 0 : i32
        %dma_start3A_180 = arith.constant 0 : i32
        %dma_start3A_181 = tpu.memref_slice %dma_start3A_178[%add3A_168, %dma_start3A_179, %dma_start3A_180] : memref<80x2x128xi32, #tpu.memory_space<hbm>> -> memref<1x2x128xi32, #tpu.memory_space<hbm>>
        %dma_start3A_182 = tpu.memref_squeeze %dma_start3A_181 : memref<1x2x128xi32, #tpu.memory_space<hbm>> -> memref<2x128xi32, #tpu.memory_space<hbm>>
        %dma_start3A_183 = arith.constant 0 : i32
        %dma_start3A_184 = arith.constant 0 : i32
        %dma_start3A_185 = tpu.memref_slice %arg5[%dma_start3A_169, %dma_start3A_183, %dma_start3A_184] : memref<2x2x128xi32, #tpu.memory_space<vmem>> -> memref<1x2x128xi32, #tpu.memory_space<vmem>>
        %dma_start3A_186 = tpu.memref_squeeze %dma_start3A_185 : memref<1x2x128xi32, #tpu.memory_space<vmem>> -> memref<2x128xi32, #tpu.memory_space<vmem>>
        %dma_start3A_187 = arith.constant 0 : i32
        %dma_start3A_188 = arith.constant 0 : i32
        %dma_start3A_189 = arith.constant 0 : i32
        %dma_start3A_190 = tpu.memref_slice %arg3[%add3A, %dma_start3A_187, %dma_start3A_188, %dma_start3A_189] : memref<32x80x2x128xi32, #tpu.memory_space<hbm>> -> memref<1x80x2x128xi32, #tpu.memory_space<hbm>>
        %dma_start3A_191 = tpu.memref_squeeze %dma_start3A_190 : memref<1x80x2x128xi32, #tpu.memory_space<hbm>> -> memref<80x2x128xi32, #tpu.memory_space<hbm>>
        %dma_start3A_192 = arith.constant 0 : i32
        %dma_start3A_193 = arith.constant 0 : i32
        %dma_start3A_194 = tpu.memref_slice %dma_start3A_191[%add3A_168, %dma_start3A_192, %dma_start3A_193] : memref<80x2x128xi32, #tpu.memory_space<hbm>> -> memref<1x2x128xi32, #tpu.memory_space<hbm>>
        %dma_start3A_195 = tpu.memref_squeeze %dma_start3A_194 : memref<1x2x128xi32, #tpu.memory_space<hbm>> -> memref<2x128xi32, #tpu.memory_space<hbm>>
        tpu.enqueue_dma source(%dma_start3A_195 : memref<2x128xi32, #tpu.memory_space<hbm>>) target(%dma_start3A_186 : memref<2x128xi32, #tpu.memory_space<vmem>>) target_semaphore(%arg10 : memref<!tpu.dma_semaphore, #tpu.memory_space<semaphore_mem>>)
      } else {
      }
    }
    %scan3A_112 = arith.constant 40 : i32
    %barrier3A_113 = arith.constant 0 : index
    tpu.barrier barrier_id(%barrier3A_113)
    "tpu.region"() ({
      %run_scoped3A = tpu.sem_alloc : memref<!tpu.dma_semaphore, #tpu.memory_space<semaphore_mem>>
      %dma_start3A_114 = arith.constant 0 : i32
      %dma_start3A_115 = tpu.memref_slice %arg4[%arg0, %mul3A_2, %dma_start3A_114] : memref<2x10112x128xf32, #tpu.memory_space<hbm>> -> memref<1x632x128xf32, #tpu.memory_space<hbm>>
      %dma_start3A_116 = tpu.memref_squeeze %dma_start3A_115 : memref<1x632x128xf32, #tpu.memory_space<hbm>> -> memref<632x128xf32, #tpu.memory_space<hbm>>
      %dma_start3A_117 = arith.constant 0 : i32
      %dma_start3A_118 = tpu.memref_slice %arg8[%mul3A_2, %dma_start3A_117] : memref<10112x128xf32, #tpu.memory_space<vmem_shared>> -> memref<632x128xf32, #tpu.memory_space<vmem_shared>>
      tpu.enqueue_dma source(%dma_start3A_118 : memref<632x128xf32, #tpu.memory_space<vmem_shared>>) target(%dma_start3A_116 : memref<632x128xf32, #tpu.memory_space<hbm>>) target_semaphore(%run_scoped3A : memref<!tpu.dma_semaphore, #tpu.memory_space<semaphore_mem>>)
      %dma_wait3A_119 = arith.constant 0 : i32
      %dma_wait3A_120 = tpu.memref_slice %arg4[%arg0, %mul3A_2, %dma_wait3A_119] : memref<2x10112x128xf32, #tpu.memory_space<hbm>> -> memref<1x632x128xf32, #tpu.memory_space<hbm>>
      %dma_wait3A_121 = tpu.memref_squeeze %dma_wait3A_120 : memref<1x632x128xf32, #tpu.memory_space<hbm>> -> memref<632x128xf32, #tpu.memory_space<hbm>>
      %dma_wait3A_122 = arith.constant 0 : i32
      %dma_wait3A_123 = tpu.memref_slice %arg8[%mul3A_2, %dma_wait3A_122] : memref<10112x128xf32, #tpu.memory_space<vmem_shared>> -> memref<632x128xf32, #tpu.memory_space<vmem_shared>>
      tpu.wait_dma2 semaphore(%run_scoped3A : memref<!tpu.dma_semaphore, #tpu.memory_space<semaphore_mem>>) src(%dma_wait3A_123 : memref<632x128xf32, #tpu.memory_space<vmem_shared>>) dst(%dma_wait3A_121 : memref<632x128xf32, #tpu.memory_space<hbm>>)
      tpu.yield
    }) : () -> ()
    return
  }
}

module attributes {stable_mosaic.version = 14 : i64} {
  func.func @_tc_first_body(%arg0: i32, %arg1: memref<2x2528x128xf32, #tpu.memory_space<vmem>>, %arg2: memref<2x2528x128xf32, #tpu.memory_space<vmem>>, %arg3: memref<128x128xf32, #tpu.memory_space<vmem>>, %arg4: memref<2528x128xf32, #tpu.memory_space<vmem>>) attributes {dimension_semantics = [#tpu.dimension_semantics<arbitrary>], iteration_bounds = array<i64: 4>, scalar_prefetch = 0 : i64, scratch_operands = 0 : i64, tpu.core_type = #tpu.core_type<tc>, window_params = [{transform_indices = @transform_0, window_bounds = array<i64: 2, 2528, 128>}, {transform_indices = @transform_1, window_bounds = array<i64: 2, 2528, 128>}, {pipeline_mode = #tpu.pipeline_mode<synchronous>, transform_indices = @transform_2, window_bounds = array<i64: 128, 128>}, {transform_indices = @transform_3, window_bounds = array<i64: 2528, 128>}]} {
    %get3A = arith.constant 0 : index
    %get3A_0 = arith.constant 0 : index
    %get3A_1 = arith.constant 0 : index
    %get3A_2 = vector.load %arg1[%get3A, %get3A_0, %get3A_1] : memref<2x2528x128xf32, #tpu.memory_space<vmem>>, vector<1x2528x128xf32>
    %get3A_3 = vector.shape_cast %get3A_2 : vector<1x2528x128xf32> to vector<2528x128xf32>
    %get3A_4 = arith.constant 1 : index
    %get3A_5 = arith.constant 0 : index
    %get3A_6 = arith.constant 0 : index
    %get3A_7 = vector.load %arg1[%get3A_4, %get3A_5, %get3A_6] : memref<2x2528x128xf32, #tpu.memory_space<vmem>>, vector<1x2528x128xf32>
    %get3A_8 = vector.shape_cast %get3A_7 : vector<1x2528x128xf32> to vector<2528x128xf32>
    %add3A = arith.addf %get3A_3, %get3A_8 : vector<2528x128xf32>
    %get3A_9 = arith.constant 0 : index
    %get3A_10 = arith.constant 0 : index
    %get3A_11 = vector.load %arg3[%get3A_9, %get3A_10] : memref<128x128xf32, #tpu.memory_space<vmem>>, vector<128x128xf32>
    %dot_general3A = arith.constant dense<0.000000e+00> : vector<2528x128xf32>
    %dot_general3A_12 = tpu.matmul %add3A, %get3A_11, %dot_general3A {dimension_numbers = #tpu.dot_dimension_numbers<[1], [0], [0], [1], [0, 0, 1, 1], [], []>, precision = #tpu.contract_precision<fp32>, transpose_lhs_hint = false} : vector<2528x128xf32>, vector<128x128xf32>, vector<2528x128xf32> -> vector<2528x128xf32>
    %get3A_13 = arith.constant 0 : index
    %get3A_14 = arith.constant 0 : index
    %get3A_15 = arith.constant 0 : index
    %get3A_16 = vector.load %arg2[%get3A_13, %get3A_14, %get3A_15] : memref<2x2528x128xf32, #tpu.memory_space<vmem>>, vector<1x2528x128xf32>
    %get3A_17 = vector.shape_cast %get3A_16 : vector<1x2528x128xf32> to vector<2528x128xf32>
    %slice3A = vector.extract_strided_slice %get3A_17 {offsets = [0, 0], sizes = [2528, 1], strides = [1, 1]} : vector<2528x128xf32> to vector<2528x1xf32>
    %get3A_18 = arith.constant 1 : index
    %get3A_19 = arith.constant 0 : index
    %get3A_20 = arith.constant 0 : index
    %get3A_21 = vector.load %arg2[%get3A_18, %get3A_19, %get3A_20] : memref<2x2528x128xf32, #tpu.memory_space<vmem>>, vector<1x2528x128xf32>
    %get3A_22 = vector.shape_cast %get3A_21 : vector<1x2528x128xf32> to vector<2528x128xf32>
    %slice3A_23 = vector.extract_strided_slice %get3A_22 {offsets = [0, 0], sizes = [2528, 1], strides = [1, 1]} : vector<2528x128xf32> to vector<2528x1xf32>
    %add3A_24 = arith.addf %slice3A, %slice3A_23 : vector<2528x1xf32>
    %add3A_25 = arith.constant 1.000000e+00 : f32
    %add3A_26 = vector.broadcast %add3A_25 : f32 to vector<2528x1xf32>
    %add3A_27 = arith.addf %add3A_24, %add3A_26 : vector<2528x1xf32>
    %rsqrt3A = math.rsqrt %add3A_27 : vector<2528x1xf32>
    %mul3A = vector.broadcast %rsqrt3A : vector<2528x1xf32> to vector<2528x128xf32>
    %mul3A_28 = arith.mulf %mul3A, %dot_general3A_12 : vector<2528x128xf32>
    %swap3A = arith.constant 0 : index
    %swap3A_29 = arith.constant 0 : index
    %swap3A_30 = vector.load %arg4[%swap3A, %swap3A_29] : memref<2528x128xf32, #tpu.memory_space<vmem>>, vector<2528x128xf32>
    tpu.vector_store %arg4[%swap3A, %swap3A_29], %mul3A_28 {strides = array<i32>} : memref<2528x128xf32, #tpu.memory_space<vmem>>, vector<2528x128xf32>,
    return
  }
  func.func @transform_0(%arg0: i32) -> (i32, i32, i32) {
    %c0_i32 = arith.constant 0 : i32
    %c0_i32_0 = arith.constant 0 : i32
    %c0_i32_1 = arith.constant 0 : i32
    return %c0_i32, %arg0, %c0_i32_0 : i32, i32, i32
  }
  func.func @transform_1(%arg0: i32) -> (i32, i32, i32) {
    %c0_i32 = arith.constant 0 : i32
    %c0_i32_0 = arith.constant 0 : i32
    %c0_i32_1 = arith.constant 0 : i32
    return %c0_i32, %arg0, %c0_i32_0 : i32, i32, i32
  }
  func.func @transform_2(%arg0: i32) -> (i32, i32) {
    %c0_i32 = arith.constant 0 : i32
    %c0_i32_0 = arith.constant 0 : i32
    %c0_i32_1 = arith.constant 0 : i32
    return %c0_i32, %c0_i32_0 : i32, i32
  }
  func.func @transform_3(%arg0: i32) -> (i32, i32) {
    %c0_i32 = arith.constant 0 : i32
    %c0_i32_0 = arith.constant 0 : i32
    return %arg0, %c0_i32 : i32, i32
  }
}

module attributes {stable_mosaic.version = 14 : i64} {
  func.func @_tc_step_body(%arg0: i32, %arg1: memref<2x2528x128xf32, #tpu.memory_space<vmem>>, %arg2: memref<2528x128xf32, #tpu.memory_space<vmem>>, %arg3: memref<2x2528x128xf32, #tpu.memory_space<vmem>>, %arg4: memref<1x128xf32, #tpu.memory_space<vmem>>, %arg5: memref<128x128xf32, #tpu.memory_space<vmem>>, %arg6: memref<2528x128xf32, #tpu.memory_space<vmem>>) attributes {dimension_semantics = [#tpu.dimension_semantics<arbitrary>], iteration_bounds = array<i64: 4>, scalar_prefetch = 0 : i64, scratch_operands = 0 : i64, tpu.core_type = #tpu.core_type<tc>, window_params = [{transform_indices = @transform_0, window_bounds = array<i64: 2, 2528, 128>}, {transform_indices = @transform_1, window_bounds = array<i64: 2528, 128>}, {transform_indices = @transform_2, window_bounds = array<i64: 2, 2528, 128>}, {pipeline_mode = #tpu.pipeline_mode<synchronous>, transform_indices = @transform_3, window_bounds = array<i64: 1, 128>}, {pipeline_mode = #tpu.pipeline_mode<synchronous>, transform_indices = @transform_4, window_bounds = array<i64: 128, 128>}, {transform_indices = @transform_5, window_bounds = array<i64: 2528, 128>}]} {
    %get3A = arith.constant 0 : index
    %get3A_0 = arith.constant 0 : index
    %get3A_1 = arith.constant 0 : index
    %get3A_2 = vector.load %arg3[%get3A, %get3A_0, %get3A_1] : memref<2x2528x128xf32, #tpu.memory_space<vmem>>, vector<1x2528x128xf32>
    %get3A_3 = vector.shape_cast %get3A_2 : vector<1x2528x128xf32> to vector<2528x128xf32>
    %slice3A = vector.extract_strided_slice %get3A_3 {offsets = [0, 0], sizes = [2528, 1], strides = [1, 1]} : vector<2528x128xf32> to vector<2528x1xf32>
    %get3A_4 = arith.constant 1 : index
    %get3A_5 = arith.constant 0 : index
    %get3A_6 = arith.constant 0 : index
    %get3A_7 = vector.load %arg3[%get3A_4, %get3A_5, %get3A_6] : memref<2x2528x128xf32, #tpu.memory_space<vmem>>, vector<1x2528x128xf32>
    %get3A_8 = vector.shape_cast %get3A_7 : vector<1x2528x128xf32> to vector<2528x128xf32>
    %slice3A_9 = vector.extract_strided_slice %get3A_8 {offsets = [0, 0], sizes = [2528, 1], strides = [1, 1]} : vector<2528x128xf32> to vector<2528x1xf32>
    %add3A = arith.addf %slice3A, %slice3A_9 : vector<2528x1xf32>
    %add3A_10 = arith.constant 1.000000e+00 : f32
    %add3A_11 = vector.broadcast %add3A_10 : f32 to vector<2528x1xf32>
    %add3A_12 = arith.addf %add3A, %add3A_11 : vector<2528x1xf32>
    %rsqrt3A = math.rsqrt %add3A_12 : vector<2528x1xf32>
    %get3A_13 = arith.constant 0 : index
    %get3A_14 = arith.constant 0 : index
    %get3A_15 = arith.constant 0 : index
    %get3A_16 = vector.load %arg1[%get3A_13, %get3A_14, %get3A_15] : memref<2x2528x128xf32, #tpu.memory_space<vmem>>, vector<1x2528x128xf32>
    %get3A_17 = vector.shape_cast %get3A_16 : vector<1x2528x128xf32> to vector<2528x128xf32>
    %get3A_18 = arith.constant 1 : index
    %get3A_19 = arith.constant 0 : index
    %get3A_20 = arith.constant 0 : index
    %get3A_21 = vector.load %arg1[%get3A_18, %get3A_19, %get3A_20] : memref<2x2528x128xf32, #tpu.memory_space<vmem>>, vector<1x2528x128xf32>
    %get3A_22 = vector.shape_cast %get3A_21 : vector<1x2528x128xf32> to vector<2528x128xf32>
    %add3A_23 = arith.addf %get3A_17, %get3A_22 : vector<2528x128xf32>
    %get3A_24 = arith.constant 0 : index
    %get3A_25 = arith.constant 0 : index
    %get3A_26 = vector.load %arg2[%get3A_24, %get3A_25] : memref<2528x128xf32, #tpu.memory_space<vmem>>, vector<2528x128xf32>
    %add3A_27 = arith.addf %add3A_23, %get3A_26 : vector<2528x128xf32>
    %mul3A = vector.broadcast %rsqrt3A : vector<2528x1xf32> to vector<2528x128xf32>
    %mul3A_28 = arith.mulf %mul3A, %add3A_27 : vector<2528x128xf32>
    %get3A_29 = arith.constant 0 : index
    %get3A_30 = arith.constant 0 : index
    %get3A_31 = vector.load %arg4[%get3A_29, %get3A_30] : memref<1x128xf32, #tpu.memory_space<vmem>>, vector<1x128xf32>
    %add3A_32 = vector.broadcast %get3A_31 : vector<1x128xf32> to vector<2528x128xf32>
    %add3A_33 = arith.addf %mul3A_28, %add3A_32 : vector<2528x128xf32>
    %max3A = arith.constant 0.000000e+00 : f32
    %max3A_34 = vector.broadcast %max3A : f32 to vector<2528x128xf32>
    %max3A_35 = arith.maximumf %add3A_33, %max3A_34 : vector<2528x128xf32>
    %get3A_36 = arith.constant 0 : index
    %get3A_37 = arith.constant 0 : index
    %get3A_38 = vector.load %arg5[%get3A_36, %get3A_37] : memref<128x128xf32, #tpu.memory_space<vmem>>, vector<128x128xf32>
    %dot_general3A = arith.constant dense<0.000000e+00> : vector<2528x128xf32>
    %dot_general3A_39 = tpu.matmul %max3A_35, %get3A_38, %dot_general3A {dimension_numbers = #tpu.dot_dimension_numbers<[1], [0], [0], [1], [0, 0, 1, 1], [], []>, precision = #tpu.contract_precision<fp32>, transpose_lhs_hint = false} : vector<2528x128xf32>, vector<128x128xf32>, vector<2528x128xf32> -> vector<2528x128xf32>
    %mul3A_40 = vector.broadcast %rsqrt3A : vector<2528x1xf32> to vector<2528x128xf32>
    %mul3A_41 = arith.mulf %mul3A_40, %dot_general3A_39 : vector<2528x128xf32>
    %swap3A = arith.constant 0 : index
    %swap3A_42 = arith.constant 0 : index
    %swap3A_43 = vector.load %arg6[%swap3A, %swap3A_42] : memref<2528x128xf32, #tpu.memory_space<vmem>>, vector<2528x128xf32>
    tpu.vector_store %arg6[%swap3A, %swap3A_42], %mul3A_41 {strides = array<i32>} : memref<2528x128xf32, #tpu.memory_space<vmem>>, vector<2528x128xf32>,
    return
  }
  func.func @transform_0(%arg0: i32) -> (i32, i32, i32) {
    %c0_i32 = arith.constant 0 : i32
    %c0_i32_0 = arith.constant 0 : i32
    %c0_i32_1 = arith.constant 0 : i32
    return %c0_i32, %arg0, %c0_i32_0 : i32, i32, i32
  }
  func.func @transform_1(%arg0: i32) -> (i32, i32) {
    %c0_i32 = arith.constant 0 : i32
    %c0_i32_0 = arith.constant 0 : i32
    return %arg0, %c0_i32 : i32, i32
  }
  func.func @transform_2(%arg0: i32) -> (i32, i32, i32) {
    %c0_i32 = arith.constant 0 : i32
    %c0_i32_0 = arith.constant 0 : i32
    %c0_i32_1 = arith.constant 0 : i32
    return %c0_i32, %arg0, %c0_i32_0 : i32, i32, i32
  }
  func.func @transform_3(%arg0: i32) -> (i32, i32) {
    %c0_i32 = arith.constant 0 : i32
    %c0_i32_0 = arith.constant 0 : i32
    %c0_i32_1 = arith.constant 0 : i32
    return %c0_i32, %c0_i32_0 : i32, i32
  }
  func.func @transform_4(%arg0: i32) -> (i32, i32) {
    %c0_i32 = arith.constant 0 : i32
    %c0_i32_0 = arith.constant 0 : i32
    %c0_i32_1 = arith.constant 0 : i32
    return %c0_i32, %c0_i32_0 : i32, i32
  }
  func.func @transform_5(%arg0: i32) -> (i32, i32) {
    %c0_i32 = arith.constant 0 : i32
    %c0_i32_0 = arith.constant 0 : i32
    return %arg0, %c0_i32 : i32, i32
  }
}

module attributes {stable_mosaic.version = 14 : i64} {
  func.func @_tc_pool_body(%arg0: i32, %arg1: memref<2x2528x128xf32, #tpu.memory_space<vmem>>, %arg2: memref<2528x128xf32, #tpu.memory_space<vmem>>, %arg3: memref<2x2528x128xf32, #tpu.memory_space<vmem>>, %arg4: memref<1x128xf32, #tpu.memory_space<vmem>>, %arg5: memref<2528x1xi32, #tpu.memory_space<vmem>>, %arg6: memref<128x128xf32, #tpu.memory_space<vmem>>, %arg7: memref<1x128xf32, #tpu.memory_space<vmem>>, %arg8: memref<64x128xf32, #tpu.memory_space<vmem>>, %arg9: memref<64x1xf32, #tpu.memory_space<vmem>>, %arg10: memref<64x128xf32, #tpu.memory_space<vmem>>) attributes {dimension_semantics = [#tpu.dimension_semantics<arbitrary>], iteration_bounds = array<i64: 4>, scalar_prefetch = 0 : i64, scratch_operands = 0 : i64, tpu.core_type = #tpu.core_type<tc>, window_params = [{transform_indices = @transform_0, window_bounds = array<i64: 2, 2528, 128>}, {transform_indices = @transform_1, window_bounds = array<i64: 2528, 128>}, {transform_indices = @transform_2, window_bounds = array<i64: 2, 2528, 128>}, {pipeline_mode = #tpu.pipeline_mode<synchronous>, transform_indices = @transform_3, window_bounds = array<i64: 1, 128>}, {transform_indices = @transform_4, window_bounds = array<i64: 2528, 1>}, {pipeline_mode = #tpu.pipeline_mode<synchronous>, transform_indices = @transform_5, window_bounds = array<i64: 128, 128>}, {pipeline_mode = #tpu.pipeline_mode<synchronous>, transform_indices = @transform_6, window_bounds = array<i64: 1, 128>}, {pipeline_mode = #tpu.pipeline_mode<synchronous>, transform_indices = @transform_7, window_bounds = array<i64: 64, 128>}, {pipeline_mode = #tpu.pipeline_mode<synchronous>, transform_indices = @transform_8, window_bounds = array<i64: 64, 1>}, {pipeline_mode = #tpu.pipeline_mode<synchronous>, transform_indices = @transform_9, window_bounds = array<i64: 64, 128>}]} {
    %eq3A = arith.constant 0 : i32
    %eq3A_0 = arith.cmpi eq, %arg0, %eq3A : i32
    %convert_element_type3A = arith.extui %eq3A_0 : i1 to i32
    %cond3A = arith.constant 0 : i32
    %cond3A_1 = arith.cmpi ne, %convert_element_type3A, %cond3A : i32
    scf.if %cond3A_1 {
      %broadcast_in_dim3A_67 = arith.constant 0.000000e+00 : f32
      %broadcast_in_dim3A_68 = vector.broadcast %broadcast_in_dim3A_67 : f32 to vector<64x128xf32>
      %swap3A_69 = arith.constant 0 : index
      %swap3A_70 = arith.constant 0 : index
      %swap3A_71 = vector.load %arg8[%swap3A_69, %swap3A_70] : memref<64x128xf32, #tpu.memory_space<vmem>>, vector<64x128xf32>
      tpu.vector_store %arg8[%swap3A_69, %swap3A_70], %broadcast_in_dim3A_68 {strides = array<i32>} : memref<64x128xf32, #tpu.memory_space<vmem>>, vector<64x128xf32>,
      %broadcast_in_dim3A_72 = arith.constant 0.000000e+00 : f32
      %broadcast_in_dim3A_73 = vector.broadcast %broadcast_in_dim3A_72 : f32 to vector<64x1xf32>
      %swap3A_74 = arith.constant 0 : index
      %swap3A_75 = arith.constant 0 : index
      %swap3A_76 = vector.load %arg9[%swap3A_74, %swap3A_75] : memref<64x1xf32, #tpu.memory_space<vmem>>, vector<64x1xf32>
      tpu.vector_store %arg9[%swap3A_74, %swap3A_75], %broadcast_in_dim3A_73 {strides = array<i32>} : memref<64x1xf32, #tpu.memory_space<vmem>>, vector<64x1xf32>,
    } else {
    }
    %get3A = arith.constant 0 : index
    %get3A_2 = arith.constant 0 : index
    %get3A_3 = arith.constant 0 : index
    %get3A_4 = vector.load %arg3[%get3A, %get3A_2, %get3A_3] : memref<2x2528x128xf32, #tpu.memory_space<vmem>>, vector<1x2528x128xf32>
    %get3A_5 = vector.shape_cast %get3A_4 : vector<1x2528x128xf32> to vector<2528x128xf32>
    %slice3A = vector.extract_strided_slice %get3A_5 {offsets = [0, 0], sizes = [2528, 1], strides = [1, 1]} : vector<2528x128xf32> to vector<2528x1xf32>
    %get3A_6 = arith.constant 1 : index
    %get3A_7 = arith.constant 0 : index
    %get3A_8 = arith.constant 0 : index
    %get3A_9 = vector.load %arg3[%get3A_6, %get3A_7, %get3A_8] : memref<2x2528x128xf32, #tpu.memory_space<vmem>>, vector<1x2528x128xf32>
    %get3A_10 = vector.shape_cast %get3A_9 : vector<1x2528x128xf32> to vector<2528x128xf32>
    %slice3A_11 = vector.extract_strided_slice %get3A_10 {offsets = [0, 0], sizes = [2528, 1], strides = [1, 1]} : vector<2528x128xf32> to vector<2528x1xf32>
    %add3A = arith.addf %slice3A, %slice3A_11 : vector<2528x1xf32>
    %add3A_12 = arith.constant 1.000000e+00 : f32
    %add3A_13 = vector.broadcast %add3A_12 : f32 to vector<2528x1xf32>
    %add3A_14 = arith.addf %add3A, %add3A_13 : vector<2528x1xf32>
    %rsqrt3A = math.rsqrt %add3A_14 : vector<2528x1xf32>
    %get3A_15 = arith.constant 0 : index
    %get3A_16 = arith.constant 0 : index
    %get3A_17 = arith.constant 0 : index
    %get3A_18 = vector.load %arg1[%get3A_15, %get3A_16, %get3A_17] : memref<2x2528x128xf32, #tpu.memory_space<vmem>>, vector<1x2528x128xf32>
    %get3A_19 = vector.shape_cast %get3A_18 : vector<1x2528x128xf32> to vector<2528x128xf32>
    %get3A_20 = arith.constant 1 : index
    %get3A_21 = arith.constant 0 : index
    %get3A_22 = arith.constant 0 : index
    %get3A_23 = vector.load %arg1[%get3A_20, %get3A_21, %get3A_22] : memref<2x2528x128xf32, #tpu.memory_space<vmem>>, vector<1x2528x128xf32>
    %get3A_24 = vector.shape_cast %get3A_23 : vector<1x2528x128xf32> to vector<2528x128xf32>
    %add3A_25 = arith.addf %get3A_19, %get3A_24 : vector<2528x128xf32>
    %get3A_26 = arith.constant 0 : index
    %get3A_27 = arith.constant 0 : index
    %get3A_28 = vector.load %arg2[%get3A_26, %get3A_27] : memref<2528x128xf32, #tpu.memory_space<vmem>>, vector<2528x128xf32>
    %add3A_29 = arith.addf %add3A_25, %get3A_28 : vector<2528x128xf32>
    %mul3A = vector.broadcast %rsqrt3A : vector<2528x1xf32> to vector<2528x128xf32>
    %mul3A_30 = arith.mulf %mul3A, %add3A_29 : vector<2528x128xf32>
    %get3A_31 = arith.constant 0 : index
    %get3A_32 = arith.constant 0 : index
    %get3A_33 = vector.load %arg4[%get3A_31, %get3A_32] : memref<1x128xf32, #tpu.memory_space<vmem>>, vector<1x128xf32>
    %add3A_34 = vector.broadcast %get3A_33 : vector<1x128xf32> to vector<2528x128xf32>
    %add3A_35 = arith.addf %mul3A_30, %add3A_34 : vector<2528x128xf32>
    %max3A = arith.constant 0.000000e+00 : f32
    %max3A_36 = vector.broadcast %max3A : f32 to vector<2528x128xf32>
    %max3A_37 = arith.maximumf %add3A_35, %max3A_36 : vector<2528x128xf32>
    %iota3A = tpu.iota {dimensions = array<i32: 1>} : vector<2528x64xi32>
    %get3A_38 = arith.constant 0 : index
    %get3A_39 = arith.constant 0 : index
    %get3A_40 = vector.load %arg5[%get3A_38, %get3A_39] : memref<2528x1xi32, #tpu.memory_space<vmem>>, vector<2528x1xi32>
    %eq3A_41 = vector.broadcast %get3A_40 : vector<2528x1xi32> to vector<2528x64xi32>
    %eq3A_42 = arith.cmpi eq, %eq3A_41, %iota3A : vector<2528x64xi32>
    %convert_element_type3A_43 = arith.extui %eq3A_42 : vector<2528x64xi1> to vector<2528x64xi32>
    %convert_element_type3A_44 = arith.sitofp %convert_element_type3A_43 : vector<2528x64xi32> to vector<2528x64xf32>
    %get3A_45 = arith.constant 0 : index
    %get3A_46 = arith.constant 0 : index
    %get3A_47 = vector.load %arg8[%get3A_45, %get3A_46] : memref<64x128xf32, #tpu.memory_space<vmem>>, vector<64x128xf32>
    %dot_general3A = arith.constant dense<0.000000e+00> : vector<64x128xf32>
    %dot_general3A_48 = tpu.matmul %convert_element_type3A_44, %max3A_37, %dot_general3A {dimension_numbers = #tpu.dot_dimension_numbers<[0], [0], [1], [1], [0, 1, 1, 1], [], []>, precision = #tpu.contract_precision<fp32>, transpose_lhs_hint = false} : vector<2528x64xf32>, vector<2528x128xf32>, vector<64x128xf32> -> vector<64x128xf32>
    %add3A_49 = arith.addf %get3A_47, %dot_general3A_48 : vector<64x128xf32>
    %swap3A = arith.constant 0 : index
    %swap3A_50 = arith.constant 0 : index
    %swap3A_51 = vector.load %arg8[%swap3A, %swap3A_50] : memref<64x128xf32, #tpu.memory_space<vmem>>, vector<64x128xf32>
    tpu.vector_store %arg8[%swap3A, %swap3A_50], %add3A_49 {strides = array<i32>} : memref<64x128xf32, #tpu.memory_space<vmem>>, vector<64x128xf32>,
    %get3A_52 = arith.constant 0 : index
    %get3A_53 = arith.constant 0 : index
    %get3A_54 = vector.load %arg9[%get3A_52, %get3A_53] : memref<64x1xf32, #tpu.memory_space<vmem>>, vector<64x1xf32>
    %broadcast_in_dim3A = arith.constant 1.000000e+00 : f32
    %broadcast_in_dim3A_55 = vector.broadcast %broadcast_in_dim3A : f32 to vector<2528x1xf32>
    %dot_general3A_56 = arith.constant dense<0.000000e+00> : vector<64x1xf32>
    %dot_general3A_57 = tpu.matmul %convert_element_type3A_44, %broadcast_in_dim3A_55, %dot_general3A_56 {dimension_numbers = #tpu.dot_dimension_numbers<[0], [0], [1], [1], [0, 1, 1, 1], [], []>, precision = #tpu.contract_precision<fp32>, transpose_lhs_hint = false} : vector<2528x64xf32>, vector<2528x1xf32>, vector<64x1xf32> -> vector<64x1xf32>
    %add3A_58 = arith.addf %get3A_54, %dot_general3A_57 : vector<64x1xf32>
    %swap3A_59 = arith.constant 0 : index
    %swap3A_60 = arith.constant 0 : index
    %swap3A_61 = vector.load %arg9[%swap3A_59, %swap3A_60] : memref<64x1xf32, #tpu.memory_space<vmem>>, vector<64x1xf32>
    tpu.vector_store %arg9[%swap3A_59, %swap3A_60], %add3A_58 {strides = array<i32>} : memref<64x1xf32, #tpu.memory_space<vmem>>, vector<64x1xf32>,
    %eq3A_62 = arith.constant 3 : i32
    %eq3A_63 = arith.cmpi eq, %arg0, %eq3A_62 : i32
    %convert_element_type3A_64 = arith.extui %eq3A_63 : i1 to i32
    %cond3A_65 = arith.constant 0 : i32
    %cond3A_66 = arith.cmpi ne, %convert_element_type3A_64, %cond3A_65 : i32
    scf.if %cond3A_66 {
      %get3A_67 = arith.constant 0 : index
      %get3A_68 = arith.constant 0 : index
      %get3A_69 = vector.load %arg8[%get3A_67, %get3A_68] : memref<64x128xf32, #tpu.memory_space<vmem>>, vector<64x128xf32>
      %get3A_70 = arith.constant 0 : index
      %get3A_71 = arith.constant 0 : index
      %get3A_72 = vector.load %arg9[%get3A_70, %get3A_71] : memref<64x1xf32, #tpu.memory_space<vmem>>, vector<64x1xf32>
      %max3A_73 = arith.constant 1.000000e+00 : f32
      %max3A_74 = vector.broadcast %max3A_73 : f32 to vector<64x1xf32>
      %max3A_75 = arith.maximumf %get3A_72, %max3A_74 : vector<64x1xf32>
      %div3A = vector.broadcast %max3A_75 : vector<64x1xf32> to vector<64x128xf32>
      %div3A_76 = arith.divf %get3A_69, %div3A : vector<64x128xf32>
      %get3A_77 = arith.constant 0 : index
      %get3A_78 = arith.constant 0 : index
      %get3A_79 = vector.load %arg6[%get3A_77, %get3A_78] : memref<128x128xf32, #tpu.memory_space<vmem>>, vector<128x128xf32>
      %dot_general3A_80 = arith.constant dense<0.000000e+00> : vector<64x128xf32>
      %dot_general3A_81 = tpu.matmul %div3A_76, %get3A_79, %dot_general3A_80 {dimension_numbers = #tpu.dot_dimension_numbers<[1], [0], [0], [1], [0, 0, 1, 1], [], []>, precision = #tpu.contract_precision<fp32>, transpose_lhs_hint = false} : vector<64x128xf32>, vector<128x128xf32>, vector<64x128xf32> -> vector<64x128xf32>
      %get3A_82 = arith.constant 0 : index
      %get3A_83 = arith.constant 0 : index
      %get3A_84 = vector.load %arg7[%get3A_82, %get3A_83] : memref<1x128xf32, #tpu.memory_space<vmem>>, vector<1x128xf32>
      %add3A_85 = vector.broadcast %get3A_84 : vector<1x128xf32> to vector<64x128xf32>
      %add3A_86 = arith.addf %dot_general3A_81, %add3A_85 : vector<64x128xf32>
      %swap3A_87 = arith.constant 0 : index
      %swap3A_88 = arith.constant 0 : index
      %swap3A_89 = vector.load %arg10[%swap3A_87, %swap3A_88] : memref<64x128xf32, #tpu.memory_space<vmem>>, vector<64x128xf32>
      tpu.vector_store %arg10[%swap3A_87, %swap3A_88], %add3A_86 {strides = array<i32>} : memref<64x128xf32, #tpu.memory_space<vmem>>, vector<64x128xf32>,
    } else {
    }
    return
  }
  func.func @transform_0(%arg0: i32) -> (i32, i32, i32) {
    %c0_i32 = arith.constant 0 : i32
    %c0_i32_0 = arith.constant 0 : i32
    %c0_i32_1 = arith.constant 0 : i32
    return %c0_i32, %arg0, %c0_i32_0 : i32, i32, i32
  }
  func.func @transform_1(%arg0: i32) -> (i32, i32) {
    %c0_i32 = arith.constant 0 : i32
    %c0_i32_0 = arith.constant 0 : i32
    return %arg0, %c0_i32 : i32, i32
  }
  func.func @transform_2(%arg0: i32) -> (i32, i32, i32) {
    %c0_i32 = arith.constant 0 : i32
    %c0_i32_0 = arith.constant 0 : i32
    %c0_i32_1 = arith.constant 0 : i32
    return %c0_i32, %arg0, %c0_i32_0 : i32, i32, i32
  }
  func.func @transform_3(%arg0: i32) -> (i32, i32) {
    %c0_i32 = arith.constant 0 : i32
    %c0_i32_0 = arith.constant 0 : i32
    %c0_i32_1 = arith.constant 0 : i32
    return %c0_i32, %c0_i32_0 : i32, i32
  }
  func.func @transform_4(%arg0: i32) -> (i32, i32) {
    %c0_i32 = arith.constant 0 : i32
    %c0_i32_0 = arith.constant 0 : i32
    return %arg0, %c0_i32 : i32, i32
  }
  func.func @transform_5(%arg0: i32) -> (i32, i32) {
    %c0_i32 = arith.constant 0 : i32
    %c0_i32_0 = arith.constant 0 : i32
    %c0_i32_1 = arith.constant 0 : i32
    return %c0_i32, %c0_i32_0 : i32, i32
  }
  func.func @transform_6(%arg0: i32) -> (i32, i32) {
    %c0_i32 = arith.constant 0 : i32
    %c0_i32_0 = arith.constant 0 : i32
    %c0_i32_1 = arith.constant 0 : i32
    return %c0_i32, %c0_i32_0 : i32, i32
  }
  func.func @transform_7(%arg0: i32) -> (i32, i32) {
    %c0_i32 = arith.constant 0 : i32
    %c0_i32_0 = arith.constant 0 : i32
    %c0_i32_1 = arith.constant 0 : i32
    return %c0_i32, %c0_i32_0 : i32, i32
  }
  func.func @transform_8(%arg0: i32) -> (i32, i32) {
    %c0_i32 = arith.constant 0 : i32
    %c0_i32_0 = arith.constant 0 : i32
    %c0_i32_1 = arith.constant 0 : i32
    return %c0_i32, %c0_i32_0 : i32, i32
  }
  func.func @transform_9(%arg0: i32) -> (i32, i32) {
    %c0_i32 = arith.constant 0 : i32
    %c0_i32_0 = arith.constant 0 : i32
    %c0_i32_1 = arith.constant 0 : i32
    return %c0_i32, %c0_i32_0 : i32, i32
  }
}

</mosaic_0001>

<sc_bundles>
// kernel: kernel.11.cloned.1.call-start
scs
__scs_entry_jumppad:
0x0: {  	(pc) =	sbr.rel $0x88, $3  }
0x1: {  	(tag) =	ssettag $0x0;
	lr =	simm.s32 $0x1  }
0x2: {  	[smem:$0x3F99] =	sst lr;
	_ =	strace $0xD0000000  }
0x3: {  	_ = 	snop  }
0x4: {  	_ = 	snop  }
0x5: {  	_ = 	snop  }
0x6: {  	_ = 	snop  }
0x7: {  	_ = 	snop  }
__scs_overlays_trampoline_lowered:
0x8: {  	[smem:$0x3FA8] =	sst s0  }
0x9: {  	[smem:$0x3FA9] =	sst s1  }
0xa: {  	[smem:$0x3FAA] =	sst s2  }
0xb: {  	[smem:$0x3FAB] =	sst s3  }
0xc: {  	[smem:$0x3FAC] =	sst s4  }
0xd: {  	[smem:$0x3FAD] =	sst s5  }
0xe: {  	[smem:$0x3FAE] =	sst s6  }
0xf: {  	[smem:$0x3FAF] =	sst s7  }
0x10: {  	[smem:$0x3FB0] =	sst s8  }
0x11: {  	[smem:$0x3FB1] =	sst s9;
	s0 =	simm.s32 @!p0 $0x0  }
0x12: {  	s1 =	sld [smem:$0x3F97];
	s0 =	simm.s32 @p0 $0x1  }
0x13: {  	[smem:$0x3FB2] =	sst s0;
	s0 =	simm.s32 @!p1 $0x0  }
0x14: {  	s2 =	sld [smem:$0x3F96];
	s0 =	simm.s32 @p1 $0x1  }
0x15: {  	[smem:$0x3FB3] =	sst s0;
	s0 =	simm.s32 @!p2 $0x0  }
0x16: {  	s3 =	sld [smem:$0x3FDB];
	s0 =	simm.s32 @p2 $0x1  }
0x17: {  	s4 =	simm.s32 $0x1BF5;
	[smem:$0x3FB5] =	sst s0  }
0x18: {  	s0 =	sld [smem:$0x3F98];
	_ =	swait.ge [sflag:s4], $0x0  }
0x19: {  	s7 =	sld [smem:$0x3F99]  }
0x1a: {  	s8 =	sadd.s32 $0xFFFFE003, lr  }
0x1b: {  	s9 =	sadd.s32 $0xFFFFFEF7, lr;
	s5 =	simm.s32 $0xFFFFFFFF;
	p2 =	slt.u32 s8, $0xFFFFF086  }
0x1c: {  	p1 =	slt.u32 s9, $0xF7A;
	s5 =	simm.s32 @!p2 $0x0  }
0x1d: {  	s5 =	simm.s32 @p1 $0x1;
	p0 =	seq.s32 s7, s2  }
0x1e: {  	s7 =	smul.u32 @!p0 $0xF7A, s2;
	p2 =	seq.s32 @!p0 s5, $0x0  }
0x1f: {  	s9 =	smul.u32 $0xF7A, s1;
	s8 =	simm.s32 @!p0 $0x1BF5;
	p2 =	por !p2, p0  }
0x20: {  	[sflag:s8] =	ssyncset.s32 @!p0 $0xFFFFF086;
	s6 =	sadd.s32 @!p0 s3, s7;
	s7 =	simm.s32 @!p0 $0x108  }
0x21: {  	s3 =	sadd.s32 s3, s9;
	s6 =	sadd.s32 @!p0 $0x88, s6;
	s7 =	simm.s32 @p2 $0x1082  }
0x22: {  	[simem:s7], [sflag:s8] =	dma.local @!p0 [hbm:s6], $0xF7A  }
0x23: {  	s9 =	sor.u32 $0xD0000000, s2;
	s6 =	simm.s32 $0x108;
	_ =	swait.ge @!p0 [sflag:s8], $0x0  }
0x24: {  	s3 =	sadd.s32 $0x88, s3;
	s6 =	simm.s32 @!p1 $0x1082;
	[sflag:s4] =	ssyncset.s32 $0xFFFFF086  }
0x25: {  	[simem:s6], [sflag:s4] =	dma.local [hbm:s3], $0xF7A  }
0x26: {  	[smem:$0x3F99] =	sst s1;
	(tag) =	ssettag s2;
	_ =	strace s9  }
0x27: {  	s1 =	sld [smem:$0x3FA9]  }
0x28: {  	s2 =	sld [smem:$0x3FAA]  }
0x29: {  	s4 =	sld [smem:$0x3FAC]  }
0x2a: {  	p0 =	seq.s32 s5, $0x0;
	s5 =	sld [smem:$0x3FAD]  }
0x2b: {  	s6 =	sld [smem:$0x3FAE]  }
0x2c: {  	s7 =	sld [smem:$0x3FAF]  }
0x2d: {  	s3 =	simm.s32 $0x108;
	s8 =	sld [smem:$0x3FB0]  }
0x2e: {  	s3 =	simm.s32 @!p0 $0x1082;
	s9 =	sld [smem:$0x3FB1]  }
0x2f: {  	lr =	sadd.s32 s0, s3;
	s0 =	sld [smem:$0x3FA8]  }
0x30: {  	s3 =	sld [smem:$0x3FAB]  }
0x31: {  	[smem:$0x3FB4] =	sst s10  }
0x32: {  	s10 =	sld [smem:$0x3FB2];
	_ =	sdelay $0x3  }
0x33: {  	p0 =	seq.s32 s10, $0x1;
	s10 =	sld [smem:$0x3FB4];
	_ =	sdelay $0x3  }
0x34: {  	[smem:$0x3FB4] =	sst s10  }
0x35: {  	s10 =	sld [smem:$0x3FB3];
	_ =	sdelay $0x3  }
0x36: {  	p1 =	seq.s32 s10, $0x1;
	s10 =	sld [smem:$0x3FB4];
	_ =	sdelay $0x3  }
0x37: {  	[smem:$0x3FB4] =	sst s10  }
0x38: {  	s10 =	sld [smem:$0x3FB5]  }
0x39: {  	_ = 	snop;
	(pc) =	sbr.ind lr, $3  }
0x3a: {  	_ = 	snop  }
0x3b: {  	_ = 	snop  }
0x3c: {  	p2 =	seq.s32 s10, $0x1;
	s10 =	sld [smem:$0x3FB4]  }
0x3d: {  	_ =	shalt  }
0x3e: {  	_ =	shalt  }
0x3f: {  	_ =	shalt  }
0x40: {  	_ =	shalt  }
0x41: {  	_ =	shalt  }
0x42: {  	_ =	shalt  }
0x43: {  	_ =	shalt  }
0x44: {  	_ =	shalt  }
0x45: {  	_ =	shalt  }
0x46: {  	_ =	shalt  }
0x47: {  	_ =	shalt  }
0x48: {  	_ =	shalt  }
0x49: {  	_ =	shalt  }
0x4a: {  	_ =	shalt  }
0x4b: {  	_ =	shalt  }
0x4c: {  	_ =	shalt  }
0x4d: {  	_ =	shalt  }
0x4e: {  	_ =	shalt  }
0x4f: {  	_ =	shalt  }
0x50: {  	_ =	shalt  }
0x51: {  	_ =	shalt  }
0x52: {  	_ =	shalt  }
0x53: {  	_ =	shalt  }
0x54: {  	_ =	shalt  }
0x55: {  	_ =	shalt  }
0x56: {  	_ =	shalt  }
0x57: {  	_ =	shalt  }
0x58: {  	_ =	shalt  }
0x59: {  	_ =	shalt  }
0x5a: {  	_ =	shalt  }
0x5b: {  	_ =	shalt  }
0x5c: {  	_ =	shalt  }
0x5d: {  	_ =	shalt  }
0x5e: {  	_ =	shalt  }
0x5f: {  	_ =	shalt  }
0x60: {  	_ =	shalt  }
0x61: {  	_ =	shalt  }
0x62: {  	_ =	shalt  }
0x63: {  	_ =	shalt  }
0x64: {  	_ =	shalt  }
0x65: {  	_ =	shalt  }
0x66: {  	_ =	shalt  }
0x67: {  	_ =	shalt  }
0x68: {  	_ =	shalt  }
0x69: {  	_ =	shalt  }
0x6a: {  	_ =	shalt  }
0x6b: {  	_ =	shalt  }
0x6c: {  	_ =	shalt  }
0x6d: {  	_ =	shalt  }
0x6e: {  	_ =	shalt  }
0x6f: {  	_ =	shalt  }
0x70: {  	_ =	shalt  }
0x71: {  	_ =	shalt  }
0x72: {  	_ =	shalt  }
0x73: {  	_ =	shalt  }
0x74: {  	_ =	shalt  }
0x75: {  	_ =	shalt  }
0x76: {  	_ =	shalt  }
0x77: {  	_ =	shalt  }
0x78: {  	_ =	shalt  }
0x79: {  	_ =	shalt  }
0x7a: {  	_ =	shalt  }
0x7b: {  	_ =	shalt  }
0x7c: {  	_ =	shalt  }
0x7d: {  	_ =	shalt  }
0x7e: {  	_ =	shalt  }
0x7f: {  	_ =	shalt  }
0x80: {  	_ =	shalt  }
0x81: {  	_ =	shalt  }
0x82: {  	_ =	shalt  }
0x83: {  	_ =	shalt  }
0x84: {  	_ =	shalt  }
0x85: {  	_ =	shalt  }
0x86: {  	_ =	shalt  }
0x87: {  	_ =	shalt  }
.Lfunc_end0:
.L_simem_size_0:
called_computation_lowered:
.L_overlay_start_0:
0x88: {  	s2 =	sld [smem:$0x3FD9]  }
0x89: {  	s3 =	sld [smem:$0x3FFE];
	_ =	sdelay $0x1  }
0x8a: {  	s1 =	srdreg.scid  }
0x8b: {  	s0 =	sand.u32 $0x1, s1  }
0x8c: {  	s16 =	sshll.u32 s0, $0xA;
	s2 =	sadd.s32 s3, s2  }
0x8d: {  	s2 =	sadd.s32 s2, s16  }
0x8e: {  	[smem:$0x3FC0] =	sst s2  }
0x8f: {  	_ = 	snop  }
0x90: {  	(tm) =	ssettm $0x1  }
0x91: {  	s17 =	sld [smem:$0x3FFB];
	_ =	sdelay $0x3  }
0x92: {  	_ =	strace s17  }
0x93: {  	s2 =	sld [smem:$0x3FFC];
	_ =	sdelay $0x3  }
0x94: {  	_ =	strace s2  }
0x95: {  	s2 =	sld [smem:$0x3FFD];
	_ =	sdelay $0x3  }
0x96: {  	_ =	strace s2  }
0x97: {  	_ =	strace $0x8FFFFFFF  }
0x98: {  	s18 =	sld [smem:$0x3FDB];
	_ =	sdelay $0x1  }
0x99: {  	s19 =	simm.s32 $_scs_section_size  }
0x9a: {  	s4 =	simm.s32 $_size__tile_overlayer_lowered;
	s5 =	simm.s32 $_tile_overlayer_lowered  }
0x9b: {  	s22 =	simm.s32 $0x1BFF;
	s21 =	sshll.u32 s5, $0x1;
	s2 =	sadd.s32 s19, s18  }
0x9c: {  	s6 =	simm.s32 $0x0;
	s20 =	sshll.u32 s4, $0x1;
	s4 =	sadd.s32 s21, s2  }
0x9d: {  	[timem:s6], [sflag:s22] =	dma.local [hbm:s4], s20  }
0x9e: {  	_ =	swait.ge [sflag:s22], s20  }
0x9f: {  	s3 =	ssub.s32 $0x0, s20;
	[sflag:s22] =	ssyncset.done $0x0  }
0xa0: {  	[sflag:s22] =	ssyncadd.s32 s3;
	_ =	sdelay $0x1  }
0xa1: {  	s23 =	simm.s32 $0x1B8B  }
0xa2: {  	_ =	swait.ge [sflag:s23], $0x1  }
0xa3: {  	[sflag:s23] =	ssyncset.done $0x0  }
0xa4: {  	s25 =	simm.s32 $0x1B8E;
	s24 =	sld [smem:$0x3FFE];
	[sflag:s23] =	ssyncadd.s32 $0xFFFFFFFF  }
0xa5: {  	s26 =	simm.s32 $execute0_lowered;
	[smem:$0x3FD2] =	sst s25  }
0xa6: {  	s4 =	sshll.u32 s26, $0x1;
	_ =	strace $0x80000046;
	[dreg:$0x1] =	wrdreg $0xFFFFFFFF  }
0xa7: {  	s28 =	simm.s32 $_size_execute0_lowered;
	s2 =	sadd.s32 s2, s4;
	[dreg:$0x0] =	wrdreg $0x0  }
0xa8: {  	s4 =	sshll.u32 s28, $0x1;
	[dreg:$0x2] =	wrdreg s2  }
0xa9: {  	[dreg:$0x3] =	wrdreg s4  }
0xaa: {  	[dreg:$0x4] =	wrdreg $0xC0  }
0xab: {  	_ =	task [dreg:s6], $0x5FFFF  }
0xac: {  	[dreg:$0x1] =	wrdreg $0xFFFFFFFF  }
0xad: {  	[dreg:$0x0] =	wrdreg $0x60  }
0xae: {  	[dreg:$0x2] =	wrdreg s24  }
0xaf: {  	[dreg:$0x3] =	wrdreg $0x82000  }
0xb0: {  	[dreg:$0x4] =	wrdreg $0x9  }
0xb1: {  	_ =	task.clear_ibuf [dreg:s6], $0x5FFFF;
	_ =	strace $0x90000046  }
0xb2: {  	s29 =	simm.s32 $0x9;
	_ =	strace $0x80000048  }
0xb3: {  	_ =	swait.ge [sflag:s29], $0x1  }
0xb4: {  	[sflag:s29] =	ssyncadd.s32 $0xFFFFFFFF  }
0xb5: {  	_ =	strace $0x90000048  }
0xb6: {  	_ =	sfence  }
0xb7: {  	s30 =	sld [smem:$0x0];
	_ =	sdelay $0x2  }
0xb8: {  	s31 =	sshll.u32 s1, $0xD;
	s1 =	sshrl.u32 s1, $0x2  }
0xb9: {  	s3 =	sand.u32 $0x4000, s31;
	s1 =	sadd.s32 s1, s30  }
0xba: {  	s0 =	sor.u32 s3, s0;
	s1 =	sshll.u32 s1, $0x11  }
0xbb: {  	s0 =	sor.u32 s1, s0  }
0xbc: {  	s0 =	sadd.s32 $0x8F2B, s0  }
0xbd: {  	[sflag:s0] =	ssyncadd.remote.s32 $0x1  }
0xbe: {  	_ =	sfence.sel $0xFFFF  }
0xbf: {  	[dreg:$0x0] =	wrdreg $0xFFFFFFFF;
	(pc) =	sbr.abs _section_cstart, $3  }
0xc0: {  	[dreg:$0x1] =	wrdreg $0xFFFFFFFF  }
0xc1: {  	_ =	task.clear_ibuf [dreg:s6], $0x2FFFF;
	_ =	strace $0x9FFFFFFF  }
0xc2: {  	(tm) =	ssettm $0x7FFFFFFF  }
0xc3: {  	_ =	shalt  }
tec
execute0_lowered:
.L_overlay_start_1:
0x0: {  	(tag) =	ssettag $0x1  }
0x1: {  	s0 =	srdreg.scid;
	s5 =	rddreg [dreg:$0x0]  }
0x2: {  	s2 =	rddreg [dreg:$0x1];
	s3 =	simm.s32 $0x0;
	s13 =	simm.s32 $0x3  }
0x3: {  	s15 =	simm.s32 $0x100;
	s16 =	simm.s32 $0x1;
	s17 =	simm.s32 $0x80  }
0x4: {  	s18 =	simm.s32 $0x200;
	s19 =	simm.s32 $0x2;
	s4 =	sand.u32 $0x1, s0  }
0x5: {  	s20 =	simm.s32 $0x180;
	s0 =	stileid.u32;
	s7 =	smul.u32 $0x13C000, s4  }
0x6: {  	s21 =	simm.s32 $0x0;
	s1 =	sshll.u32 s4, $0x4;
	s8 =	smul.u32 $0x13C00, s0  }
0x7: {  	s9 =	smul.u32 $0x4F000, s0;
	s29 =	ssub.s32 $0x2, s4;
	s1 =	sor.u32 s0, s1  }
0x8: {  	[smem:$0x7FF] =	sst s3;
	s31 =	sshrl.u32 s29, $0x1;
	s6 =	smul.u32 $0xA00, s1  }
0x9: {  	s1 =	rddreg [dreg:$0x2];
	_ =	strace $0x80000047;
	s30 =	sshrl.u32 s9, $0x2  }
0xa: {  	s28 =	sadd.s32 s8, s7;
	s12 =	ssub.s32 s29, s31;
	s4 =	sadd.s32 s30, s2  }
0xb: {  	s10 =	sadd.s32 s6, s5;
	s6 =	sshrl.u32 s28, $0x3;
	s7 =	sadd.s32 $0xC000, s4  }
0xc: {  	s8 =	sadd.s32 $0x10000, s4;
	s11 =	sadd.s32 s6, s5;
	s5 =	sadd.s32 $0x4000, s4  }
0xd: {  	s6 =	sadd.s32 $0x8000, s4;
	s9 =	sadd.s32 $0x3600, s10;
	s10 =	sadd.s32 $0x17600, s11  }
0xe: {  	v0 =	vimm.f32 $1.000000000e+00;
	v1 =	vimm.f32 $0.0e+00;
	s11 =	smax.u32 s12, $0x1;
	s12 =	simm.s32 $0x4200;
	s14 =	sadd.s32 $0x20, s9  }
.LBB2_1:
0xf: {  	s22 =	simm.s32 $0x0;
	s23 =	simm.s32 $0x200  }
.LBB2_2:
0x10: {  	p0 =	sne.s32 s23, $0xFE00;
	[tilespmem:s22+$0x270] =	vst v0  }
0x11: {  	[tilespmem:s22+$0x200] =	vst v0  }
0x12: {  	[tilespmem:s22+$0x210] =	vst v0  }
.Ltmp0:
0x13: {  	[tilespmem:s22+$0x220] =	vst v0;
	(pc) =	sbr.rel @p0 .LBB2_2-.Ltmp0, $4  }
0x14: {  	[tilespmem:s22+$0x230] =	vst v0  }
0x15: {  	[tilespmem:s22+$0x240] =	vst v0  }
0x16: {  	[tilespmem:s22+$0x250] =	vst v0  }
0x17: {  	[tilespmem:s22+$0x260] =	vst v0;
	s22 =	sshra.s32 s23, $0x2;
	s23 =	sadd.s32 $0x200, s23  }
0x18: {  	[tilespmem:s22+$0x270] =	vst v0  }
0x19: {  	[tilespmem:s22+$0x200] =	vst v0  }
0x1a: {  	[tilespmem:s22+$0x210] =	vst v0  }
0x1b: {  	[tilespmem:s22+$0x220] =	vst v0  }
0x1c: {  	[tilespmem:s22+$0x230] =	vst v0  }
0x1d: {  	[tilespmem:s22+$0x240] =	vst v0  }
0x1e: {  	[tilespmem:s22+$0x250] =	vst v0  }
0x1f: {  	[tilespmem:s22+$0x260] =	vst v0;
	s22 =	simm.s32 $0x0;
	s23 =	simm.s32 $0x200  }
.LBB2_4:
0x20: {  	p0 =	sne.s32 s23, $0xFE00;
	[tilespmem:s22+$0x4270] =	vst v1  }
0x21: {  	[tilespmem:s22+$0x4200] =	vst v1  }
0x22: {  	[tilespmem:s22+$0x4210] =	vst v1  }
.Ltmp1:
0x23: {  	[tilespmem:s22+$0x4220] =	vst v1;
	(pc) =	sbr.rel @p0 .LBB2_4-.Ltmp1, $4  }
0x24: {  	[tilespmem:s22+$0x4230] =	vst v1  }
0x25: {  	[tilespmem:s22+$0x4240] =	vst v1  }
0x26: {  	[tilespmem:s22+$0x4250] =	vst v1  }
0x27: {  	[tilespmem:s22+$0x4260] =	vst v1;
	s22 =	sshra.s32 s23, $0x2;
	s23 =	sadd.s32 $0x200, s23  }
0x28: {  	[tilespmem:s22+$0x4270] =	vst v1  }
0x29: {  	[tilespmem:s22+$0x4200] =	vst v1  }
0x2a: {  	[tilespmem:s22+$0x4210] =	vst v1  }
0x2b: {  	[tilespmem:s22+$0x4220] =	vst v1  }
0x2c: {  	[tilespmem:s22+$0x4230] =	vst v1  }
0x2d: {  	[tilespmem:s22+$0x4240] =	vst v1  }
0x2e: {  	[tilespmem:s22+$0x4250] =	vst v1  }
0x2f: {  	[tilespmem:s22+$0x4260] =	vst v1  }
0x30: {  	[spmem:s4] =	stream.linear.scatter [tilespmem:s12], [sflag:$0x3], $0x4000, $0x38;
	[tilespmem:$0x1BE00] =	vst v63  }
0x31: {  	_ =	swait.ge [sflag:s13], $0x4000  }
0x32: {  	[sflag:s13] =	ssyncset.done $0x0  }
0x33: {  	[sflag:s13] =	ssyncadd.s32 $0xFFFFC000  }
0x34: {  	[spmem:s5] =	stream.linear.scatter [tilespmem:s12], [sflag:$0x3], $0x4000, $0x38;
	[tilespmem:$0x1BE00] =	vst v63  }
0x35: {  	_ =	swait.ge [sflag:s13], $0x4000  }
0x36: {  	[sflag:s13] =	ssyncset.done $0x0  }
0x37: {  	[sflag:s13] =	ssyncadd.s32 $0xFFFFC000  }
0x38: {  	[spmem:s6] =	stream.linear.scatter [tilespmem:s12], [sflag:$0x3], $0x4000, $0x38;
	[tilespmem:$0x1BE00] =	vst v63  }
0x39: {  	_ =	swait.ge [sflag:s13], $0x4000  }
0x3a: {  	[sflag:s13] =	ssyncset.done $0x0  }
0x3b: {  	[sflag:s13] =	ssyncadd.s32 $0xFFFFC000  }
0x3c: {  	[spmem:s7] =	stream.linear.scatter [tilespmem:s12], [sflag:$0x3], $0x4000, $0x38;
	[tilespmem:$0x1BE00] =	vst v63  }
0x3d: {  	_ =	swait.ge [sflag:s13], $0x4000  }
0x3e: {  	[sflag:s13] =	ssyncset.done $0x0  }
0x3f: {  	[sflag:s13] =	ssyncadd.s32 $0xFFFFC000  }
0x40: {  	[spmem:s8] =	stream.linear.scatter [tilespmem:s12], [sflag:$0x3], $0x3C00, $0x38;
	[tilespmem:$0x1BE00] =	vst v63  }
0x41: {  	_ =	swait.ge [sflag:s13], $0x3C00  }
0x42: {  	[sflag:s13] =	ssyncset.done $0x0  }
0x43: {  	[sflag:s13] =	ssyncadd.s32 $0xFFFFC400  }
0x44: {  	[bflag:$0x0] =	sbarrier.arrive $0xFFFF  }
0x45: {  	[tilespmem:s3], [sflag:$0x1] =	stream.linear.gather [hbm4b:s9+s3], $0x100, $0x38;
	[tilespmem:$0x1BE00] =	vst v63  }
0x46: {  	_ = 	snop  }
0x47: {  	[tilespmem:s15], [sflag:$0x2] =	stream.linear.gather [hbm4b:s14+s3], $0x100, $0x38;
	[tilespmem:$0x1BE00] =	vst v63  }
0x48: {  	_ =	swait.ge [sflag:s16], $0x100  }
0x49: {  	[sflag:s16] =	ssyncset.done $0x0  }
0x4a: {  	[sflag:s16] =	ssyncadd.s32 $0xFFFFFF00  }
0x4b: {  	[spmem:s2] =	stream.indirect.scatter.add.f32 [tilespmem:s18], [sflag:$0x3], $0x80, s17, s17, $0xb8;
	[tilespmem:$0x1BE00] =	vst v63  }
0x4c: {  	_ =	swait.ge [sflag:s13], $0x4000  }
0x4d: {  	s23 =	sadd.s32 $0xFFFFF640, s9;
	[sflag:s13] =	ssyncset.done $0x0  }
0x4e: {  	s31 =	sadd.s32 $0xA00, s23;
	[sflag:s13] =	ssyncadd.s32 $0xFFFFC000  }
0x4f: {  	[tilespmem:s3], [sflag:$0x1] =	stream.linear.gather [hbm4b:s31+s3], $0x100, $0x38;
	[tilespmem:$0x1BE00] =	vst v63  }
0x50: {  	_ =	swait.ge [sflag:s19], $0x100  }
0x51: {  	[sflag:s19] =	ssyncset.done $0x0  }
0x52: {  	[sflag:s19] =	ssyncadd.s32 $0xFFFFFF00  }
0x53: {  	[spmem:s2] =	stream.indirect.scatter.add.f32 [tilespmem:s18], [sflag:$0x3], $0x80, s20, s17, $0xb8;
	[tilespmem:$0x1BE00] =	vst v63  }
0x54: {  	_ =	swait.ge [sflag:s13], $0x4000  }
0x55: {  	[sflag:s13] =	ssyncset.done $0x0  }
0x56: {  	s22 =	simm.s32 $0xFFFFF680;
	s23 =	sadd.s32 $0xA20, s23;
	[sflag:s13] =	ssyncadd.s32 $0xFFFFC000  }
.LBB2_6:
0x57: {  	[tilespmem:s15], [sflag:$0x2] =	stream.linear.gather [hbm4b:s23+s3], $0x100, $0x38;
	[tilespmem:$0x1BE00] =	vst v63  }
0x58: {  	s23 =	smov.u32 s22  }
0x59: {  	p0 =	sne.s32 s22, $0xFFFFFFC0;
	s22 =	sadd.s32 $0x40, s22;
	_ =	swait.ge [sflag:s16], $0x100  }
0x5a: {  	[sflag:s16] =	ssyncset.done $0x0  }
0x5b: {  	[sflag:s16] =	ssyncadd.s32 $0xFFFFFF00  }
0x5c: {  	[spmem:s2] =	stream.indirect.scatter.add.f32 [tilespmem:s18], [sflag:$0x3], $0x80, s17, s17, $0xb8;
	[tilespmem:$0x1BE00] =	vst v63  }
0x5d: {  	_ =	swait.ge [sflag:s13], $0x4000  }
0x5e: {  	s23 =	sadd.s32 s23, s9;
	[sflag:s13] =	ssyncset.done $0x0  }
0x5f: {  	s24 =	sadd.s32 $0xA00, s23;
	[sflag:s13] =	ssyncadd.s32 $0xFFFFC000  }
0x60: {  	[tilespmem:s3], [sflag:$0x1] =	stream.linear.gather [hbm4b:s24+s3], $0x100, $0x38;
	[tilespmem:$0x1BE00] =	vst v63  }
0x61: {  	_ =	swait.ge [sflag:s19], $0x100  }
0x62: {  	[sflag:s19] =	ssyncset.done $0x0  }
.Ltmp2:
0x63: {  	[sflag:s19] =	ssyncadd.s32 $0xFFFFFF00;
	(pc) =	sbr.rel @p0 .LBB2_6-.Ltmp2, $4  }
0x64: {  	[spmem:s2] =	stream.indirect.scatter.add.f32 [tilespmem:s18], [sflag:$0x3], $0x80, s20, s17, $0xb8;
	[tilespmem:$0x1BE00] =	vst v63  }
0x65: {  	_ =	swait.ge [sflag:s13], $0x4000  }
0x66: {  	[sflag:s13] =	ssyncset.done $0x0  }
0x67: {  	s23 =	sadd.s32 $0xA20, s23;
	[sflag:s13] =	ssyncadd.s32 $0xFFFFC000  }
0x68: {  	[tilespmem:s15], [sflag:$0x2] =	stream.linear.gather [hbm4b:s23+s3], $0x100, $0x38;
	[tilespmem:$0x1BE00] =	vst v63  }
0x69: {  	_ =	swait.ge [sflag:s16], $0x100  }
0x6a: {  	[sflag:s16] =	ssyncset.done $0x0  }
0x6b: {  	[sflag:s16] =	ssyncadd.s32 $0xFFFFFF00  }
0x6c: {  	[spmem:s2] =	stream.indirect.scatter.add.f32 [tilespmem:s18], [sflag:$0x3], $0x80, s17, s17, $0xb8;
	[tilespmem:$0x1BE00] =	vst v63  }
0x6d: {  	_ =	swait.ge [sflag:s13], $0x4000  }
0x6e: {  	[sflag:s13] =	ssyncset.done $0x0  }
0x6f: {  	[sflag:s13] =	ssyncadd.s32 $0xFFFFC000  }
0x70: {  	_ =	swait.ge [sflag:s19], $0x100  }
0x71: {  	[sflag:s19] =	ssyncset.done $0x0  }
0x72: {  	[sflag:s19] =	ssyncadd.s32 $0xFFFFFF00  }
0x73: {  	[spmem:s2] =	stream.indirect.scatter.add.f32 [tilespmem:s18], [sflag:$0x3], $0x80, s20, s17, $0xb8;
	[tilespmem:$0x1BE00] =	vst v63  }
0x74: {  	_ =	swait.ge [sflag:s13], $0x4000  }
0x75: {  	s22 =	sshll.u32 s0, $0x6;
	s21 =	sadd.s32 $0x1, s21;
	[sflag:s13] =	ssyncset.done $0x0  }
0x76: {  	s31 =	sshrl.u32 s4, $0x3;
	p0 =	sne.s32 s21, s11;
	[sflag:s13] =	ssyncadd.s32 $0xFFFFC000  }
.Ltmp3:
0x77: {  	s22 =	sor.u32 $0x1C03, s22;
	[bflag:$0x0] =	sbarrier.arrive $0xFFFF;
	(pc) =	sbr.rel @p0 .LBB2_1-.Ltmp3, $4  }
0x78: {  	[hbm:s10], [sflag:s22] =	dma.local [spmem:s31], $0x2780  }
0x79: {  	_ =	swait.ge [sflag:s13], $0x2780  }
0x7a: {  	[sflag:s13] =	ssyncset.done $0x0  }
0x7b: {  	[sflag:s13] =	ssyncadd.s32 $0xFFFFD880  }
0x7c: {  	_ =	sfence.sel $0x180000  }
0x7d: {  	[bflag:$0x0] =	sbarrier.arrive $0xFFFF  }
0x7e: {  	p0 =	sne.s32 s0, $0x0;
	_ =	strace $0x90000047  }
0x7f: {  	s0 =	sadd.s32 @!p0 $0x100000, s1;
	[bflag:$0x2] =	sbarrier.arrive $0xFFFF  }
0x80: {  	[sflag:s0] =	ssyncadd.tile.s32 @!p0 $0x1;
	_ =	shalt  }
.Lfunc_end2:
_tile_overlayer_lowered:
.L_overlay_start_2:
0x81: {  	(tag) =	ssettag $0x2  }
0x82: {  	s0 =	rddreg [dreg:$0x0];
	s2 =	stileid.u32  }
0x83: {  	s1 =	rddreg [dreg:$0x1];
	p0 =	sne.s32 s2, $0x0  }
0x84: {  	s3 =	rddreg [dreg:$0x2];
	[bflag:$0x3] =	sbarrier.arrive $0xFFFF;
	s2 =	simm.s32 @!p0 $0x1C03  }
0x85: {  	[timem:s3], [sflag:s2] =	dma.local @!p0 [hbm:s0], s1  }
0x86: {  	s0 =	simm.s32 @!p0 $0x3  }
0x87: {  	_ =	swait.ge @!p0 [sflag:s0], s1  }
0x88: {  	s1 =	ssub.s32 @!p0 $0x0, s1;
	[sflag:s0] =	ssyncset.done @!p0 $0x0  }
0x89: {  	[sflag:s0] =	ssyncadd.s32 @!p0 s1  }
0x8a: {  	[bflag:$0x3] =	sbarrier.arrive $0xFFFF  }
0x8b: {  	_ =	shalt  }

// kernel: kernel.14.cloned.1.call-start
scs
__scs_entry_jumppad:
0x0: {  	(pc) =	sbr.rel $0x88, $3  }
0x1: {  	(tag) =	ssettag $0x0;
	lr =	simm.s32 $0x1  }
0x2: {  	[smem:$0x3F99] =	sst lr;
	_ =	strace $0xD0000000  }
0x3: {  	_ = 	snop  }
0x4: {  	_ = 	snop  }
0x5: {  	_ = 	snop  }
0x6: {  	_ = 	snop  }
0x7: {  	_ = 	snop  }
__scs_overlays_trampoline_lowered:
0x8: {  	[smem:$0x3FA8] =	sst s0  }
0x9: {  	[smem:$0x3FA9] =	sst s1  }
0xa: {  	[smem:$0x3FAA] =	sst s2  }
0xb: {  	[smem:$0x3FAB] =	sst s3  }
0xc: {  	[smem:$0x3FAC] =	sst s4  }
0xd: {  	[smem:$0x3FAD] =	sst s5  }
0xe: {  	[smem:$0x3FAE] =	sst s6  }
0xf: {  	[smem:$0x3FAF] =	sst s7  }
0x10: {  	[smem:$0x3FB0] =	sst s8  }
0x11: {  	[smem:$0x3FB1] =	sst s9;
	s0 =	simm.s32 @!p0 $0x0  }
0x12: {  	s1 =	sld [smem:$0x3F97];
	s0 =	simm.s32 @p0 $0x1  }
0x13: {  	[smem:$0x3FB2] =	sst s0;
	s0 =	simm.s32 @!p1 $0x0  }
0x14: {  	s2 =	sld [smem:$0x3F96];
	s0 =	simm.s32 @p1 $0x1  }
0x15: {  	[smem:$0x3FB3] =	sst s0;
	s0 =	simm.s32 @!p2 $0x0  }
0x16: {  	s3 =	sld [smem:$0x3FDB];
	s0 =	simm.s32 @p2 $0x1  }
0x17: {  	s4 =	simm.s32 $0x1BF5;
	[smem:$0x3FB5] =	sst s0  }
0x18: {  	s0 =	sld [smem:$0x3F98];
	_ =	swait.ge [sflag:s4], $0x0  }
0x19: {  	s7 =	sld [smem:$0x3F99]  }
0x1a: {  	s8 =	sadd.s32 $0xFFFFE003, lr  }
0x1b: {  	s9 =	sadd.s32 $0xFFFFFEF7, lr;
	s5 =	simm.s32 $0xFFFFFFFF;
	p2 =	slt.u32 s8, $0xFFFFF086  }
0x1c: {  	p1 =	slt.u32 s9, $0xF7A;
	s5 =	simm.s32 @!p2 $0x0  }
0x1d: {  	s5 =	simm.s32 @p1 $0x1;
	p0 =	seq.s32 s7, s2  }
0x1e: {  	s7 =	smul.u32 @!p0 $0xF7A, s2;
	p2 =	seq.s32 @!p0 s5, $0x0  }
0x1f: {  	s9 =	smul.u32 $0xF7A, s1;
	s8 =	simm.s32 @!p0 $0x1BF5;
	p2 =	por !p2, p0  }
0x20: {  	[sflag:s8] =	ssyncset.s32 @!p0 $0xFFFFF086;
	s6 =	sadd.s32 @!p0 s3, s7;
	s7 =	simm.s32 @!p0 $0x108  }
0x21: {  	s3 =	sadd.s32 s3, s9;
	s6 =	sadd.s32 @!p0 $0x88, s6;
	s7 =	simm.s32 @p2 $0x1082  }
0x22: {  	[simem:s7], [sflag:s8] =	dma.local @!p0 [hbm:s6], $0xF7A  }
0x23: {  	s9 =	sor.u32 $0xD0000000, s2;
	s6 =	simm.s32 $0x108;
	_ =	swait.ge @!p0 [sflag:s8], $0x0  }
0x24: {  	s3 =	sadd.s32 $0x88, s3;
	s6 =	simm.s32 @!p1 $0x1082;
	[sflag:s4] =	ssyncset.s32 $0xFFFFF086  }
0x25: {  	[simem:s6], [sflag:s4] =	dma.local [hbm:s3], $0xF7A  }
0x26: {  	[smem:$0x3F99] =	sst s1;
	(tag) =	ssettag s2;
	_ =	strace s9  }
0x27: {  	s1 =	sld [smem:$0x3FA9]  }
0x28: {  	s2 =	sld [smem:$0x3FAA]  }
0x29: {  	s4 =	sld [smem:$0x3FAC]  }
0x2a: {  	p0 =	seq.s32 s5, $0x0;
	s5 =	sld [smem:$0x3FAD]  }
0x2b: {  	s6 =	sld [smem:$0x3FAE]  }
0x2c: {  	s7 =	sld [smem:$0x3FAF]  }
0x2d: {  	s3 =	simm.s32 $0x108;
	s8 =	sld [smem:$0x3FB0]  }
0x2e: {  	s3 =	simm.s32 @!p0 $0x1082;
	s9 =	sld [smem:$0x3FB1]  }
0x2f: {  	lr =	sadd.s32 s0, s3;
	s0 =	sld [smem:$0x3FA8]  }
0x30: {  	s3 =	sld [smem:$0x3FAB]  }
0x31: {  	[smem:$0x3FB4] =	sst s10  }
0x32: {  	s10 =	sld [smem:$0x3FB2];
	_ =	sdelay $0x3  }
0x33: {  	p0 =	seq.s32 s10, $0x1;
	s10 =	sld [smem:$0x3FB4];
	_ =	sdelay $0x3  }
0x34: {  	[smem:$0x3FB4] =	sst s10  }
0x35: {  	s10 =	sld [smem:$0x3FB3];
	_ =	sdelay $0x3  }
0x36: {  	p1 =	seq.s32 s10, $0x1;
	s10 =	sld [smem:$0x3FB4];
	_ =	sdelay $0x3  }
0x37: {  	[smem:$0x3FB4] =	sst s10  }
0x38: {  	s10 =	sld [smem:$0x3FB5]  }
0x39: {  	_ = 	snop;
	(pc) =	sbr.ind lr, $3  }
0x3a: {  	_ = 	snop  }
0x3b: {  	_ = 	snop  }
0x3c: {  	p2 =	seq.s32 s10, $0x1;
	s10 =	sld [smem:$0x3FB4]  }
0x3d: {  	_ =	shalt  }
0x3e: {  	_ =	shalt  }
0x3f: {  	_ =	shalt  }
0x40: {  	_ =	shalt  }
0x41: {  	_ =	shalt  }
0x42: {  	_ =	shalt  }
0x43: {  	_ =	shalt  }
0x44: {  	_ =	shalt  }
0x45: {  	_ =	shalt  }
0x46: {  	_ =	shalt  }
0x47: {  	_ =	shalt  }
0x48: {  	_ =	shalt  }
0x49: {  	_ =	shalt  }
0x4a: {  	_ =	shalt  }
0x4b: {  	_ =	shalt  }
0x4c: {  	_ =	shalt  }
0x4d: {  	_ =	shalt  }
0x4e: {  	_ =	shalt  }
0x4f: {  	_ =	shalt  }
0x50: {  	_ =	shalt  }
0x51: {  	_ =	shalt  }
0x52: {  	_ =	shalt  }
0x53: {  	_ =	shalt  }
0x54: {  	_ =	shalt  }
0x55: {  	_ =	shalt  }
0x56: {  	_ =	shalt  }
0x57: {  	_ =	shalt  }
0x58: {  	_ =	shalt  }
0x59: {  	_ =	shalt  }
0x5a: {  	_ =	shalt  }
0x5b: {  	_ =	shalt  }
0x5c: {  	_ =	shalt  }
0x5d: {  	_ =	shalt  }
0x5e: {  	_ =	shalt  }
0x5f: {  	_ =	shalt  }
0x60: {  	_ =	shalt  }
0x61: {  	_ =	shalt  }
0x62: {  	_ =	shalt  }
0x63: {  	_ =	shalt  }
0x64: {  	_ =	shalt  }
0x65: {  	_ =	shalt  }
0x66: {  	_ =	shalt  }
0x67: {  	_ =	shalt  }
0x68: {  	_ =	shalt  }
0x69: {  	_ =	shalt  }
0x6a: {  	_ =	shalt  }
0x6b: {  	_ =	shalt  }
0x6c: {  	_ =	shalt  }
0x6d: {  	_ =	shalt  }
0x6e: {  	_ =	shalt  }
0x6f: {  	_ =	shalt  }
0x70: {  	_ =	shalt  }
0x71: {  	_ =	shalt  }
0x72: {  	_ =	shalt  }
0x73: {  	_ =	shalt  }
0x74: {  	_ =	shalt  }
0x75: {  	_ =	shalt  }
0x76: {  	_ =	shalt  }
0x77: {  	_ =	shalt  }
0x78: {  	_ =	shalt  }
0x79: {  	_ =	shalt  }
0x7a: {  	_ =	shalt  }
0x7b: {  	_ =	shalt  }
0x7c: {  	_ =	shalt  }
0x7d: {  	_ =	shalt  }
0x7e: {  	_ =	shalt  }
0x7f: {  	_ =	shalt  }
0x80: {  	_ =	shalt  }
0x81: {  	_ =	shalt  }
0x82: {  	_ =	shalt  }
0x83: {  	_ =	shalt  }
0x84: {  	_ =	shalt  }
0x85: {  	_ =	shalt  }
0x86: {  	_ =	shalt  }
0x87: {  	_ =	shalt  }
.Lfunc_end0:
.L_simem_size_0:
called_computation.1_lowered:
.L_overlay_start_0:
0x88: {  	s2 =	sld [smem:$0x3FD9]  }
0x89: {  	s3 =	sld [smem:$0x3FFE];
	_ =	sdelay $0x1  }
0x8a: {  	s1 =	srdreg.scid  }
0x8b: {  	s0 =	sand.u32 $0x1, s1  }
0x8c: {  	s17 =	sshll.u32 s0, $0xA;
	s2 =	sadd.s32 s3, s2  }
0x8d: {  	s2 =	sadd.s32 s2, s17  }
0x8e: {  	[smem:$0x3FC0] =	sst s2  }
0x8f: {  	_ = 	snop  }
0x90: {  	(tm) =	ssettm $0x1  }
0x91: {  	s18 =	sld [smem:$0x3FFB];
	_ =	sdelay $0x3  }
0x92: {  	_ =	strace s18  }
0x93: {  	s2 =	sld [smem:$0x3FFC];
	_ =	sdelay $0x3  }
0x94: {  	_ =	strace s2  }
0x95: {  	s2 =	sld [smem:$0x3FFD];
	_ =	sdelay $0x3  }
0x96: {  	_ =	strace s2  }
0x97: {  	_ =	strace $0x8FFFFFFF  }
0x98: {  	s19 =	sld [smem:$0x3FDB];
	_ =	sdelay $0x1  }
0x99: {  	s20 =	simm.s32 $_scs_section_size  }
0x9a: {  	s4 =	simm.s32 $_size__tile_overlayer_lowered;
	s5 =	simm.s32 $_tile_overlayer_lowered  }
0x9b: {  	s6 =	simm.s32 $0x1BFF;
	s21 =	sshll.u32 s5, $0x1;
	s3 =	sadd.s32 s20, s19  }
0x9c: {  	s22 =	simm.s32 $0x0;
	s4 =	sshll.u32 s4, $0x1;
	s5 =	sadd.s32 s21, s3  }
0x9d: {  	[timem:s22], [sflag:s6] =	dma.local [hbm:s5], s4  }
0x9e: {  	_ =	swait.ge [sflag:s6], s4  }
0x9f: {  	s4 =	ssub.s32 $0x0, s4;
	[sflag:s6] =	ssyncset.done $0x0  }
0xa0: {  	[sflag:s6] =	ssyncadd.s32 s4;
	_ =	sdelay $0x1  }
0xa1: {  	s23 =	simm.s32 $0x1B8B  }
0xa2: {  	_ =	swait.ge [sflag:s23], $0x1  }
0xa3: {  	[sflag:s23] =	ssyncset.done $0x0  }
0xa4: {  	[sflag:s23] =	ssyncadd.s32 $0xFFFFFFFF  }
0xa5: {  	s4 =	sld [smem:$0x0]  }
0xa6: {  	s5 =	sand.u32 $0xFFFFFFFE, s1  }
0xa7: {  	p0 =	sne.s32 s1, s5  }
0xa8: {  	s5 =	sshll.u32 @p0 s5, $0xE  }
0xa9: {  	s5 =	sadd.s32 @p0 $0x11B8D, s5;
	s6 =	sshll.u32 @p0 s4, $0x11  }
0xaa: {  	s5 =	sor.u32 @p0 s6, s5  }
0xab: {  	[sflag:s5] =	ssyncadd.remote.s32 @p0 $0x1;
	_ =	sdelay $0x1  }
0xac: {  	s5 =	simm.s32 @p0 $0x1B8D  }
0xad: {  	_ =	swait.eq @p0 [sflag:s5], $0x1  }
0xae: {  	[sflag:s5] =	ssyncadd.s32 @p0 $0xFFFFFFFF  }
0xaf: {  	s6 =	sshll.u32 @!p0 s1, $0xE  }
0xb0: {  	s6 =	sor.u32 @!p0 $0x4000, s6;
	s5 =	simm.s32 @!p0 $0x1B8D  }
0xb1: {  	s4 =	sshll.u32 @!p0 s4, $0x11;
	s6 =	sadd.s32 @!p0 $0x11B8D, s6;
	_ =	swait.eq @!p0 [sflag:s5], $0x1  }
0xb2: {  	s4 =	sor.u32 @!p0 s4, s6;
	[sflag:s5] =	ssyncadd.s32 @!p0 $0xFFFFFFFF  }
0xb3: {  	s25 =	simm.s32 $0x1B8E;
	s24 =	sld [smem:$0x3FFE];
	[sflag:s4] =	ssyncadd.remote.s32 @!p0 $0x1  }
0xb4: {  	s26 =	simm.s32 $execute0_lowered;
	[smem:$0x3FD2] =	sst s25  }
0xb5: {  	s5 =	sshll.u32 s26, $0x1;
	_ =	strace $0x80000049;
	[dreg:$0x1] =	wrdreg $0xFFFFFFFF  }
0xb6: {  	s28 =	simm.s32 $_size_execute0_lowered;
	s3 =	sadd.s32 s3, s5;
	[dreg:$0x0] =	wrdreg $0x0  }
0xb7: {  	s5 =	sshll.u32 s28, $0x1;
	[dreg:$0x2] =	wrdreg s3  }
0xb8: {  	[dreg:$0x3] =	wrdreg s5  }
0xb9: {  	[dreg:$0x4] =	wrdreg $0xC0  }
0xba: {  	_ =	task [dreg:s22], $0x5FFFF  }
0xbb: {  	[dreg:$0x1] =	wrdreg $0xFFFFFFFF  }
0xbc: {  	[dreg:$0x0] =	wrdreg $0x60  }
0xbd: {  	[dreg:$0x2] =	wrdreg s24  }
0xbe: {  	[dreg:$0x3] =	wrdreg $0x82000  }
0xbf: {  	[dreg:$0x4] =	wrdreg $0xA  }
0xc0: {  	_ =	task.clear_ibuf [dreg:s22], $0x5FFFF;
	_ =	strace $0x90000049  }
0xc1: {  	s29 =	simm.s32 $0xA;
	_ =	strace $0x8000004B  }
0xc2: {  	_ =	swait.ge [sflag:s29], $0x1  }
0xc3: {  	[sflag:s29] =	ssyncadd.s32 $0xFFFFFFFF  }
0xc4: {  	_ =	strace $0x9000004B  }
0xc5: {  	_ =	sfence  }
0xc6: {  	s30 =	sld [smem:$0x0];
	_ =	sdelay $0x2  }
0xc7: {  	s31 =	sshll.u32 s1, $0xD;
	s1 =	sshrl.u32 s1, $0x2  }
0xc8: {  	s4 =	sand.u32 $0x4000, s31;
	s1 =	sadd.s32 s1, s30  }
0xc9: {  	s0 =	sor.u32 s4, s0;
	s1 =	sshll.u32 s1, $0x11  }
0xca: {  	s0 =	sor.u32 s1, s0  }
0xcb: {  	s0 =	sadd.s32 $0x8F2B, s0  }
0xcc: {  	[sflag:s0] =	ssyncadd.remote.s32 $0x1  }
0xcd: {  	_ =	sfence.sel $0xFFFF  }
0xce: {  	[dreg:$0x0] =	wrdreg $0xFFFFFFFF;
	(pc) =	sbr.abs _section_cstart, $3  }
0xcf: {  	[dreg:$0x1] =	wrdreg $0xFFFFFFFF  }
0xd0: {  	_ =	task.clear_ibuf [dreg:s22], $0x2FFFF;
	_ =	strace $0x9FFFFFFF  }
0xd1: {  	(tm) =	ssettm $0x7FFFFFFF  }
tec
execute0_lowered:
.L_overlay_start_1:
0x0: {  	(tag) =	ssettag $0x1  }
0x1: {  	s0 =	srdreg.scid;
	s6 =	rddreg [dreg:$0x0]  }
0x2: {  	s2 =	rddreg [dreg:$0x1];
	s3 =	simm.s32 $0x0;
	s14 =	simm.s32 $0x5  }
0x3: {  	s16 =	simm.s32 $0x100;
	s17 =	simm.s32 $0x1;
	s18 =	simm.s32 $0x80  }
0x4: {  	s19 =	simm.s32 $0x2;
	s20 =	simm.s32 $0x4200;
	s21 =	simm.s32 $0x3  }
0x5: {  	s22 =	simm.s32 $0x4;
	s23 =	simm.s32 $0x180;
	s5 =	sand.u32 $0x1, s0  }
0x6: {  	s24 =	simm.s32 $0x0;
	s0 =	stileid.u32;
	s8 =	smul.u32 $0x13C000, s5  }
0x7: {  	[smem:$0x7FF] =	sst s3;
	s1 =	sshll.u32 s5, $0x4;
	s9 =	smul.u32 $0x13C00, s0  }
0x8: {  	s10 =	smul.u32 $0x4F000, s0;
	s29 =	ssub.s32 $0x2, s5;
	s1 =	sor.u32 s0, s1  }
0x9: {  	s4 =	sadd.s32 $0x66600, s6;
	s31 =	sshrl.u32 s29, $0x1;
	s7 =	smul.u32 $0x300, s1  }
0xa: {  	s1 =	rddreg [dreg:$0x2];
	_ =	strace $0x8000004A;
	s30 =	sshrl.u32 s10, $0x2  }
0xb: {  	s28 =	sadd.s32 s9, s8;
	s13 =	ssub.s32 s29, s31;
	s5 =	sadd.s32 s30, s2  }
0xc: {  	s11 =	sadd.s32 s7, s6;
	s7 =	sshrl.u32 s28, $0x3;
	s8 =	sadd.s32 $0xC000, s5  }
0xd: {  	s9 =	sadd.s32 $0x10000, s5;
	s12 =	sadd.s32 s7, s6;
	s6 =	sadd.s32 $0x4000, s5  }
0xe: {  	s7 =	sadd.s32 $0x8000, s5;
	s10 =	sadd.s32 $0x6A600, s11;
	s11 =	sadd.s32 $0x70600, s12  }
0xf: {  	v0 =	vimm.f32 $0.0e+00;
	s12 =	smax.u32 s13, $0x1;
	s13 =	simm.s32 $0x200;
	s15 =	sadd.s32 $0x20, s10  }
.LBB2_1:
0x10: {  	s25 =	simm.s32 $0x0;
	s26 =	simm.s32 $0x200  }
.LBB2_2:
0x11: {  	p0 =	sne.s32 s26, $0xFE00;
	[tilespmem:s25+$0x270] =	vst v0  }
0x12: {  	[tilespmem:s25+$0x200] =	vst v0  }
0x13: {  	[tilespmem:s25+$0x210] =	vst v0  }
.Ltmp0:
0x14: {  	[tilespmem:s25+$0x220] =	vst v0;
	(pc) =	sbr.rel @p0 .LBB2_2-.Ltmp0, $4  }
0x15: {  	[tilespmem:s25+$0x230] =	vst v0  }
0x16: {  	[tilespmem:s25+$0x240] =	vst v0  }
0x17: {  	[tilespmem:s25+$0x250] =	vst v0  }
0x18: {  	[tilespmem:s25+$0x260] =	vst v0;
	s25 =	sshra.s32 s26, $0x2;
	s26 =	sadd.s32 $0x200, s26  }
0x19: {  	[tilespmem:s25+$0x270] =	vst v0  }
0x1a: {  	[tilespmem:s25+$0x200] =	vst v0  }
0x1b: {  	[tilespmem:s25+$0x210] =	vst v0  }
0x1c: {  	[tilespmem:s25+$0x220] =	vst v0  }
0x1d: {  	[tilespmem:s25+$0x230] =	vst v0  }
0x1e: {  	[tilespmem:s25+$0x240] =	vst v0  }
0x1f: {  	[tilespmem:s25+$0x250] =	vst v0  }
0x20: {  	[tilespmem:s25+$0x260] =	vst v0  }
0x21: {  	[spmem:s5] =	stream.linear.scatter [tilespmem:s13], [sflag:$0x5], $0x4000, $0x38;
	[tilespmem:$0x1BE00] =	vst v63  }
0x22: {  	_ =	swait.ge [sflag:s14], $0x4000  }
0x23: {  	[sflag:s14] =	ssyncset.done $0x0  }
0x24: {  	[sflag:s14] =	ssyncadd.s32 $0xFFFFC000  }
0x25: {  	[spmem:s6] =	stream.linear.scatter [tilespmem:s13], [sflag:$0x5], $0x4000, $0x38;
	[tilespmem:$0x1BE00] =	vst v63  }
0x26: {  	_ =	swait.ge [sflag:s14], $0x4000  }
0x27: {  	[sflag:s14] =	ssyncset.done $0x0  }
0x28: {  	[sflag:s14] =	ssyncadd.s32 $0xFFFFC000  }
0x29: {  	[spmem:s7] =	stream.linear.scatter [tilespmem:s13], [sflag:$0x5], $0x4000, $0x38;
	[tilespmem:$0x1BE00] =	vst v63  }
0x2a: {  	_ =	swait.ge [sflag:s14], $0x4000  }
0x2b: {  	[sflag:s14] =	ssyncset.done $0x0  }
0x2c: {  	[sflag:s14] =	ssyncadd.s32 $0xFFFFC000  }
0x2d: {  	[spmem:s8] =	stream.linear.scatter [tilespmem:s13], [sflag:$0x5], $0x4000, $0x38;
	[tilespmem:$0x1BE00] =	vst v63  }
0x2e: {  	_ =	swait.ge [sflag:s14], $0x4000  }
0x2f: {  	[sflag:s14] =	ssyncset.done $0x0  }
0x30: {  	[sflag:s14] =	ssyncadd.s32 $0xFFFFC000  }
0x31: {  	[spmem:s9] =	stream.linear.scatter [tilespmem:s13], [sflag:$0x5], $0x3C00, $0x38;
	[tilespmem:$0x1BE00] =	vst v63  }
0x32: {  	_ =	swait.ge [sflag:s14], $0x3C00  }
0x33: {  	[sflag:s14] =	ssyncset.done $0x0  }
0x34: {  	[sflag:s14] =	ssyncadd.s32 $0xFFFFC400  }
0x35: {  	[bflag:$0x0] =	sbarrier.arrive $0xFFFF  }
0x36: {  	[tilespmem:s3], [sflag:$0x1] =	stream.linear.gather [hbm4b:s10+s3], $0x100, $0x38;
	[tilespmem:$0x1BE00] =	vst v63  }
0x37: {  	_ = 	snop  }
0x38: {  	[tilespmem:s16], [sflag:$0x2] =	stream.linear.gather [hbm4b:s15+s3], $0x100, $0x38;
	[tilespmem:$0x1BE00] =	vst v63  }
0x39: {  	_ =	swait.ge [sflag:s17], $0x100  }
0x3a: {  	[sflag:s17] =	ssyncset.done $0x0  }
0x3b: {  	[sflag:s17] =	ssyncadd.s32 $0xFFFFFF00  }
0x3c: {  	[tilespmem:s13], [sflag:$0x3] =	stream.indirect.gather [hbm4b:s4+s18], $0x80, s3, s18, $0xb8;
	[tilespmem:$0x1BE00] =	vst v63  }
0x3d: {  	_ =	swait.ge [sflag:s19], $0x100  }
0x3e: {  	[sflag:s19] =	ssyncset.done $0x0  }
0x3f: {  	[sflag:s19] =	ssyncadd.s32 $0xFFFFFF00  }
0x40: {  	[tilespmem:s20], [sflag:$0x4] =	stream.indirect.gather [hbm4b:s4+s18], $0x80, s16, s18, $0xb8;
	[tilespmem:$0x1BE00] =	vst v63  }
0x41: {  	_ =	swait.ge [sflag:s21], $0x4000  }
0x42: {  	[sflag:s21] =	ssyncset.done $0x0  }
0x43: {  	[sflag:s21] =	ssyncadd.s32 $0xFFFFC000  }
0x44: {  	[spmem:s2] =	stream.indirect.scatter.add.f32 [tilespmem:s13], [sflag:$0x5], $0x80, s18, s18, $0xb8;
	[tilespmem:$0x1BE00] =	vst v63  }
0x45: {  	_ =	swait.ge [sflag:s14], $0x4000  }
0x46: {  	s26 =	sadd.s32 $0xFFFFFD40, s10;
	[sflag:s14] =	ssyncset.done $0x0  }
0x47: {  	s31 =	sadd.s32 $0x300, s26;
	[sflag:s14] =	ssyncadd.s32 $0xFFFFC000  }
0x48: {  	[tilespmem:s3], [sflag:$0x1] =	stream.linear.gather [hbm4b:s31+s3], $0x100, $0x38;
	[tilespmem:$0x1BE00] =	vst v63  }
0x49: {  	_ =	swait.ge [sflag:s17], $0x100  }
0x4a: {  	[sflag:s17] =	ssyncset.done $0x0  }
0x4b: {  	[sflag:s17] =	ssyncadd.s32 $0xFFFFFF00  }
0x4c: {  	[tilespmem:s13], [sflag:$0x3] =	stream.indirect.gather [hbm4b:s4+s18], $0x80, s3, s18, $0xb8;
	[tilespmem:$0x1BE00] =	vst v63  }
0x4d: {  	_ =	swait.ge [sflag:s22], $0x4000  }
0x4e: {  	[sflag:s22] =	ssyncset.done $0x0  }
0x4f: {  	[sflag:s22] =	ssyncadd.s32 $0xFFFFC000  }
0x50: {  	[spmem:s2] =	stream.indirect.scatter.add.f32 [tilespmem:s20], [sflag:$0x5], $0x80, s23, s18, $0xb8;
	[tilespmem:$0x1BE00] =	vst v63  }
0x51: {  	_ =	swait.ge [sflag:s14], $0x4000  }
0x52: {  	[sflag:s14] =	ssyncset.done $0x0  }
0x53: {  	s25 =	simm.s32 $0xFFFFFD80;
	s26 =	sadd.s32 $0x320, s26;
	[sflag:s14] =	ssyncadd.s32 $0xFFFFC000  }
.LBB2_4:
0x54: {  	[tilespmem:s16], [sflag:$0x2] =	stream.linear.gather [hbm4b:s26+s3], $0x100, $0x38;
	[tilespmem:$0x1BE00] =	vst v63  }
0x55: {  	s26 =	smov.u32 s25  }
0x56: {  	p0 =	sne.s32 s25, $0xFFFFFFC0;
	s25 =	sadd.s32 $0x40, s25;
	_ =	swait.ge [sflag:s19], $0x100  }
0x57: {  	[sflag:s19] =	ssyncset.done $0x0  }
0x58: {  	[sflag:s19] =	ssyncadd.s32 $0xFFFFFF00  }
0x59: {  	[tilespmem:s20], [sflag:$0x4] =	stream.indirect.gather [hbm4b:s4+s18], $0x80, s16, s18, $0xb8;
	[tilespmem:$0x1BE00] =	vst v63  }
0x5a: {  	_ =	swait.ge [sflag:s21], $0x4000  }
0x5b: {  	[sflag:s21] =	ssyncset.done $0x0  }
0x5c: {  	[sflag:s21] =	ssyncadd.s32 $0xFFFFC000  }
0x5d: {  	[spmem:s2] =	stream.indirect.scatter.add.f32 [tilespmem:s13], [sflag:$0x5], $0x80, s18, s18, $0xb8;
	[tilespmem:$0x1BE00] =	vst v63  }
0x5e: {  	_ =	swait.ge [sflag:s14], $0x4000  }
0x5f: {  	s26 =	sadd.s32 s26, s10;
	[sflag:s14] =	ssyncset.done $0x0  }
0x60: {  	s28 =	sadd.s32 $0x300, s26;
	[sflag:s14] =	ssyncadd.s32 $0xFFFFC000  }
0x61: {  	[tilespmem:s3], [sflag:$0x1] =	stream.linear.gather [hbm4b:s28+s3], $0x100, $0x38;
	[tilespmem:$0x1BE00] =	vst v63  }
0x62: {  	_ =	swait.ge [sflag:s17], $0x100  }
0x63: {  	[sflag:s17] =	ssyncset.done $0x0  }
0x64: {  	[sflag:s17] =	ssyncadd.s32 $0xFFFFFF00  }
0x65: {  	[tilespmem:s13], [sflag:$0x3] =	stream.indirect.gather [hbm4b:s4+s18], $0x80, s3, s18, $0xb8;
	[tilespmem:$0x1BE00] =	vst v63  }
0x66: {  	_ =	swait.ge [sflag:s22], $0x4000  }
0x67: {  	[sflag:s22] =	ssyncset.done $0x0  }
.Ltmp1:
0x68: {  	[sflag:s22] =	ssyncadd.s32 $0xFFFFC000;
	(pc) =	sbr.rel @p0 .LBB2_4-.Ltmp1, $4  }
0x69: {  	[spmem:s2] =	stream.indirect.scatter.add.f32 [tilespmem:s20], [sflag:$0x5], $0x80, s23, s18, $0xb8;
	[tilespmem:$0x1BE00] =	vst v63  }
0x6a: {  	_ =	swait.ge [sflag:s14], $0x4000  }
0x6b: {  	[sflag:s14] =	ssyncset.done $0x0  }
0x6c: {  	s26 =	sadd.s32 $0x320, s26;
	[sflag:s14] =	ssyncadd.s32 $0xFFFFC000  }
0x6d: {  	[tilespmem:s16], [sflag:$0x2] =	stream.linear.gather [hbm4b:s26+s3], $0x100, $0x38;
	[tilespmem:$0x1BE00] =	vst v63  }
0x6e: {  	_ =	swait.ge [sflag:s19], $0x100  }
0x6f: {  	[sflag:s19] =	ssyncset.done $0x0  }
0x70: {  	[sflag:s19] =	ssyncadd.s32 $0xFFFFFF00  }
0x71: {  	[tilespmem:s20], [sflag:$0x4] =	stream.indirect.gather [hbm4b:s4+s18], $0x80, s16, s18, $0xb8;
	[tilespmem:$0x1BE00] =	vst v63  }
0x72: {  	_ =	swait.ge [sflag:s21], $0x4000  }
0x73: {  	[sflag:s21] =	ssyncset.done $0x0  }
0x74: {  	[sflag:s21] =	ssyncadd.s32 $0xFFFFC000  }
0x75: {  	[spmem:s2] =	stream.indirect.scatter.add.f32 [tilespmem:s13], [sflag:$0x5], $0x80, s18, s18, $0xb8;
	[tilespmem:$0x1BE00] =	vst v63  }
0x76: {  	_ =	swait.ge [sflag:s14], $0x4000  }
0x77: {  	[sflag:s14] =	ssyncset.done $0x0  }
0x78: {  	[sflag:s14] =	ssyncadd.s32 $0xFFFFC000  }
0x79: {  	_ =	swait.ge [sflag:s22], $0x4000  }
0x7a: {  	[sflag:s22] =	ssyncset.done $0x0  }
0x7b: {  	[sflag:s22] =	ssyncadd.s32 $0xFFFFC000  }
0x7c: {  	[spmem:s2] =	stream.indirect.scatter.add.f32 [tilespmem:s20], [sflag:$0x5], $0x80, s23, s18, $0xb8;
	[tilespmem:$0x1BE00] =	vst v63  }
0x7d: {  	_ =	swait.ge [sflag:s14], $0x4000  }
0x7e: {  	s25 =	sshll.u32 s0, $0x6;
	s24 =	sadd.s32 $0x1, s24;
	[sflag:s14] =	ssyncset.done $0x0  }
0x7f: {  	s31 =	sshrl.u32 s5, $0x3;
	p0 =	sne.s32 s24, s12;
	[sflag:s14] =	ssyncadd.s32 $0xFFFFC000  }
.Ltmp2:
0x80: {  	s25 =	sor.u32 $0x1C05, s25;
	[bflag:$0x0] =	sbarrier.arrive $0xFFFF;
	(pc) =	sbr.rel @p0 .LBB2_1-.Ltmp2, $4  }
0x81: {  	[hbm:s11], [sflag:s25] =	dma.local [spmem:s31], $0x2780  }
0x82: {  	_ =	swait.ge [sflag:s14], $0x2780  }
0x83: {  	[sflag:s14] =	ssyncset.done $0x0  }
0x84: {  	[sflag:s14] =	ssyncadd.s32 $0xFFFFD880  }
0x85: {  	_ =	sfence.sel $0x180000  }
0x86: {  	[bflag:$0x0] =	sbarrier.arrive $0xFFFF  }
0x87: {  	p0 =	sne.s32 s0, $0x0;
	_ =	strace $0x9000004A  }
0x88: {  	s0 =	sadd.s32 @!p0 $0x100000, s1;
	[bflag:$0x2] =	sbarrier.arrive $0xFFFF  }
0x89: {  	[sflag:s0] =	ssyncadd.tile.s32 @!p0 $0x1;
	_ =	shalt  }
.Lfunc_end2:
_tile_overlayer_lowered:
.L_overlay_start_2:
0x8a: {  	(tag) =	ssettag $0x2  }
0x8b: {  	s0 =	rddreg [dreg:$0x0];
	s2 =	stileid.u32  }
0x8c: {  	s1 =	rddreg [dreg:$0x1];
	p0 =	sne.s32 s2, $0x0  }
0x8d: {  	s3 =	rddreg [dreg:$0x2];
	[bflag:$0x3] =	sbarrier.arrive $0xFFFF;
	s2 =	simm.s32 @!p0 $0x1C05  }
0x8e: {  	[timem:s3], [sflag:s2] =	dma.local @!p0 [hbm:s0], s1  }
0x8f: {  	s0 =	simm.s32 @!p0 $0x5  }
0x90: {  	_ =	swait.ge @!p0 [sflag:s0], s1  }
0x91: {  	s1 =	ssub.s32 @!p0 $0x0, s1;
	[sflag:s0] =	ssyncset.done @!p0 $0x0  }
0x92: {  	[sflag:s0] =	ssyncadd.s32 @!p0 s1  }
0x93: {  	[bflag:$0x3] =	sbarrier.arrive $0xFFFF  }
0x94: {  	_ =	shalt  }

// kernel: kernel.17.cloned.1.call-start
scs
__scs_entry_jumppad:
0x0: {  	(pc) =	sbr.rel $0x88, $3  }
0x1: {  	(tag) =	ssettag $0x0;
	lr =	simm.s32 $0x1  }
0x2: {  	[smem:$0x3F99] =	sst lr;
	_ =	strace $0xD0000000  }
0x3: {  	_ = 	snop  }
0x4: {  	_ = 	snop  }
0x5: {  	_ = 	snop  }
0x6: {  	_ = 	snop  }
0x7: {  	_ = 	snop  }
__scs_overlays_trampoline_lowered:
0x8: {  	[smem:$0x3FA8] =	sst s0  }
0x9: {  	[smem:$0x3FA9] =	sst s1  }
0xa: {  	[smem:$0x3FAA] =	sst s2  }
0xb: {  	[smem:$0x3FAB] =	sst s3  }
0xc: {  	[smem:$0x3FAC] =	sst s4  }
0xd: {  	[smem:$0x3FAD] =	sst s5  }
0xe: {  	[smem:$0x3FAE] =	sst s6  }
0xf: {  	[smem:$0x3FAF] =	sst s7  }
0x10: {  	[smem:$0x3FB0] =	sst s8  }
0x11: {  	[smem:$0x3FB1] =	sst s9;
	s0 =	simm.s32 @!p0 $0x0  }
0x12: {  	s1 =	sld [smem:$0x3F97];
	s0 =	simm.s32 @p0 $0x1  }
0x13: {  	[smem:$0x3FB2] =	sst s0;
	s0 =	simm.s32 @!p1 $0x0  }
0x14: {  	s2 =	sld [smem:$0x3F96];
	s0 =	simm.s32 @p1 $0x1  }
0x15: {  	[smem:$0x3FB3] =	sst s0;
	s0 =	simm.s32 @!p2 $0x0  }
0x16: {  	s3 =	sld [smem:$0x3FDB];
	s0 =	simm.s32 @p2 $0x1  }
0x17: {  	s4 =	simm.s32 $0x1BF5;
	[smem:$0x3FB5] =	sst s0  }
0x18: {  	s0 =	sld [smem:$0x3F98];
	_ =	swait.ge [sflag:s4], $0x0  }
0x19: {  	s7 =	sld [smem:$0x3F99]  }
0x1a: {  	s8 =	sadd.s32 $0xFFFFE003, lr  }
0x1b: {  	s9 =	sadd.s32 $0xFFFFFEF7, lr;
	s5 =	simm.s32 $0xFFFFFFFF;
	p2 =	slt.u32 s8, $0xFFFFF086  }
0x1c: {  	p1 =	slt.u32 s9, $0xF7A;
	s5 =	simm.s32 @!p2 $0x0  }
0x1d: {  	s5 =	simm.s32 @p1 $0x1;
	p0 =	seq.s32 s7, s2  }
0x1e: {  	s7 =	smul.u32 @!p0 $0xF7A, s2;
	p2 =	seq.s32 @!p0 s5, $0x0  }
0x1f: {  	s9 =	smul.u32 $0xF7A, s1;
	s8 =	simm.s32 @!p0 $0x1BF5;
	p2 =	por !p2, p0  }
0x20: {  	[sflag:s8] =	ssyncset.s32 @!p0 $0xFFFFF086;
	s6 =	sadd.s32 @!p0 s3, s7;
	s7 =	simm.s32 @!p0 $0x108  }
0x21: {  	s3 =	sadd.s32 s3, s9;
	s6 =	sadd.s32 @!p0 $0x88, s6;
	s7 =	simm.s32 @p2 $0x1082  }
0x22: {  	[simem:s7], [sflag:s8] =	dma.local @!p0 [hbm:s6], $0xF7A  }
0x23: {  	s9 =	sor.u32 $0xD0000000, s2;
	s6 =	simm.s32 $0x108;
	_ =	swait.ge @!p0 [sflag:s8], $0x0  }
0x24: {  	s3 =	sadd.s32 $0x88, s3;
	s6 =	simm.s32 @!p1 $0x1082;
	[sflag:s4] =	ssyncset.s32 $0xFFFFF086  }
0x25: {  	[simem:s6], [sflag:s4] =	dma.local [hbm:s3], $0xF7A  }
0x26: {  	[smem:$0x3F99] =	sst s1;
	(tag) =	ssettag s2;
	_ =	strace s9  }
0x27: {  	s1 =	sld [smem:$0x3FA9]  }
0x28: {  	s2 =	sld [smem:$0x3FAA]  }
0x29: {  	s4 =	sld [smem:$0x3FAC]  }
0x2a: {  	p0 =	seq.s32 s5, $0x0;
	s5 =	sld [smem:$0x3FAD]  }
0x2b: {  	s6 =	sld [smem:$0x3FAE]  }
0x2c: {  	s7 =	sld [smem:$0x3FAF]  }
0x2d: {  	s3 =	simm.s32 $0x108;
	s8 =	sld [smem:$0x3FB0]  }
0x2e: {  	s3 =	simm.s32 @!p0 $0x1082;
	s9 =	sld [smem:$0x3FB1]  }
0x2f: {  	lr =	sadd.s32 s0, s3;
	s0 =	sld [smem:$0x3FA8]  }
0x30: {  	s3 =	sld [smem:$0x3FAB]  }
0x31: {  	[smem:$0x3FB4] =	sst s10  }
0x32: {  	s10 =	sld [smem:$0x3FB2];
	_ =	sdelay $0x3  }
0x33: {  	p0 =	seq.s32 s10, $0x1;
	s10 =	sld [smem:$0x3FB4];
	_ =	sdelay $0x3  }
0x34: {  	[smem:$0x3FB4] =	sst s10  }
0x35: {  	s10 =	sld [smem:$0x3FB3];
	_ =	sdelay $0x3  }
0x36: {  	p1 =	seq.s32 s10, $0x1;
	s10 =	sld [smem:$0x3FB4];
	_ =	sdelay $0x3  }
0x37: {  	[smem:$0x3FB4] =	sst s10  }
0x38: {  	s10 =	sld [smem:$0x3FB5]  }
0x39: {  	_ = 	snop;
	(pc) =	sbr.ind lr, $3  }
0x3a: {  	_ = 	snop  }
0x3b: {  	_ = 	snop  }
0x3c: {  	p2 =	seq.s32 s10, $0x1;
	s10 =	sld [smem:$0x3FB4]  }
0x3d: {  	_ =	shalt  }
0x3e: {  	_ =	shalt  }
0x3f: {  	_ =	shalt  }
0x40: {  	_ =	shalt  }
0x41: {  	_ =	shalt  }
0x42: {  	_ =	shalt  }
0x43: {  	_ =	shalt  }
0x44: {  	_ =	shalt  }
0x45: {  	_ =	shalt  }
0x46: {  	_ =	shalt  }
0x47: {  	_ =	shalt  }
0x48: {  	_ =	shalt  }
0x49: {  	_ =	shalt  }
0x4a: {  	_ =	shalt  }
0x4b: {  	_ =	shalt  }
0x4c: {  	_ =	shalt  }
0x4d: {  	_ =	shalt  }
0x4e: {  	_ =	shalt  }
0x4f: {  	_ =	shalt  }
0x50: {  	_ =	shalt  }
0x51: {  	_ =	shalt  }
0x52: {  	_ =	shalt  }
0x53: {  	_ =	shalt  }
0x54: {  	_ =	shalt  }
0x55: {  	_ =	shalt  }
0x56: {  	_ =	shalt  }
0x57: {  	_ =	shalt  }
0x58: {  	_ =	shalt  }
0x59: {  	_ =	shalt  }
0x5a: {  	_ =	shalt  }
0x5b: {  	_ =	shalt  }
0x5c: {  	_ =	shalt  }
0x5d: {  	_ =	shalt  }
0x5e: {  	_ =	shalt  }
0x5f: {  	_ =	shalt  }
0x60: {  	_ =	shalt  }
0x61: {  	_ =	shalt  }
0x62: {  	_ =	shalt  }
0x63: {  	_ =	shalt  }
0x64: {  	_ =	shalt  }
0x65: {  	_ =	shalt  }
0x66: {  	_ =	shalt  }
0x67: {  	_ =	shalt  }
0x68: {  	_ =	shalt  }
0x69: {  	_ =	shalt  }
0x6a: {  	_ =	shalt  }
0x6b: {  	_ =	shalt  }
0x6c: {  	_ =	shalt  }
0x6d: {  	_ =	shalt  }
0x6e: {  	_ =	shalt  }
0x6f: {  	_ =	shalt  }
0x70: {  	_ =	shalt  }
0x71: {  	_ =	shalt  }
0x72: {  	_ =	shalt  }
0x73: {  	_ =	shalt  }
0x74: {  	_ =	shalt  }
0x75: {  	_ =	shalt  }
0x76: {  	_ =	shalt  }
0x77: {  	_ =	shalt  }
0x78: {  	_ =	shalt  }
0x79: {  	_ =	shalt  }
0x7a: {  	_ =	shalt  }
0x7b: {  	_ =	shalt  }
0x7c: {  	_ =	shalt  }
0x7d: {  	_ =	shalt  }
0x7e: {  	_ =	shalt  }
0x7f: {  	_ =	shalt  }
0x80: {  	_ =	shalt  }
0x81: {  	_ =	shalt  }
0x82: {  	_ =	shalt  }
0x83: {  	_ =	shalt  }
0x84: {  	_ =	shalt  }
0x85: {  	_ =	shalt  }
0x86: {  	_ =	shalt  }
0x87: {  	_ =	shalt  }
.Lfunc_end0:
.L_simem_size_0:
called_computation.2_lowered:
.L_overlay_start_0:
0x88: {  	s2 =	sld [smem:$0x3FD9]  }
0x89: {  	s3 =	sld [smem:$0x3FFE];
	_ =	sdelay $0x1  }
0x8a: {  	s1 =	srdreg.scid  }
0x8b: {  	s0 =	sand.u32 $0x1, s1  }
0x8c: {  	s16 =	sshll.u32 s0, $0xA;
	s2 =	sadd.s32 s3, s2  }
0x8d: {  	s2 =	sadd.s32 s2, s16  }
0x8e: {  	[smem:$0x3FC0] =	sst s2  }
0x8f: {  	_ = 	snop  }
0x90: {  	(tm) =	ssettm $0x1  }
0x91: {  	s17 =	sld [smem:$0x3FFB];
	_ =	sdelay $0x3  }
0x92: {  	_ =	strace s17  }
0x93: {  	s2 =	sld [smem:$0x3FFC];
	_ =	sdelay $0x3  }
0x94: {  	_ =	strace s2  }
0x95: {  	s2 =	sld [smem:$0x3FFD];
	_ =	sdelay $0x3  }
0x96: {  	_ =	strace s2  }
0x97: {  	_ =	strace $0x8FFFFFFF  }
0x98: {  	s18 =	sld [smem:$0x3FDB];
	_ =	sdelay $0x1  }
0x99: {  	s19 =	simm.s32 $_scs_section_size  }
0x9a: {  	s4 =	simm.s32 $_size__tile_overlayer_lowered;
	s5 =	simm.s32 $_tile_overlayer_lowered  }
0x9b: {  	s22 =	simm.s32 $0x1BFF;
	s21 =	sshll.u32 s5, $0x1;
	s2 =	sadd.s32 s19, s18  }
0x9c: {  	s6 =	simm.s32 $0x0;
	s20 =	sshll.u32 s4, $0x1;
	s4 =	sadd.s32 s21, s2  }
0x9d: {  	[timem:s6], [sflag:s22] =	dma.local [hbm:s4], s20  }
0x9e: {  	_ =	swait.ge [sflag:s22], s20  }
0x9f: {  	s3 =	ssub.s32 $0x0, s20;
	[sflag:s22] =	ssyncset.done $0x0  }
0xa0: {  	[sflag:s22] =	ssyncadd.s32 s3;
	_ =	sdelay $0x1  }
0xa1: {  	s23 =	simm.s32 $0x1B8B  }
0xa2: {  	_ =	swait.ge [sflag:s23], $0x1  }
0xa3: {  	[sflag:s23] =	ssyncset.done $0x0  }
0xa4: {  	s25 =	simm.s32 $0x1B8E;
	s24 =	sld [smem:$0x3FFE];
	[sflag:s23] =	ssyncadd.s32 $0xFFFFFFFF  }
0xa5: {  	s26 =	simm.s32 $execute0_lowered;
	[smem:$0x3FD2] =	sst s25  }
0xa6: {  	s4 =	sshll.u32 s26, $0x1;
	_ =	strace $0x8000004C;
	[dreg:$0x1] =	wrdreg $0xFFFFFFFF  }
0xa7: {  	s28 =	simm.s32 $_size_execute0_lowered;
	s2 =	sadd.s32 s2, s4;
	[dreg:$0x0] =	wrdreg $0x0  }
0xa8: {  	s4 =	sshll.u32 s28, $0x1;
	[dreg:$0x2] =	wrdreg s2  }
0xa9: {  	[dreg:$0x3] =	wrdreg s4  }
0xaa: {  	[dreg:$0x4] =	wrdreg $0xC0  }
0xab: {  	_ =	task [dreg:s6], $0x5FFFF  }
0xac: {  	[dreg:$0x1] =	wrdreg $0xFFFFFFFF  }
0xad: {  	[dreg:$0x0] =	wrdreg $0x60  }
0xae: {  	[dreg:$0x2] =	wrdreg s24  }
0xaf: {  	[dreg:$0x3] =	wrdreg $0x82000  }
0xb0: {  	[dreg:$0x4] =	wrdreg $0x9  }
0xb1: {  	_ =	task.clear_ibuf [dreg:s6], $0x5FFFF;
	_ =	strace $0x9000004C  }
0xb2: {  	s29 =	simm.s32 $0x9;
	_ =	strace $0x8000004E  }
0xb3: {  	_ =	swait.ge [sflag:s29], $0x1  }
0xb4: {  	[sflag:s29] =	ssyncadd.s32 $0xFFFFFFFF  }
0xb5: {  	_ =	strace $0x9000004E  }
0xb6: {  	_ =	sfence  }
0xb7: {  	s30 =	sld [smem:$0x0];
	_ =	sdelay $0x2  }
0xb8: {  	s31 =	sshll.u32 s1, $0xD;
	s1 =	sshrl.u32 s1, $0x2  }
0xb9: {  	s3 =	sand.u32 $0x4000, s31;
	s1 =	sadd.s32 s1, s30  }
0xba: {  	s0 =	sor.u32 s3, s0;
	s1 =	sshll.u32 s1, $0x11  }
0xbb: {  	s0 =	sor.u32 s1, s0  }
0xbc: {  	s0 =	sadd.s32 $0x8F2B, s0  }
0xbd: {  	[sflag:s0] =	ssyncadd.remote.s32 $0x1  }
0xbe: {  	_ =	sfence.sel $0xFFFF  }
0xbf: {  	[dreg:$0x0] =	wrdreg $0xFFFFFFFF;
	(pc) =	sbr.abs _section_cstart, $3  }
0xc0: {  	[dreg:$0x1] =	wrdreg $0xFFFFFFFF  }
0xc1: {  	_ =	task.clear_ibuf [dreg:s6], $0x2FFFF;
	_ =	strace $0x9FFFFFFF  }
0xc2: {  	(tm) =	ssettm $0x7FFFFFFF  }
0xc3: {  	_ =	shalt  }
tec
execute0_lowered:
.L_overlay_start_1:
0x0: {  	(tag) =	ssettag $0x1  }
0x1: {  	s0 =	srdreg.scid;
	s6 =	rddreg [dreg:$0x0]  }
0x2: {  	s2 =	rddreg [dreg:$0x1];
	s3 =	simm.s32 $0x0;
	s14 =	simm.s32 $0x5  }
0x3: {  	s16 =	simm.s32 $0x100;
	s17 =	simm.s32 $0x1;
	s18 =	simm.s32 $0x80  }
0x4: {  	s19 =	simm.s32 $0x2;
	s20 =	simm.s32 $0x4200;
	s21 =	simm.s32 $0x3  }
0x5: {  	s22 =	simm.s32 $0x4;
	s23 =	simm.s32 $0x180;
	s5 =	sand.u32 $0x1, s0  }
0x6: {  	s24 =	simm.s32 $0x0;
	s0 =	stileid.u32;
	s8 =	smul.u32 $0x13C000, s5  }
0x7: {  	[smem:$0x7FF] =	sst s3;
	s1 =	sshll.u32 s5, $0x4;
	s9 =	smul.u32 $0x13C00, s0  }
0x8: {  	s10 =	smul.u32 $0x4F000, s0;
	s29 =	ssub.s32 $0x2, s5;
	s1 =	sor.u32 s0, s1  }
0x9: {  	s4 =	sadd.s32 $0x66600, s6;
	s31 =	sshrl.u32 s29, $0x1;
	s7 =	smul.u32 $0xA00, s1  }
0xa: {  	s1 =	rddreg [dreg:$0x2];
	_ =	strace $0x8000004D;
	s30 =	sshrl.u32 s10, $0x2  }
0xb: {  	s28 =	sadd.s32 s9, s8;
	s13 =	ssub.s32 s29, s31;
	s5 =	sadd.s32 s30, s2  }
0xc: {  	s11 =	sadd.s32 s7, s6;
	s7 =	sshrl.u32 s28, $0x3;
	s8 =	sadd.s32 $0xC000, s5  }
0xd: {  	s9 =	sadd.s32 $0x10000, s5;
	s12 =	sadd.s32 s7, s6;
	s6 =	sadd.s32 $0x4000, s5  }
0xe: {  	s7 =	sadd.s32 $0x8000, s5;
	s10 =	sadd.s32 $0x3600, s11;
	s11 =	sadd.s32 $0x8DE00, s12  }
0xf: {  	v0 =	vimm.f32 $0.0e+00;
	s12 =	smax.u32 s13, $0x1;
	s13 =	simm.s32 $0x200;
	s15 =	sadd.s32 $0x20, s10  }
.LBB2_1:
0x10: {  	s25 =	simm.s32 $0x0;
	s26 =	simm.s32 $0x200  }
.LBB2_2:
0x11: {  	p0 =	sne.s32 s26, $0xFE00;
	[tilespmem:s25+$0x270] =	vst v0  }
0x12: {  	[tilespmem:s25+$0x200] =	vst v0  }
0x13: {  	[tilespmem:s25+$0x210] =	vst v0  }
.Ltmp0:
0x14: {  	[tilespmem:s25+$0x220] =	vst v0;
	(pc) =	sbr.rel @p0 .LBB2_2-.Ltmp0, $4  }
0x15: {  	[tilespmem:s25+$0x230] =	vst v0  }
0x16: {  	[tilespmem:s25+$0x240] =	vst v0  }
0x17: {  	[tilespmem:s25+$0x250] =	vst v0  }
0x18: {  	[tilespmem:s25+$0x260] =	vst v0;
	s25 =	sshra.s32 s26, $0x2;
	s26 =	sadd.s32 $0x200, s26  }
0x19: {  	[tilespmem:s25+$0x270] =	vst v0  }
0x1a: {  	[tilespmem:s25+$0x200] =	vst v0  }
0x1b: {  	[tilespmem:s25+$0x210] =	vst v0  }
0x1c: {  	[tilespmem:s25+$0x220] =	vst v0  }
0x1d: {  	[tilespmem:s25+$0x230] =	vst v0  }
0x1e: {  	[tilespmem:s25+$0x240] =	vst v0  }
0x1f: {  	[tilespmem:s25+$0x250] =	vst v0  }
0x20: {  	[tilespmem:s25+$0x260] =	vst v0  }
0x21: {  	[spmem:s5] =	stream.linear.scatter [tilespmem:s13], [sflag:$0x5], $0x4000, $0x38;
	[tilespmem:$0x1BE00] =	vst v63  }
0x22: {  	_ =	swait.ge [sflag:s14], $0x4000  }
0x23: {  	[sflag:s14] =	ssyncset.done $0x0  }
0x24: {  	[sflag:s14] =	ssyncadd.s32 $0xFFFFC000  }
0x25: {  	[spmem:s6] =	stream.linear.scatter [tilespmem:s13], [sflag:$0x5], $0x4000, $0x38;
	[tilespmem:$0x1BE00] =	vst v63  }
0x26: {  	_ =	swait.ge [sflag:s14], $0x4000  }
0x27: {  	[sflag:s14] =	ssyncset.done $0x0  }
0x28: {  	[sflag:s14] =	ssyncadd.s32 $0xFFFFC000  }
0x29: {  	[spmem:s7] =	stream.linear.scatter [tilespmem:s13], [sflag:$0x5], $0x4000, $0x38;
	[tilespmem:$0x1BE00] =	vst v63  }
0x2a: {  	_ =	swait.ge [sflag:s14], $0x4000  }
0x2b: {  	[sflag:s14] =	ssyncset.done $0x0  }
0x2c: {  	[sflag:s14] =	ssyncadd.s32 $0xFFFFC000  }
0x2d: {  	[spmem:s8] =	stream.linear.scatter [tilespmem:s13], [sflag:$0x5], $0x4000, $0x38;
	[tilespmem:$0x1BE00] =	vst v63  }
0x2e: {  	_ =	swait.ge [sflag:s14], $0x4000  }
0x2f: {  	[sflag:s14] =	ssyncset.done $0x0  }
0x30: {  	[sflag:s14] =	ssyncadd.s32 $0xFFFFC000  }
0x31: {  	[spmem:s9] =	stream.linear.scatter [tilespmem:s13], [sflag:$0x5], $0x3C00, $0x38;
	[tilespmem:$0x1BE00] =	vst v63  }
0x32: {  	_ =	swait.ge [sflag:s14], $0x3C00  }
0x33: {  	[sflag:s14] =	ssyncset.done $0x0  }
0x34: {  	[sflag:s14] =	ssyncadd.s32 $0xFFFFC400  }
0x35: {  	[bflag:$0x0] =	sbarrier.arrive $0xFFFF  }
0x36: {  	[tilespmem:s3], [sflag:$0x1] =	stream.linear.gather [hbm4b:s10+s3], $0x100, $0x38;
	[tilespmem:$0x1BE00] =	vst v63  }
0x37: {  	_ = 	snop  }
0x38: {  	[tilespmem:s16], [sflag:$0x2] =	stream.linear.gather [hbm4b:s15+s3], $0x100, $0x38;
	[tilespmem:$0x1BE00] =	vst v63  }
0x39: {  	_ =	swait.ge [sflag:s17], $0x100  }
0x3a: {  	[sflag:s17] =	ssyncset.done $0x0  }
0x3b: {  	[sflag:s17] =	ssyncadd.s32 $0xFFFFFF00  }
0x3c: {  	[tilespmem:s13], [sflag:$0x3] =	stream.indirect.gather [hbm4b:s4+s18], $0x80, s3, s18, $0xb8;
	[tilespmem:$0x1BE00] =	vst v63  }
0x3d: {  	_ =	swait.ge [sflag:s19], $0x100  }
0x3e: {  	[sflag:s19] =	ssyncset.done $0x0  }
0x3f: {  	[sflag:s19] =	ssyncadd.s32 $0xFFFFFF00  }
0x40: {  	[tilespmem:s20], [sflag:$0x4] =	stream.indirect.gather [hbm4b:s4+s18], $0x80, s16, s18, $0xb8;
	[tilespmem:$0x1BE00] =	vst v63  }
0x41: {  	_ =	swait.ge [sflag:s21], $0x4000  }
0x42: {  	[sflag:s21] =	ssyncset.done $0x0  }
0x43: {  	[sflag:s21] =	ssyncadd.s32 $0xFFFFC000  }
0x44: {  	[spmem:s2] =	stream.indirect.scatter.add.f32 [tilespmem:s13], [sflag:$0x5], $0x80, s18, s18, $0xb8;
	[tilespmem:$0x1BE00] =	vst v63  }
0x45: {  	_ =	swait.ge [sflag:s14], $0x4000  }
0x46: {  	s26 =	sadd.s32 $0xFFFFF640, s10;
	[sflag:s14] =	ssyncset.done $0x0  }
0x47: {  	s31 =	sadd.s32 $0xA00, s26;
	[sflag:s14] =	ssyncadd.s32 $0xFFFFC000  }
0x48: {  	[tilespmem:s3], [sflag:$0x1] =	stream.linear.gather [hbm4b:s31+s3], $0x100, $0x38;
	[tilespmem:$0x1BE00] =	vst v63  }
0x49: {  	_ =	swait.ge [sflag:s17], $0x100  }
0x4a: {  	[sflag:s17] =	ssyncset.done $0x0  }
0x4b: {  	[sflag:s17] =	ssyncadd.s32 $0xFFFFFF00  }
0x4c: {  	[tilespmem:s13], [sflag:$0x3] =	stream.indirect.gather [hbm4b:s4+s18], $0x80, s3, s18, $0xb8;
	[tilespmem:$0x1BE00] =	vst v63  }
0x4d: {  	_ =	swait.ge [sflag:s22], $0x4000  }
0x4e: {  	[sflag:s22] =	ssyncset.done $0x0  }
0x4f: {  	[sflag:s22] =	ssyncadd.s32 $0xFFFFC000  }
0x50: {  	[spmem:s2] =	stream.indirect.scatter.add.f32 [tilespmem:s20], [sflag:$0x5], $0x80, s23, s18, $0xb8;
	[tilespmem:$0x1BE00] =	vst v63  }
0x51: {  	_ =	swait.ge [sflag:s14], $0x4000  }
0x52: {  	[sflag:s14] =	ssyncset.done $0x0  }
0x53: {  	s25 =	simm.s32 $0xFFFFF680;
	s26 =	sadd.s32 $0xA20, s26;
	[sflag:s14] =	ssyncadd.s32 $0xFFFFC000  }
.LBB2_4:
0x54: {  	[tilespmem:s16], [sflag:$0x2] =	stream.linear.gather [hbm4b:s26+s3], $0x100, $0x38;
	[tilespmem:$0x1BE00] =	vst v63  }
0x55: {  	s26 =	smov.u32 s25  }
0x56: {  	p0 =	sne.s32 s25, $0xFFFFFFC0;
	s25 =	sadd.s32 $0x40, s25;
	_ =	swait.ge [sflag:s19], $0x100  }
0x57: {  	[sflag:s19] =	ssyncset.done $0x0  }
0x58: {  	[sflag:s19] =	ssyncadd.s32 $0xFFFFFF00  }
0x59: {  	[tilespmem:s20], [sflag:$0x4] =	stream.indirect.gather [hbm4b:s4+s18], $0x80, s16, s18, $0xb8;
	[tilespmem:$0x1BE00] =	vst v63  }
0x5a: {  	_ =	swait.ge [sflag:s21], $0x4000  }
0x5b: {  	[sflag:s21] =	ssyncset.done $0x0  }
0x5c: {  	[sflag:s21] =	ssyncadd.s32 $0xFFFFC000  }
0x5d: {  	[spmem:s2] =	stream.indirect.scatter.add.f32 [tilespmem:s13], [sflag:$0x5], $0x80, s18, s18, $0xb8;
	[tilespmem:$0x1BE00] =	vst v63  }
0x5e: {  	_ =	swait.ge [sflag:s14], $0x4000  }
0x5f: {  	s26 =	sadd.s32 s26, s10;
	[sflag:s14] =	ssyncset.done $0x0  }
0x60: {  	s28 =	sadd.s32 $0xA00, s26;
	[sflag:s14] =	ssyncadd.s32 $0xFFFFC000  }
0x61: {  	[tilespmem:s3], [sflag:$0x1] =	stream.linear.gather [hbm4b:s28+s3], $0x100, $0x38;
	[tilespmem:$0x1BE00] =	vst v63  }
0x62: {  	_ =	swait.ge [sflag:s17], $0x100  }
0x63: {  	[sflag:s17] =	ssyncset.done $0x0  }
0x64: {  	[sflag:s17] =	ssyncadd.s32 $0xFFFFFF00  }
0x65: {  	[tilespmem:s13], [sflag:$0x3] =	stream.indirect.gather [hbm4b:s4+s18], $0x80, s3, s18, $0xb8;
	[tilespmem:$0x1BE00] =	vst v63  }
0x66: {  	_ =	swait.ge [sflag:s22], $0x4000  }
0x67: {  	[sflag:s22] =	ssyncset.done $0x0  }
.Ltmp1:
0x68: {  	[sflag:s22] =	ssyncadd.s32 $0xFFFFC000;
	(pc) =	sbr.rel @p0 .LBB2_4-.Ltmp1, $4  }
0x69: {  	[spmem:s2] =	stream.indirect.scatter.add.f32 [tilespmem:s20], [sflag:$0x5], $0x80, s23, s18, $0xb8;
	[tilespmem:$0x1BE00] =	vst v63  }
0x6a: {  	_ =	swait.ge [sflag:s14], $0x4000  }
0x6b: {  	[sflag:s14] =	ssyncset.done $0x0  }
0x6c: {  	s26 =	sadd.s32 $0xA20, s26;
	[sflag:s14] =	ssyncadd.s32 $0xFFFFC000  }
0x6d: {  	[tilespmem:s16], [sflag:$0x2] =	stream.linear.gather [hbm4b:s26+s3], $0x100, $0x38;
	[tilespmem:$0x1BE00] =	vst v63  }
0x6e: {  	_ =	swait.ge [sflag:s19], $0x100  }
0x6f: {  	[sflag:s19] =	ssyncset.done $0x0  }
0x70: {  	[sflag:s19] =	ssyncadd.s32 $0xFFFFFF00  }
0x71: {  	[tilespmem:s20], [sflag:$0x4] =	stream.indirect.gather [hbm4b:s4+s18], $0x80, s16, s18, $0xb8;
	[tilespmem:$0x1BE00] =	vst v63  }
0x72: {  	_ =	swait.ge [sflag:s21], $0x4000  }
0x73: {  	[sflag:s21] =	ssyncset.done $0x0  }
0x74: {  	[sflag:s21] =	ssyncadd.s32 $0xFFFFC000  }
0x75: {  	[spmem:s2] =	stream.indirect.scatter.add.f32 [tilespmem:s13], [sflag:$0x5], $0x80, s18, s18, $0xb8;
	[tilespmem:$0x1BE00] =	vst v63  }
0x76: {  	_ =	swait.ge [sflag:s14], $0x4000  }
0x77: {  	[sflag:s14] =	ssyncset.done $0x0  }
0x78: {  	[sflag:s14] =	ssyncadd.s32 $0xFFFFC000  }
0x79: {  	_ =	swait.ge [sflag:s22], $0x4000  }
0x7a: {  	[sflag:s22] =	ssyncset.done $0x0  }
0x7b: {  	[sflag:s22] =	ssyncadd.s32 $0xFFFFC000  }
0x7c: {  	[spmem:s2] =	stream.indirect.scatter.add.f32 [tilespmem:s20], [sflag:$0x5], $0x80, s23, s18, $0xb8;
	[tilespmem:$0x1BE00] =	vst v63  }
0x7d: {  	_ =	swait.ge [sflag:s14], $0x4000  }
0x7e: {  	s25 =	sshll.u32 s0, $0x6;
	s24 =	sadd.s32 $0x1, s24;
	[sflag:s14] =	ssyncset.done $0x0  }
0x7f: {  	s31 =	sshrl.u32 s5, $0x3;
	p0 =	sne.s32 s24, s12;
	[sflag:s14] =	ssyncadd.s32 $0xFFFFC000  }
.Ltmp2:
0x80: {  	s25 =	sor.u32 $0x1C05, s25;
	[bflag:$0x0] =	sbarrier.arrive $0xFFFF;
	(pc) =	sbr.rel @p0 .LBB2_1-.Ltmp2, $4  }
0x81: {  	[hbm:s11], [sflag:s25] =	dma.local [spmem:s31], $0x2780  }
0x82: {  	_ =	swait.ge [sflag:s14], $0x2780  }
0x83: {  	[sflag:s14] =	ssyncset.done $0x0  }
0x84: {  	[sflag:s14] =	ssyncadd.s32 $0xFFFFD880  }
0x85: {  	_ =	sfence.sel $0x180000  }
0x86: {  	[bflag:$0x0] =	sbarrier.arrive $0xFFFF  }
0x87: {  	p0 =	sne.s32 s0, $0x0;
	_ =	strace $0x9000004D  }
0x88: {  	s0 =	sadd.s32 @!p0 $0x100000, s1;
	[bflag:$0x2] =	sbarrier.arrive $0xFFFF  }
0x89: {  	[sflag:s0] =	ssyncadd.tile.s32 @!p0 $0x1;
	_ =	shalt  }
.Lfunc_end2:
_tile_overlayer_lowered:
.L_overlay_start_2:
0x8a: {  	(tag) =	ssettag $0x2  }
0x8b: {  	s0 =	rddreg [dreg:$0x0];
	s2 =	stileid.u32  }
0x8c: {  	s1 =	rddreg [dreg:$0x1];
	p0 =	sne.s32 s2, $0x0  }
0x8d: {  	s3 =	rddreg [dreg:$0x2];
	[bflag:$0x3] =	sbarrier.arrive $0xFFFF;
	s2 =	simm.s32 @!p0 $0x1C05  }
0x8e: {  	[timem:s3], [sflag:s2] =	dma.local @!p0 [hbm:s0], s1  }
0x8f: {  	s0 =	simm.s32 @!p0 $0x5  }
0x90: {  	_ =	swait.ge @!p0 [sflag:s0], s1  }
0x91: {  	s1 =	ssub.s32 @!p0 $0x0, s1;
	[sflag:s0] =	ssyncset.done @!p0 $0x0  }
0x92: {  	[sflag:s0] =	ssyncadd.s32 @!p0 s1  }
0x93: {  	[bflag:$0x3] =	sbarrier.arrive $0xFFFF  }
0x94: {  	_ =	shalt  }

// kernel: kernel.20.cloned.1.call-start
scs
__scs_entry_jumppad:
0x0: {  	(pc) =	sbr.rel $0x88, $3  }
0x1: {  	(tag) =	ssettag $0x0;
	lr =	simm.s32 $0x1  }
0x2: {  	[smem:$0x3F99] =	sst lr;
	_ =	strace $0xD0000000  }
0x3: {  	_ = 	snop  }
0x4: {  	_ = 	snop  }
0x5: {  	_ = 	snop  }
0x6: {  	_ = 	snop  }
0x7: {  	_ = 	snop  }
__scs_overlays_trampoline_lowered:
0x8: {  	[smem:$0x3FA8] =	sst s0  }
0x9: {  	[smem:$0x3FA9] =	sst s1  }
0xa: {  	[smem:$0x3FAA] =	sst s2  }
0xb: {  	[smem:$0x3FAB] =	sst s3  }
0xc: {  	[smem:$0x3FAC] =	sst s4  }
0xd: {  	[smem:$0x3FAD] =	sst s5  }
0xe: {  	[smem:$0x3FAE] =	sst s6  }
0xf: {  	[smem:$0x3FAF] =	sst s7  }
0x10: {  	[smem:$0x3FB0] =	sst s8  }
0x11: {  	[smem:$0x3FB1] =	sst s9;
	s0 =	simm.s32 @!p0 $0x0  }
0x12: {  	s1 =	sld [smem:$0x3F97];
	s0 =	simm.s32 @p0 $0x1  }
0x13: {  	[smem:$0x3FB2] =	sst s0;
	s0 =	simm.s32 @!p1 $0x0  }
0x14: {  	s2 =	sld [smem:$0x3F96];
	s0 =	simm.s32 @p1 $0x1  }
0x15: {  	[smem:$0x3FB3] =	sst s0;
	s0 =	simm.s32 @!p2 $0x0  }
0x16: {  	s3 =	sld [smem:$0x3FDB];
	s0 =	simm.s32 @p2 $0x1  }
0x17: {  	s4 =	simm.s32 $0x1BF5;
	[smem:$0x3FB5] =	sst s0  }
0x18: {  	s0 =	sld [smem:$0x3F98];
	_ =	swait.ge [sflag:s4], $0x0  }
0x19: {  	s7 =	sld [smem:$0x3F99]  }
0x1a: {  	s8 =	sadd.s32 $0xFFFFE003, lr  }
0x1b: {  	s9 =	sadd.s32 $0xFFFFFEF7, lr;
	s5 =	simm.s32 $0xFFFFFFFF;
	p2 =	slt.u32 s8, $0xFFFFF086  }
0x1c: {  	p1 =	slt.u32 s9, $0xF7A;
	s5 =	simm.s32 @!p2 $0x0  }
0x1d: {  	s5 =	simm.s32 @p1 $0x1;
	p0 =	seq.s32 s7, s2  }
0x1e: {  	s7 =	smul.u32 @!p0 $0xF7A, s2;
	p2 =	seq.s32 @!p0 s5, $0x0  }
0x1f: {  	s9 =	smul.u32 $0xF7A, s1;
	s8 =	simm.s32 @!p0 $0x1BF5;
	p2 =	por !p2, p0  }
0x20: {  	[sflag:s8] =	ssyncset.s32 @!p0 $0xFFFFF086;
	s6 =	sadd.s32 @!p0 s3, s7;
	s7 =	simm.s32 @!p0 $0x108  }
0x21: {  	s3 =	sadd.s32 s3, s9;
	s6 =	sadd.s32 @!p0 $0x88, s6;
	s7 =	simm.s32 @p2 $0x1082  }
0x22: {  	[simem:s7], [sflag:s8] =	dma.local @!p0 [hbm:s6], $0xF7A  }
0x23: {  	s9 =	sor.u32 $0xD0000000, s2;
	s6 =	simm.s32 $0x108;
	_ =	swait.ge @!p0 [sflag:s8], $0x0  }
0x24: {  	s3 =	sadd.s32 $0x88, s3;
	s6 =	simm.s32 @!p1 $0x1082;
	[sflag:s4] =	ssyncset.s32 $0xFFFFF086  }
0x25: {  	[simem:s6], [sflag:s4] =	dma.local [hbm:s3], $0xF7A  }
0x26: {  	[smem:$0x3F99] =	sst s1;
	(tag) =	ssettag s2;
	_ =	strace s9  }
0x27: {  	s1 =	sld [smem:$0x3FA9]  }
0x28: {  	s2 =	sld [smem:$0x3FAA]  }
0x29: {  	s4 =	sld [smem:$0x3FAC]  }
0x2a: {  	p0 =	seq.s32 s5, $0x0;
	s5 =	sld [smem:$0x3FAD]  }
0x2b: {  	s6 =	sld [smem:$0x3FAE]  }
0x2c: {  	s7 =	sld [smem:$0x3FAF]  }
0x2d: {  	s3 =	simm.s32 $0x108;
	s8 =	sld [smem:$0x3FB0]  }
0x2e: {  	s3 =	simm.s32 @!p0 $0x1082;
	s9 =	sld [smem:$0x3FB1]  }
0x2f: {  	lr =	sadd.s32 s0, s3;
	s0 =	sld [smem:$0x3FA8]  }
0x30: {  	s3 =	sld [smem:$0x3FAB]  }
0x31: {  	[smem:$0x3FB4] =	sst s10  }
0x32: {  	s10 =	sld [smem:$0x3FB2];
	_ =	sdelay $0x3  }
0x33: {  	p0 =	seq.s32 s10, $0x1;
	s10 =	sld [smem:$0x3FB4];
	_ =	sdelay $0x3  }
0x34: {  	[smem:$0x3FB4] =	sst s10  }
0x35: {  	s10 =	sld [smem:$0x3FB3];
	_ =	sdelay $0x3  }
0x36: {  	p1 =	seq.s32 s10, $0x1;
	s10 =	sld [smem:$0x3FB4];
	_ =	sdelay $0x3  }
0x37: {  	[smem:$0x3FB4] =	sst s10  }
0x38: {  	s10 =	sld [smem:$0x3FB5]  }
0x39: {  	_ = 	snop;
	(pc) =	sbr.ind lr, $3  }
0x3a: {  	_ = 	snop  }
0x3b: {  	_ = 	snop  }
0x3c: {  	p2 =	seq.s32 s10, $0x1;
	s10 =	sld [smem:$0x3FB4]  }
0x3d: {  	_ =	shalt  }
0x3e: {  	_ =	shalt  }
0x3f: {  	_ =	shalt  }
0x40: {  	_ =	shalt  }
0x41: {  	_ =	shalt  }
0x42: {  	_ =	shalt  }
0x43: {  	_ =	shalt  }
0x44: {  	_ =	shalt  }
0x45: {  	_ =	shalt  }
0x46: {  	_ =	shalt  }
0x47: {  	_ =	shalt  }
0x48: {  	_ =	shalt  }
0x49: {  	_ =	shalt  }
0x4a: {  	_ =	shalt  }
0x4b: {  	_ =	shalt  }
0x4c: {  	_ =	shalt  }
0x4d: {  	_ =	shalt  }
0x4e: {  	_ =	shalt  }
0x4f: {  	_ =	shalt  }
0x50: {  	_ =	shalt  }
0x51: {  	_ =	shalt  }
0x52: {  	_ =	shalt  }
0x53: {  	_ =	shalt  }
0x54: {  	_ =	shalt  }
0x55: {  	_ =	shalt  }
0x56: {  	_ =	shalt  }
0x57: {  	_ =	shalt  }
0x58: {  	_ =	shalt  }
0x59: {  	_ =	shalt  }
0x5a: {  	_ =	shalt  }
0x5b: {  	_ =	shalt  }
0x5c: {  	_ =	shalt  }
0x5d: {  	_ =	shalt  }
0x5e: {  	_ =	shalt  }
0x5f: {  	_ =	shalt  }
0x60: {  	_ =	shalt  }
0x61: {  	_ =	shalt  }
0x62: {  	_ =	shalt  }
0x63: {  	_ =	shalt  }
0x64: {  	_ =	shalt  }
0x65: {  	_ =	shalt  }
0x66: {  	_ =	shalt  }
0x67: {  	_ =	shalt  }
0x68: {  	_ =	shalt  }
0x69: {  	_ =	shalt  }
0x6a: {  	_ =	shalt  }
0x6b: {  	_ =	shalt  }
0x6c: {  	_ =	shalt  }
0x6d: {  	_ =	shalt  }
0x6e: {  	_ =	shalt  }
0x6f: {  	_ =	shalt  }
0x70: {  	_ =	shalt  }
0x71: {  	_ =	shalt  }
0x72: {  	_ =	shalt  }
0x73: {  	_ =	shalt  }
0x74: {  	_ =	shalt  }
0x75: {  	_ =	shalt  }
0x76: {  	_ =	shalt  }
0x77: {  	_ =	shalt  }
0x78: {  	_ =	shalt  }
0x79: {  	_ =	shalt  }
0x7a: {  	_ =	shalt  }
0x7b: {  	_ =	shalt  }
0x7c: {  	_ =	shalt  }
0x7d: {  	_ =	shalt  }
0x7e: {  	_ =	shalt  }
0x7f: {  	_ =	shalt  }
0x80: {  	_ =	shalt  }
0x81: {  	_ =	shalt  }
0x82: {  	_ =	shalt  }
0x83: {  	_ =	shalt  }
0x84: {  	_ =	shalt  }
0x85: {  	_ =	shalt  }
0x86: {  	_ =	shalt  }
0x87: {  	_ =	shalt  }
.Lfunc_end0:
.L_simem_size_0:
called_computation.3_lowered:
.L_overlay_start_0:
0x88: {  	s2 =	sld [smem:$0x3FD9]  }
0x89: {  	s3 =	sld [smem:$0x3FFE];
	_ =	sdelay $0x1  }
0x8a: {  	s1 =	srdreg.scid  }
0x8b: {  	s0 =	sand.u32 $0x1, s1  }
0x8c: {  	s16 =	sshll.u32 s0, $0xA;
	s2 =	sadd.s32 s3, s2  }
0x8d: {  	s2 =	sadd.s32 s2, s16  }
0x8e: {  	[smem:$0x3FC0] =	sst s2  }
0x8f: {  	_ = 	snop  }
0x90: {  	(tm) =	ssettm $0x1  }
0x91: {  	s17 =	sld [smem:$0x3FFB];
	_ =	sdelay $0x3  }
0x92: {  	_ =	strace s17  }
0x93: {  	s2 =	sld [smem:$0x3FFC];
	_ =	sdelay $0x3  }
0x94: {  	_ =	strace s2  }
0x95: {  	s2 =	sld [smem:$0x3FFD];
	_ =	sdelay $0x3  }
0x96: {  	_ =	strace s2  }
0x97: {  	_ =	strace $0x8FFFFFFF  }
0x98: {  	s18 =	sld [smem:$0x3FDB];
	_ =	sdelay $0x1  }
0x99: {  	s19 =	simm.s32 $_scs_section_size  }
0x9a: {  	s4 =	simm.s32 $_size__tile_overlayer_lowered;
	s5 =	simm.s32 $_tile_overlayer_lowered  }
0x9b: {  	s22 =	simm.s32 $0x1BFF;
	s21 =	sshll.u32 s5, $0x1;
	s2 =	sadd.s32 s19, s18  }
0x9c: {  	s6 =	simm.s32 $0x0;
	s20 =	sshll.u32 s4, $0x1;
	s4 =	sadd.s32 s21, s2  }
0x9d: {  	[timem:s6], [sflag:s22] =	dma.local [hbm:s4], s20  }
0x9e: {  	_ =	swait.ge [sflag:s22], s20  }
0x9f: {  	s3 =	ssub.s32 $0x0, s20;
	[sflag:s22] =	ssyncset.done $0x0  }
0xa0: {  	[sflag:s22] =	ssyncadd.s32 s3;
	_ =	sdelay $0x1  }
0xa1: {  	s23 =	simm.s32 $0x1B8B  }
0xa2: {  	_ =	swait.ge [sflag:s23], $0x1  }
0xa3: {  	[sflag:s23] =	ssyncset.done $0x0  }
0xa4: {  	s25 =	simm.s32 $0x1B8E;
	s24 =	sld [smem:$0x3FFE];
	[sflag:s23] =	ssyncadd.s32 $0xFFFFFFFF  }
0xa5: {  	s26 =	simm.s32 $execute0_lowered;
	[smem:$0x3FD2] =	sst s25  }
0xa6: {  	s4 =	sshll.u32 s26, $0x1;
	_ =	strace $0x8000004F;
	[dreg:$0x1] =	wrdreg $0xFFFFFFFF  }
0xa7: {  	s28 =	simm.s32 $_size_execute0_lowered;
	s2 =	sadd.s32 s2, s4;
	[dreg:$0x0] =	wrdreg $0x0  }
0xa8: {  	s4 =	sshll.u32 s28, $0x1;
	[dreg:$0x2] =	wrdreg s2  }
0xa9: {  	[dreg:$0x3] =	wrdreg s4  }
0xaa: {  	[dreg:$0x4] =	wrdreg $0xC0  }
0xab: {  	_ =	task [dreg:s6], $0x5FFFF  }
0xac: {  	[dreg:$0x1] =	wrdreg $0xFFFFFFFF  }
0xad: {  	[dreg:$0x0] =	wrdreg $0x60  }
0xae: {  	[dreg:$0x2] =	wrdreg s24  }
0xaf: {  	[dreg:$0x3] =	wrdreg $0x82000  }
0xb0: {  	[dreg:$0x4] =	wrdreg $0x9  }
0xb1: {  	_ =	task.clear_ibuf [dreg:s6], $0x5FFFF;
	_ =	strace $0x9000004F  }
0xb2: {  	s29 =	simm.s32 $0x9;
	_ =	strace $0x80000051  }
0xb3: {  	_ =	swait.ge [sflag:s29], $0x1  }
0xb4: {  	[sflag:s29] =	ssyncadd.s32 $0xFFFFFFFF  }
0xb5: {  	_ =	strace $0x90000051  }
0xb6: {  	_ =	sfence  }
0xb7: {  	s30 =	sld [smem:$0x0];
	_ =	sdelay $0x2  }
0xb8: {  	s31 =	sshll.u32 s1, $0xD;
	s1 =	sshrl.u32 s1, $0x2  }
0xb9: {  	s3 =	sand.u32 $0x4000, s31;
	s1 =	sadd.s32 s1, s30  }
0xba: {  	s0 =	sor.u32 s3, s0;
	s1 =	sshll.u32 s1, $0x11  }
0xbb: {  	s0 =	sor.u32 s1, s0  }
0xbc: {  	s0 =	sadd.s32 $0x8F2B, s0  }
0xbd: {  	[sflag:s0] =	ssyncadd.remote.s32 $0x1  }
0xbe: {  	_ =	sfence.sel $0xFFFF  }
0xbf: {  	[dreg:$0x0] =	wrdreg $0xFFFFFFFF;
	(pc) =	sbr.abs _section_cstart, $3  }
0xc0: {  	[dreg:$0x1] =	wrdreg $0xFFFFFFFF  }
0xc1: {  	_ =	task.clear_ibuf [dreg:s6], $0x2FFFF;
	_ =	strace $0x9FFFFFFF  }
0xc2: {  	(tm) =	ssettm $0x7FFFFFFF  }
0xc3: {  	_ =	shalt  }
tec
execute0_lowered:
.L_overlay_start_1:
0x0: {  	(tag) =	ssettag $0x1  }
0x1: {  	s0 =	srdreg.scid;
	s6 =	rddreg [dreg:$0x0]  }
0x2: {  	s2 =	rddreg [dreg:$0x1];
	s3 =	simm.s32 $0x0;
	s14 =	simm.s32 $0x5  }
0x3: {  	s16 =	simm.s32 $0x100;
	s17 =	simm.s32 $0x1;
	s18 =	simm.s32 $0x80  }
0x4: {  	s19 =	simm.s32 $0x2;
	s20 =	simm.s32 $0x4200;
	s21 =	simm.s32 $0x3  }
0x5: {  	s22 =	simm.s32 $0x4;
	s23 =	simm.s32 $0x180;
	s5 =	sand.u32 $0x1, s0  }
0x6: {  	s24 =	simm.s32 $0x0;
	s0 =	stileid.u32;
	s8 =	smul.u32 $0x13C000, s5  }
0x7: {  	[smem:$0x7FF] =	sst s3;
	s1 =	sshll.u32 s5, $0x4;
	s9 =	smul.u32 $0x13C00, s0  }
0x8: {  	s10 =	smul.u32 $0x4F000, s0;
	s29 =	ssub.s32 $0x2, s5;
	s1 =	sor.u32 s0, s1  }
0x9: {  	s4 =	sadd.s32 $0x66600, s6;
	s31 =	sshrl.u32 s29, $0x1;
	s7 =	smul.u32 $0xA00, s1  }
0xa: {  	s1 =	rddreg [dreg:$0x2];
	_ =	strace $0x80000050;
	s30 =	sshrl.u32 s10, $0x2  }
0xb: {  	s28 =	sadd.s32 s9, s8;
	s13 =	ssub.s32 s29, s31;
	s5 =	sadd.s32 s30, s2  }
0xc: {  	s11 =	sadd.s32 s7, s6;
	s7 =	sshrl.u32 s28, $0x3;
	s8 =	sadd.s32 $0xC000, s5  }
0xd: {  	s9 =	sadd.s32 $0x10000, s5;
	s12 =	sadd.s32 s7, s6;
	s6 =	sadd.s32 $0x4000, s5  }
0xe: {  	s7 =	sadd.s32 $0x8000, s5;
	s10 =	sadd.s32 $0x3600, s11;
	s11 =	sadd.s32 $0x8DE00, s12  }
0xf: {  	v0 =	vimm.f32 $0.0e+00;
	s12 =	smax.u32 s13, $0x1;
	s13 =	simm.s32 $0x200;
	s15 =	sadd.s32 $0x20, s10  }
.LBB2_1:
0x10: {  	s25 =	simm.s32 $0x0;
	s26 =	simm.s32 $0x200  }
.LBB2_2:
0x11: {  	p0 =	sne.s32 s26, $0xFE00;
	[tilespmem:s25+$0x270] =	vst v0  }
0x12: {  	[tilespmem:s25+$0x200] =	vst v0  }
0x13: {  	[tilespmem:s25+$0x210] =	vst v0  }
.Ltmp0:
0x14: {  	[tilespmem:s25+$0x220] =	vst v0;
	(pc) =	sbr.rel @p0 .LBB2_2-.Ltmp0, $4  }
0x15: {  	[tilespmem:s25+$0x230] =	vst v0  }
0x16: {  	[tilespmem:s25+$0x240] =	vst v0  }
0x17: {  	[tilespmem:s25+$0x250] =	vst v0  }
0x18: {  	[tilespmem:s25+$0x260] =	vst v0;
	s25 =	sshra.s32 s26, $0x2;
	s26 =	sadd.s32 $0x200, s26  }
0x19: {  	[tilespmem:s25+$0x270] =	vst v0  }
0x1a: {  	[tilespmem:s25+$0x200] =	vst v0  }
0x1b: {  	[tilespmem:s25+$0x210] =	vst v0  }
0x1c: {  	[tilespmem:s25+$0x220] =	vst v0  }
0x1d: {  	[tilespmem:s25+$0x230] =	vst v0  }
0x1e: {  	[tilespmem:s25+$0x240] =	vst v0  }
0x1f: {  	[tilespmem:s25+$0x250] =	vst v0  }
0x20: {  	[tilespmem:s25+$0x260] =	vst v0  }
0x21: {  	[spmem:s5] =	stream.linear.scatter [tilespmem:s13], [sflag:$0x5], $0x4000, $0x38;
	[tilespmem:$0x1BE00] =	vst v63  }
0x22: {  	_ =	swait.ge [sflag:s14], $0x4000  }
0x23: {  	[sflag:s14] =	ssyncset.done $0x0  }
0x24: {  	[sflag:s14] =	ssyncadd.s32 $0xFFFFC000  }
0x25: {  	[spmem:s6] =	stream.linear.scatter [tilespmem:s13], [sflag:$0x5], $0x4000, $0x38;
	[tilespmem:$0x1BE00] =	vst v63  }
0x26: {  	_ =	swait.ge [sflag:s14], $0x4000  }
0x27: {  	[sflag:s14] =	ssyncset.done $0x0  }
0x28: {  	[sflag:s14] =	ssyncadd.s32 $0xFFFFC000  }
0x29: {  	[spmem:s7] =	stream.linear.scatter [tilespmem:s13], [sflag:$0x5], $0x4000, $0x38;
	[tilespmem:$0x1BE00] =	vst v63  }
0x2a: {  	_ =	swait.ge [sflag:s14], $0x4000  }
0x2b: {  	[sflag:s14] =	ssyncset.done $0x0  }
0x2c: {  	[sflag:s14] =	ssyncadd.s32 $0xFFFFC000  }
0x2d: {  	[spmem:s8] =	stream.linear.scatter [tilespmem:s13], [sflag:$0x5], $0x4000, $0x38;
	[tilespmem:$0x1BE00] =	vst v63  }
0x2e: {  	_ =	swait.ge [sflag:s14], $0x4000  }
0x2f: {  	[sflag:s14] =	ssyncset.done $0x0  }
0x30: {  	[sflag:s14] =	ssyncadd.s32 $0xFFFFC000  }
0x31: {  	[spmem:s9] =	stream.linear.scatter [tilespmem:s13], [sflag:$0x5], $0x3C00, $0x38;
	[tilespmem:$0x1BE00] =	vst v63  }
0x32: {  	_ =	swait.ge [sflag:s14], $0x3C00  }
0x33: {  	[sflag:s14] =	ssyncset.done $0x0  }
0x34: {  	[sflag:s14] =	ssyncadd.s32 $0xFFFFC400  }
0x35: {  	[bflag:$0x0] =	sbarrier.arrive $0xFFFF  }
0x36: {  	[tilespmem:s3], [sflag:$0x1] =	stream.linear.gather [hbm4b:s10+s3], $0x100, $0x38;
	[tilespmem:$0x1BE00] =	vst v63  }
0x37: {  	_ = 	snop  }
0x38: {  	[tilespmem:s16], [sflag:$0x2] =	stream.linear.gather [hbm4b:s15+s3], $0x100, $0x38;
	[tilespmem:$0x1BE00] =	vst v63  }
0x39: {  	_ =	swait.ge [sflag:s17], $0x100  }
0x3a: {  	[sflag:s17] =	ssyncset.done $0x0  }
0x3b: {  	[sflag:s17] =	ssyncadd.s32 $0xFFFFFF00  }
0x3c: {  	[tilespmem:s13], [sflag:$0x3] =	stream.indirect.gather [hbm4b:s4+s18], $0x80, s3, s18, $0xb8;
	[tilespmem:$0x1BE00] =	vst v63  }
0x3d: {  	_ =	swait.ge [sflag:s19], $0x100  }
0x3e: {  	[sflag:s19] =	ssyncset.done $0x0  }
0x3f: {  	[sflag:s19] =	ssyncadd.s32 $0xFFFFFF00  }
0x40: {  	[tilespmem:s20], [sflag:$0x4] =	stream.indirect.gather [hbm4b:s4+s18], $0x80, s16, s18, $0xb8;
	[tilespmem:$0x1BE00] =	vst v63  }
0x41: {  	_ =	swait.ge [sflag:s21], $0x4000  }
0x42: {  	[sflag:s21] =	ssyncset.done $0x0  }
0x43: {  	[sflag:s21] =	ssyncadd.s32 $0xFFFFC000  }
0x44: {  	[spmem:s2] =	stream.indirect.scatter.add.f32 [tilespmem:s13], [sflag:$0x5], $0x80, s18, s18, $0xb8;
	[tilespmem:$0x1BE00] =	vst v63  }
0x45: {  	_ =	swait.ge [sflag:s14], $0x4000  }
0x46: {  	s26 =	sadd.s32 $0xFFFFF640, s10;
	[sflag:s14] =	ssyncset.done $0x0  }
0x47: {  	s31 =	sadd.s32 $0xA00, s26;
	[sflag:s14] =	ssyncadd.s32 $0xFFFFC000  }
0x48: {  	[tilespmem:s3], [sflag:$0x1] =	stream.linear.gather [hbm4b:s31+s3], $0x100, $0x38;
	[tilespmem:$0x1BE00] =	vst v63  }
0x49: {  	_ =	swait.ge [sflag:s17], $0x100  }
0x4a: {  	[sflag:s17] =	ssyncset.done $0x0  }
0x4b: {  	[sflag:s17] =	ssyncadd.s32 $0xFFFFFF00  }
0x4c: {  	[tilespmem:s13], [sflag:$0x3] =	stream.indirect.gather [hbm4b:s4+s18], $0x80, s3, s18, $0xb8;
	[tilespmem:$0x1BE00] =	vst v63  }
0x4d: {  	_ =	swait.ge [sflag:s22], $0x4000  }
0x4e: {  	[sflag:s22] =	ssyncset.done $0x0  }
0x4f: {  	[sflag:s22] =	ssyncadd.s32 $0xFFFFC000  }
0x50: {  	[spmem:s2] =	stream.indirect.scatter.add.f32 [tilespmem:s20], [sflag:$0x5], $0x80, s23, s18, $0xb8;
	[tilespmem:$0x1BE00] =	vst v63  }
0x51: {  	_ =	swait.ge [sflag:s14], $0x4000  }
0x52: {  	[sflag:s14] =	ssyncset.done $0x0  }
0x53: {  	s25 =	simm.s32 $0xFFFFF680;
	s26 =	sadd.s32 $0xA20, s26;
	[sflag:s14] =	ssyncadd.s32 $0xFFFFC000  }
.LBB2_4:
0x54: {  	[tilespmem:s16], [sflag:$0x2] =	stream.linear.gather [hbm4b:s26+s3], $0x100, $0x38;
	[tilespmem:$0x1BE00] =	vst v63  }
0x55: {  	s26 =	smov.u32 s25  }
0x56: {  	p0 =	sne.s32 s25, $0xFFFFFFC0;
	s25 =	sadd.s32 $0x40, s25;
	_ =	swait.ge [sflag:s19], $0x100  }
0x57: {  	[sflag:s19] =	ssyncset.done $0x0  }
0x58: {  	[sflag:s19] =	ssyncadd.s32 $0xFFFFFF00  }
0x59: {  	[tilespmem:s20], [sflag:$0x4] =	stream.indirect.gather [hbm4b:s4+s18], $0x80, s16, s18, $0xb8;
	[tilespmem:$0x1BE00] =	vst v63  }
0x5a: {  	_ =	swait.ge [sflag:s21], $0x4000  }
0x5b: {  	[sflag:s21] =	ssyncset.done $0x0  }
0x5c: {  	[sflag:s21] =	ssyncadd.s32 $0xFFFFC000  }
0x5d: {  	[spmem:s2] =	stream.indirect.scatter.add.f32 [tilespmem:s13], [sflag:$0x5], $0x80, s18, s18, $0xb8;
	[tilespmem:$0x1BE00] =	vst v63  }
0x5e: {  	_ =	swait.ge [sflag:s14], $0x4000  }
0x5f: {  	s26 =	sadd.s32 s26, s10;
	[sflag:s14] =	ssyncset.done $0x0  }
0x60: {  	s28 =	sadd.s32 $0xA00, s26;
	[sflag:s14] =	ssyncadd.s32 $0xFFFFC000  }
0x61: {  	[tilespmem:s3], [sflag:$0x1] =	stream.linear.gather [hbm4b:s28+s3], $0x100, $0x38;
	[tilespmem:$0x1BE00] =	vst v63  }
0x62: {  	_ =	swait.ge [sflag:s17], $0x100  }
0x63: {  	[sflag:s17] =	ssyncset.done $0x0  }
0x64: {  	[sflag:s17] =	ssyncadd.s32 $0xFFFFFF00  }
0x65: {  	[tilespmem:s13], [sflag:$0x3] =	stream.indirect.gather [hbm4b:s4+s18], $0x80, s3, s18, $0xb8;
	[tilespmem:$0x1BE00] =	vst v63  }
0x66: {  	_ =	swait.ge [sflag:s22], $0x4000  }
0x67: {  	[sflag:s22] =	ssyncset.done $0x0  }
.Ltmp1:
0x68: {  	[sflag:s22] =	ssyncadd.s32 $0xFFFFC000;
	(pc) =	sbr.rel @p0 .LBB2_4-.Ltmp1, $4  }
0x69: {  	[spmem:s2] =	stream.indirect.scatter.add.f32 [tilespmem:s20], [sflag:$0x5], $0x80, s23, s18, $0xb8;
	[tilespmem:$0x1BE00] =	vst v63  }
0x6a: {  	_ =	swait.ge [sflag:s14], $0x4000  }
0x6b: {  	[sflag:s14] =	ssyncset.done $0x0  }
0x6c: {  	s26 =	sadd.s32 $0xA20, s26;
	[sflag:s14] =	ssyncadd.s32 $0xFFFFC000  }
0x6d: {  	[tilespmem:s16], [sflag:$0x2] =	stream.linear.gather [hbm4b:s26+s3], $0x100, $0x38;
	[tilespmem:$0x1BE00] =	vst v63  }
0x6e: {  	_ =	swait.ge [sflag:s19], $0x100  }
0x6f: {  	[sflag:s19] =	ssyncset.done $0x0  }
0x70: {  	[sflag:s19] =	ssyncadd.s32 $0xFFFFFF00  }
0x71: {  	[tilespmem:s20], [sflag:$0x4] =	stream.indirect.gather [hbm4b:s4+s18], $0x80, s16, s18, $0xb8;
	[tilespmem:$0x1BE00] =	vst v63  }
0x72: {  	_ =	swait.ge [sflag:s21], $0x4000  }
0x73: {  	[sflag:s21] =	ssyncset.done $0x0  }
0x74: {  	[sflag:s21] =	ssyncadd.s32 $0xFFFFC000  }
0x75: {  	[spmem:s2] =	stream.indirect.scatter.add.f32 [tilespmem:s13], [sflag:$0x5], $0x80, s18, s18, $0xb8;
	[tilespmem:$0x1BE00] =	vst v63  }
0x76: {  	_ =	swait.ge [sflag:s14], $0x4000  }
0x77: {  	[sflag:s14] =	ssyncset.done $0x0  }
0x78: {  	[sflag:s14] =	ssyncadd.s32 $0xFFFFC000  }
0x79: {  	_ =	swait.ge [sflag:s22], $0x4000  }
0x7a: {  	[sflag:s22] =	ssyncset.done $0x0  }
0x7b: {  	[sflag:s22] =	ssyncadd.s32 $0xFFFFC000  }
0x7c: {  	[spmem:s2] =	stream.indirect.scatter.add.f32 [tilespmem:s20], [sflag:$0x5], $0x80, s23, s18, $0xb8;
	[tilespmem:$0x1BE00] =	vst v63  }
0x7d: {  	_ =	swait.ge [sflag:s14], $0x4000  }
0x7e: {  	s25 =	sshll.u32 s0, $0x6;
	s24 =	sadd.s32 $0x1, s24;
	[sflag:s14] =	ssyncset.done $0x0  }
0x7f: {  	s31 =	sshrl.u32 s5, $0x3;
	p0 =	sne.s32 s24, s12;
	[sflag:s14] =	ssyncadd.s32 $0xFFFFC000  }
.Ltmp2:
0x80: {  	s25 =	sor.u32 $0x1C05, s25;
	[bflag:$0x0] =	sbarrier.arrive $0xFFFF;
	(pc) =	sbr.rel @p0 .LBB2_1-.Ltmp2, $4  }
0x81: {  	[hbm:s11], [sflag:s25] =	dma.local [spmem:s31], $0x2780  }
0x82: {  	_ =	swait.ge [sflag:s14], $0x2780  }
0x83: {  	[sflag:s14] =	ssyncset.done $0x0  }
0x84: {  	[sflag:s14] =	ssyncadd.s32 $0xFFFFD880  }
0x85: {  	_ =	sfence.sel $0x180000  }
0x86: {  	[bflag:$0x0] =	sbarrier.arrive $0xFFFF  }
0x87: {  	p0 =	sne.s32 s0, $0x0;
	_ =	strace $0x90000050  }
0x88: {  	s0 =	sadd.s32 @!p0 $0x100000, s1;
	[bflag:$0x2] =	sbarrier.arrive $0xFFFF  }
0x89: {  	[sflag:s0] =	ssyncadd.tile.s32 @!p0 $0x1;
	_ =	shalt  }
.Lfunc_end2:
_tile_overlayer_lowered:
.L_overlay_start_2:
0x8a: {  	(tag) =	ssettag $0x2  }
0x8b: {  	s0 =	rddreg [dreg:$0x0];
	s2 =	stileid.u32  }
0x8c: {  	s1 =	rddreg [dreg:$0x1];
	p0 =	sne.s32 s2, $0x0  }
0x8d: {  	s3 =	rddreg [dreg:$0x2];
	[bflag:$0x3] =	sbarrier.arrive $0xFFFF;
	s2 =	simm.s32 @!p0 $0x1C05  }
0x8e: {  	[timem:s3], [sflag:s2] =	dma.local @!p0 [hbm:s0], s1  }
0x8f: {  	s0 =	simm.s32 @!p0 $0x5  }
0x90: {  	_ =	swait.ge @!p0 [sflag:s0], s1  }
0x91: {  	s1 =	ssub.s32 @!p0 $0x0, s1;
	[sflag:s0] =	ssyncset.done @!p0 $0x0  }
0x92: {  	[sflag:s0] =	ssyncadd.s32 @!p0 s1  }
0x93: {  	[bflag:$0x3] =	sbarrier.arrive $0xFFFF  }
0x94: {  	_ =	shalt  }

// kernel: kernel.23.cloned.1.call-start
scs
__scs_entry_jumppad:
0x0: {  	(pc) =	sbr.rel $0x88, $3  }
0x1: {  	(tag) =	ssettag $0x0;
	lr =	simm.s32 $0x1  }
0x2: {  	[smem:$0x3F99] =	sst lr;
	_ =	strace $0xD0000000  }
0x3: {  	_ = 	snop  }
0x4: {  	_ = 	snop  }
0x5: {  	_ = 	snop  }
0x6: {  	_ = 	snop  }
0x7: {  	_ = 	snop  }
__scs_overlays_trampoline_lowered:
0x8: {  	[smem:$0x3FA8] =	sst s0  }
0x9: {  	[smem:$0x3FA9] =	sst s1  }
0xa: {  	[smem:$0x3FAA] =	sst s2  }
0xb: {  	[smem:$0x3FAB] =	sst s3  }
0xc: {  	[smem:$0x3FAC] =	sst s4  }
0xd: {  	[smem:$0x3FAD] =	sst s5  }
0xe: {  	[smem:$0x3FAE] =	sst s6  }
0xf: {  	[smem:$0x3FAF] =	sst s7  }
0x10: {  	[smem:$0x3FB0] =	sst s8  }
0x11: {  	[smem:$0x3FB1] =	sst s9;
	s0 =	simm.s32 @!p0 $0x0  }
0x12: {  	s1 =	sld [smem:$0x3F97];
	s0 =	simm.s32 @p0 $0x1  }
0x13: {  	[smem:$0x3FB2] =	sst s0;
	s0 =	simm.s32 @!p1 $0x0  }
0x14: {  	s2 =	sld [smem:$0x3F96];
	s0 =	simm.s32 @p1 $0x1  }
0x15: {  	[smem:$0x3FB3] =	sst s0;
	s0 =	simm.s32 @!p2 $0x0  }
0x16: {  	s3 =	sld [smem:$0x3FDB];
	s0 =	simm.s32 @p2 $0x1  }
0x17: {  	s4 =	simm.s32 $0x1BF5;
	[smem:$0x3FB5] =	sst s0  }
0x18: {  	s0 =	sld [smem:$0x3F98];
	_ =	swait.ge [sflag:s4], $0x0  }
0x19: {  	s7 =	sld [smem:$0x3F99]  }
0x1a: {  	s8 =	sadd.s32 $0xFFFFE003, lr  }
0x1b: {  	s9 =	sadd.s32 $0xFFFFFEF7, lr;
	s5 =	simm.s32 $0xFFFFFFFF;
	p2 =	slt.u32 s8, $0xFFFFF086  }
0x1c: {  	p1 =	slt.u32 s9, $0xF7A;
	s5 =	simm.s32 @!p2 $0x0  }
0x1d: {  	s5 =	simm.s32 @p1 $0x1;
	p0 =	seq.s32 s7, s2  }
0x1e: {  	s7 =	smul.u32 @!p0 $0xF7A, s2;
	p2 =	seq.s32 @!p0 s5, $0x0  }
0x1f: {  	s9 =	smul.u32 $0xF7A, s1;
	s8 =	simm.s32 @!p0 $0x1BF5;
	p2 =	por !p2, p0  }
0x20: {  	[sflag:s8] =	ssyncset.s32 @!p0 $0xFFFFF086;
	s6 =	sadd.s32 @!p0 s3, s7;
	s7 =	simm.s32 @!p0 $0x108  }
0x21: {  	s3 =	sadd.s32 s3, s9;
	s6 =	sadd.s32 @!p0 $0x88, s6;
	s7 =	simm.s32 @p2 $0x1082  }
0x22: {  	[simem:s7], [sflag:s8] =	dma.local @!p0 [hbm:s6], $0xF7A  }
0x23: {  	s9 =	sor.u32 $0xD0000000, s2;
	s6 =	simm.s32 $0x108;
	_ =	swait.ge @!p0 [sflag:s8], $0x0  }
0x24: {  	s3 =	sadd.s32 $0x88, s3;
	s6 =	simm.s32 @!p1 $0x1082;
	[sflag:s4] =	ssyncset.s32 $0xFFFFF086  }
0x25: {  	[simem:s6], [sflag:s4] =	dma.local [hbm:s3], $0xF7A  }
0x26: {  	[smem:$0x3F99] =	sst s1;
	(tag) =	ssettag s2;
	_ =	strace s9  }
0x27: {  	s1 =	sld [smem:$0x3FA9]  }
0x28: {  	s2 =	sld [smem:$0x3FAA]  }
0x29: {  	s4 =	sld [smem:$0x3FAC]  }
0x2a: {  	p0 =	seq.s32 s5, $0x0;
	s5 =	sld [smem:$0x3FAD]  }
0x2b: {  	s6 =	sld [smem:$0x3FAE]  }
0x2c: {  	s7 =	sld [smem:$0x3FAF]  }
0x2d: {  	s3 =	simm.s32 $0x108;
	s8 =	sld [smem:$0x3FB0]  }
0x2e: {  	s3 =	simm.s32 @!p0 $0x1082;
	s9 =	sld [smem:$0x3FB1]  }
0x2f: {  	lr =	sadd.s32 s0, s3;
	s0 =	sld [smem:$0x3FA8]  }
0x30: {  	s3 =	sld [smem:$0x3FAB]  }
0x31: {  	[smem:$0x3FB4] =	sst s10  }
0x32: {  	s10 =	sld [smem:$0x3FB2];
	_ =	sdelay $0x3  }
0x33: {  	p0 =	seq.s32 s10, $0x1;
	s10 =	sld [smem:$0x3FB4];
	_ =	sdelay $0x3  }
0x34: {  	[smem:$0x3FB4] =	sst s10  }
0x35: {  	s10 =	sld [smem:$0x3FB3];
	_ =	sdelay $0x3  }
0x36: {  	p1 =	seq.s32 s10, $0x1;
	s10 =	sld [smem:$0x3FB4];
	_ =	sdelay $0x3  }
0x37: {  	[smem:$0x3FB4] =	sst s10  }
0x38: {  	s10 =	sld [smem:$0x3FB5]  }
0x39: {  	_ = 	snop;
	(pc) =	sbr.ind lr, $3  }
0x3a: {  	_ = 	snop  }
0x3b: {  	_ = 	snop  }
0x3c: {  	p2 =	seq.s32 s10, $0x1;
	s10 =	sld [smem:$0x3FB4]  }
0x3d: {  	_ =	shalt  }
0x3e: {  	_ =	shalt  }
0x3f: {  	_ =	shalt  }
0x40: {  	_ =	shalt  }
0x41: {  	_ =	shalt  }
0x42: {  	_ =	shalt  }
0x43: {  	_ =	shalt  }
0x44: {  	_ =	shalt  }
0x45: {  	_ =	shalt  }
0x46: {  	_ =	shalt  }
0x47: {  	_ =	shalt  }
0x48: {  	_ =	shalt  }
0x49: {  	_ =	shalt  }
0x4a: {  	_ =	shalt  }
0x4b: {  	_ =	shalt  }
0x4c: {  	_ =	shalt  }
0x4d: {  	_ =	shalt  }
0x4e: {  	_ =	shalt  }
0x4f: {  	_ =	shalt  }
0x50: {  	_ =	shalt  }
0x51: {  	_ =	shalt  }
0x52: {  	_ =	shalt  }
0x53: {  	_ =	shalt  }
0x54: {  	_ =	shalt  }
0x55: {  	_ =	shalt  }
0x56: {  	_ =	shalt  }
0x57: {  	_ =	shalt  }
0x58: {  	_ =	shalt  }
0x59: {  	_ =	shalt  }
0x5a: {  	_ =	shalt  }
0x5b: {  	_ =	shalt  }
0x5c: {  	_ =	shalt  }
0x5d: {  	_ =	shalt  }
0x5e: {  	_ =	shalt  }
0x5f: {  	_ =	shalt  }
0x60: {  	_ =	shalt  }
0x61: {  	_ =	shalt  }
0x62: {  	_ =	shalt  }
0x63: {  	_ =	shalt  }
0x64: {  	_ =	shalt  }
0x65: {  	_ =	shalt  }
0x66: {  	_ =	shalt  }
0x67: {  	_ =	shalt  }
0x68: {  	_ =	shalt  }
0x69: {  	_ =	shalt  }
0x6a: {  	_ =	shalt  }
0x6b: {  	_ =	shalt  }
0x6c: {  	_ =	shalt  }
0x6d: {  	_ =	shalt  }
0x6e: {  	_ =	shalt  }
0x6f: {  	_ =	shalt  }
0x70: {  	_ =	shalt  }
0x71: {  	_ =	shalt  }
0x72: {  	_ =	shalt  }
0x73: {  	_ =	shalt  }
0x74: {  	_ =	shalt  }
0x75: {  	_ =	shalt  }
0x76: {  	_ =	shalt  }
0x77: {  	_ =	shalt  }
0x78: {  	_ =	shalt  }
0x79: {  	_ =	shalt  }
0x7a: {  	_ =	shalt  }
0x7b: {  	_ =	shalt  }
0x7c: {  	_ =	shalt  }
0x7d: {  	_ =	shalt  }
0x7e: {  	_ =	shalt  }
0x7f: {  	_ =	shalt  }
0x80: {  	_ =	shalt  }
0x81: {  	_ =	shalt  }
0x82: {  	_ =	shalt  }
0x83: {  	_ =	shalt  }
0x84: {  	_ =	shalt  }
0x85: {  	_ =	shalt  }
0x86: {  	_ =	shalt  }
0x87: {  	_ =	shalt  }
.Lfunc_end0:
.L_simem_size_0:
called_computation.4_lowered:
.L_overlay_start_0:
0x88: {  	s2 =	sld [smem:$0x3FD9]  }
0x89: {  	s3 =	sld [smem:$0x3FFE];
	_ =	sdelay $0x1  }
0x8a: {  	s1 =	srdreg.scid  }
0x8b: {  	s0 =	sand.u32 $0x1, s1  }
0x8c: {  	s16 =	sshll.u32 s0, $0xA;
	s2 =	sadd.s32 s3, s2  }
0x8d: {  	s2 =	sadd.s32 s2, s16  }
0x8e: {  	[smem:$0x3FC0] =	sst s2  }
0x8f: {  	_ = 	snop  }
0x90: {  	(tm) =	ssettm $0x1  }
0x91: {  	s17 =	sld [smem:$0x3FFB];
	_ =	sdelay $0x3  }
0x92: {  	_ =	strace s17  }
0x93: {  	s2 =	sld [smem:$0x3FFC];
	_ =	sdelay $0x3  }
0x94: {  	_ =	strace s2  }
0x95: {  	s2 =	sld [smem:$0x3FFD];
	_ =	sdelay $0x3  }
0x96: {  	_ =	strace s2  }
0x97: {  	_ =	strace $0x8FFFFFFF  }
0x98: {  	s18 =	sld [smem:$0x3FDB];
	_ =	sdelay $0x1  }
0x99: {  	s19 =	simm.s32 $_scs_section_size  }
0x9a: {  	s4 =	simm.s32 $_size__tile_overlayer_lowered;
	s5 =	simm.s32 $_tile_overlayer_lowered  }
0x9b: {  	s22 =	simm.s32 $0x1BFF;
	s21 =	sshll.u32 s5, $0x1;
	s2 =	sadd.s32 s19, s18  }
0x9c: {  	s6 =	simm.s32 $0x0;
	s20 =	sshll.u32 s4, $0x1;
	s4 =	sadd.s32 s21, s2  }
0x9d: {  	[timem:s6], [sflag:s22] =	dma.local [hbm:s4], s20  }
0x9e: {  	_ =	swait.ge [sflag:s22], s20  }
0x9f: {  	s3 =	ssub.s32 $0x0, s20;
	[sflag:s22] =	ssyncset.done $0x0  }
0xa0: {  	[sflag:s22] =	ssyncadd.s32 s3;
	_ =	sdelay $0x1  }
0xa1: {  	s23 =	simm.s32 $0x1B8B  }
0xa2: {  	_ =	swait.ge [sflag:s23], $0x1  }
0xa3: {  	[sflag:s23] =	ssyncset.done $0x0  }
0xa4: {  	s25 =	simm.s32 $0x1B8E;
	s24 =	sld [smem:$0x3FFE];
	[sflag:s23] =	ssyncadd.s32 $0xFFFFFFFF  }
0xa5: {  	s26 =	simm.s32 $execute0_lowered;
	[smem:$0x3FD2] =	sst s25  }
0xa6: {  	s4 =	sshll.u32 s26, $0x1;
	_ =	strace $0x80000052;
	[dreg:$0x1] =	wrdreg $0xFFFFFFFF  }
0xa7: {  	s28 =	simm.s32 $_size_execute0_lowered;
	s2 =	sadd.s32 s2, s4;
	[dreg:$0x0] =	wrdreg $0x0  }
0xa8: {  	s4 =	sshll.u32 s28, $0x1;
	[dreg:$0x2] =	wrdreg s2  }
0xa9: {  	[dreg:$0x3] =	wrdreg s4  }
0xaa: {  	[dreg:$0x4] =	wrdreg $0xC0  }
0xab: {  	_ =	task [dreg:s6], $0x5FFFF  }
0xac: {  	[dreg:$0x1] =	wrdreg $0xFFFFFFFF  }
0xad: {  	[dreg:$0x0] =	wrdreg $0x60  }
0xae: {  	[dreg:$0x2] =	wrdreg s24  }
0xaf: {  	[dreg:$0x3] =	wrdreg $0x82000  }
0xb0: {  	[dreg:$0x4] =	wrdreg $0x9  }
0xb1: {  	_ =	task.clear_ibuf [dreg:s6], $0x5FFFF;
	_ =	strace $0x90000052  }
0xb2: {  	s29 =	simm.s32 $0x9;
	_ =	strace $0x80000054  }
0xb3: {  	_ =	swait.ge [sflag:s29], $0x1  }
0xb4: {  	[sflag:s29] =	ssyncadd.s32 $0xFFFFFFFF  }
0xb5: {  	_ =	strace $0x90000054  }
0xb6: {  	_ =	sfence  }
0xb7: {  	s30 =	sld [smem:$0x0];
	_ =	sdelay $0x2  }
0xb8: {  	s31 =	sshll.u32 s1, $0xD;
	s1 =	sshrl.u32 s1, $0x2  }
0xb9: {  	s3 =	sand.u32 $0x4000, s31;
	s1 =	sadd.s32 s1, s30  }
0xba: {  	s0 =	sor.u32 s3, s0;
	s1 =	sshll.u32 s1, $0x11  }
0xbb: {  	s0 =	sor.u32 s1, s0  }
0xbc: {  	s0 =	sadd.s32 $0x8F2B, s0  }
0xbd: {  	[sflag:s0] =	ssyncadd.remote.s32 $0x1  }
0xbe: {  	_ =	sfence.sel $0xFFFF  }
0xbf: {  	[dreg:$0x0] =	wrdreg $0xFFFFFFFF;
	(pc) =	sbr.abs _section_cstart, $3  }
0xc0: {  	[dreg:$0x1] =	wrdreg $0xFFFFFFFF  }
0xc1: {  	_ =	task.clear_ibuf [dreg:s6], $0x2FFFF;
	_ =	strace $0x9FFFFFFF  }
0xc2: {  	(tm) =	ssettm $0x7FFFFFFF  }
0xc3: {  	_ =	shalt  }
tec
execute0_lowered:
.L_overlay_start_1:
0x0: {  	(tag) =	ssettag $0x1  }
0x1: {  	s0 =	srdreg.scid;
	s6 =	rddreg [dreg:$0x0]  }
0x2: {  	s2 =	rddreg [dreg:$0x1];
	s3 =	simm.s32 $0x0;
	s14 =	simm.s32 $0x5  }
0x3: {  	s16 =	simm.s32 $0x100;
	s17 =	simm.s32 $0x1;
	s18 =	simm.s32 $0x80  }
0x4: {  	s19 =	simm.s32 $0x2;
	s20 =	simm.s32 $0x4200;
	s21 =	simm.s32 $0x3  }
0x5: {  	s22 =	simm.s32 $0x4;
	s23 =	simm.s32 $0x180;
	s5 =	sand.u32 $0x1, s0  }
0x6: {  	s24 =	simm.s32 $0x0;
	s0 =	stileid.u32;
	s8 =	smul.u32 $0x13C000, s5  }
0x7: {  	[smem:$0x7FF] =	sst s3;
	s1 =	sshll.u32 s5, $0x4;
	s9 =	smul.u32 $0x13C00, s0  }
0x8: {  	s10 =	smul.u32 $0x4F000, s0;
	s29 =	ssub.s32 $0x2, s5;
	s1 =	sor.u32 s0, s1  }
0x9: {  	s4 =	sadd.s32 $0x66600, s6;
	s31 =	sshrl.u32 s29, $0x1;
	s7 =	smul.u32 $0xA00, s1  }
0xa: {  	s1 =	rddreg [dreg:$0x2];
	_ =	strace $0x80000053;
	s30 =	sshrl.u32 s10, $0x2  }
0xb: {  	s28 =	sadd.s32 s9, s8;
	s13 =	ssub.s32 s29, s31;
	s5 =	sadd.s32 s30, s2  }
0xc: {  	s11 =	sadd.s32 s7, s6;
	s7 =	sshrl.u32 s28, $0x3;
	s8 =	sadd.s32 $0xC000, s5  }
0xd: {  	s9 =	sadd.s32 $0x10000, s5;
	s12 =	sadd.s32 s7, s6;
	s6 =	sadd.s32 $0x4000, s5  }
0xe: {  	s7 =	sadd.s32 $0x8000, s5;
	s10 =	sadd.s32 $0x3600, s11;
	s11 =	sadd.s32 $0x8DE00, s12  }
0xf: {  	v0 =	vimm.f32 $0.0e+00;
	s12 =	smax.u32 s13, $0x1;
	s13 =	simm.s32 $0x200;
	s15 =	sadd.s32 $0x20, s10  }
.LBB2_1:
0x10: {  	s25 =	simm.s32 $0x0;
	s26 =	simm.s32 $0x200  }
.LBB2_2:
0x11: {  	p0 =	sne.s32 s26, $0xFE00;
	[tilespmem:s25+$0x270] =	vst v0  }
0x12: {  	[tilespmem:s25+$0x200] =	vst v0  }
0x13: {  	[tilespmem:s25+$0x210] =	vst v0  }
.Ltmp0:
0x14: {  	[tilespmem:s25+$0x220] =	vst v0;
	(pc) =	sbr.rel @p0 .LBB2_2-.Ltmp0, $4  }
0x15: {  	[tilespmem:s25+$0x230] =	vst v0  }
0x16: {  	[tilespmem:s25+$0x240] =	vst v0  }
0x17: {  	[tilespmem:s25+$0x250] =	vst v0  }
0x18: {  	[tilespmem:s25+$0x260] =	vst v0;
	s25 =	sshra.s32 s26, $0x2;
	s26 =	sadd.s32 $0x200, s26  }
0x19: {  	[tilespmem:s25+$0x270] =	vst v0  }
0x1a: {  	[tilespmem:s25+$0x200] =	vst v0  }
0x1b: {  	[tilespmem:s25+$0x210] =	vst v0  }
0x1c: {  	[tilespmem:s25+$0x220] =	vst v0  }
0x1d: {  	[tilespmem:s25+$0x230] =	vst v0  }
0x1e: {  	[tilespmem:s25+$0x240] =	vst v0  }
0x1f: {  	[tilespmem:s25+$0x250] =	vst v0  }
0x20: {  	[tilespmem:s25+$0x260] =	vst v0  }
0x21: {  	[spmem:s5] =	stream.linear.scatter [tilespmem:s13], [sflag:$0x5], $0x4000, $0x38;
	[tilespmem:$0x1BE00] =	vst v63  }
0x22: {  	_ =	swait.ge [sflag:s14], $0x4000  }
0x23: {  	[sflag:s14] =	ssyncset.done $0x0  }
0x24: {  	[sflag:s14] =	ssyncadd.s32 $0xFFFFC000  }
0x25: {  	[spmem:s6] =	stream.linear.scatter [tilespmem:s13], [sflag:$0x5], $0x4000, $0x38;
	[tilespmem:$0x1BE00] =	vst v63  }
0x26: {  	_ =	swait.ge [sflag:s14], $0x4000  }
0x27: {  	[sflag:s14] =	ssyncset.done $0x0  }
0x28: {  	[sflag:s14] =	ssyncadd.s32 $0xFFFFC000  }
0x29: {  	[spmem:s7] =	stream.linear.scatter [tilespmem:s13], [sflag:$0x5], $0x4000, $0x38;
	[tilespmem:$0x1BE00] =	vst v63  }
0x2a: {  	_ =	swait.ge [sflag:s14], $0x4000  }
0x2b: {  	[sflag:s14] =	ssyncset.done $0x0  }
0x2c: {  	[sflag:s14] =	ssyncadd.s32 $0xFFFFC000  }
0x2d: {  	[spmem:s8] =	stream.linear.scatter [tilespmem:s13], [sflag:$0x5], $0x4000, $0x38;
	[tilespmem:$0x1BE00] =	vst v63  }
0x2e: {  	_ =	swait.ge [sflag:s14], $0x4000  }
0x2f: {  	[sflag:s14] =	ssyncset.done $0x0  }
0x30: {  	[sflag:s14] =	ssyncadd.s32 $0xFFFFC000  }
0x31: {  	[spmem:s9] =	stream.linear.scatter [tilespmem:s13], [sflag:$0x5], $0x3C00, $0x38;
	[tilespmem:$0x1BE00] =	vst v63  }
0x32: {  	_ =	swait.ge [sflag:s14], $0x3C00  }
0x33: {  	[sflag:s14] =	ssyncset.done $0x0  }
0x34: {  	[sflag:s14] =	ssyncadd.s32 $0xFFFFC400  }
0x35: {  	[bflag:$0x0] =	sbarrier.arrive $0xFFFF  }
0x36: {  	[tilespmem:s3], [sflag:$0x1] =	stream.linear.gather [hbm4b:s10+s3], $0x100, $0x38;
	[tilespmem:$0x1BE00] =	vst v63  }
0x37: {  	_ = 	snop  }
0x38: {  	[tilespmem:s16], [sflag:$0x2] =	stream.linear.gather [hbm4b:s15+s3], $0x100, $0x38;
	[tilespmem:$0x1BE00] =	vst v63  }
0x39: {  	_ =	swait.ge [sflag:s17], $0x100  }
0x3a: {  	[sflag:s17] =	ssyncset.done $0x0  }
0x3b: {  	[sflag:s17] =	ssyncadd.s32 $0xFFFFFF00  }
0x3c: {  	[tilespmem:s13], [sflag:$0x3] =	stream.indirect.gather [hbm4b:s4+s18], $0x80, s3, s18, $0xb8;
	[tilespmem:$0x1BE00] =	vst v63  }
0x3d: {  	_ =	swait.ge [sflag:s19], $0x100  }
0x3e: {  	[sflag:s19] =	ssyncset.done $0x0  }
0x3f: {  	[sflag:s19] =	ssyncadd.s32 $0xFFFFFF00  }
0x40: {  	[tilespmem:s20], [sflag:$0x4] =	stream.indirect.gather [hbm4b:s4+s18], $0x80, s16, s18, $0xb8;
	[tilespmem:$0x1BE00] =	vst v63  }
0x41: {  	_ =	swait.ge [sflag:s21], $0x4000  }
0x42: {  	[sflag:s21] =	ssyncset.done $0x0  }
0x43: {  	[sflag:s21] =	ssyncadd.s32 $0xFFFFC000  }
0x44: {  	[spmem:s2] =	stream.indirect.scatter.add.f32 [tilespmem:s13], [sflag:$0x5], $0x80, s18, s18, $0xb8;
	[tilespmem:$0x1BE00] =	vst v63  }
0x45: {  	_ =	swait.ge [sflag:s14], $0x4000  }
0x46: {  	s26 =	sadd.s32 $0xFFFFF640, s10;
	[sflag:s14] =	ssyncset.done $0x0  }
0x47: {  	s31 =	sadd.s32 $0xA00, s26;
	[sflag:s14] =	ssyncadd.s32 $0xFFFFC000  }
0x48: {  	[tilespmem:s3], [sflag:$0x1] =	stream.linear.gather [hbm4b:s31+s3], $0x100, $0x38;
	[tilespmem:$0x1BE00] =	vst v63  }
0x49: {  	_ =	swait.ge [sflag:s17], $0x100  }
0x4a: {  	[sflag:s17] =	ssyncset.done $0x0  }
0x4b: {  	[sflag:s17] =	ssyncadd.s32 $0xFFFFFF00  }
0x4c: {  	[tilespmem:s13], [sflag:$0x3] =	stream.indirect.gather [hbm4b:s4+s18], $0x80, s3, s18, $0xb8;
	[tilespmem:$0x1BE00] =	vst v63  }
0x4d: {  	_ =	swait.ge [sflag:s22], $0x4000  }
0x4e: {  	[sflag:s22] =	ssyncset.done $0x0  }
0x4f: {  	[sflag:s22] =	ssyncadd.s32 $0xFFFFC000  }
0x50: {  	[spmem:s2] =	stream.indirect.scatter.add.f32 [tilespmem:s20], [sflag:$0x5], $0x80, s23, s18, $0xb8;
	[tilespmem:$0x1BE00] =	vst v63  }
0x51: {  	_ =	swait.ge [sflag:s14], $0x4000  }
0x52: {  	[sflag:s14] =	ssyncset.done $0x0  }
0x53: {  	s25 =	simm.s32 $0xFFFFF680;
	s26 =	sadd.s32 $0xA20, s26;
	[sflag:s14] =	ssyncadd.s32 $0xFFFFC000  }
.LBB2_4:
0x54: {  	[tilespmem:s16], [sflag:$0x2] =	stream.linear.gather [hbm4b:s26+s3], $0x100, $0x38;
	[tilespmem:$0x1BE00] =	vst v63  }
0x55: {  	s26 =	smov.u32 s25  }
0x56: {  	p0 =	sne.s32 s25, $0xFFFFFFC0;
	s25 =	sadd.s32 $0x40, s25;
	_ =	swait.ge [sflag:s19], $0x100  }
0x57: {  	[sflag:s19] =	ssyncset.done $0x0  }
0x58: {  	[sflag:s19] =	ssyncadd.s32 $0xFFFFFF00  }
0x59: {  	[tilespmem:s20], [sflag:$0x4] =	stream.indirect.gather [hbm4b:s4+s18], $0x80, s16, s18, $0xb8;
	[tilespmem:$0x1BE00] =	vst v63  }
0x5a: {  	_ =	swait.ge [sflag:s21], $0x4000  }
0x5b: {  	[sflag:s21] =	ssyncset.done $0x0  }
0x5c: {  	[sflag:s21] =	ssyncadd.s32 $0xFFFFC000  }
0x5d: {  	[spmem:s2] =	stream.indirect.scatter.add.f32 [tilespmem:s13], [sflag:$0x5], $0x80, s18, s18, $0xb8;
	[tilespmem:$0x1BE00] =	vst v63  }
0x5e: {  	_ =	swait.ge [sflag:s14], $0x4000  }
0x5f: {  	s26 =	sadd.s32 s26, s10;
	[sflag:s14] =	ssyncset.done $0x0  }
0x60: {  	s28 =	sadd.s32 $0xA00, s26;
	[sflag:s14] =	ssyncadd.s32 $0xFFFFC000  }
0x61: {  	[tilespmem:s3], [sflag:$0x1] =	stream.linear.gather [hbm4b:s28+s3], $0x100, $0x38;
	[tilespmem:$0x1BE00] =	vst v63  }
0x62: {  	_ =	swait.ge [sflag:s17], $0x100  }
0x63: {  	[sflag:s17] =	ssyncset.done $0x0  }
0x64: {  	[sflag:s17] =	ssyncadd.s32 $0xFFFFFF00  }
0x65: {  	[tilespmem:s13], [sflag:$0x3] =	stream.indirect.gather [hbm4b:s4+s18], $0x80, s3, s18, $0xb8;
	[tilespmem:$0x1BE00] =	vst v63  }
0x66: {  	_ =	swait.ge [sflag:s22], $0x4000  }
0x67: {  	[sflag:s22] =	ssyncset.done $0x0  }
.Ltmp1:
0x68: {  	[sflag:s22] =	ssyncadd.s32 $0xFFFFC000;
	(pc) =	sbr.rel @p0 .LBB2_4-.Ltmp1, $4  }
0x69: {  	[spmem:s2] =	stream.indirect.scatter.add.f32 [tilespmem:s20], [sflag:$0x5], $0x80, s23, s18, $0xb8;
	[tilespmem:$0x1BE00] =	vst v63  }
0x6a: {  	_ =	swait.ge [sflag:s14], $0x4000  }
0x6b: {  	[sflag:s14] =	ssyncset.done $0x0  }
0x6c: {  	s26 =	sadd.s32 $0xA20, s26;
	[sflag:s14] =	ssyncadd.s32 $0xFFFFC000  }
0x6d: {  	[tilespmem:s16], [sflag:$0x2] =	stream.linear.gather [hbm4b:s26+s3], $0x100, $0x38;
	[tilespmem:$0x1BE00] =	vst v63  }
0x6e: {  	_ =	swait.ge [sflag:s19], $0x100  }
0x6f: {  	[sflag:s19] =	ssyncset.done $0x0  }
0x70: {  	[sflag:s19] =	ssyncadd.s32 $0xFFFFFF00  }
0x71: {  	[tilespmem:s20], [sflag:$0x4] =	stream.indirect.gather [hbm4b:s4+s18], $0x80, s16, s18, $0xb8;
	[tilespmem:$0x1BE00] =	vst v63  }
0x72: {  	_ =	swait.ge [sflag:s21], $0x4000  }
0x73: {  	[sflag:s21] =	ssyncset.done $0x0  }
0x74: {  	[sflag:s21] =	ssyncadd.s32 $0xFFFFC000  }
0x75: {  	[spmem:s2] =	stream.indirect.scatter.add.f32 [tilespmem:s13], [sflag:$0x5], $0x80, s18, s18, $0xb8;
	[tilespmem:$0x1BE00] =	vst v63  }
0x76: {  	_ =	swait.ge [sflag:s14], $0x4000  }
0x77: {  	[sflag:s14] =	ssyncset.done $0x0  }
0x78: {  	[sflag:s14] =	ssyncadd.s32 $0xFFFFC000  }
0x79: {  	_ =	swait.ge [sflag:s22], $0x4000  }
0x7a: {  	[sflag:s22] =	ssyncset.done $0x0  }
0x7b: {  	[sflag:s22] =	ssyncadd.s32 $0xFFFFC000  }
0x7c: {  	[spmem:s2] =	stream.indirect.scatter.add.f32 [tilespmem:s20], [sflag:$0x5], $0x80, s23, s18, $0xb8;
	[tilespmem:$0x1BE00] =	vst v63  }
0x7d: {  	_ =	swait.ge [sflag:s14], $0x4000  }
0x7e: {  	s25 =	sshll.u32 s0, $0x6;
	s24 =	sadd.s32 $0x1, s24;
	[sflag:s14] =	ssyncset.done $0x0  }
0x7f: {  	s31 =	sshrl.u32 s5, $0x3;
	p0 =	sne.s32 s24, s12;
	[sflag:s14] =	ssyncadd.s32 $0xFFFFC000  }
.Ltmp2:
0x80: {  	s25 =	sor.u32 $0x1C05, s25;
	[bflag:$0x0] =	sbarrier.arrive $0xFFFF;
	(pc) =	sbr.rel @p0 .LBB2_1-.Ltmp2, $4  }
0x81: {  	[hbm:s11], [sflag:s25] =	dma.local [spmem:s31], $0x2780  }
0x82: {  	_ =	swait.ge [sflag:s14], $0x2780  }
0x83: {  	[sflag:s14] =	ssyncset.done $0x0  }
0x84: {  	[sflag:s14] =	ssyncadd.s32 $0xFFFFD880  }
0x85: {  	_ =	sfence.sel $0x180000  }
0x86: {  	[bflag:$0x0] =	sbarrier.arrive $0xFFFF  }
0x87: {  	p0 =	sne.s32 s0, $0x0;
	_ =	strace $0x90000053  }
0x88: {  	s0 =	sadd.s32 @!p0 $0x100000, s1;
	[bflag:$0x2] =	sbarrier.arrive $0xFFFF  }
0x89: {  	[sflag:s0] =	ssyncadd.tile.s32 @!p0 $0x1;
	_ =	shalt  }
.Lfunc_end2:
_tile_overlayer_lowered:
.L_overlay_start_2:
0x8a: {  	(tag) =	ssettag $0x2  }
0x8b: {  	s0 =	rddreg [dreg:$0x0];
	s2 =	stileid.u32  }
0x8c: {  	s1 =	rddreg [dreg:$0x1];
	p0 =	sne.s32 s2, $0x0  }
0x8d: {  	s3 =	rddreg [dreg:$0x2];
	[bflag:$0x3] =	sbarrier.arrive $0xFFFF;
	s2 =	simm.s32 @!p0 $0x1C05  }
0x8e: {  	[timem:s3], [sflag:s2] =	dma.local @!p0 [hbm:s0], s1  }
0x8f: {  	s0 =	simm.s32 @!p0 $0x5  }
0x90: {  	_ =	swait.ge @!p0 [sflag:s0], s1  }
0x91: {  	s1 =	ssub.s32 @!p0 $0x0, s1;
	[sflag:s0] =	ssyncset.done @!p0 $0x0  }
0x92: {  	[sflag:s0] =	ssyncadd.s32 @!p0 s1  }
0x93: {  	[bflag:$0x3] =	sbarrier.arrive $0xFFFF  }
0x94: {  	_ =	shalt  }

</sc_bundles>
